<compile_context>
chip_gen: v7x
topology: tpu7x:2x2x1
jax: 0.10.2.dev20260603
libtpu: 0.0.44.dev20260713+nightly
codegen_flags: <defaults>
</compile_context>

<pallas_src>
import functools

import jax
import jax.numpy as jnp
import numpy as np
from jax import lax
from jax.experimental import pallas as pl
from jax.experimental.pallas import tpu as pltpu
from jax.experimental.pallas import tpu_sc as plsc

N = 10000
E = 320000
D = 128
F = 132
FP = 144
NC, NS = 2, 16
NW = NC * NS
NROWP = 10240
STRIDE = NROWP // NS
EPT = 10240
EP = NW * EPT
CH = 64
NCHT = EP // CH
NCH0 = 272
NCH1 = NCHT // NS - NCH0
NB = 8
ECH = EPT // 16
DUMMY = N
INV_SQRT_E = float(1.0 / np.sqrt(E))

_mesh = plsc.VectorSubcoreMesh(
    core_axis_name="c", subcore_axis_name="s", num_cores=NC, num_subcores=NS)
_sc_params = pltpu.CompilerParams(
    needs_layout_passes=False, use_tc_tiling_on_sc=False)


def _pass_a_body(xc_h, yc_h, tc_h, src_h, dst_h,
                 deg_h, ecl_h, mp_h,
                 xc, yc, tc, src_v, dst_v, dacc, eacc,
                 tmpd, tmpe, dstripe, estripe, mp_v, sdeg, secl):
    c = lax.axis_index("c")
    s = lax.axis_index("s")
    wid = c * NS + s
    z16 = jnp.zeros((16,), jnp.float32)
    ones16 = jnp.full((16,), 1.0, jnp.float32)

    pltpu.sync_copy(xc_h, xc)
    pltpu.sync_copy(yc_h, yc)
    pltpu.sync_copy(tc_h, tc)
    pltpu.sync_copy(src_h.at[pl.ds(wid * EPT, EPT)], src_v)
    pltpu.sync_copy(dst_h.at[pl.ds(wid * EPT, EPT)], dst_v)

    def zero_body(i, _):
        dacc[pl.ds(i * 16, 16)] = z16
        eacc[pl.ds(i * 16, 16)] = z16
        return 0
    lax.fori_loop(0, NROWP // 16, zero_body, 0)

    def edge_body(i, _):
        for u in range(2):
            o = i * 32 + u * 16
            si = src_v[pl.ds(o, 16)]
            di = dst_v[pl.ds(o, 16)]
            xs = plsc.load_gather(xc, [si])
            ys = plsc.load_gather(yc, [si])
            ts = plsc.load_gather(tc, [si])
            xd = plsc.load_gather(xc, [di])
            yd = plsc.load_gather(yc, [di])
            td = plsc.load_gather(tc, [di])
            dx = xs - xd
            dy = ys - yd
            dt = ts - td
            a = dx * dx + dy * dy + dt * dt
            ai = lax.bitcast_convert_type(a, jnp.int32)
            yi = jnp.int32(0x1FBD1DF5) + lax.shift_right_logical(ai, 1)
            y = lax.bitcast_convert_type(yi, jnp.float32)
            y = (y + a / y) * 0.5
            y = (y + a / y) * 0.5
            y = (y + a / y) * 0.5
            y = jnp.where(a > 0.0, y, z16)
            plsc.addupdate_scatter(eacc, [di], y)
            plsc.addupdate_scatter(dacc, [di], ones16)
        return 0
    lax.fori_loop(0, ECH // 2, edge_body, 0)

    pltpu.sync_copy(dacc, sdeg.at[s])
    pltpu.sync_copy(eacc, secl.at[s])
    plsc.subcore_barrier()

    base = s * STRIDE
    for t in range(NS):
        pltpu.sync_copy(sdeg.at[t, pl.ds(base, STRIDE)], tmpd.at[t])
        pltpu.sync_copy(secl.at[t, pl.ds(base, STRIDE)], tmpe.at[t])

    def red_body(i, _):
        accd = z16
        acce = z16
        for t in range(NS):
            accd = accd + tmpd[t, pl.ds(i * 16, 16)]
            acce = acce + tmpe[t, pl.ds(i * 16, 16)]
        dstripe[pl.ds(i * 16, 16)] = accd
        estripe[pl.ds(i * 16, 16)] = acce
        return 0
    lax.fori_loop(0, STRIDE // 16, red_body, 0)

    pltpu.sync_copy(dstripe, deg_h.at[c, pl.ds(base, STRIDE)])
    pltpu.sync_copy(estripe, ecl_h.at[c, pl.ds(base, STRIDE)])

    nvalid = jnp.maximum(0, jnp.minimum(STRIDE, N - base))

    def mean_body(i, carry):
        px, py, pt = carry
        dg = dstripe[pl.ds(i * 16, 16)]
        o = base + i * 16
        px = px + dg * xc[pl.ds(o, 16)]
        py = py + dg * yc[pl.ds(o, 16)]
        pt = pt + dg * tc[pl.ds(o, 16)]
        return px, py, pt
    px, py, pt = lax.fori_loop(0, nvalid // 16, mean_body, (z16, z16, z16))
    mp_v[0, :] = px
    mp_v[1, :] = py
    mp_v[2, :] = pt
    pltpu.sync_copy(mp_v, mp_h.at[wid])


_pass_a = functools.partial(
    pl.kernel,
    out_type=[
        jax.ShapeDtypeStruct((NC, NROWP), jnp.float32),
        jax.ShapeDtypeStruct((NC, NROWP), jnp.float32),
        jax.ShapeDtypeStruct((NW, 3, 16), jnp.float32),
    ],
    mesh=_mesh,
    scratch_types=[
        pltpu.VMEM((N,), jnp.float32),
        pltpu.VMEM((N,), jnp.float32),
        pltpu.VMEM((N,), jnp.float32),
        pltpu.VMEM((EPT,), jnp.int32),
        pltpu.VMEM((EPT,), jnp.int32),
        pltpu.VMEM((NROWP,), jnp.float32),
        pltpu.VMEM((NROWP,), jnp.float32),
        pltpu.VMEM((NS, STRIDE), jnp.float32),
        pltpu.VMEM((NS, STRIDE), jnp.float32),
        pltpu.VMEM((STRIDE,), jnp.float32),
        pltpu.VMEM((STRIDE,), jnp.float32),
        pltpu.VMEM((3, 16), jnp.float32),
        pltpu.VMEM_SHARED((NS, NROWP), jnp.float32),
        pltpu.VMEM_SHARED((NS, NROWP), jnp.float32),
    ],
    compiler_params=_sc_params,
)(_pass_a_body)


def _pass_b_body(xp_ref, w1t_ref, wsm_ref, deg_ref, ecl_ref, mp_ref,
                 q_ref, base_ref):
    xb = xp_ref[...]
    w1t = w1t_ref[...]
    wsm = wsm_ref[...]
    deg = jnp.sum(deg_ref[...], axis=0)
    ecls = jnp.sum(ecl_ref[...], axis=0)
    mm = jnp.sum(mp_ref[...], axis=0)
    mrow = jnp.sum(mm, axis=1, keepdims=True) * (1.0 / E)

    p = jnp.dot(xb, w1t, preferred_element_type=jnp.float32)
    sv0 = jnp.abs(xb[:, 0:1] - mrow[0:1, 0:1]) * INV_SQRT_E
    sv1 = jnp.abs(xb[:, 1:2] - mrow[1:2, 0:1]) * INV_SQRT_E
    sv2 = jnp.abs(xb[:, 2:3] - mrow[2:3, 0:1]) * INV_SQRT_E
    s = sv0 * wsm[0:1, :] + sv1 * wsm[1:2, :] + sv2 * wsm[2:3, :]
    q_ref[...] = s - p
    base_ref[...] = deg * (p + wsm[4:5, :]) + ecls * wsm[3:4, :]


_RB = 1280


def _pass_b(xp, w1t, wsm, deg2, ecl2, mp):
    return pl.pallas_call(
        _pass_b_body,
        grid=(NROWP // _RB,),
        in_specs=[
            pl.BlockSpec((_RB, D), lambda i: (i, 0)),
            pl.BlockSpec((D, FP), lambda i: (0, 0)),
            pl.BlockSpec((8, FP), lambda i: (0, 0)),
            pl.BlockSpec((NC, _RB, 1), lambda i: (0, i, 0)),
            pl.BlockSpec((NC, _RB, 1), lambda i: (0, i, 0)),
            pl.BlockSpec((NW, 3, 16), lambda i: (0, 0, 0)),
        ],
        out_specs=[
            pl.BlockSpec((_RB, FP), lambda i: (i, 0)),
            pl.BlockSpec((_RB, FP), lambda i: (i, 0)),
        ],
        out_shape=[
            jax.ShapeDtypeStruct((NROWP, FP), jnp.float32),
            jax.ShapeDtypeStruct((NROWP, FP), jnp.float32),
        ],
    )(xp, w1t, wsm, deg2, ecl2, mp)


def _pass_c_body(q_h, src_h, dst_h, acc_h, sidx_a, didx_a, sidx_b, didx_b,
                 rows_a, rows_b, semg, semi, acc):
    c = lax.axis_index("c")
    s = lax.axis_index("s")
    z16 = jnp.zeros((16,), jnp.float32)
    rowbase = jnp.where(c == 0, s * NCH0, NS * NCH0 + s * NCH1)
    nblocks = jnp.where(c == 0, NCH0 // NB, NCH1 // NB)

    def idx_fetch(b, si, di):
        pltpu.async_copy(src_h.at[pl.ds(rowbase + b * NB, NB)], si, semi)
        pltpu.async_copy(dst_h.at[pl.ds(rowbase + b * NB, NB)], di, semi)

    def idx_drain(b, si, di):
        pltpu.make_async_copy(src_h.at[pl.ds(rowbase + b * NB, NB)], si,
                              semi).wait()
        pltpu.make_async_copy(dst_h.at[pl.ds(rowbase + b * NB, NB)], di,
                              semi).wait()

    def zrow(i, _):
        for k in range(FP // 16):
            rows_a[i, pl.ds(k * 16, 16)] = z16
        return 0
    lax.fori_loop(0, CH, zrow, 0)
    base = s * STRIDE
    for j in range(STRIDE // CH):
        pltpu.sync_copy(rows_a, acc.at[pl.ds(base + j * CH, CH), :])
    plsc.subcore_barrier()

    idx_fetch(0, sidx_a, didx_a)

    @pl.when(1 < nblocks)
    def _():
        idx_fetch(1, sidx_b, didx_b)

    idx_drain(0, sidx_a, didx_a)
    pltpu.async_copy(q_h.at[sidx_a.at[0]], rows_a, semg)

    def block_pair(bb, _):
        for bi, (sic, dic, sin, din) in enumerate(
                ((sidx_a, didx_a, sidx_b, didx_b),
                 (sidx_b, didx_b, sidx_a, didx_a))):
            b = 2 * bb + bi
            for k in range(NB):
                cur, nxt = (rows_a, rows_b) if k % 2 == 0 else (rows_b, rows_a)
                pltpu.make_async_copy(q_h.at[sic.at[k]], cur, semg).wait()
                if k + 1 < NB:
                    pltpu.async_copy(q_h.at[sic.at[k + 1]], nxt, semg)
                else:
                    @pl.when(b + 1 < nblocks)
                    def _():
                        pltpu.async_copy(q_h.at[sin.at[0]], nxt, semg)
                pltpu.sync_copy(cur, acc.at[dic.at[k]], add=True)

            @pl.when(b + 2 < nblocks)
            def _():
                idx_fetch(b + 2, sic, dic)

            @pl.when(b + 1 < nblocks)
            def _():
                idx_drain(b + 1, sin, din)
        return 0
    lax.fori_loop(0, nblocks // 2, block_pair, 0)

    plsc.subcore_barrier()
    pltpu.sync_copy(acc.at[pl.ds(base, STRIDE), :],
                    acc_h.at[c, pl.ds(base, STRIDE), :])


_pass_c = functools.partial(
    pl.kernel,
    out_type=jax.ShapeDtypeStruct((NC, NROWP, FP), jnp.float32),
    mesh=_mesh,
    scratch_types=[
        pltpu.VMEM((NB, CH), jnp.int32),
        pltpu.VMEM((NB, CH), jnp.int32),
        pltpu.VMEM((NB, CH), jnp.int32),
        pltpu.VMEM((NB, CH), jnp.int32),
        pltpu.VMEM((CH, FP), jnp.float32),
        pltpu.VMEM((CH, FP), jnp.float32),
        pltpu.SemaphoreType.DMA,
        pltpu.SemaphoreType.DMA,
        pltpu.VMEM_SHARED((NROWP, FP), jnp.float32),
    ],
    compiler_params=_sc_params,
)(_pass_c_body)


def _pass_d_body(acc_ref, base_ref, out_ref):
    out_ref[...] = jnp.sum(acc_ref[...], axis=0) + base_ref[...]


def _pass_d(acc, basep):
    return pl.pallas_call(
        _pass_d_body,
        grid=(NROWP // _RB,),
        in_specs=[
            pl.BlockSpec((NC, _RB, FP), lambda i: (0, i, 0)),
            pl.BlockSpec((_RB, FP), lambda i: (i, 0)),
        ],
        out_specs=pl.BlockSpec((_RB, FP), lambda i: (i, 0)),
        out_shape=jax.ShapeDtypeStruct((NROWP, FP), jnp.float32),
    )(acc, basep)


def kernel(x, edge_index, W, b):
    src = edge_index[0].astype(jnp.int32)
    dst = edge_index[1].astype(jnp.int32)
    pad = EP - E
    srcp = jnp.concatenate([src, jnp.zeros((pad,), jnp.int32)])
    dstp = jnp.concatenate([dst, jnp.full((pad,), DUMMY, jnp.int32)])
    src3 = srcp.reshape(NCHT, CH)
    dst3 = dstp.reshape(NCHT, CH)

    xc = x[:, 0]
    yc = x[:, 1]
    tc = x[:, 2]
    xp = jnp.pad(x, ((0, NROWP - N), (0, 0)))

    w1t = jnp.pad(W[:, :D].T, ((0, 0), (0, FP - F)))
    wsm = jnp.zeros((8, FP), jnp.float32)
    wsm = wsm.at[0:3, :F].set(W[:, D:D + 3].T)
    wsm = wsm.at[3, :F].set(W[:, D + 3])
    wsm = wsm.at[4, :F].set(b)

    deg2, ecl2, mp = _pass_a(xc, yc, tc, srcp, dstp)
    qpad, basep = _pass_b(xp, w1t, wsm,
                          deg2.reshape(NC, NROWP, 1),
                          ecl2.reshape(NC, NROWP, 1), mp)
    acc = _pass_c(qpad, src3, dst3)
    outp = _pass_d(acc, basep)
    return outp[:N, :F]

# --- scband reference (transcript-rebuilt; emitter-appended) ---
"""Pipeline reference for scband-e-edge-conv-67267777790372 (READ-ONLY COPY).

The authoritative reference and input builder live on the scoring server;
editing this copy changes nothing except your own understanding.
"""

import jax, jax.numpy as jnp
import numpy as np

N_NODES = 10000
N_EDGES = 320000
D_FEAT = 128
IN_FEAT = D_FEAT + 4  # 132, matches nn.Linear(in_feat, in_feat)


def setup_inputs(seed: int = 0) -> dict:
    key = jax.random.key(seed)
    k1, k2, k3, k4, k5 = jax.random.split(key, 5)
    x = jax.random.normal(k1, (N_NODES, D_FEAT), dtype=jnp.float32)
    src = jax.random.randint(k2, (N_EDGES,), 0, N_NODES)
    # avoid self-loops so Euclidean distance is never exactly zero
    off = jax.random.randint(k3, (N_EDGES,), 1, N_NODES)
    dst = (src + off) % N_NODES
    edge_index = jnp.stack([src, dst], axis=0).astype(jnp.int64)
    W = (jax.random.normal(k4, (IN_FEAT, IN_FEAT), dtype=jnp.float32)
         * (1.0 / np.sqrt(IN_FEAT)))
    b = jax.random.normal(k5, (IN_FEAT,), dtype=jnp.float32) * 0.01
    return {"x": x, "edge_index": edge_index, "W": W, "b": b}


def reference(x, edge_index, W, b):
    # Faithful JAX translation of E_EdgeConv.forward with batch_norm=False:
    # g.update_all(self.message, fn.sum('e', 'x'))
    src = edge_index[0]
    dst = edge_index[1]
    h_src = jnp.take(x, src, axis=0)  # edges.src['x'], [E, D]
    h_dst = jnp.take(x, dst, axis=0)  # edges.dst['x'], [E, D]

    xi, yi, ti = h_src[:, 0], h_src[:, 1], h_src[:, 2]
    xj, yj, tj = h_dst[:, 0], h_dst[:, 1], h_dst[:, 2]

    # sum(Node_data_features) / len(Node_data_features) -> mean over edges
    n_edges = h_dst.shape[0]
    mean_of_all = jnp.sum(h_dst, axis=0) / n_edges  # [D]
    xi_mean = mean_of_all[0]
    yi_mean = mean_of_all[1]
    ti_mean = mean_of_all[2]

    delta_xyt = h_dst - h_src  # [E, D]
    ecldn = jnp.sqrt(jnp.square(xi - xj) + jnp.square(yi - yj)
                     + jnp.square(ti - tj))  # [E]
    std_x = jnp.sqrt(jnp.square(xi - xi_mean) / n_edges)
    std_y = jnp.sqrt(jnp.square(yi - yi_mean) / n_edges)
    std_t = jnp.sqrt(jnp.square(ti - ti_mean) / n_edges)
    std_xyt = jnp.stack([std_x, std_y, std_t], axis=1)  # [E, 3]

    feats = jnp.concatenate([delta_xyt, std_xyt, ecldn[:, None]], axis=1)  # [E, D+4]
    e = feats @ W.T + b  # self.alpha(feats), [E, IN_FEAT]

    # fn.sum('e', 'x'): scatter-add messages into destination nodes
    out = jnp.zeros((x.shape[0], e.shape[1]), dtype=e.dtype).at[dst].add(e)
    return out

if __name__ == "__main__":
    import jax
    _d = setup_inputs()
    print(jax.jit(kernel)(*tuple(_d.values())))

</pallas_src>

<mosaic_0001>
#map = affine_map<(d0, d1) -> (0, 0)>
#map1 = affine_map<(d0, d1) -> (0, 0, 0)>
module attributes {stable_mosaic.version = 14 : i64} {
  func.func @_pass_c_body(%arg0: i32, %arg1: i32, %arg2: memref<10240x144xf32, #tpu.memory_space<hbm>>, %arg3: memref<5120x64xi32, #tpu.memory_space<hbm>>, %arg4: memref<5120x64xi32, #tpu.memory_space<hbm>>, %arg5: memref<2x10240x144xf32, #tpu.memory_space<hbm>>, %arg6: memref<8x64xi32, #tpu.memory_space<vmem>>, %arg7: memref<8x64xi32, #tpu.memory_space<vmem>>, %arg8: memref<8x64xi32, #tpu.memory_space<vmem>>, %arg9: memref<8x64xi32, #tpu.memory_space<vmem>>, %arg10: memref<64x144xf32, #tpu.memory_space<vmem>>, %arg11: memref<64x144xf32, #tpu.memory_space<vmem>>, %arg12: memref<!tpu.dma_semaphore, #tpu.memory_space<semaphore_mem>>, %arg13: memref<!tpu.dma_semaphore, #tpu.memory_space<semaphore_mem>>, %arg14: memref<10240x144xf32, #tpu.memory_space<vmem_shared>>) attributes {dimension_semantics = [#tpu.dimension_semantics<core_parallel>, #tpu.dimension_semantics<subcore_parallel>], iteration_bounds = array<i64: 2, 16>, scalar_prefetch = 0 : i64, scratch_operands = 9 : i64, tpu.core_type = #tpu.core_type<sc_vector_subcore>, window_params = [{transform_indices = #map}, {transform_indices = #map}, {transform_indices = #map}, {transform_indices = #map1}]} {
    %broadcast_in_dim3A = arith.constant 0.000000e+00 : f32
    %broadcast_in_dim3A_0 = vector.broadcast %broadcast_in_dim3A : f32 to vector<16xf32>
    %eq3A = arith.constant 0 : i32
    %eq3A_1 = arith.cmpi eq, %arg0, %eq3A : i32
    %mul3A = arith.constant 272 : i32
    %mul3A_2 = arith.muli %arg1, %mul3A : i32
    %mul3A_3 = arith.constant 48 : i32
    %mul3A_4 = arith.muli %arg1, %mul3A_3 : i32
    %add3A = arith.constant 4352 : i32
    %add3A_5 = arith.addi %add3A, %mul3A_4 : i32
    %select_n3A = arith.select %eq3A_1, %mul3A_2, %add3A_5 : i32
    %eq3A_6 = arith.constant 0 : i32
    %eq3A_7 = arith.cmpi eq, %arg0, %eq3A_6 : i32
    %jit3A = arith.constant 34 : i32
    %jit3A_8 = arith.constant 6 : i32
    %select_n3A_9 = arith.select %eq3A_7, %jit3A, %jit3A_8 : i32
    %scan3A = arith.constant 0 : i32
    %scan3A_10 = arith.constant 0 : i32
    %scan3A_11 = arith.constant 64 : i32
    %scan3A_12 = arith.addi %scan3A_10, %scan3A_11 : i32
    %scan3A_13 = arith.constant 1 : i32
    %scan3A_14 = scf.for %scan3A_99 = %scan3A_10 to %scan3A_12 step %scan3A_13 iter_args(%scan3A_100 = %scan3A) -> (i32)  : i32 {
      %swap3A = arith.index_cast %scan3A_99 : i32 to index
      %swap3A_101 = arith.constant 0 : index
      %swap3A_102 = tpu.vector_load %arg10[%swap3A, %swap3A_101] {strides = array<i32>} : memref<64x144xf32, #tpu.memory_space<vmem>>, vector<16xf32>,
      tpu.vector_store %arg10[%swap3A, %swap3A_101], %broadcast_in_dim3A_0 {strides = array<i32>} : memref<64x144xf32, #tpu.memory_space<vmem>>, vector<16xf32>,
      %swap3A_103 = arith.index_cast %scan3A_99 : i32 to index
      %swap3A_104 = arith.constant 16 : index
      %swap3A_105 = tpu.vector_load %arg10[%swap3A_103, %swap3A_104] {strides = array<i32>} : memref<64x144xf32, #tpu.memory_space<vmem>>, vector<16xf32>,
      tpu.vector_store %arg10[%swap3A_103, %swap3A_104], %broadcast_in_dim3A_0 {strides = array<i32>} : memref<64x144xf32, #tpu.memory_space<vmem>>, vector<16xf32>,
      %swap3A_106 = arith.index_cast %scan3A_99 : i32 to index
      %swap3A_107 = arith.constant 32 : index
      %swap3A_108 = tpu.vector_load %arg10[%swap3A_106, %swap3A_107] {strides = array<i32>} : memref<64x144xf32, #tpu.memory_space<vmem>>, vector<16xf32>,
      tpu.vector_store %arg10[%swap3A_106, %swap3A_107], %broadcast_in_dim3A_0 {strides = array<i32>} : memref<64x144xf32, #tpu.memory_space<vmem>>, vector<16xf32>,
      %swap3A_109 = arith.index_cast %scan3A_99 : i32 to index
      %swap3A_110 = arith.constant 48 : index
      %swap3A_111 = tpu.vector_load %arg10[%swap3A_109, %swap3A_110] {strides = array<i32>} : memref<64x144xf32, #tpu.memory_space<vmem>>, vector<16xf32>,
      tpu.vector_store %arg10[%swap3A_109, %swap3A_110], %broadcast_in_dim3A_0 {strides = array<i32>} : memref<64x144xf32, #tpu.memory_space<vmem>>, vector<16xf32>,
      %swap3A_112 = arith.index_cast %scan3A_99 : i32 to index
      %swap3A_113 = arith.constant 64 : index
      %swap3A_114 = tpu.vector_load %arg10[%swap3A_112, %swap3A_113] {strides = array<i32>} : memref<64x144xf32, #tpu.memory_space<vmem>>, vector<16xf32>,
      tpu.vector_store %arg10[%swap3A_112, %swap3A_113], %broadcast_in_dim3A_0 {strides = array<i32>} : memref<64x144xf32, #tpu.memory_space<vmem>>, vector<16xf32>,
      %swap3A_115 = arith.index_cast %scan3A_99 : i32 to index
      %swap3A_116 = arith.constant 80 : index
      %swap3A_117 = tpu.vector_load %arg10[%swap3A_115, %swap3A_116] {strides = array<i32>} : memref<64x144xf32, #tpu.memory_space<vmem>>, vector<16xf32>,
      tpu.vector_store %arg10[%swap3A_115, %swap3A_116], %broadcast_in_dim3A_0 {strides = array<i32>} : memref<64x144xf32, #tpu.memory_space<vmem>>, vector<16xf32>,
      %swap3A_118 = arith.index_cast %scan3A_99 : i32 to index
      %swap3A_119 = arith.constant 96 : index
      %swap3A_120 = tpu.vector_load %arg10[%swap3A_118, %swap3A_119] {strides = array<i32>} : memref<64x144xf32, #tpu.memory_space<vmem>>, vector<16xf32>,
      tpu.vector_store %arg10[%swap3A_118, %swap3A_119], %broadcast_in_dim3A_0 {strides = array<i32>} : memref<64x144xf32, #tpu.memory_space<vmem>>, vector<16xf32>,
      %swap3A_121 = arith.index_cast %scan3A_99 : i32 to index
      %swap3A_122 = arith.constant 112 : index
      %swap3A_123 = tpu.vector_load %arg10[%swap3A_121, %swap3A_122] {strides = array<i32>} : memref<64x144xf32, #tpu.memory_space<vmem>>, vector<16xf32>,
      tpu.vector_store %arg10[%swap3A_121, %swap3A_122], %broadcast_in_dim3A_0 {strides = array<i32>} : memref<64x144xf32, #tpu.memory_space<vmem>>, vector<16xf32>,
      %swap3A_124 = arith.index_cast %scan3A_99 : i32 to index
      %swap3A_125 = arith.constant 128 : index
      %swap3A_126 = tpu.vector_load %arg10[%swap3A_124, %swap3A_125] {strides = array<i32>} : memref<64x144xf32, #tpu.memory_space<vmem>>, vector<16xf32>,
      tpu.vector_store %arg10[%swap3A_124, %swap3A_125], %broadcast_in_dim3A_0 {strides = array<i32>} : memref<64x144xf32, #tpu.memory_space<vmem>>, vector<16xf32>,
      %scan3A_127 = arith.constant 0 : i32
      scf.yield %scan3A_127 : i32
    }
    %scan3A_15 = arith.constant 64 : i32
    %mul3A_16 = arith.constant 640 : i32
    %mul3A_17 = arith.muli %arg1, %mul3A_16 : i32
    %add3A_18 = arith.constant 0 : i32
    %add3A_19 = arith.addi %mul3A_17, %add3A_18 : i32
    "tpu.region"() ({
      %run_scoped3A = tpu.sem_alloc : memref<!tpu.dma_semaphore, #tpu.memory_space<semaphore_mem>>
      %dma_start3A_99 = arith.constant 0 : i32
      %dma_start3A_100 = tpu.memref_slice %arg14[%add3A_19, %dma_start3A_99] : memref<10240x144xf32, #tpu.memory_space<vmem_shared>> -> memref<64x144xf32, #tpu.memory_space<vmem_shared>>
      %dma_start3A_101 = arith.constant 0 : i32
      %dma_start3A_102 = tpu.memref_slice %arg14[%add3A_19, %dma_start3A_101] : memref<10240x144xf32, #tpu.memory_space<vmem_shared>> -> memref<64x144xf32, #tpu.memory_space<vmem_shared>>
      tpu.enqueue_dma source(%arg10 : memref<64x144xf32, #tpu.memory_space<vmem>>) target(%dma_start3A_102 : memref<64x144xf32, #tpu.memory_space<vmem_shared>>) target_semaphore(%run_scoped3A : memref<!tpu.dma_semaphore, #tpu.memory_space<semaphore_mem>>)
      %dma_wait3A_103 = arith.constant 0 : i32
      %dma_wait3A_104 = tpu.memref_slice %arg14[%add3A_19, %dma_wait3A_103] : memref<10240x144xf32, #tpu.memory_space<vmem_shared>> -> memref<64x144xf32, #tpu.memory_space<vmem_shared>>
      %dma_wait3A_105 = arith.constant 0 : i32
      %dma_wait3A_106 = tpu.memref_slice %arg14[%add3A_19, %dma_wait3A_105] : memref<10240x144xf32, #tpu.memory_space<vmem_shared>> -> memref<64x144xf32, #tpu.memory_space<vmem_shared>>
      tpu.wait_dma2 semaphore(%run_scoped3A : memref<!tpu.dma_semaphore, #tpu.memory_space<semaphore_mem>>) src(%arg10 : memref<64x144xf32, #tpu.memory_space<vmem>>) dst(%dma_wait3A_106 : memref<64x144xf32, #tpu.memory_space<vmem_shared>>)
      tpu.yield
    }) : () -> ()
    %add3A_20 = arith.constant 64 : i32
    %add3A_21 = arith.addi %mul3A_17, %add3A_20 : i32
    "tpu.region"() ({
      %run_scoped3A = tpu.sem_alloc : memref<!tpu.dma_semaphore, #tpu.memory_space<semaphore_mem>>
      %dma_start3A_99 = arith.constant 0 : i32
      %dma_start3A_100 = tpu.memref_slice %arg14[%add3A_21, %dma_start3A_99] : memref<10240x144xf32, #tpu.memory_space<vmem_shared>> -> memref<64x144xf32, #tpu.memory_space<vmem_shared>>
      %dma_start3A_101 = arith.constant 0 : i32
      %dma_start3A_102 = tpu.memref_slice %arg14[%add3A_21, %dma_start3A_101] : memref<10240x144xf32, #tpu.memory_space<vmem_shared>> -> memref<64x144xf32, #tpu.memory_space<vmem_shared>>
      tpu.enqueue_dma source(%arg10 : memref<64x144xf32, #tpu.memory_space<vmem>>) target(%dma_start3A_102 : memref<64x144xf32, #tpu.memory_space<vmem_shared>>) target_semaphore(%run_scoped3A : memref<!tpu.dma_semaphore, #tpu.memory_space<semaphore_mem>>)
      %dma_wait3A_103 = arith.constant 0 : i32
      %dma_wait3A_104 = tpu.memref_slice %arg14[%add3A_21, %dma_wait3A_103] : memref<10240x144xf32, #tpu.memory_space<vmem_shared>> -> memref<64x144xf32, #tpu.memory_space<vmem_shared>>
      %dma_wait3A_105 = arith.constant 0 : i32
      %dma_wait3A_106 = tpu.memref_slice %arg14[%add3A_21, %dma_wait3A_105] : memref<10240x144xf32, #tpu.memory_space<vmem_shared>> -> memref<64x144xf32, #tpu.memory_space<vmem_shared>>
      tpu.wait_dma2 semaphore(%run_scoped3A : memref<!tpu.dma_semaphore, #tpu.memory_space<semaphore_mem>>) src(%arg10 : memref<64x144xf32, #tpu.memory_space<vmem>>) dst(%dma_wait3A_106 : memref<64x144xf32, #tpu.memory_space<vmem_shared>>)
      tpu.yield
    }) : () -> ()
    %add3A_22 = arith.constant 128 : i32
    %add3A_23 = arith.addi %mul3A_17, %add3A_22 : i32
    "tpu.region"() ({
      %run_scoped3A = tpu.sem_alloc : memref<!tpu.dma_semaphore, #tpu.memory_space<semaphore_mem>>
      %dma_start3A_99 = arith.constant 0 : i32
      %dma_start3A_100 = tpu.memref_slice %arg14[%add3A_23, %dma_start3A_99] : memref<10240x144xf32, #tpu.memory_space<vmem_shared>> -> memref<64x144xf32, #tpu.memory_space<vmem_shared>>
      %dma_start3A_101 = arith.constant 0 : i32
      %dma_start3A_102 = tpu.memref_slice %arg14[%add3A_23, %dma_start3A_101] : memref<10240x144xf32, #tpu.memory_space<vmem_shared>> -> memref<64x144xf32, #tpu.memory_space<vmem_shared>>
      tpu.enqueue_dma source(%arg10 : memref<64x144xf32, #tpu.memory_space<vmem>>) target(%dma_start3A_102 : memref<64x144xf32, #tpu.memory_space<vmem_shared>>) target_semaphore(%run_scoped3A : memref<!tpu.dma_semaphore, #tpu.memory_space<semaphore_mem>>)
      %dma_wait3A_103 = arith.constant 0 : i32
      %dma_wait3A_104 = tpu.memref_slice %arg14[%add3A_23, %dma_wait3A_103] : memref<10240x144xf32, #tpu.memory_space<vmem_shared>> -> memref<64x144xf32, #tpu.memory_space<vmem_shared>>
      %dma_wait3A_105 = arith.constant 0 : i32
      %dma_wait3A_106 = tpu.memref_slice %arg14[%add3A_23, %dma_wait3A_105] : memref<10240x144xf32, #tpu.memory_space<vmem_shared>> -> memref<64x144xf32, #tpu.memory_space<vmem_shared>>
      tpu.wait_dma2 semaphore(%run_scoped3A : memref<!tpu.dma_semaphore, #tpu.memory_space<semaphore_mem>>) src(%arg10 : memref<64x144xf32, #tpu.memory_space<vmem>>) dst(%dma_wait3A_106 : memref<64x144xf32, #tpu.memory_space<vmem_shared>>)
      tpu.yield
    }) : () -> ()
    %add3A_24 = arith.constant 192 : i32
    %add3A_25 = arith.addi %mul3A_17, %add3A_24 : i32
    "tpu.region"() ({
      %run_scoped3A = tpu.sem_alloc : memref<!tpu.dma_semaphore, #tpu.memory_space<semaphore_mem>>
      %dma_start3A_99 = arith.constant 0 : i32
      %dma_start3A_100 = tpu.memref_slice %arg14[%add3A_25, %dma_start3A_99] : memref<10240x144xf32, #tpu.memory_space<vmem_shared>> -> memref<64x144xf32, #tpu.memory_space<vmem_shared>>
      %dma_start3A_101 = arith.constant 0 : i32
      %dma_start3A_102 = tpu.memref_slice %arg14[%add3A_25, %dma_start3A_101] : memref<10240x144xf32, #tpu.memory_space<vmem_shared>> -> memref<64x144xf32, #tpu.memory_space<vmem_shared>>
      tpu.enqueue_dma source(%arg10 : memref<64x144xf32, #tpu.memory_space<vmem>>) target(%dma_start3A_102 : memref<64x144xf32, #tpu.memory_space<vmem_shared>>) target_semaphore(%run_scoped3A : memref<!tpu.dma_semaphore, #tpu.memory_space<semaphore_mem>>)
      %dma_wait3A_103 = arith.constant 0 : i32
      %dma_wait3A_104 = tpu.memref_slice %arg14[%add3A_25, %dma_wait3A_103] : memref<10240x144xf32, #tpu.memory_space<vmem_shared>> -> memref<64x144xf32, #tpu.memory_space<vmem_shared>>
      %dma_wait3A_105 = arith.constant 0 : i32
      %dma_wait3A_106 = tpu.memref_slice %arg14[%add3A_25, %dma_wait3A_105] : memref<10240x144xf32, #tpu.memory_space<vmem_shared>> -> memref<64x144xf32, #tpu.memory_space<vmem_shared>>
      tpu.wait_dma2 semaphore(%run_scoped3A : memref<!tpu.dma_semaphore, #tpu.memory_space<semaphore_mem>>) src(%arg10 : memref<64x144xf32, #tpu.memory_space<vmem>>) dst(%dma_wait3A_106 : memref<64x144xf32, #tpu.memory_space<vmem_shared>>)
      tpu.yield
    }) : () -> ()
    %add3A_26 = arith.constant 256 : i32
    %add3A_27 = arith.addi %mul3A_17, %add3A_26 : i32
    "tpu.region"() ({
      %run_scoped3A = tpu.sem_alloc : memref<!tpu.dma_semaphore, #tpu.memory_space<semaphore_mem>>
      %dma_start3A_99 = arith.constant 0 : i32
      %dma_start3A_100 = tpu.memref_slice %arg14[%add3A_27, %dma_start3A_99] : memref<10240x144xf32, #tpu.memory_space<vmem_shared>> -> memref<64x144xf32, #tpu.memory_space<vmem_shared>>
      %dma_start3A_101 = arith.constant 0 : i32
      %dma_start3A_102 = tpu.memref_slice %arg14[%add3A_27, %dma_start3A_101] : memref<10240x144xf32, #tpu.memory_space<vmem_shared>> -> memref<64x144xf32, #tpu.memory_space<vmem_shared>>
      tpu.enqueue_dma source(%arg10 : memref<64x144xf32, #tpu.memory_space<vmem>>) target(%dma_start3A_102 : memref<64x144xf32, #tpu.memory_space<vmem_shared>>) target_semaphore(%run_scoped3A : memref<!tpu.dma_semaphore, #tpu.memory_space<semaphore_mem>>)
      %dma_wait3A_103 = arith.constant 0 : i32
      %dma_wait3A_104 = tpu.memref_slice %arg14[%add3A_27, %dma_wait3A_103] : memref<10240x144xf32, #tpu.memory_space<vmem_shared>> -> memref<64x144xf32, #tpu.memory_space<vmem_shared>>
      %dma_wait3A_105 = arith.constant 0 : i32
      %dma_wait3A_106 = tpu.memref_slice %arg14[%add3A_27, %dma_wait3A_105] : memref<10240x144xf32, #tpu.memory_space<vmem_shared>> -> memref<64x144xf32, #tpu.memory_space<vmem_shared>>
      tpu.wait_dma2 semaphore(%run_scoped3A : memref<!tpu.dma_semaphore, #tpu.memory_space<semaphore_mem>>) src(%arg10 : memref<64x144xf32, #tpu.memory_space<vmem>>) dst(%dma_wait3A_106 : memref<64x144xf32, #tpu.memory_space<vmem_shared>>)
      tpu.yield
    }) : () -> ()
    %add3A_28 = arith.constant 320 : i32
    %add3A_29 = arith.addi %mul3A_17, %add3A_28 : i32
    "tpu.region"() ({
      %run_scoped3A = tpu.sem_alloc : memref<!tpu.dma_semaphore, #tpu.memory_space<semaphore_mem>>
      %dma_start3A_99 = arith.constant 0 : i32
      %dma_start3A_100 = tpu.memref_slice %arg14[%add3A_29, %dma_start3A_99] : memref<10240x144xf32, #tpu.memory_space<vmem_shared>> -> memref<64x144xf32, #tpu.memory_space<vmem_shared>>
      %dma_start3A_101 = arith.constant 0 : i32
      %dma_start3A_102 = tpu.memref_slice %arg14[%add3A_29, %dma_start3A_101] : memref<10240x144xf32, #tpu.memory_space<vmem_shared>> -> memref<64x144xf32, #tpu.memory_space<vmem_shared>>
      tpu.enqueue_dma source(%arg10 : memref<64x144xf32, #tpu.memory_space<vmem>>) target(%dma_start3A_102 : memref<64x144xf32, #tpu.memory_space<vmem_shared>>) target_semaphore(%run_scoped3A : memref<!tpu.dma_semaphore, #tpu.memory_space<semaphore_mem>>)
      %dma_wait3A_103 = arith.constant 0 : i32
      %dma_wait3A_104 = tpu.memref_slice %arg14[%add3A_29, %dma_wait3A_103] : memref<10240x144xf32, #tpu.memory_space<vmem_shared>> -> memref<64x144xf32, #tpu.memory_space<vmem_shared>>
      %dma_wait3A_105 = arith.constant 0 : i32
      %dma_wait3A_106 = tpu.memref_slice %arg14[%add3A_29, %dma_wait3A_105] : memref<10240x144xf32, #tpu.memory_space<vmem_shared>> -> memref<64x144xf32, #tpu.memory_space<vmem_shared>>
      tpu.wait_dma2 semaphore(%run_scoped3A : memref<!tpu.dma_semaphore, #tpu.memory_space<semaphore_mem>>) src(%arg10 : memref<64x144xf32, #tpu.memory_space<vmem>>) dst(%dma_wait3A_106 : memref<64x144xf32, #tpu.memory_space<vmem_shared>>)
      tpu.yield
    }) : () -> ()
    %add3A_30 = arith.constant 384 : i32
    %add3A_31 = arith.addi %mul3A_17, %add3A_30 : i32
    "tpu.region"() ({
      %run_scoped3A = tpu.sem_alloc : memref<!tpu.dma_semaphore, #tpu.memory_space<semaphore_mem>>
      %dma_start3A_99 = arith.constant 0 : i32
      %dma_start3A_100 = tpu.memref_slice %arg14[%add3A_31, %dma_start3A_99] : memref<10240x144xf32, #tpu.memory_space<vmem_shared>> -> memref<64x144xf32, #tpu.memory_space<vmem_shared>>
      %dma_start3A_101 = arith.constant 0 : i32
      %dma_start3A_102 = tpu.memref_slice %arg14[%add3A_31, %dma_start3A_101] : memref<10240x144xf32, #tpu.memory_space<vmem_shared>> -> memref<64x144xf32, #tpu.memory_space<vmem_shared>>
      tpu.enqueue_dma source(%arg10 : memref<64x144xf32, #tpu.memory_space<vmem>>) target(%dma_start3A_102 : memref<64x144xf32, #tpu.memory_space<vmem_shared>>) target_semaphore(%run_scoped3A : memref<!tpu.dma_semaphore, #tpu.memory_space<semaphore_mem>>)
      %dma_wait3A_103 = arith.constant 0 : i32
      %dma_wait3A_104 = tpu.memref_slice %arg14[%add3A_31, %dma_wait3A_103] : memref<10240x144xf32, #tpu.memory_space<vmem_shared>> -> memref<64x144xf32, #tpu.memory_space<vmem_shared>>
      %dma_wait3A_105 = arith.constant 0 : i32
      %dma_wait3A_106 = tpu.memref_slice %arg14[%add3A_31, %dma_wait3A_105] : memref<10240x144xf32, #tpu.memory_space<vmem_shared>> -> memref<64x144xf32, #tpu.memory_space<vmem_shared>>
      tpu.wait_dma2 semaphore(%run_scoped3A : memref<!tpu.dma_semaphore, #tpu.memory_space<semaphore_mem>>) src(%arg10 : memref<64x144xf32, #tpu.memory_space<vmem>>) dst(%dma_wait3A_106 : memref<64x144xf32, #tpu.memory_space<vmem_shared>>)
      tpu.yield
    }) : () -> ()
    %add3A_32 = arith.constant 448 : i32
    %add3A_33 = arith.addi %mul3A_17, %add3A_32 : i32
    "tpu.region"() ({
      %run_scoped3A = tpu.sem_alloc : memref<!tpu.dma_semaphore, #tpu.memory_space<semaphore_mem>>
      %dma_start3A_99 = arith.constant 0 : i32
      %dma_start3A_100 = tpu.memref_slice %arg14[%add3A_33, %dma_start3A_99] : memref<10240x144xf32, #tpu.memory_space<vmem_shared>> -> memref<64x144xf32, #tpu.memory_space<vmem_shared>>
      %dma_start3A_101 = arith.constant 0 : i32
      %dma_start3A_102 = tpu.memref_slice %arg14[%add3A_33, %dma_start3A_101] : memref<10240x144xf32, #tpu.memory_space<vmem_shared>> -> memref<64x144xf32, #tpu.memory_space<vmem_shared>>
      tpu.enqueue_dma source(%arg10 : memref<64x144xf32, #tpu.memory_space<vmem>>) target(%dma_start3A_102 : memref<64x144xf32, #tpu.memory_space<vmem_shared>>) target_semaphore(%run_scoped3A : memref<!tpu.dma_semaphore, #tpu.memory_space<semaphore_mem>>)
      %dma_wait3A_103 = arith.constant 0 : i32
      %dma_wait3A_104 = tpu.memref_slice %arg14[%add3A_33, %dma_wait3A_103] : memref<10240x144xf32, #tpu.memory_space<vmem_shared>> -> memref<64x144xf32, #tpu.memory_space<vmem_shared>>
      %dma_wait3A_105 = arith.constant 0 : i32
      %dma_wait3A_106 = tpu.memref_slice %arg14[%add3A_33, %dma_wait3A_105] : memref<10240x144xf32, #tpu.memory_space<vmem_shared>> -> memref<64x144xf32, #tpu.memory_space<vmem_shared>>
      tpu.wait_dma2 semaphore(%run_scoped3A : memref<!tpu.dma_semaphore, #tpu.memory_space<semaphore_mem>>) src(%arg10 : memref<64x144xf32, #tpu.memory_space<vmem>>) dst(%dma_wait3A_106 : memref<64x144xf32, #tpu.memory_space<vmem_shared>>)
      tpu.yield
    }) : () -> ()
    %add3A_34 = arith.constant 512 : i32
    %add3A_35 = arith.addi %mul3A_17, %add3A_34 : i32
    "tpu.region"() ({
      %run_scoped3A = tpu.sem_alloc : memref<!tpu.dma_semaphore, #tpu.memory_space<semaphore_mem>>
      %dma_start3A_99 = arith.constant 0 : i32
      %dma_start3A_100 = tpu.memref_slice %arg14[%add3A_35, %dma_start3A_99] : memref<10240x144xf32, #tpu.memory_space<vmem_shared>> -> memref<64x144xf32, #tpu.memory_space<vmem_shared>>
      %dma_start3A_101 = arith.constant 0 : i32
      %dma_start3A_102 = tpu.memref_slice %arg14[%add3A_35, %dma_start3A_101] : memref<10240x144xf32, #tpu.memory_space<vmem_shared>> -> memref<64x144xf32, #tpu.memory_space<vmem_shared>>
      tpu.enqueue_dma source(%arg10 : memref<64x144xf32, #tpu.memory_space<vmem>>) target(%dma_start3A_102 : memref<64x144xf32, #tpu.memory_space<vmem_shared>>) target_semaphore(%run_scoped3A : memref<!tpu.dma_semaphore, #tpu.memory_space<semaphore_mem>>)
      %dma_wait3A_103 = arith.constant 0 : i32
      %dma_wait3A_104 = tpu.memref_slice %arg14[%add3A_35, %dma_wait3A_103] : memref<10240x144xf32, #tpu.memory_space<vmem_shared>> -> memref<64x144xf32, #tpu.memory_space<vmem_shared>>
      %dma_wait3A_105 = arith.constant 0 : i32
      %dma_wait3A_106 = tpu.memref_slice %arg14[%add3A_35, %dma_wait3A_105] : memref<10240x144xf32, #tpu.memory_space<vmem_shared>> -> memref<64x144xf32, #tpu.memory_space<vmem_shared>>
      tpu.wait_dma2 semaphore(%run_scoped3A : memref<!tpu.dma_semaphore, #tpu.memory_space<semaphore_mem>>) src(%arg10 : memref<64x144xf32, #tpu.memory_space<vmem>>) dst(%dma_wait3A_106 : memref<64x144xf32, #tpu.memory_space<vmem_shared>>)
      tpu.yield
    }) : () -> ()
    %add3A_36 = arith.constant 576 : i32
    %add3A_37 = arith.addi %mul3A_17, %add3A_36 : i32
    "tpu.region"() ({
      %run_scoped3A = tpu.sem_alloc : memref<!tpu.dma_semaphore, #tpu.memory_space<semaphore_mem>>
      %dma_start3A_99 = arith.constant 0 : i32
      %dma_start3A_100 = tpu.memref_slice %arg14[%add3A_37, %dma_start3A_99] : memref<10240x144xf32, #tpu.memory_space<vmem_shared>> -> memref<64x144xf32, #tpu.memory_space<vmem_shared>>
      %dma_start3A_101 = arith.constant 0 : i32
      %dma_start3A_102 = tpu.memref_slice %arg14[%add3A_37, %dma_start3A_101] : memref<10240x144xf32, #tpu.memory_space<vmem_shared>> -> memref<64x144xf32, #tpu.memory_space<vmem_shared>>
      tpu.enqueue_dma source(%arg10 : memref<64x144xf32, #tpu.memory_space<vmem>>) target(%dma_start3A_102 : memref<64x144xf32, #tpu.memory_space<vmem_shared>>) target_semaphore(%run_scoped3A : memref<!tpu.dma_semaphore, #tpu.memory_space<semaphore_mem>>)
      %dma_wait3A_103 = arith.constant 0 : i32
      %dma_wait3A_104 = tpu.memref_slice %arg14[%add3A_37, %dma_wait3A_103] : memref<10240x144xf32, #tpu.memory_space<vmem_shared>> -> memref<64x144xf32, #tpu.memory_space<vmem_shared>>
      %dma_wait3A_105 = arith.constant 0 : i32
      %dma_wait3A_106 = tpu.memref_slice %arg14[%add3A_37, %dma_wait3A_105] : memref<10240x144xf32, #tpu.memory_space<vmem_shared>> -> memref<64x144xf32, #tpu.memory_space<vmem_shared>>
      tpu.wait_dma2 semaphore(%run_scoped3A : memref<!tpu.dma_semaphore, #tpu.memory_space<semaphore_mem>>) src(%arg10 : memref<64x144xf32, #tpu.memory_space<vmem>>) dst(%dma_wait3A_106 : memref<64x144xf32, #tpu.memory_space<vmem_shared>>)
      tpu.yield
    }) : () -> ()
    %barrier3A = arith.constant 0 : index
    tpu.barrier barrier_id(%barrier3A)
    %add3A_38 = arith.constant 0 : i32
    %add3A_39 = arith.addi %select_n3A, %add3A_38 : i32
    %dma_start3A = arith.constant 0 : i32
    %dma_start3A_40 = tpu.memref_slice %arg3[%add3A_39, %dma_start3A] : memref<5120x64xi32, #tpu.memory_space<hbm>> -> memref<8x64xi32, #tpu.memory_space<hbm>>
    %dma_start3A_41 = arith.constant 0 : i32
    %dma_start3A_42 = tpu.memref_slice %arg3[%add3A_39, %dma_start3A_41] : memref<5120x64xi32, #tpu.memory_space<hbm>> -> memref<8x64xi32, #tpu.memory_space<hbm>>
    tpu.enqueue_dma source(%dma_start3A_42 : memref<8x64xi32, #tpu.memory_space<hbm>>) target(%arg6 : memref<8x64xi32, #tpu.memory_space<vmem>>) target_semaphore(%arg13 : memref<!tpu.dma_semaphore, #tpu.memory_space<semaphore_mem>>)
    %add3A_43 = arith.constant 0 : i32
    %add3A_44 = arith.addi %select_n3A, %add3A_43 : i32
    %dma_start3A_45 = arith.constant 0 : i32
    %dma_start3A_46 = tpu.memref_slice %arg4[%add3A_44, %dma_start3A_45] : memref<5120x64xi32, #tpu.memory_space<hbm>> -> memref<8x64xi32, #tpu.memory_space<hbm>>
    %dma_start3A_47 = arith.constant 0 : i32
    %dma_start3A_48 = tpu.memref_slice %arg4[%add3A_44, %dma_start3A_47] : memref<5120x64xi32, #tpu.memory_space<hbm>> -> memref<8x64xi32, #tpu.memory_space<hbm>>
    tpu.enqueue_dma source(%dma_start3A_48 : memref<8x64xi32, #tpu.memory_space<hbm>>) target(%arg7 : memref<8x64xi32, #tpu.memory_space<vmem>>) target_semaphore(%arg13 : memref<!tpu.dma_semaphore, #tpu.memory_space<semaphore_mem>>)
    %gt3A = arith.constant 1 : i32
    %gt3A_49 = arith.cmpi sgt, %select_n3A_9, %gt3A : i32
    %convert_element_type3A = arith.extui %gt3A_49 : i1 to i32
    %cond3A = arith.constant 0 : i32
    %cond3A_50 = arith.cmpi ne, %convert_element_type3A, %cond3A : i32
    scf.if %cond3A_50 {
      %add3A_99 = arith.constant 8 : i32
      %add3A_100 = arith.addi %select_n3A, %add3A_99 : i32
      %dma_start3A_101 = arith.constant 0 : i32
      %dma_start3A_102 = tpu.memref_slice %arg3[%add3A_100, %dma_start3A_101] : memref<5120x64xi32, #tpu.memory_space<hbm>> -> memref<8x64xi32, #tpu.memory_space<hbm>>
      %dma_start3A_103 = arith.constant 0 : i32
      %dma_start3A_104 = tpu.memref_slice %arg3[%add3A_100, %dma_start3A_103] : memref<5120x64xi32, #tpu.memory_space<hbm>> -> memref<8x64xi32, #tpu.memory_space<hbm>>
      tpu.enqueue_dma source(%dma_start3A_104 : memref<8x64xi32, #tpu.memory_space<hbm>>) target(%arg8 : memref<8x64xi32, #tpu.memory_space<vmem>>) target_semaphore(%arg13 : memref<!tpu.dma_semaphore, #tpu.memory_space<semaphore_mem>>)
      %add3A_105 = arith.constant 8 : i32
      %add3A_106 = arith.addi %select_n3A, %add3A_105 : i32
      %dma_start3A_107 = arith.constant 0 : i32
      %dma_start3A_108 = tpu.memref_slice %arg4[%add3A_106, %dma_start3A_107] : memref<5120x64xi32, #tpu.memory_space<hbm>> -> memref<8x64xi32, #tpu.memory_space<hbm>>
      %dma_start3A_109 = arith.constant 0 : i32
      %dma_start3A_110 = tpu.memref_slice %arg4[%add3A_106, %dma_start3A_109] : memref<5120x64xi32, #tpu.memory_space<hbm>> -> memref<8x64xi32, #tpu.memory_space<hbm>>
      tpu.enqueue_dma source(%dma_start3A_110 : memref<8x64xi32, #tpu.memory_space<hbm>>) target(%arg9 : memref<8x64xi32, #tpu.memory_space<vmem>>) target_semaphore(%arg13 : memref<!tpu.dma_semaphore, #tpu.memory_space<semaphore_mem>>)
    } else {
    }
    %add3A_51 = arith.constant 0 : i32
    %add3A_52 = arith.addi %select_n3A, %add3A_51 : i32
    %dma_wait3A = arith.constant 0 : i32
    %dma_wait3A_53 = tpu.memref_slice %arg3[%add3A_52, %dma_wait3A] : memref<5120x64xi32, #tpu.memory_space<hbm>> -> memref<8x64xi32, #tpu.memory_space<hbm>>
    %dma_wait3A_54 = arith.constant 0 : i32
    %dma_wait3A_55 = tpu.memref_slice %arg3[%add3A_52, %dma_wait3A_54] : memref<5120x64xi32, #tpu.memory_space<hbm>> -> memref<8x64xi32, #tpu.memory_space<hbm>>
    tpu.wait_dma2 semaphore(%arg13 : memref<!tpu.dma_semaphore, #tpu.memory_space<semaphore_mem>>) src(%dma_wait3A_55 : memref<8x64xi32, #tpu.memory_space<hbm>>) dst(%arg6 : memref<8x64xi32, #tpu.memory_space<vmem>>)
    %add3A_56 = arith.constant 0 : i32
    %add3A_57 = arith.addi %select_n3A, %add3A_56 : i32
    %dma_wait3A_58 = arith.constant 0 : i32
    %dma_wait3A_59 = tpu.memref_slice %arg4[%add3A_57, %dma_wait3A_58] : memref<5120x64xi32, #tpu.memory_space<hbm>> -> memref<8x64xi32, #tpu.memory_space<hbm>>
    %dma_wait3A_60 = arith.constant 0 : i32
    %dma_wait3A_61 = tpu.memref_slice %arg4[%add3A_57, %dma_wait3A_60] : memref<5120x64xi32, #tpu.memory_space<hbm>> -> memref<8x64xi32, #tpu.memory_space<hbm>>
    tpu.wait_dma2 semaphore(%arg13 : memref<!tpu.dma_semaphore, #tpu.memory_space<semaphore_mem>>) src(%dma_wait3A_61 : memref<8x64xi32, #tpu.memory_space<hbm>>) dst(%arg7 : memref<8x64xi32, #tpu.memory_space<vmem>>)
    %dma_start3A_62 = arith.constant 0 : i32
    %dma_start3A_63 = arith.constant 0 : i32
    %dma_start3A_64 = tpu.memref_slice %arg6[%dma_start3A_62, %dma_start3A_63] : memref<8x64xi32, #tpu.memory_space<vmem>> -> memref<1x64xi32, #tpu.memory_space<vmem>>
    %dma_start3A_65 = tpu.memref_squeeze %dma_start3A_64 : memref<1x64xi32, #tpu.memory_space<vmem>> -> memref<64xi32, #tpu.memory_space<vmem>>
    %dma_start3A_66 = arith.constant 0 : i32
    %dma_start3A_67 = arith.constant 0 : i32
    %dma_start3A_68 = tpu.memref_slice %arg2[%dma_start3A_66, %dma_start3A_67] : memref<10240x144xf32, #tpu.memory_space<hbm>> -> memref<10240x144xf32, #tpu.memory_space<hbm>>
    tpu.enqueue_indirect_dma source(%dma_start3A_68 : memref<10240x144xf32, #tpu.memory_space<hbm>>) target(%arg10 : memref<64x144xf32, #tpu.memory_space<vmem>>) offsets(%dma_start3A_65 : memref<64xi32, #tpu.memory_space<vmem>>) semaphore(%arg12 : memref<!tpu.dma_semaphore, #tpu.memory_space<semaphore_mem>>)
    %jit3A_69 = arith.constant 2 : i32
    %div3A = arith.divsi %select_n3A_9, %jit3A_69 : i32
    %sign3A = arith.constant 0 : i32
    %sign3A_70 = arith.cmpi sgt, %select_n3A_9, %sign3A : i32
    %sign3A_71 = arith.extui %sign3A_70 : i1 to i32
    %sign3A_72 = arith.constant 0 : i32
    %sign3A_73 = arith.cmpi slt, %select_n3A_9, %sign3A_72 : i32
    %sign3A_74 = arith.extui %sign3A_73 : i1 to i32
    %sign3A_75 = arith.subi %sign3A_71, %sign3A_74 : i32
    %sign3A_76 = arith.constant 0 : i32
    %sign3A_77 = arith.cmpi sgt, %jit3A_69, %sign3A_76 : i32
    %sign3A_78 = arith.extui %sign3A_77 : i1 to i32
    %sign3A_79 = arith.constant 0 : i32
    %sign3A_80 = arith.cmpi slt, %jit3A_69, %sign3A_79 : i32
    %sign3A_81 = arith.extui %sign3A_80 : i1 to i32
    %sign3A_82 = arith.subi %sign3A_78, %sign3A_81 : i32
    %ne3A = arith.cmpi ne, %sign3A_75, %sign3A_82 : i32
    %rem3A = arith.remsi %select_n3A_9, %jit3A_69 : i32
    %ne3A_83 = arith.constant 0 : i32
    %ne3A_84 = arith.cmpi ne, %rem3A, %ne3A_83 : i32
    %and3A = arith.andi %ne3A, %ne3A_84 : i1
    %sub3A = arith.constant 1 : i32
    %sub3A_85 = arith.subi %div3A, %sub3A : i32
    %select_n3A_86 = arith.select %and3A, %sub3A_85, %div3A : i32
    %while3A = arith.constant 0 : i32
    %while3A_87 = arith.constant 0 : i32
    %while3A_88 = arith.subi %select_n3A_86, %while3A : i32
    %while3A_89 = arith.addi %while3A, %while3A_88 : i32
    %while3A_90 = arith.constant 1 : i32
    %while3A_91 = arith.divsi %while3A_88, %while3A_90 : i32
    %while3A_92 = arith.muli %while3A_91, %while3A_90 : i32
    %while3A_93 = arith.addi %while3A, %while3A_92 : i32
    %while3A_94 = arith.constant 1 : i32
    %while3A_95 = scf.for %while3A_99 = %while3A to %while3A_93 step %while3A_94 iter_args(%while3A_100 = %while3A_87) -> (i32)  : i32 {
      %mul3A_101 = arith.constant 2 : i32
      %mul3A_102 = arith.muli %mul3A_101, %while3A_99 : i32
      %add3A_103 = arith.constant 0 : i32
      %add3A_104 = arith.addi %mul3A_102, %add3A_103 : i32
      %dma_wait3A_105 = arith.constant 0 : i32
      %dma_wait3A_106 = arith.constant 0 : i32
      %dma_wait3A_107 = tpu.memref_slice %arg6[%dma_wait3A_105, %dma_wait3A_106] : memref<8x64xi32, #tpu.memory_space<vmem>> -> memref<1x64xi32, #tpu.memory_space<vmem>>
      %dma_wait3A_108 = tpu.memref_squeeze %dma_wait3A_107 : memref<1x64xi32, #tpu.memory_space<vmem>> -> memref<64xi32, #tpu.memory_space<vmem>>
      %dma_wait3A_109 = arith.constant 0 : i32
      %dma_wait3A_110 = arith.constant 0 : i32
      %dma_wait3A_111 = tpu.memref_slice %arg2[%dma_wait3A_109, %dma_wait3A_110] : memref<10240x144xf32, #tpu.memory_space<hbm>> -> memref<10240x144xf32, #tpu.memory_space<hbm>>
      tpu.wait_indirect_dma semaphore(%arg12 : memref<!tpu.dma_semaphore, #tpu.memory_space<semaphore_mem>>) src(%dma_wait3A_111 : memref<10240x144xf32, #tpu.memory_space<hbm>>) dst(%arg10 : memref<64x144xf32, #tpu.memory_space<vmem>>)
      %dma_start3A_112 = arith.constant 1 : i32
      %dma_start3A_113 = arith.constant 0 : i32
      %dma_start3A_114 = tpu.memref_slice %arg6[%dma_start3A_112, %dma_start3A_113] : memref<8x64xi32, #tpu.memory_space<vmem>> -> memref<1x64xi32, #tpu.memory_space<vmem>>
      %dma_start3A_115 = tpu.memref_squeeze %dma_start3A_114 : memref<1x64xi32, #tpu.memory_space<vmem>> -> memref<64xi32, #tpu.memory_space<vmem>>
      %dma_start3A_116 = arith.constant 0 : i32
      %dma_start3A_117 = arith.constant 0 : i32
      %dma_start3A_118 = tpu.memref_slice %arg2[%dma_start3A_116, %dma_start3A_117] : memref<10240x144xf32, #tpu.memory_space<hbm>> -> memref<10240x144xf32, #tpu.memory_space<hbm>>
      tpu.enqueue_indirect_dma source(%dma_start3A_118 : memref<10240x144xf32, #tpu.memory_space<hbm>>) target(%arg11 : memref<64x144xf32, #tpu.memory_space<vmem>>) offsets(%dma_start3A_115 : memref<64xi32, #tpu.memory_space<vmem>>) semaphore(%arg12 : memref<!tpu.dma_semaphore, #tpu.memory_space<semaphore_mem>>)
      %run_scoped3A = arith.constant 0 : i32
      "tpu.region"() ({
        %run_scoped3A_370 = tpu.sem_alloc : memref<!tpu.dma_semaphore, #tpu.memory_space<semaphore_mem>>
        %dma_start3A_371 = arith.constant 0 : i32
        %dma_start3A_372 = tpu.memref_slice %arg7[%run_scoped3A, %dma_start3A_371] : memref<8x64xi32, #tpu.memory_space<vmem>> -> memref<1x64xi32, #tpu.memory_space<vmem>>
        %dma_start3A_373 = tpu.memref_squeeze %dma_start3A_372 : memref<1x64xi32, #tpu.memory_space<vmem>> -> memref<64xi32, #tpu.memory_space<vmem>>
        %dma_start3A_374 = arith.constant 0 : i32
        %dma_start3A_375 = arith.constant 0 : i32
        %dma_start3A_376 = tpu.memref_slice %arg14[%dma_start3A_374, %dma_start3A_375] : memref<10240x144xf32, #tpu.memory_space<vmem_shared>> -> memref<10240x144xf32, #tpu.memory_space<vmem_shared>>
        tpu.enqueue_indirect_dma source(%arg10 : memref<64x144xf32, #tpu.memory_space<vmem>>) target(%dma_start3A_376 : memref<10240x144xf32, #tpu.memory_space<vmem_shared>>) offsets(%dma_start3A_373 : memref<64xi32, #tpu.memory_space<vmem>>) semaphore(%run_scoped3A_370 : memref<!tpu.dma_semaphore, #tpu.memory_space<semaphore_mem>>) {add = true}
        %dma_wait3A_377 = arith.constant 0 : i32
        %dma_wait3A_378 = tpu.memref_slice %arg7[%run_scoped3A, %dma_wait3A_377] : memref<8x64xi32, #tpu.memory_space<vmem>> -> memref<1x64xi32, #tpu.memory_space<vmem>>
        %dma_wait3A_379 = tpu.memref_squeeze %dma_wait3A_378 : memref<1x64xi32, #tpu.memory_space<vmem>> -> memref<64xi32, #tpu.memory_space<vmem>>
        %dma_wait3A_380 = arith.constant 0 : i32
        %dma_wait3A_381 = arith.constant 0 : i32
        %dma_wait3A_382 = tpu.memref_slice %arg14[%dma_wait3A_380, %dma_wait3A_381] : memref<10240x144xf32, #tpu.memory_space<vmem_shared>> -> memref<10240x144xf32, #tpu.memory_space<vmem_shared>>
        tpu.wait_indirect_dma semaphore(%run_scoped3A_370 : memref<!tpu.dma_semaphore, #tpu.memory_space<semaphore_mem>>) src(%arg10 : memref<64x144xf32, #tpu.memory_space<vmem>>) dst(%dma_wait3A_382 : memref<10240x144xf32, #tpu.memory_space<vmem_shared>>)
        tpu.yield
      }) : () -> ()
      %dma_wait3A_119 = arith.constant 1 : i32
      %dma_wait3A_120 = arith.constant 0 : i32
      %dma_wait3A_121 = tpu.memref_slice %arg6[%dma_wait3A_119, %dma_wait3A_120] : memref<8x64xi32, #tpu.memory_space<vmem>> -> memref<1x64xi32, #tpu.memory_space<vmem>>
      %dma_wait3A_122 = tpu.memref_squeeze %dma_wait3A_121 : memref<1x64xi32, #tpu.memory_space<vmem>> -> memref<64xi32, #tpu.memory_space<vmem>>
      %dma_wait3A_123 = arith.constant 0 : i32
      %dma_wait3A_124 = arith.constant 0 : i32
      %dma_wait3A_125 = tpu.memref_slice %arg2[%dma_wait3A_123, %dma_wait3A_124] : memref<10240x144xf32, #tpu.memory_space<hbm>> -> memref<10240x144xf32, #tpu.memory_space<hbm>>
      tpu.wait_indirect_dma semaphore(%arg12 : memref<!tpu.dma_semaphore, #tpu.memory_space<semaphore_mem>>) src(%dma_wait3A_125 : memref<10240x144xf32, #tpu.memory_space<hbm>>) dst(%arg11 : memref<64x144xf32, #tpu.memory_space<vmem>>)
      %dma_start3A_126 = arith.constant 2 : i32
      %dma_start3A_127 = arith.constant 0 : i32
      %dma_start3A_128 = tpu.memref_slice %arg6[%dma_start3A_126, %dma_start3A_127] : memref<8x64xi32, #tpu.memory_space<vmem>> -> memref<1x64xi32, #tpu.memory_space<vmem>>
      %dma_start3A_129 = tpu.memref_squeeze %dma_start3A_128 : memref<1x64xi32, #tpu.memory_space<vmem>> -> memref<64xi32, #tpu.memory_space<vmem>>
      %dma_start3A_130 = arith.constant 0 : i32
      %dma_start3A_131 = arith.constant 0 : i32
      %dma_start3A_132 = tpu.memref_slice %arg2[%dma_start3A_130, %dma_start3A_131] : memref<10240x144xf32, #tpu.memory_space<hbm>> -> memref<10240x144xf32, #tpu.memory_space<hbm>>
      tpu.enqueue_indirect_dma source(%dma_start3A_132 : memref<10240x144xf32, #tpu.memory_space<hbm>>) target(%arg10 : memref<64x144xf32, #tpu.memory_space<vmem>>) offsets(%dma_start3A_129 : memref<64xi32, #tpu.memory_space<vmem>>) semaphore(%arg12 : memref<!tpu.dma_semaphore, #tpu.memory_space<semaphore_mem>>)
      %run_scoped3A_133 = arith.constant 1 : i32
      "tpu.region"() ({
        %run_scoped3A_370 = tpu.sem_alloc : memref<!tpu.dma_semaphore, #tpu.memory_space<semaphore_mem>>
        %dma_start3A_371 = arith.constant 0 : i32
        %dma_start3A_372 = tpu.memref_slice %arg7[%run_scoped3A_133, %dma_start3A_371] : memref<8x64xi32, #tpu.memory_space<vmem>> -> memref<1x64xi32, #tpu.memory_space<vmem>>
        %dma_start3A_373 = tpu.memref_squeeze %dma_start3A_372 : memref<1x64xi32, #tpu.memory_space<vmem>> -> memref<64xi32, #tpu.memory_space<vmem>>
        %dma_start3A_374 = arith.constant 0 : i32
        %dma_start3A_375 = arith.constant 0 : i32
        %dma_start3A_376 = tpu.memref_slice %arg14[%dma_start3A_374, %dma_start3A_375] : memref<10240x144xf32, #tpu.memory_space<vmem_shared>> -> memref<10240x144xf32, #tpu.memory_space<vmem_shared>>
        tpu.enqueue_indirect_dma source(%arg11 : memref<64x144xf32, #tpu.memory_space<vmem>>) target(%dma_start3A_376 : memref<10240x144xf32, #tpu.memory_space<vmem_shared>>) offsets(%dma_start3A_373 : memref<64xi32, #tpu.memory_space<vmem>>) semaphore(%run_scoped3A_370 : memref<!tpu.dma_semaphore, #tpu.memory_space<semaphore_mem>>) {add = true}
        %dma_wait3A_377 = arith.constant 0 : i32
        %dma_wait3A_378 = tpu.memref_slice %arg7[%run_scoped3A_133, %dma_wait3A_377] : memref<8x64xi32, #tpu.memory_space<vmem>> -> memref<1x64xi32, #tpu.memory_space<vmem>>
        %dma_wait3A_379 = tpu.memref_squeeze %dma_wait3A_378 : memref<1x64xi32, #tpu.memory_space<vmem>> -> memref<64xi32, #tpu.memory_space<vmem>>
        %dma_wait3A_380 = arith.constant 0 : i32
        %dma_wait3A_381 = arith.constant 0 : i32
        %dma_wait3A_382 = tpu.memref_slice %arg14[%dma_wait3A_380, %dma_wait3A_381] : memref<10240x144xf32, #tpu.memory_space<vmem_shared>> -> memref<10240x144xf32, #tpu.memory_space<vmem_shared>>
        tpu.wait_indirect_dma semaphore(%run_scoped3A_370 : memref<!tpu.dma_semaphore, #tpu.memory_space<semaphore_mem>>) src(%arg11 : memref<64x144xf32, #tpu.memory_space<vmem>>) dst(%dma_wait3A_382 : memref<10240x144xf32, #tpu.memory_space<vmem_shared>>)
        tpu.yield
      }) : () -> ()
      %dma_wait3A_134 = arith.constant 2 : i32
      %dma_wait3A_135 = arith.constant 0 : i32
      %dma_wait3A_136 = tpu.memref_slice %arg6[%dma_wait3A_134, %dma_wait3A_135] : memref<8x64xi32, #tpu.memory_space<vmem>> -> memref<1x64xi32, #tpu.memory_space<vmem>>
      %dma_wait3A_137 = tpu.memref_squeeze %dma_wait3A_136 : memref<1x64xi32, #tpu.memory_space<vmem>> -> memref<64xi32, #tpu.memory_space<vmem>>
      %dma_wait3A_138 = arith.constant 0 : i32
      %dma_wait3A_139 = arith.constant 0 : i32
      %dma_wait3A_140 = tpu.memref_slice %arg2[%dma_wait3A_138, %dma_wait3A_139] : memref<10240x144xf32, #tpu.memory_space<hbm>> -> memref<10240x144xf32, #tpu.memory_space<hbm>>
      tpu.wait_indirect_dma semaphore(%arg12 : memref<!tpu.dma_semaphore, #tpu.memory_space<semaphore_mem>>) src(%dma_wait3A_140 : memref<10240x144xf32, #tpu.memory_space<hbm>>) dst(%arg10 : memref<64x144xf32, #tpu.memory_space<vmem>>)
      %dma_start3A_141 = arith.constant 3 : i32
      %dma_start3A_142 = arith.constant 0 : i32
      %dma_start3A_143 = tpu.memref_slice %arg6[%dma_start3A_141, %dma_start3A_142] : memref<8x64xi32, #tpu.memory_space<vmem>> -> memref<1x64xi32, #tpu.memory_space<vmem>>
      %dma_start3A_144 = tpu.memref_squeeze %dma_start3A_143 : memref<1x64xi32, #tpu.memory_space<vmem>> -> memref<64xi32, #tpu.memory_space<vmem>>
      %dma_start3A_145 = arith.constant 0 : i32
      %dma_start3A_146 = arith.constant 0 : i32
      %dma_start3A_147 = tpu.memref_slice %arg2[%dma_start3A_145, %dma_start3A_146] : memref<10240x144xf32, #tpu.memory_space<hbm>> -> memref<10240x144xf32, #tpu.memory_space<hbm>>
      tpu.enqueue_indirect_dma source(%dma_start3A_147 : memref<10240x144xf32, #tpu.memory_space<hbm>>) target(%arg11 : memref<64x144xf32, #tpu.memory_space<vmem>>) offsets(%dma_start3A_144 : memref<64xi32, #tpu.memory_space<vmem>>) semaphore(%arg12 : memref<!tpu.dma_semaphore, #tpu.memory_space<semaphore_mem>>)
      %run_scoped3A_148 = arith.constant 2 : i32
      "tpu.region"() ({
        %run_scoped3A_370 = tpu.sem_alloc : memref<!tpu.dma_semaphore, #tpu.memory_space<semaphore_mem>>
        %dma_start3A_371 = arith.constant 0 : i32
        %dma_start3A_372 = tpu.memref_slice %arg7[%run_scoped3A_148, %dma_start3A_371] : memref<8x64xi32, #tpu.memory_space<vmem>> -> memref<1x64xi32, #tpu.memory_space<vmem>>
        %dma_start3A_373 = tpu.memref_squeeze %dma_start3A_372 : memref<1x64xi32, #tpu.memory_space<vmem>> -> memref<64xi32, #tpu.memory_space<vmem>>
        %dma_start3A_374 = arith.constant 0 : i32
        %dma_start3A_375 = arith.constant 0 : i32
        %dma_start3A_376 = tpu.memref_slice %arg14[%dma_start3A_374, %dma_start3A_375] : memref<10240x144xf32, #tpu.memory_space<vmem_shared>> -> memref<10240x144xf32, #tpu.memory_space<vmem_shared>>
        tpu.enqueue_indirect_dma source(%arg10 : memref<64x144xf32, #tpu.memory_space<vmem>>) target(%dma_start3A_376 : memref<10240x144xf32, #tpu.memory_space<vmem_shared>>) offsets(%dma_start3A_373 : memref<64xi32, #tpu.memory_space<vmem>>) semaphore(%run_scoped3A_370 : memref<!tpu.dma_semaphore, #tpu.memory_space<semaphore_mem>>) {add = true}
        %dma_wait3A_377 = arith.constant 0 : i32
        %dma_wait3A_378 = tpu.memref_slice %arg7[%run_scoped3A_148, %dma_wait3A_377] : memref<8x64xi32, #tpu.memory_space<vmem>> -> memref<1x64xi32, #tpu.memory_space<vmem>>
        %dma_wait3A_379 = tpu.memref_squeeze %dma_wait3A_378 : memref<1x64xi32, #tpu.memory_space<vmem>> -> memref<64xi32, #tpu.memory_space<vmem>>
        %dma_wait3A_380 = arith.constant 0 : i32
        %dma_wait3A_381 = arith.constant 0 : i32
        %dma_wait3A_382 = tpu.memref_slice %arg14[%dma_wait3A_380, %dma_wait3A_381] : memref<10240x144xf32, #tpu.memory_space<vmem_shared>> -> memref<10240x144xf32, #tpu.memory_space<vmem_shared>>
        tpu.wait_indirect_dma semaphore(%run_scoped3A_370 : memref<!tpu.dma_semaphore, #tpu.memory_space<semaphore_mem>>) src(%arg10 : memref<64x144xf32, #tpu.memory_space<vmem>>) dst(%dma_wait3A_382 : memref<10240x144xf32, #tpu.memory_space<vmem_shared>>)
        tpu.yield
      }) : () -> ()
      %dma_wait3A_149 = arith.constant 3 : i32
      %dma_wait3A_150 = arith.constant 0 : i32
      %dma_wait3A_151 = tpu.memref_slice %arg6[%dma_wait3A_149, %dma_wait3A_150] : memref<8x64xi32, #tpu.memory_space<vmem>> -> memref<1x64xi32, #tpu.memory_space<vmem>>
      %dma_wait3A_152 = tpu.memref_squeeze %dma_wait3A_151 : memref<1x64xi32, #tpu.memory_space<vmem>> -> memref<64xi32, #tpu.memory_space<vmem>>
      %dma_wait3A_153 = arith.constant 0 : i32
      %dma_wait3A_154 = arith.constant 0 : i32
      %dma_wait3A_155 = tpu.memref_slice %arg2[%dma_wait3A_153, %dma_wait3A_154] : memref<10240x144xf32, #tpu.memory_space<hbm>> -> memref<10240x144xf32, #tpu.memory_space<hbm>>
      tpu.wait_indirect_dma semaphore(%arg12 : memref<!tpu.dma_semaphore, #tpu.memory_space<semaphore_mem>>) src(%dma_wait3A_155 : memref<10240x144xf32, #tpu.memory_space<hbm>>) dst(%arg11 : memref<64x144xf32, #tpu.memory_space<vmem>>)
      %dma_start3A_156 = arith.constant 4 : i32
      %dma_start3A_157 = arith.constant 0 : i32
      %dma_start3A_158 = tpu.memref_slice %arg6[%dma_start3A_156, %dma_start3A_157] : memref<8x64xi32, #tpu.memory_space<vmem>> -> memref<1x64xi32, #tpu.memory_space<vmem>>
      %dma_start3A_159 = tpu.memref_squeeze %dma_start3A_158 : memref<1x64xi32, #tpu.memory_space<vmem>> -> memref<64xi32, #tpu.memory_space<vmem>>
      %dma_start3A_160 = arith.constant 0 : i32
      %dma_start3A_161 = arith.constant 0 : i32
      %dma_start3A_162 = tpu.memref_slice %arg2[%dma_start3A_160, %dma_start3A_161] : memref<10240x144xf32, #tpu.memory_space<hbm>> -> memref<10240x144xf32, #tpu.memory_space<hbm>>
      tpu.enqueue_indirect_dma source(%dma_start3A_162 : memref<10240x144xf32, #tpu.memory_space<hbm>>) target(%arg10 : memref<64x144xf32, #tpu.memory_space<vmem>>) offsets(%dma_start3A_159 : memref<64xi32, #tpu.memory_space<vmem>>) semaphore(%arg12 : memref<!tpu.dma_semaphore, #tpu.memory_space<semaphore_mem>>)
      %run_scoped3A_163 = arith.constant 3 : i32
      "tpu.region"() ({
        %run_scoped3A_370 = tpu.sem_alloc : memref<!tpu.dma_semaphore, #tpu.memory_space<semaphore_mem>>
        %dma_start3A_371 = arith.constant 0 : i32
        %dma_start3A_372 = tpu.memref_slice %arg7[%run_scoped3A_163, %dma_start3A_371] : memref<8x64xi32, #tpu.memory_space<vmem>> -> memref<1x64xi32, #tpu.memory_space<vmem>>
        %dma_start3A_373 = tpu.memref_squeeze %dma_start3A_372 : memref<1x64xi32, #tpu.memory_space<vmem>> -> memref<64xi32, #tpu.memory_space<vmem>>
        %dma_start3A_374 = arith.constant 0 : i32
        %dma_start3A_375 = arith.constant 0 : i32
        %dma_start3A_376 = tpu.memref_slice %arg14[%dma_start3A_374, %dma_start3A_375] : memref<10240x144xf32, #tpu.memory_space<vmem_shared>> -> memref<10240x144xf32, #tpu.memory_space<vmem_shared>>
        tpu.enqueue_indirect_dma source(%arg11 : memref<64x144xf32, #tpu.memory_space<vmem>>) target(%dma_start3A_376 : memref<10240x144xf32, #tpu.memory_space<vmem_shared>>) offsets(%dma_start3A_373 : memref<64xi32, #tpu.memory_space<vmem>>) semaphore(%run_scoped3A_370 : memref<!tpu.dma_semaphore, #tpu.memory_space<semaphore_mem>>) {add = true}
        %dma_wait3A_377 = arith.constant 0 : i32
        %dma_wait3A_378 = tpu.memref_slice %arg7[%run_scoped3A_163, %dma_wait3A_377] : memref<8x64xi32, #tpu.memory_space<vmem>> -> memref<1x64xi32, #tpu.memory_space<vmem>>
        %dma_wait3A_379 = tpu.memref_squeeze %dma_wait3A_378 : memref<1x64xi32, #tpu.memory_space<vmem>> -> memref<64xi32, #tpu.memory_space<vmem>>
        %dma_wait3A_380 = arith.constant 0 : i32
        %dma_wait3A_381 = arith.constant 0 : i32
        %dma_wait3A_382 = tpu.memref_slice %arg14[%dma_wait3A_380, %dma_wait3A_381] : memref<10240x144xf32, #tpu.memory_space<vmem_shared>> -> memref<10240x144xf32, #tpu.memory_space<vmem_shared>>
        tpu.wait_indirect_dma semaphore(%run_scoped3A_370 : memref<!tpu.dma_semaphore, #tpu.memory_space<semaphore_mem>>) src(%arg11 : memref<64x144xf32, #tpu.memory_space<vmem>>) dst(%dma_wait3A_382 : memref<10240x144xf32, #tpu.memory_space<vmem_shared>>)
        tpu.yield
      }) : () -> ()
      %dma_wait3A_164 = arith.constant 4 : i32
      %dma_wait3A_165 = arith.constant 0 : i32
      %dma_wait3A_166 = tpu.memref_slice %arg6[%dma_wait3A_164, %dma_wait3A_165] : memref<8x64xi32, #tpu.memory_space<vmem>> -> memref<1x64xi32, #tpu.memory_space<vmem>>
      %dma_wait3A_167 = tpu.memref_squeeze %dma_wait3A_166 : memref<1x64xi32, #tpu.memory_space<vmem>> -> memref<64xi32, #tpu.memory_space<vmem>>
      %dma_wait3A_168 = arith.constant 0 : i32
      %dma_wait3A_169 = arith.constant 0 : i32
      %dma_wait3A_170 = tpu.memref_slice %arg2[%dma_wait3A_168, %dma_wait3A_169] : memref<10240x144xf32, #tpu.memory_space<hbm>> -> memref<10240x144xf32, #tpu.memory_space<hbm>>
      tpu.wait_indirect_dma semaphore(%arg12 : memref<!tpu.dma_semaphore, #tpu.memory_space<semaphore_mem>>) src(%dma_wait3A_170 : memref<10240x144xf32, #tpu.memory_space<hbm>>) dst(%arg10 : memref<64x144xf32, #tpu.memory_space<vmem>>)
      %dma_start3A_171 = arith.constant 5 : i32
      %dma_start3A_172 = arith.constant 0 : i32
      %dma_start3A_173 = tpu.memref_slice %arg6[%dma_start3A_171, %dma_start3A_172] : memref<8x64xi32, #tpu.memory_space<vmem>> -> memref<1x64xi32, #tpu.memory_space<vmem>>
      %dma_start3A_174 = tpu.memref_squeeze %dma_start3A_173 : memref<1x64xi32, #tpu.memory_space<vmem>> -> memref<64xi32, #tpu.memory_space<vmem>>
      %dma_start3A_175 = arith.constant 0 : i32
      %dma_start3A_176 = arith.constant 0 : i32
      %dma_start3A_177 = tpu.memref_slice %arg2[%dma_start3A_175, %dma_start3A_176] : memref<10240x144xf32, #tpu.memory_space<hbm>> -> memref<10240x144xf32, #tpu.memory_space<hbm>>
      tpu.enqueue_indirect_dma source(%dma_start3A_177 : memref<10240x144xf32, #tpu.memory_space<hbm>>) target(%arg11 : memref<64x144xf32, #tpu.memory_space<vmem>>) offsets(%dma_start3A_174 : memref<64xi32, #tpu.memory_space<vmem>>) semaphore(%arg12 : memref<!tpu.dma_semaphore, #tpu.memory_space<semaphore_mem>>)
      %run_scoped3A_178 = arith.constant 4 : i32
      "tpu.region"() ({
        %run_scoped3A_370 = tpu.sem_alloc : memref<!tpu.dma_semaphore, #tpu.memory_space<semaphore_mem>>
        %dma_start3A_371 = arith.constant 0 : i32
        %dma_start3A_372 = tpu.memref_slice %arg7[%run_scoped3A_178, %dma_start3A_371] : memref<8x64xi32, #tpu.memory_space<vmem>> -> memref<1x64xi32, #tpu.memory_space<vmem>>
        %dma_start3A_373 = tpu.memref_squeeze %dma_start3A_372 : memref<1x64xi32, #tpu.memory_space<vmem>> -> memref<64xi32, #tpu.memory_space<vmem>>
        %dma_start3A_374 = arith.constant 0 : i32
        %dma_start3A_375 = arith.constant 0 : i32
        %dma_start3A_376 = tpu.memref_slice %arg14[%dma_start3A_374, %dma_start3A_375] : memref<10240x144xf32, #tpu.memory_space<vmem_shared>> -> memref<10240x144xf32, #tpu.memory_space<vmem_shared>>
        tpu.enqueue_indirect_dma source(%arg10 : memref<64x144xf32, #tpu.memory_space<vmem>>) target(%dma_start3A_376 : memref<10240x144xf32, #tpu.memory_space<vmem_shared>>) offsets(%dma_start3A_373 : memref<64xi32, #tpu.memory_space<vmem>>) semaphore(%run_scoped3A_370 : memref<!tpu.dma_semaphore, #tpu.memory_space<semaphore_mem>>) {add = true}
        %dma_wait3A_377 = arith.constant 0 : i32
        %dma_wait3A_378 = tpu.memref_slice %arg7[%run_scoped3A_178, %dma_wait3A_377] : memref<8x64xi32, #tpu.memory_space<vmem>> -> memref<1x64xi32, #tpu.memory_space<vmem>>
        %dma_wait3A_379 = tpu.memref_squeeze %dma_wait3A_378 : memref<1x64xi32, #tpu.memory_space<vmem>> -> memref<64xi32, #tpu.memory_space<vmem>>
        %dma_wait3A_380 = arith.constant 0 : i32
        %dma_wait3A_381 = arith.constant 0 : i32
        %dma_wait3A_382 = tpu.memref_slice %arg14[%dma_wait3A_380, %dma_wait3A_381] : memref<10240x144xf32, #tpu.memory_space<vmem_shared>> -> memref<10240x144xf32, #tpu.memory_space<vmem_shared>>
        tpu.wait_indirect_dma semaphore(%run_scoped3A_370 : memref<!tpu.dma_semaphore, #tpu.memory_space<semaphore_mem>>) src(%arg10 : memref<64x144xf32, #tpu.memory_space<vmem>>) dst(%dma_wait3A_382 : memref<10240x144xf32, #tpu.memory_space<vmem_shared>>)
        tpu.yield
      }) : () -> ()
      %dma_wait3A_179 = arith.constant 5 : i32
      %dma_wait3A_180 = arith.constant 0 : i32
      %dma_wait3A_181 = tpu.memref_slice %arg6[%dma_wait3A_179, %dma_wait3A_180] : memref<8x64xi32, #tpu.memory_space<vmem>> -> memref<1x64xi32, #tpu.memory_space<vmem>>
      %dma_wait3A_182 = tpu.memref_squeeze %dma_wait3A_181 : memref<1x64xi32, #tpu.memory_space<vmem>> -> memref<64xi32, #tpu.memory_space<vmem>>
      %dma_wait3A_183 = arith.constant 0 : i32
      %dma_wait3A_184 = arith.constant 0 : i32
      %dma_wait3A_185 = tpu.memref_slice %arg2[%dma_wait3A_183, %dma_wait3A_184] : memref<10240x144xf32, #tpu.memory_space<hbm>> -> memref<10240x144xf32, #tpu.memory_space<hbm>>
      tpu.wait_indirect_dma semaphore(%arg12 : memref<!tpu.dma_semaphore, #tpu.memory_space<semaphore_mem>>) src(%dma_wait3A_185 : memref<10240x144xf32, #tpu.memory_space<hbm>>) dst(%arg11 : memref<64x144xf32, #tpu.memory_space<vmem>>)
      %dma_start3A_186 = arith.constant 6 : i32
      %dma_start3A_187 = arith.constant 0 : i32
      %dma_start3A_188 = tpu.memref_slice %arg6[%dma_start3A_186, %dma_start3A_187] : memref<8x64xi32, #tpu.memory_space<vmem>> -> memref<1x64xi32, #tpu.memory_space<vmem>>
      %dma_start3A_189 = tpu.memref_squeeze %dma_start3A_188 : memref<1x64xi32, #tpu.memory_space<vmem>> -> memref<64xi32, #tpu.memory_space<vmem>>
      %dma_start3A_190 = arith.constant 0 : i32
      %dma_start3A_191 = arith.constant 0 : i32
      %dma_start3A_192 = tpu.memref_slice %arg2[%dma_start3A_190, %dma_start3A_191] : memref<10240x144xf32, #tpu.memory_space<hbm>> -> memref<10240x144xf32, #tpu.memory_space<hbm>>
      tpu.enqueue_indirect_dma source(%dma_start3A_192 : memref<10240x144xf32, #tpu.memory_space<hbm>>) target(%arg10 : memref<64x144xf32, #tpu.memory_space<vmem>>) offsets(%dma_start3A_189 : memref<64xi32, #tpu.memory_space<vmem>>) semaphore(%arg12 : memref<!tpu.dma_semaphore, #tpu.memory_space<semaphore_mem>>)
      %run_scoped3A_193 = arith.constant 5 : i32
      "tpu.region"() ({
        %run_scoped3A_370 = tpu.sem_alloc : memref<!tpu.dma_semaphore, #tpu.memory_space<semaphore_mem>>
        %dma_start3A_371 = arith.constant 0 : i32
        %dma_start3A_372 = tpu.memref_slice %arg7[%run_scoped3A_193, %dma_start3A_371] : memref<8x64xi32, #tpu.memory_space<vmem>> -> memref<1x64xi32, #tpu.memory_space<vmem>>
        %dma_start3A_373 = tpu.memref_squeeze %dma_start3A_372 : memref<1x64xi32, #tpu.memory_space<vmem>> -> memref<64xi32, #tpu.memory_space<vmem>>
        %dma_start3A_374 = arith.constant 0 : i32
        %dma_start3A_375 = arith.constant 0 : i32
        %dma_start3A_376 = tpu.memref_slice %arg14[%dma_start3A_374, %dma_start3A_375] : memref<10240x144xf32, #tpu.memory_space<vmem_shared>> -> memref<10240x144xf32, #tpu.memory_space<vmem_shared>>
        tpu.enqueue_indirect_dma source(%arg11 : memref<64x144xf32, #tpu.memory_space<vmem>>) target(%dma_start3A_376 : memref<10240x144xf32, #tpu.memory_space<vmem_shared>>) offsets(%dma_start3A_373 : memref<64xi32, #tpu.memory_space<vmem>>) semaphore(%run_scoped3A_370 : memref<!tpu.dma_semaphore, #tpu.memory_space<semaphore_mem>>) {add = true}
        %dma_wait3A_377 = arith.constant 0 : i32
        %dma_wait3A_378 = tpu.memref_slice %arg7[%run_scoped3A_193, %dma_wait3A_377] : memref<8x64xi32, #tpu.memory_space<vmem>> -> memref<1x64xi32, #tpu.memory_space<vmem>>
        %dma_wait3A_379 = tpu.memref_squeeze %dma_wait3A_378 : memref<1x64xi32, #tpu.memory_space<vmem>> -> memref<64xi32, #tpu.memory_space<vmem>>
        %dma_wait3A_380 = arith.constant 0 : i32
        %dma_wait3A_381 = arith.constant 0 : i32
        %dma_wait3A_382 = tpu.memref_slice %arg14[%dma_wait3A_380, %dma_wait3A_381] : memref<10240x144xf32, #tpu.memory_space<vmem_shared>> -> memref<10240x144xf32, #tpu.memory_space<vmem_shared>>
        tpu.wait_indirect_dma semaphore(%run_scoped3A_370 : memref<!tpu.dma_semaphore, #tpu.memory_space<semaphore_mem>>) src(%arg11 : memref<64x144xf32, #tpu.memory_space<vmem>>) dst(%dma_wait3A_382 : memref<10240x144xf32, #tpu.memory_space<vmem_shared>>)
        tpu.yield
      }) : () -> ()
      %dma_wait3A_194 = arith.constant 6 : i32
      %dma_wait3A_195 = arith.constant 0 : i32
      %dma_wait3A_196 = tpu.memref_slice %arg6[%dma_wait3A_194, %dma_wait3A_195] : memref<8x64xi32, #tpu.memory_space<vmem>> -> memref<1x64xi32, #tpu.memory_space<vmem>>
      %dma_wait3A_197 = tpu.memref_squeeze %dma_wait3A_196 : memref<1x64xi32, #tpu.memory_space<vmem>> -> memref<64xi32, #tpu.memory_space<vmem>>
      %dma_wait3A_198 = arith.constant 0 : i32
      %dma_wait3A_199 = arith.constant 0 : i32
      %dma_wait3A_200 = tpu.memref_slice %arg2[%dma_wait3A_198, %dma_wait3A_199] : memref<10240x144xf32, #tpu.memory_space<hbm>> -> memref<10240x144xf32, #tpu.memory_space<hbm>>
      tpu.wait_indirect_dma semaphore(%arg12 : memref<!tpu.dma_semaphore, #tpu.memory_space<semaphore_mem>>) src(%dma_wait3A_200 : memref<10240x144xf32, #tpu.memory_space<hbm>>) dst(%arg10 : memref<64x144xf32, #tpu.memory_space<vmem>>)
      %dma_start3A_201 = arith.constant 7 : i32
      %dma_start3A_202 = arith.constant 0 : i32
      %dma_start3A_203 = tpu.memref_slice %arg6[%dma_start3A_201, %dma_start3A_202] : memref<8x64xi32, #tpu.memory_space<vmem>> -> memref<1x64xi32, #tpu.memory_space<vmem>>
      %dma_start3A_204 = tpu.memref_squeeze %dma_start3A_203 : memref<1x64xi32, #tpu.memory_space<vmem>> -> memref<64xi32, #tpu.memory_space<vmem>>
      %dma_start3A_205 = arith.constant 0 : i32
      %dma_start3A_206 = arith.constant 0 : i32
      %dma_start3A_207 = tpu.memref_slice %arg2[%dma_start3A_205, %dma_start3A_206] : memref<10240x144xf32, #tpu.memory_space<hbm>> -> memref<10240x144xf32, #tpu.memory_space<hbm>>
      tpu.enqueue_indirect_dma source(%dma_start3A_207 : memref<10240x144xf32, #tpu.memory_space<hbm>>) target(%arg11 : memref<64x144xf32, #tpu.memory_space<vmem>>) offsets(%dma_start3A_204 : memref<64xi32, #tpu.memory_space<vmem>>) semaphore(%arg12 : memref<!tpu.dma_semaphore, #tpu.memory_space<semaphore_mem>>)
      %run_scoped3A_208 = arith.constant 6 : i32
      "tpu.region"() ({
        %run_scoped3A_370 = tpu.sem_alloc : memref<!tpu.dma_semaphore, #tpu.memory_space<semaphore_mem>>
        %dma_start3A_371 = arith.constant 0 : i32
        %dma_start3A_372 = tpu.memref_slice %arg7[%run_scoped3A_208, %dma_start3A_371] : memref<8x64xi32, #tpu.memory_space<vmem>> -> memref<1x64xi32, #tpu.memory_space<vmem>>
        %dma_start3A_373 = tpu.memref_squeeze %dma_start3A_372 : memref<1x64xi32, #tpu.memory_space<vmem>> -> memref<64xi32, #tpu.memory_space<vmem>>
        %dma_start3A_374 = arith.constant 0 : i32
        %dma_start3A_375 = arith.constant 0 : i32
        %dma_start3A_376 = tpu.memref_slice %arg14[%dma_start3A_374, %dma_start3A_375] : memref<10240x144xf32, #tpu.memory_space<vmem_shared>> -> memref<10240x144xf32, #tpu.memory_space<vmem_shared>>
        tpu.enqueue_indirect_dma source(%arg10 : memref<64x144xf32, #tpu.memory_space<vmem>>) target(%dma_start3A_376 : memref<10240x144xf32, #tpu.memory_space<vmem_shared>>) offsets(%dma_start3A_373 : memref<64xi32, #tpu.memory_space<vmem>>) semaphore(%run_scoped3A_370 : memref<!tpu.dma_semaphore, #tpu.memory_space<semaphore_mem>>) {add = true}
        %dma_wait3A_377 = arith.constant 0 : i32
        %dma_wait3A_378 = tpu.memref_slice %arg7[%run_scoped3A_208, %dma_wait3A_377] : memref<8x64xi32, #tpu.memory_space<vmem>> -> memref<1x64xi32, #tpu.memory_space<vmem>>
        %dma_wait3A_379 = tpu.memref_squeeze %dma_wait3A_378 : memref<1x64xi32, #tpu.memory_space<vmem>> -> memref<64xi32, #tpu.memory_space<vmem>>
        %dma_wait3A_380 = arith.constant 0 : i32
        %dma_wait3A_381 = arith.constant 0 : i32
        %dma_wait3A_382 = tpu.memref_slice %arg14[%dma_wait3A_380, %dma_wait3A_381] : memref<10240x144xf32, #tpu.memory_space<vmem_shared>> -> memref<10240x144xf32, #tpu.memory_space<vmem_shared>>
        tpu.wait_indirect_dma semaphore(%run_scoped3A_370 : memref<!tpu.dma_semaphore, #tpu.memory_space<semaphore_mem>>) src(%arg10 : memref<64x144xf32, #tpu.memory_space<vmem>>) dst(%dma_wait3A_382 : memref<10240x144xf32, #tpu.memory_space<vmem_shared>>)
        tpu.yield
      }) : () -> ()
      %dma_wait3A_209 = arith.constant 7 : i32
      %dma_wait3A_210 = arith.constant 0 : i32
      %dma_wait3A_211 = tpu.memref_slice %arg6[%dma_wait3A_209, %dma_wait3A_210] : memref<8x64xi32, #tpu.memory_space<vmem>> -> memref<1x64xi32, #tpu.memory_space<vmem>>
      %dma_wait3A_212 = tpu.memref_squeeze %dma_wait3A_211 : memref<1x64xi32, #tpu.memory_space<vmem>> -> memref<64xi32, #tpu.memory_space<vmem>>
      %dma_wait3A_213 = arith.constant 0 : i32
      %dma_wait3A_214 = arith.constant 0 : i32
      %dma_wait3A_215 = tpu.memref_slice %arg2[%dma_wait3A_213, %dma_wait3A_214] : memref<10240x144xf32, #tpu.memory_space<hbm>> -> memref<10240x144xf32, #tpu.memory_space<hbm>>
      tpu.wait_indirect_dma semaphore(%arg12 : memref<!tpu.dma_semaphore, #tpu.memory_space<semaphore_mem>>) src(%dma_wait3A_215 : memref<10240x144xf32, #tpu.memory_space<hbm>>) dst(%arg11 : memref<64x144xf32, #tpu.memory_space<vmem>>)
      %add3A_216 = arith.constant 1 : i32
      %add3A_217 = arith.addi %add3A_104, %add3A_216 : i32
      %lt3A = arith.cmpi slt, %add3A_217, %select_n3A_9 : i32
      %convert_element_type3A_218 = arith.extui %lt3A : i1 to i32
      %cond3A_219 = arith.constant 0 : i32
      %cond3A_220 = arith.cmpi ne, %convert_element_type3A_218, %cond3A_219 : i32
      scf.if %cond3A_220 {
        %dma_start3A_370 = arith.constant 0 : i32
        %dma_start3A_371 = arith.constant 0 : i32
        %dma_start3A_372 = tpu.memref_slice %arg8[%dma_start3A_370, %dma_start3A_371] : memref<8x64xi32, #tpu.memory_space<vmem>> -> memref<1x64xi32, #tpu.memory_space<vmem>>
        %dma_start3A_373 = tpu.memref_squeeze %dma_start3A_372 : memref<1x64xi32, #tpu.memory_space<vmem>> -> memref<64xi32, #tpu.memory_space<vmem>>
        %dma_start3A_374 = arith.constant 0 : i32
        %dma_start3A_375 = arith.constant 0 : i32
        %dma_start3A_376 = tpu.memref_slice %arg2[%dma_start3A_374, %dma_start3A_375] : memref<10240x144xf32, #tpu.memory_space<hbm>> -> memref<10240x144xf32, #tpu.memory_space<hbm>>
        tpu.enqueue_indirect_dma source(%dma_start3A_376 : memref<10240x144xf32, #tpu.memory_space<hbm>>) target(%arg10 : memref<64x144xf32, #tpu.memory_space<vmem>>) offsets(%dma_start3A_373 : memref<64xi32, #tpu.memory_space<vmem>>) semaphore(%arg12 : memref<!tpu.dma_semaphore, #tpu.memory_space<semaphore_mem>>)
      } else {
      }
      %run_scoped3A_221 = arith.constant 7 : i32
      "tpu.region"() ({
        %run_scoped3A_370 = tpu.sem_alloc : memref<!tpu.dma_semaphore, #tpu.memory_space<semaphore_mem>>
        %dma_start3A_371 = arith.constant 0 : i32
        %dma_start3A_372 = tpu.memref_slice %arg7[%run_scoped3A_221, %dma_start3A_371] : memref<8x64xi32, #tpu.memory_space<vmem>> -> memref<1x64xi32, #tpu.memory_space<vmem>>
        %dma_start3A_373 = tpu.memref_squeeze %dma_start3A_372 : memref<1x64xi32, #tpu.memory_space<vmem>> -> memref<64xi32, #tpu.memory_space<vmem>>
        %dma_start3A_374 = arith.constant 0 : i32
        %dma_start3A_375 = arith.constant 0 : i32
        %dma_start3A_376 = tpu.memref_slice %arg14[%dma_start3A_374, %dma_start3A_375] : memref<10240x144xf32, #tpu.memory_space<vmem_shared>> -> memref<10240x144xf32, #tpu.memory_space<vmem_shared>>
        tpu.enqueue_indirect_dma source(%arg11 : memref<64x144xf32, #tpu.memory_space<vmem>>) target(%dma_start3A_376 : memref<10240x144xf32, #tpu.memory_space<vmem_shared>>) offsets(%dma_start3A_373 : memref<64xi32, #tpu.memory_space<vmem>>) semaphore(%run_scoped3A_370 : memref<!tpu.dma_semaphore, #tpu.memory_space<semaphore_mem>>) {add = true}
        %dma_wait3A_377 = arith.constant 0 : i32
        %dma_wait3A_378 = tpu.memref_slice %arg7[%run_scoped3A_221, %dma_wait3A_377] : memref<8x64xi32, #tpu.memory_space<vmem>> -> memref<1x64xi32, #tpu.memory_space<vmem>>
        %dma_wait3A_379 = tpu.memref_squeeze %dma_wait3A_378 : memref<1x64xi32, #tpu.memory_space<vmem>> -> memref<64xi32, #tpu.memory_space<vmem>>
        %dma_wait3A_380 = arith.constant 0 : i32
        %dma_wait3A_381 = arith.constant 0 : i32
        %dma_wait3A_382 = tpu.memref_slice %arg14[%dma_wait3A_380, %dma_wait3A_381] : memref<10240x144xf32, #tpu.memory_space<vmem_shared>> -> memref<10240x144xf32, #tpu.memory_space<vmem_shared>>
        tpu.wait_indirect_dma semaphore(%run_scoped3A_370 : memref<!tpu.dma_semaphore, #tpu.memory_space<semaphore_mem>>) src(%arg11 : memref<64x144xf32, #tpu.memory_space<vmem>>) dst(%dma_wait3A_382 : memref<10240x144xf32, #tpu.memory_space<vmem_shared>>)
        tpu.yield
      }) : () -> ()
      %add3A_222 = arith.constant 2 : i32
      %add3A_223 = arith.addi %add3A_104, %add3A_222 : i32
      %lt3A_224 = arith.cmpi slt, %add3A_223, %select_n3A_9 : i32
      %convert_element_type3A_225 = arith.extui %lt3A_224 : i1 to i32
      %cond3A_226 = arith.constant 0 : i32
      %cond3A_227 = arith.cmpi ne, %convert_element_type3A_225, %cond3A_226 : i32
      scf.if %cond3A_227 {
        %add3A_370 = arith.constant 2 : i32
        %add3A_371 = arith.addi %add3A_104, %add3A_370 : i32
        %mul3A_372 = arith.constant 8 : i32
        %mul3A_373 = arith.muli %add3A_371, %mul3A_372 : i32
        %add3A_374 = arith.addi %select_n3A, %mul3A_373 : i32
        %dma_start3A_375 = arith.constant 0 : i32
        %dma_start3A_376 = tpu.memref_slice %arg3[%add3A_374, %dma_start3A_375] : memref<5120x64xi32, #tpu.memory_space<hbm>> -> memref<8x64xi32, #tpu.memory_space<hbm>>
        %dma_start3A_377 = arith.constant 0 : i32
        %dma_start3A_378 = tpu.memref_slice %arg3[%add3A_374, %dma_start3A_377] : memref<5120x64xi32, #tpu.memory_space<hbm>> -> memref<8x64xi32, #tpu.memory_space<hbm>>
        tpu.enqueue_dma source(%dma_start3A_378 : memref<8x64xi32, #tpu.memory_space<hbm>>) target(%arg6 : memref<8x64xi32, #tpu.memory_space<vmem>>) target_semaphore(%arg13 : memref<!tpu.dma_semaphore, #tpu.memory_space<semaphore_mem>>)
        %mul3A_379 = arith.constant 8 : i32
        %mul3A_380 = arith.muli %add3A_371, %mul3A_379 : i32
        %add3A_381 = arith.addi %select_n3A, %mul3A_380 : i32
        %dma_start3A_382 = arith.constant 0 : i32
        %dma_start3A_383 = tpu.memref_slice %arg4[%add3A_381, %dma_start3A_382] : memref<5120x64xi32, #tpu.memory_space<hbm>> -> memref<8x64xi32, #tpu.memory_space<hbm>>
        %dma_start3A_384 = arith.constant 0 : i32
        %dma_start3A_385 = tpu.memref_slice %arg4[%add3A_381, %dma_start3A_384] : memref<5120x64xi32, #tpu.memory_space<hbm>> -> memref<8x64xi32, #tpu.memory_space<hbm>>
        tpu.enqueue_dma source(%dma_start3A_385 : memref<8x64xi32, #tpu.memory_space<hbm>>) target(%arg7 : memref<8x64xi32, #tpu.memory_space<vmem>>) target_semaphore(%arg13 : memref<!tpu.dma_semaphore, #tpu.memory_space<semaphore_mem>>)
      } else {
      }
      %add3A_228 = arith.constant 1 : i32
      %add3A_229 = arith.addi %add3A_104, %add3A_228 : i32
      %lt3A_230 = arith.cmpi slt, %add3A_229, %select_n3A_9 : i32
      %convert_element_type3A_231 = arith.extui %lt3A_230 : i1 to i32
      %cond3A_232 = arith.constant 0 : i32
      %cond3A_233 = arith.cmpi ne, %convert_element_type3A_231, %cond3A_232 : i32
      scf.if %cond3A_233 {
        %add3A_370 = arith.constant 1 : i32
        %add3A_371 = arith.addi %add3A_104, %add3A_370 : i32
        %mul3A_372 = arith.constant 8 : i32
        %mul3A_373 = arith.muli %add3A_371, %mul3A_372 : i32
        %add3A_374 = arith.addi %select_n3A, %mul3A_373 : i32
        %dma_wait3A_375 = arith.constant 0 : i32
        %dma_wait3A_376 = tpu.memref_slice %arg3[%add3A_374, %dma_wait3A_375] : memref<5120x64xi32, #tpu.memory_space<hbm>> -> memref<8x64xi32, #tpu.memory_space<hbm>>
        %dma_wait3A_377 = arith.constant 0 : i32
        %dma_wait3A_378 = tpu.memref_slice %arg3[%add3A_374, %dma_wait3A_377] : memref<5120x64xi32, #tpu.memory_space<hbm>> -> memref<8x64xi32, #tpu.memory_space<hbm>>
        tpu.wait_dma2 semaphore(%arg13 : memref<!tpu.dma_semaphore, #tpu.memory_space<semaphore_mem>>) src(%dma_wait3A_378 : memref<8x64xi32, #tpu.memory_space<hbm>>) dst(%arg8 : memref<8x64xi32, #tpu.memory_space<vmem>>)
        %mul3A_379 = arith.constant 8 : i32
        %mul3A_380 = arith.muli %add3A_371, %mul3A_379 : i32
        %add3A_381 = arith.addi %select_n3A, %mul3A_380 : i32
        %dma_wait3A_382 = arith.constant 0 : i32
        %dma_wait3A_383 = tpu.memref_slice %arg4[%add3A_381, %dma_wait3A_382] : memref<5120x64xi32, #tpu.memory_space<hbm>> -> memref<8x64xi32, #tpu.memory_space<hbm>>
        %dma_wait3A_384 = arith.constant 0 : i32
        %dma_wait3A_385 = tpu.memref_slice %arg4[%add3A_381, %dma_wait3A_384] : memref<5120x64xi32, #tpu.memory_space<hbm>> -> memref<8x64xi32, #tpu.memory_space<hbm>>
        tpu.wait_dma2 semaphore(%arg13 : memref<!tpu.dma_semaphore, #tpu.memory_space<semaphore_mem>>) src(%dma_wait3A_385 : memref<8x64xi32, #tpu.memory_space<hbm>>) dst(%arg9 : memref<8x64xi32, #tpu.memory_space<vmem>>)
      } else {
      }
      %mul3A_234 = arith.constant 2 : i32
      %mul3A_235 = arith.muli %mul3A_234, %while3A_99 : i32
      %add3A_236 = arith.constant 1 : i32
      %add3A_237 = arith.addi %mul3A_235, %add3A_236 : i32
      %dma_wait3A_238 = arith.constant 0 : i32
      %dma_wait3A_239 = arith.constant 0 : i32
      %dma_wait3A_240 = tpu.memref_slice %arg8[%dma_wait3A_238, %dma_wait3A_239] : memref<8x64xi32, #tpu.memory_space<vmem>> -> memref<1x64xi32, #tpu.memory_space<vmem>>
      %dma_wait3A_241 = tpu.memref_squeeze %dma_wait3A_240 : memref<1x64xi32, #tpu.memory_space<vmem>> -> memref<64xi32, #tpu.memory_space<vmem>>
      %dma_wait3A_242 = arith.constant 0 : i32
      %dma_wait3A_243 = arith.constant 0 : i32
      %dma_wait3A_244 = tpu.memref_slice %arg2[%dma_wait3A_242, %dma_wait3A_243] : memref<10240x144xf32, #tpu.memory_space<hbm>> -> memref<10240x144xf32, #tpu.memory_space<hbm>>
      tpu.wait_indirect_dma semaphore(%arg12 : memref<!tpu.dma_semaphore, #tpu.memory_space<semaphore_mem>>) src(%dma_wait3A_244 : memref<10240x144xf32, #tpu.memory_space<hbm>>) dst(%arg10 : memref<64x144xf32, #tpu.memory_space<vmem>>)
      %dma_start3A_245 = arith.constant 1 : i32
      %dma_start3A_246 = arith.constant 0 : i32
      %dma_start3A_247 = tpu.memref_slice %arg8[%dma_start3A_245, %dma_start3A_246] : memref<8x64xi32, #tpu.memory_space<vmem>> -> memref<1x64xi32, #tpu.memory_space<vmem>>
      %dma_start3A_248 = tpu.memref_squeeze %dma_start3A_247 : memref<1x64xi32, #tpu.memory_space<vmem>> -> memref<64xi32, #tpu.memory_space<vmem>>
      %dma_start3A_249 = arith.constant 0 : i32
      %dma_start3A_250 = arith.constant 0 : i32
      %dma_start3A_251 = tpu.memref_slice %arg2[%dma_start3A_249, %dma_start3A_250] : memref<10240x144xf32, #tpu.memory_space<hbm>> -> memref<10240x144xf32, #tpu.memory_space<hbm>>
      tpu.enqueue_indirect_dma source(%dma_start3A_251 : memref<10240x144xf32, #tpu.memory_space<hbm>>) target(%arg11 : memref<64x144xf32, #tpu.memory_space<vmem>>) offsets(%dma_start3A_248 : memref<64xi32, #tpu.memory_space<vmem>>) semaphore(%arg12 : memref<!tpu.dma_semaphore, #tpu.memory_space<semaphore_mem>>)
      %run_scoped3A_252 = arith.constant 0 : i32
      "tpu.region"() ({
        %run_scoped3A_370 = tpu.sem_alloc : memref<!tpu.dma_semaphore, #tpu.memory_space<semaphore_mem>>
        %dma_start3A_371 = arith.constant 0 : i32
        %dma_start3A_372 = tpu.memref_slice %arg9[%run_scoped3A_252, %dma_start3A_371] : memref<8x64xi32, #tpu.memory_space<vmem>> -> memref<1x64xi32, #tpu.memory_space<vmem>>
        %dma_start3A_373 = tpu.memref_squeeze %dma_start3A_372 : memref<1x64xi32, #tpu.memory_space<vmem>> -> memref<64xi32, #tpu.memory_space<vmem>>
        %dma_start3A_374 = arith.constant 0 : i32
        %dma_start3A_375 = arith.constant 0 : i32
        %dma_start3A_376 = tpu.memref_slice %arg14[%dma_start3A_374, %dma_start3A_375] : memref<10240x144xf32, #tpu.memory_space<vmem_shared>> -> memref<10240x144xf32, #tpu.memory_space<vmem_shared>>
        tpu.enqueue_indirect_dma source(%arg10 : memref<64x144xf32, #tpu.memory_space<vmem>>) target(%dma_start3A_376 : memref<10240x144xf32, #tpu.memory_space<vmem_shared>>) offsets(%dma_start3A_373 : memref<64xi32, #tpu.memory_space<vmem>>) semaphore(%run_scoped3A_370 : memref<!tpu.dma_semaphore, #tpu.memory_space<semaphore_mem>>) {add = true}
        %dma_wait3A_377 = arith.constant 0 : i32
        %dma_wait3A_378 = tpu.memref_slice %arg9[%run_scoped3A_252, %dma_wait3A_377] : memref<8x64xi32, #tpu.memory_space<vmem>> -> memref<1x64xi32, #tpu.memory_space<vmem>>
        %dma_wait3A_379 = tpu.memref_squeeze %dma_wait3A_378 : memref<1x64xi32, #tpu.memory_space<vmem>> -> memref<64xi32, #tpu.memory_space<vmem>>
        %dma_wait3A_380 = arith.constant 0 : i32
        %dma_wait3A_381 = arith.constant 0 : i32
        %dma_wait3A_382 = tpu.memref_slice %arg14[%dma_wait3A_380, %dma_wait3A_381] : memref<10240x144xf32, #tpu.memory_space<vmem_shared>> -> memref<10240x144xf32, #tpu.memory_space<vmem_shared>>
        tpu.wait_indirect_dma semaphore(%run_scoped3A_370 : memref<!tpu.dma_semaphore, #tpu.memory_space<semaphore_mem>>) src(%arg10 : memref<64x144xf32, #tpu.memory_space<vmem>>) dst(%dma_wait3A_382 : memref<10240x144xf32, #tpu.memory_space<vmem_shared>>)
        tpu.yield
      }) : () -> ()
      %dma_wait3A_253 = arith.constant 1 : i32
      %dma_wait3A_254 = arith.constant 0 : i32
      %dma_wait3A_255 = tpu.memref_slice %arg8[%dma_wait3A_253, %dma_wait3A_254] : memref<8x64xi32, #tpu.memory_space<vmem>> -> memref<1x64xi32, #tpu.memory_space<vmem>>
      %dma_wait3A_256 = tpu.memref_squeeze %dma_wait3A_255 : memref<1x64xi32, #tpu.memory_space<vmem>> -> memref<64xi32, #tpu.memory_space<vmem>>
      %dma_wait3A_257 = arith.constant 0 : i32
      %dma_wait3A_258 = arith.constant 0 : i32
      %dma_wait3A_259 = tpu.memref_slice %arg2[%dma_wait3A_257, %dma_wait3A_258] : memref<10240x144xf32, #tpu.memory_space<hbm>> -> memref<10240x144xf32, #tpu.memory_space<hbm>>
      tpu.wait_indirect_dma semaphore(%arg12 : memref<!tpu.dma_semaphore, #tpu.memory_space<semaphore_mem>>) src(%dma_wait3A_259 : memref<10240x144xf32, #tpu.memory_space<hbm>>) dst(%arg11 : memref<64x144xf32, #tpu.memory_space<vmem>>)
      %dma_start3A_260 = arith.constant 2 : i32
      %dma_start3A_261 = arith.constant 0 : i32
      %dma_start3A_262 = tpu.memref_slice %arg8[%dma_start3A_260, %dma_start3A_261] : memref<8x64xi32, #tpu.memory_space<vmem>> -> memref<1x64xi32, #tpu.memory_space<vmem>>
      %dma_start3A_263 = tpu.memref_squeeze %dma_start3A_262 : memref<1x64xi32, #tpu.memory_space<vmem>> -> memref<64xi32, #tpu.memory_space<vmem>>
      %dma_start3A_264 = arith.constant 0 : i32
      %dma_start3A_265 = arith.constant 0 : i32
      %dma_start3A_266 = tpu.memref_slice %arg2[%dma_start3A_264, %dma_start3A_265] : memref<10240x144xf32, #tpu.memory_space<hbm>> -> memref<10240x144xf32, #tpu.memory_space<hbm>>
      tpu.enqueue_indirect_dma source(%dma_start3A_266 : memref<10240x144xf32, #tpu.memory_space<hbm>>) target(%arg10 : memref<64x144xf32, #tpu.memory_space<vmem>>) offsets(%dma_start3A_263 : memref<64xi32, #tpu.memory_space<vmem>>) semaphore(%arg12 : memref<!tpu.dma_semaphore, #tpu.memory_space<semaphore_mem>>)
      %run_scoped3A_267 = arith.constant 1 : i32
      "tpu.region"() ({
        %run_scoped3A_370 = tpu.sem_alloc : memref<!tpu.dma_semaphore, #tpu.memory_space<semaphore_mem>>
        %dma_start3A_371 = arith.constant 0 : i32
        %dma_start3A_372 = tpu.memref_slice %arg9[%run_scoped3A_267, %dma_start3A_371] : memref<8x64xi32, #tpu.memory_space<vmem>> -> memref<1x64xi32, #tpu.memory_space<vmem>>
        %dma_start3A_373 = tpu.memref_squeeze %dma_start3A_372 : memref<1x64xi32, #tpu.memory_space<vmem>> -> memref<64xi32, #tpu.memory_space<vmem>>
        %dma_start3A_374 = arith.constant 0 : i32
        %dma_start3A_375 = arith.constant 0 : i32
        %dma_start3A_376 = tpu.memref_slice %arg14[%dma_start3A_374, %dma_start3A_375] : memref<10240x144xf32, #tpu.memory_space<vmem_shared>> -> memref<10240x144xf32, #tpu.memory_space<vmem_shared>>
        tpu.enqueue_indirect_dma source(%arg11 : memref<64x144xf32, #tpu.memory_space<vmem>>) target(%dma_start3A_376 : memref<10240x144xf32, #tpu.memory_space<vmem_shared>>) offsets(%dma_start3A_373 : memref<64xi32, #tpu.memory_space<vmem>>) semaphore(%run_scoped3A_370 : memref<!tpu.dma_semaphore, #tpu.memory_space<semaphore_mem>>) {add = true}
        %dma_wait3A_377 = arith.constant 0 : i32
        %dma_wait3A_378 = tpu.memref_slice %arg9[%run_scoped3A_267, %dma_wait3A_377] : memref<8x64xi32, #tpu.memory_space<vmem>> -> memref<1x64xi32, #tpu.memory_space<vmem>>
        %dma_wait3A_379 = tpu.memref_squeeze %dma_wait3A_378 : memref<1x64xi32, #tpu.memory_space<vmem>> -> memref<64xi32, #tpu.memory_space<vmem>>
        %dma_wait3A_380 = arith.constant 0 : i32
        %dma_wait3A_381 = arith.constant 0 : i32
        %dma_wait3A_382 = tpu.memref_slice %arg14[%dma_wait3A_380, %dma_wait3A_381] : memref<10240x144xf32, #tpu.memory_space<vmem_shared>> -> memref<10240x144xf32, #tpu.memory_space<vmem_shared>>
        tpu.wait_indirect_dma semaphore(%run_scoped3A_370 : memref<!tpu.dma_semaphore, #tpu.memory_space<semaphore_mem>>) src(%arg11 : memref<64x144xf32, #tpu.memory_space<vmem>>) dst(%dma_wait3A_382 : memref<10240x144xf32, #tpu.memory_space<vmem_shared>>)
        tpu.yield
      }) : () -> ()
      %dma_wait3A_268 = arith.constant 2 : i32
      %dma_wait3A_269 = arith.constant 0 : i32
      %dma_wait3A_270 = tpu.memref_slice %arg8[%dma_wait3A_268, %dma_wait3A_269] : memref<8x64xi32, #tpu.memory_space<vmem>> -> memref<1x64xi32, #tpu.memory_space<vmem>>
      %dma_wait3A_271 = tpu.memref_squeeze %dma_wait3A_270 : memref<1x64xi32, #tpu.memory_space<vmem>> -> memref<64xi32, #tpu.memory_space<vmem>>
      %dma_wait3A_272 = arith.constant 0 : i32
      %dma_wait3A_273 = arith.constant 0 : i32
      %dma_wait3A_274 = tpu.memref_slice %arg2[%dma_wait3A_272, %dma_wait3A_273] : memref<10240x144xf32, #tpu.memory_space<hbm>> -> memref<10240x144xf32, #tpu.memory_space<hbm>>
      tpu.wait_indirect_dma semaphore(%arg12 : memref<!tpu.dma_semaphore, #tpu.memory_space<semaphore_mem>>) src(%dma_wait3A_274 : memref<10240x144xf32, #tpu.memory_space<hbm>>) dst(%arg10 : memref<64x144xf32, #tpu.memory_space<vmem>>)
      %dma_start3A_275 = arith.constant 3 : i32
      %dma_start3A_276 = arith.constant 0 : i32
      %dma_start3A_277 = tpu.memref_slice %arg8[%dma_start3A_275, %dma_start3A_276] : memref<8x64xi32, #tpu.memory_space<vmem>> -> memref<1x64xi32, #tpu.memory_space<vmem>>
      %dma_start3A_278 = tpu.memref_squeeze %dma_start3A_277 : memref<1x64xi32, #tpu.memory_space<vmem>> -> memref<64xi32, #tpu.memory_space<vmem>>
      %dma_start3A_279 = arith.constant 0 : i32
      %dma_start3A_280 = arith.constant 0 : i32
      %dma_start3A_281 = tpu.memref_slice %arg2[%dma_start3A_279, %dma_start3A_280] : memref<10240x144xf32, #tpu.memory_space<hbm>> -> memref<10240x144xf32, #tpu.memory_space<hbm>>
      tpu.enqueue_indirect_dma source(%dma_start3A_281 : memref<10240x144xf32, #tpu.memory_space<hbm>>) target(%arg11 : memref<64x144xf32, #tpu.memory_space<vmem>>) offsets(%dma_start3A_278 : memref<64xi32, #tpu.memory_space<vmem>>) semaphore(%arg12 : memref<!tpu.dma_semaphore, #tpu.memory_space<semaphore_mem>>)
      %run_scoped3A_282 = arith.constant 2 : i32
      "tpu.region"() ({
        %run_scoped3A_370 = tpu.sem_alloc : memref<!tpu.dma_semaphore, #tpu.memory_space<semaphore_mem>>
        %dma_start3A_371 = arith.constant 0 : i32
        %dma_start3A_372 = tpu.memref_slice %arg9[%run_scoped3A_282, %dma_start3A_371] : memref<8x64xi32, #tpu.memory_space<vmem>> -> memref<1x64xi32, #tpu.memory_space<vmem>>
        %dma_start3A_373 = tpu.memref_squeeze %dma_start3A_372 : memref<1x64xi32, #tpu.memory_space<vmem>> -> memref<64xi32, #tpu.memory_space<vmem>>
        %dma_start3A_374 = arith.constant 0 : i32
        %dma_start3A_375 = arith.constant 0 : i32
        %dma_start3A_376 = tpu.memref_slice %arg14[%dma_start3A_374, %dma_start3A_375] : memref<10240x144xf32, #tpu.memory_space<vmem_shared>> -> memref<10240x144xf32, #tpu.memory_space<vmem_shared>>
        tpu.enqueue_indirect_dma source(%arg10 : memref<64x144xf32, #tpu.memory_space<vmem>>) target(%dma_start3A_376 : memref<10240x144xf32, #tpu.memory_space<vmem_shared>>) offsets(%dma_start3A_373 : memref<64xi32, #tpu.memory_space<vmem>>) semaphore(%run_scoped3A_370 : memref<!tpu.dma_semaphore, #tpu.memory_space<semaphore_mem>>) {add = true}
        %dma_wait3A_377 = arith.constant 0 : i32
        %dma_wait3A_378 = tpu.memref_slice %arg9[%run_scoped3A_282, %dma_wait3A_377] : memref<8x64xi32, #tpu.memory_space<vmem>> -> memref<1x64xi32, #tpu.memory_space<vmem>>
        %dma_wait3A_379 = tpu.memref_squeeze %dma_wait3A_378 : memref<1x64xi32, #tpu.memory_space<vmem>> -> memref<64xi32, #tpu.memory_space<vmem>>
        %dma_wait3A_380 = arith.constant 0 : i32
        %dma_wait3A_381 = arith.constant 0 : i32
        %dma_wait3A_382 = tpu.memref_slice %arg14[%dma_wait3A_380, %dma_wait3A_381] : memref<10240x144xf32, #tpu.memory_space<vmem_shared>> -> memref<10240x144xf32, #tpu.memory_space<vmem_shared>>
        tpu.wait_indirect_dma semaphore(%run_scoped3A_370 : memref<!tpu.dma_semaphore, #tpu.memory_space<semaphore_mem>>) src(%arg10 : memref<64x144xf32, #tpu.memory_space<vmem>>) dst(%dma_wait3A_382 : memref<10240x144xf32, #tpu.memory_space<vmem_shared>>)
        tpu.yield
      }) : () -> ()
      %dma_wait3A_283 = arith.constant 3 : i32
      %dma_wait3A_284 = arith.constant 0 : i32
      %dma_wait3A_285 = tpu.memref_slice %arg8[%dma_wait3A_283, %dma_wait3A_284] : memref<8x64xi32, #tpu.memory_space<vmem>> -> memref<1x64xi32, #tpu.memory_space<vmem>>
      %dma_wait3A_286 = tpu.memref_squeeze %dma_wait3A_285 : memref<1x64xi32, #tpu.memory_space<vmem>> -> memref<64xi32, #tpu.memory_space<vmem>>
      %dma_wait3A_287 = arith.constant 0 : i32
      %dma_wait3A_288 = arith.constant 0 : i32
      %dma_wait3A_289 = tpu.memref_slice %arg2[%dma_wait3A_287, %dma_wait3A_288] : memref<10240x144xf32, #tpu.memory_space<hbm>> -> memref<10240x144xf32, #tpu.memory_space<hbm>>
      tpu.wait_indirect_dma semaphore(%arg12 : memref<!tpu.dma_semaphore, #tpu.memory_space<semaphore_mem>>) src(%dma_wait3A_289 : memref<10240x144xf32, #tpu.memory_space<hbm>>) dst(%arg11 : memref<64x144xf32, #tpu.memory_space<vmem>>)
      %dma_start3A_290 = arith.constant 4 : i32
      %dma_start3A_291 = arith.constant 0 : i32
      %dma_start3A_292 = tpu.memref_slice %arg8[%dma_start3A_290, %dma_start3A_291] : memref<8x64xi32, #tpu.memory_space<vmem>> -> memref<1x64xi32, #tpu.memory_space<vmem>>
      %dma_start3A_293 = tpu.memref_squeeze %dma_start3A_292 : memref<1x64xi32, #tpu.memory_space<vmem>> -> memref<64xi32, #tpu.memory_space<vmem>>
      %dma_start3A_294 = arith.constant 0 : i32
      %dma_start3A_295 = arith.constant 0 : i32
      %dma_start3A_296 = tpu.memref_slice %arg2[%dma_start3A_294, %dma_start3A_295] : memref<10240x144xf32, #tpu.memory_space<hbm>> -> memref<10240x144xf32, #tpu.memory_space<hbm>>
      tpu.enqueue_indirect_dma source(%dma_start3A_296 : memref<10240x144xf32, #tpu.memory_space<hbm>>) target(%arg10 : memref<64x144xf32, #tpu.memory_space<vmem>>) offsets(%dma_start3A_293 : memref<64xi32, #tpu.memory_space<vmem>>) semaphore(%arg12 : memref<!tpu.dma_semaphore, #tpu.memory_space<semaphore_mem>>)
      %run_scoped3A_297 = arith.constant 3 : i32
      "tpu.region"() ({
        %run_scoped3A_370 = tpu.sem_alloc : memref<!tpu.dma_semaphore, #tpu.memory_space<semaphore_mem>>
        %dma_start3A_371 = arith.constant 0 : i32
        %dma_start3A_372 = tpu.memref_slice %arg9[%run_scoped3A_297, %dma_start3A_371] : memref<8x64xi32, #tpu.memory_space<vmem>> -> memref<1x64xi32, #tpu.memory_space<vmem>>
        %dma_start3A_373 = tpu.memref_squeeze %dma_start3A_372 : memref<1x64xi32, #tpu.memory_space<vmem>> -> memref<64xi32, #tpu.memory_space<vmem>>
        %dma_start3A_374 = arith.constant 0 : i32
        %dma_start3A_375 = arith.constant 0 : i32
        %dma_start3A_376 = tpu.memref_slice %arg14[%dma_start3A_374, %dma_start3A_375] : memref<10240x144xf32, #tpu.memory_space<vmem_shared>> -> memref<10240x144xf32, #tpu.memory_space<vmem_shared>>
        tpu.enqueue_indirect_dma source(%arg11 : memref<64x144xf32, #tpu.memory_space<vmem>>) target(%dma_start3A_376 : memref<10240x144xf32, #tpu.memory_space<vmem_shared>>) offsets(%dma_start3A_373 : memref<64xi32, #tpu.memory_space<vmem>>) semaphore(%run_scoped3A_370 : memref<!tpu.dma_semaphore, #tpu.memory_space<semaphore_mem>>) {add = true}
        %dma_wait3A_377 = arith.constant 0 : i32
        %dma_wait3A_378 = tpu.memref_slice %arg9[%run_scoped3A_297, %dma_wait3A_377] : memref<8x64xi32, #tpu.memory_space<vmem>> -> memref<1x64xi32, #tpu.memory_space<vmem>>
        %dma_wait3A_379 = tpu.memref_squeeze %dma_wait3A_378 : memref<1x64xi32, #tpu.memory_space<vmem>> -> memref<64xi32, #tpu.memory_space<vmem>>
        %dma_wait3A_380 = arith.constant 0 : i32
        %dma_wait3A_381 = arith.constant 0 : i32
        %dma_wait3A_382 = tpu.memref_slice %arg14[%dma_wait3A_380, %dma_wait3A_381] : memref<10240x144xf32, #tpu.memory_space<vmem_shared>> -> memref<10240x144xf32, #tpu.memory_space<vmem_shared>>
        tpu.wait_indirect_dma semaphore(%run_scoped3A_370 : memref<!tpu.dma_semaphore, #tpu.memory_space<semaphore_mem>>) src(%arg11 : memref<64x144xf32, #tpu.memory_space<vmem>>) dst(%dma_wait3A_382 : memref<10240x144xf32, #tpu.memory_space<vmem_shared>>)
        tpu.yield
      }) : () -> ()
      %dma_wait3A_298 = arith.constant 4 : i32
      %dma_wait3A_299 = arith.constant 0 : i32
      %dma_wait3A_300 = tpu.memref_slice %arg8[%dma_wait3A_298, %dma_wait3A_299] : memref<8x64xi32, #tpu.memory_space<vmem>> -> memref<1x64xi32, #tpu.memory_space<vmem>>
      %dma_wait3A_301 = tpu.memref_squeeze %dma_wait3A_300 : memref<1x64xi32, #tpu.memory_space<vmem>> -> memref<64xi32, #tpu.memory_space<vmem>>
      %dma_wait3A_302 = arith.constant 0 : i32
      %dma_wait3A_303 = arith.constant 0 : i32
      %dma_wait3A_304 = tpu.memref_slice %arg2[%dma_wait3A_302, %dma_wait3A_303] : memref<10240x144xf32, #tpu.memory_space<hbm>> -> memref<10240x144xf32, #tpu.memory_space<hbm>>
      tpu.wait_indirect_dma semaphore(%arg12 : memref<!tpu.dma_semaphore, #tpu.memory_space<semaphore_mem>>) src(%dma_wait3A_304 : memref<10240x144xf32, #tpu.memory_space<hbm>>) dst(%arg10 : memref<64x144xf32, #tpu.memory_space<vmem>>)
      %dma_start3A_305 = arith.constant 5 : i32
      %dma_start3A_306 = arith.constant 0 : i32
      %dma_start3A_307 = tpu.memref_slice %arg8[%dma_start3A_305, %dma_start3A_306] : memref<8x64xi32, #tpu.memory_space<vmem>> -> memref<1x64xi32, #tpu.memory_space<vmem>>
      %dma_start3A_308 = tpu.memref_squeeze %dma_start3A_307 : memref<1x64xi32, #tpu.memory_space<vmem>> -> memref<64xi32, #tpu.memory_space<vmem>>
      %dma_start3A_309 = arith.constant 0 : i32
      %dma_start3A_310 = arith.constant 0 : i32
      %dma_start3A_311 = tpu.memref_slice %arg2[%dma_start3A_309, %dma_start3A_310] : memref<10240x144xf32, #tpu.memory_space<hbm>> -> memref<10240x144xf32, #tpu.memory_space<hbm>>
      tpu.enqueue_indirect_dma source(%dma_start3A_311 : memref<10240x144xf32, #tpu.memory_space<hbm>>) target(%arg11 : memref<64x144xf32, #tpu.memory_space<vmem>>) offsets(%dma_start3A_308 : memref<64xi32, #tpu.memory_space<vmem>>) semaphore(%arg12 : memref<!tpu.dma_semaphore, #tpu.memory_space<semaphore_mem>>)
      %run_scoped3A_312 = arith.constant 4 : i32
      "tpu.region"() ({
        %run_scoped3A_370 = tpu.sem_alloc : memref<!tpu.dma_semaphore, #tpu.memory_space<semaphore_mem>>
        %dma_start3A_371 = arith.constant 0 : i32
        %dma_start3A_372 = tpu.memref_slice %arg9[%run_scoped3A_312, %dma_start3A_371] : memref<8x64xi32, #tpu.memory_space<vmem>> -> memref<1x64xi32, #tpu.memory_space<vmem>>
        %dma_start3A_373 = tpu.memref_squeeze %dma_start3A_372 : memref<1x64xi32, #tpu.memory_space<vmem>> -> memref<64xi32, #tpu.memory_space<vmem>>
        %dma_start3A_374 = arith.constant 0 : i32
        %dma_start3A_375 = arith.constant 0 : i32
        %dma_start3A_376 = tpu.memref_slice %arg14[%dma_start3A_374, %dma_start3A_375] : memref<10240x144xf32, #tpu.memory_space<vmem_shared>> -> memref<10240x144xf32, #tpu.memory_space<vmem_shared>>
        tpu.enqueue_indirect_dma source(%arg10 : memref<64x144xf32, #tpu.memory_space<vmem>>) target(%dma_start3A_376 : memref<10240x144xf32, #tpu.memory_space<vmem_shared>>) offsets(%dma_start3A_373 : memref<64xi32, #tpu.memory_space<vmem>>) semaphore(%run_scoped3A_370 : memref<!tpu.dma_semaphore, #tpu.memory_space<semaphore_mem>>) {add = true}
        %dma_wait3A_377 = arith.constant 0 : i32
        %dma_wait3A_378 = tpu.memref_slice %arg9[%run_scoped3A_312, %dma_wait3A_377] : memref<8x64xi32, #tpu.memory_space<vmem>> -> memref<1x64xi32, #tpu.memory_space<vmem>>
        %dma_wait3A_379 = tpu.memref_squeeze %dma_wait3A_378 : memref<1x64xi32, #tpu.memory_space<vmem>> -> memref<64xi32, #tpu.memory_space<vmem>>
        %dma_wait3A_380 = arith.constant 0 : i32
        %dma_wait3A_381 = arith.constant 0 : i32
        %dma_wait3A_382 = tpu.memref_slice %arg14[%dma_wait3A_380, %dma_wait3A_381] : memref<10240x144xf32, #tpu.memory_space<vmem_shared>> -> memref<10240x144xf32, #tpu.memory_space<vmem_shared>>
        tpu.wait_indirect_dma semaphore(%run_scoped3A_370 : memref<!tpu.dma_semaphore, #tpu.memory_space<semaphore_mem>>) src(%arg10 : memref<64x144xf32, #tpu.memory_space<vmem>>) dst(%dma_wait3A_382 : memref<10240x144xf32, #tpu.memory_space<vmem_shared>>)
        tpu.yield
      }) : () -> ()
      %dma_wait3A_313 = arith.constant 5 : i32
      %dma_wait3A_314 = arith.constant 0 : i32
      %dma_wait3A_315 = tpu.memref_slice %arg8[%dma_wait3A_313, %dma_wait3A_314] : memref<8x64xi32, #tpu.memory_space<vmem>> -> memref<1x64xi32, #tpu.memory_space<vmem>>
      %dma_wait3A_316 = tpu.memref_squeeze %dma_wait3A_315 : memref<1x64xi32, #tpu.memory_space<vmem>> -> memref<64xi32, #tpu.memory_space<vmem>>
      %dma_wait3A_317 = arith.constant 0 : i32
      %dma_wait3A_318 = arith.constant 0 : i32
      %dma_wait3A_319 = tpu.memref_slice %arg2[%dma_wait3A_317, %dma_wait3A_318] : memref<10240x144xf32, #tpu.memory_space<hbm>> -> memref<10240x144xf32, #tpu.memory_space<hbm>>
      tpu.wait_indirect_dma semaphore(%arg12 : memref<!tpu.dma_semaphore, #tpu.memory_space<semaphore_mem>>) src(%dma_wait3A_319 : memref<10240x144xf32, #tpu.memory_space<hbm>>) dst(%arg11 : memref<64x144xf32, #tpu.memory_space<vmem>>)
      %dma_start3A_320 = arith.constant 6 : i32
      %dma_start3A_321 = arith.constant 0 : i32
      %dma_start3A_322 = tpu.memref_slice %arg8[%dma_start3A_320, %dma_start3A_321] : memref<8x64xi32, #tpu.memory_space<vmem>> -> memref<1x64xi32, #tpu.memory_space<vmem>>
      %dma_start3A_323 = tpu.memref_squeeze %dma_start3A_322 : memref<1x64xi32, #tpu.memory_space<vmem>> -> memref<64xi32, #tpu.memory_space<vmem>>
      %dma_start3A_324 = arith.constant 0 : i32
      %dma_start3A_325 = arith.constant 0 : i32
      %dma_start3A_326 = tpu.memref_slice %arg2[%dma_start3A_324, %dma_start3A_325] : memref<10240x144xf32, #tpu.memory_space<hbm>> -> memref<10240x144xf32, #tpu.memory_space<hbm>>
      tpu.enqueue_indirect_dma source(%dma_start3A_326 : memref<10240x144xf32, #tpu.memory_space<hbm>>) target(%arg10 : memref<64x144xf32, #tpu.memory_space<vmem>>) offsets(%dma_start3A_323 : memref<64xi32, #tpu.memory_space<vmem>>) semaphore(%arg12 : memref<!tpu.dma_semaphore, #tpu.memory_space<semaphore_mem>>)
      %run_scoped3A_327 = arith.constant 5 : i32
      "tpu.region"() ({
        %run_scoped3A_370 = tpu.sem_alloc : memref<!tpu.dma_semaphore, #tpu.memory_space<semaphore_mem>>
        %dma_start3A_371 = arith.constant 0 : i32
        %dma_start3A_372 = tpu.memref_slice %arg9[%run_scoped3A_327, %dma_start3A_371] : memref<8x64xi32, #tpu.memory_space<vmem>> -> memref<1x64xi32, #tpu.memory_space<vmem>>
        %dma_start3A_373 = tpu.memref_squeeze %dma_start3A_372 : memref<1x64xi32, #tpu.memory_space<vmem>> -> memref<64xi32, #tpu.memory_space<vmem>>
        %dma_start3A_374 = arith.constant 0 : i32
        %dma_start3A_375 = arith.constant 0 : i32
        %dma_start3A_376 = tpu.memref_slice %arg14[%dma_start3A_374, %dma_start3A_375] : memref<10240x144xf32, #tpu.memory_space<vmem_shared>> -> memref<10240x144xf32, #tpu.memory_space<vmem_shared>>
        tpu.enqueue_indirect_dma source(%arg11 : memref<64x144xf32, #tpu.memory_space<vmem>>) target(%dma_start3A_376 : memref<10240x144xf32, #tpu.memory_space<vmem_shared>>) offsets(%dma_start3A_373 : memref<64xi32, #tpu.memory_space<vmem>>) semaphore(%run_scoped3A_370 : memref<!tpu.dma_semaphore, #tpu.memory_space<semaphore_mem>>) {add = true}
        %dma_wait3A_377 = arith.constant 0 : i32
        %dma_wait3A_378 = tpu.memref_slice %arg9[%run_scoped3A_327, %dma_wait3A_377] : memref<8x64xi32, #tpu.memory_space<vmem>> -> memref<1x64xi32, #tpu.memory_space<vmem>>
        %dma_wait3A_379 = tpu.memref_squeeze %dma_wait3A_378 : memref<1x64xi32, #tpu.memory_space<vmem>> -> memref<64xi32, #tpu.memory_space<vmem>>
        %dma_wait3A_380 = arith.constant 0 : i32
        %dma_wait3A_381 = arith.constant 0 : i32
        %dma_wait3A_382 = tpu.memref_slice %arg14[%dma_wait3A_380, %dma_wait3A_381] : memref<10240x144xf32, #tpu.memory_space<vmem_shared>> -> memref<10240x144xf32, #tpu.memory_space<vmem_shared>>
        tpu.wait_indirect_dma semaphore(%run_scoped3A_370 : memref<!tpu.dma_semaphore, #tpu.memory_space<semaphore_mem>>) src(%arg11 : memref<64x144xf32, #tpu.memory_space<vmem>>) dst(%dma_wait3A_382 : memref<10240x144xf32, #tpu.memory_space<vmem_shared>>)
        tpu.yield
      }) : () -> ()
      %dma_wait3A_328 = arith.constant 6 : i32
      %dma_wait3A_329 = arith.constant 0 : i32
      %dma_wait3A_330 = tpu.memref_slice %arg8[%dma_wait3A_328, %dma_wait3A_329] : memref<8x64xi32, #tpu.memory_space<vmem>> -> memref<1x64xi32, #tpu.memory_space<vmem>>
      %dma_wait3A_331 = tpu.memref_squeeze %dma_wait3A_330 : memref<1x64xi32, #tpu.memory_space<vmem>> -> memref<64xi32, #tpu.memory_space<vmem>>
      %dma_wait3A_332 = arith.constant 0 : i32
      %dma_wait3A_333 = arith.constant 0 : i32
      %dma_wait3A_334 = tpu.memref_slice %arg2[%dma_wait3A_332, %dma_wait3A_333] : memref<10240x144xf32, #tpu.memory_space<hbm>> -> memref<10240x144xf32, #tpu.memory_space<hbm>>
      tpu.wait_indirect_dma semaphore(%arg12 : memref<!tpu.dma_semaphore, #tpu.memory_space<semaphore_mem>>) src(%dma_wait3A_334 : memref<10240x144xf32, #tpu.memory_space<hbm>>) dst(%arg10 : memref<64x144xf32, #tpu.memory_space<vmem>>)
      %dma_start3A_335 = arith.constant 7 : i32
      %dma_start3A_336 = arith.constant 0 : i32
      %dma_start3A_337 = tpu.memref_slice %arg8[%dma_start3A_335, %dma_start3A_336] : memref<8x64xi32, #tpu.memory_space<vmem>> -> memref<1x64xi32, #tpu.memory_space<vmem>>
      %dma_start3A_338 = tpu.memref_squeeze %dma_start3A_337 : memref<1x64xi32, #tpu.memory_space<vmem>> -> memref<64xi32, #tpu.memory_space<vmem>>
      %dma_start3A_339 = arith.constant 0 : i32
      %dma_start3A_340 = arith.constant 0 : i32
      %dma_start3A_341 = tpu.memref_slice %arg2[%dma_start3A_339, %dma_start3A_340] : memref<10240x144xf32, #tpu.memory_space<hbm>> -> memref<10240x144xf32, #tpu.memory_space<hbm>>
      tpu.enqueue_indirect_dma source(%dma_start3A_341 : memref<10240x144xf32, #tpu.memory_space<hbm>>) target(%arg11 : memref<64x144xf32, #tpu.memory_space<vmem>>) offsets(%dma_start3A_338 : memref<64xi32, #tpu.memory_space<vmem>>) semaphore(%arg12 : memref<!tpu.dma_semaphore, #tpu.memory_space<semaphore_mem>>)
      %run_scoped3A_342 = arith.constant 6 : i32
      "tpu.region"() ({
        %run_scoped3A_370 = tpu.sem_alloc : memref<!tpu.dma_semaphore, #tpu.memory_space<semaphore_mem>>
        %dma_start3A_371 = arith.constant 0 : i32
        %dma_start3A_372 = tpu.memref_slice %arg9[%run_scoped3A_342, %dma_start3A_371] : memref<8x64xi32, #tpu.memory_space<vmem>> -> memref<1x64xi32, #tpu.memory_space<vmem>>
        %dma_start3A_373 = tpu.memref_squeeze %dma_start3A_372 : memref<1x64xi32, #tpu.memory_space<vmem>> -> memref<64xi32, #tpu.memory_space<vmem>>
        %dma_start3A_374 = arith.constant 0 : i32
        %dma_start3A_375 = arith.constant 0 : i32
        %dma_start3A_376 = tpu.memref_slice %arg14[%dma_start3A_374, %dma_start3A_375] : memref<10240x144xf32, #tpu.memory_space<vmem_shared>> -> memref<10240x144xf32, #tpu.memory_space<vmem_shared>>
        tpu.enqueue_indirect_dma source(%arg10 : memref<64x144xf32, #tpu.memory_space<vmem>>) target(%dma_start3A_376 : memref<10240x144xf32, #tpu.memory_space<vmem_shared>>) offsets(%dma_start3A_373 : memref<64xi32, #tpu.memory_space<vmem>>) semaphore(%run_scoped3A_370 : memref<!tpu.dma_semaphore, #tpu.memory_space<semaphore_mem>>) {add = true}
        %dma_wait3A_377 = arith.constant 0 : i32
        %dma_wait3A_378 = tpu.memref_slice %arg9[%run_scoped3A_342, %dma_wait3A_377] : memref<8x64xi32, #tpu.memory_space<vmem>> -> memref<1x64xi32, #tpu.memory_space<vmem>>
        %dma_wait3A_379 = tpu.memref_squeeze %dma_wait3A_378 : memref<1x64xi32, #tpu.memory_space<vmem>> -> memref<64xi32, #tpu.memory_space<vmem>>
        %dma_wait3A_380 = arith.constant 0 : i32
        %dma_wait3A_381 = arith.constant 0 : i32
        %dma_wait3A_382 = tpu.memref_slice %arg14[%dma_wait3A_380, %dma_wait3A_381] : memref<10240x144xf32, #tpu.memory_space<vmem_shared>> -> memref<10240x144xf32, #tpu.memory_space<vmem_shared>>
        tpu.wait_indirect_dma semaphore(%run_scoped3A_370 : memref<!tpu.dma_semaphore, #tpu.memory_space<semaphore_mem>>) src(%arg10 : memref<64x144xf32, #tpu.memory_space<vmem>>) dst(%dma_wait3A_382 : memref<10240x144xf32, #tpu.memory_space<vmem_shared>>)
        tpu.yield
      }) : () -> ()
      %dma_wait3A_343 = arith.constant 7 : i32
      %dma_wait3A_344 = arith.constant 0 : i32
      %dma_wait3A_345 = tpu.memref_slice %arg8[%dma_wait3A_343, %dma_wait3A_344] : memref<8x64xi32, #tpu.memory_space<vmem>> -> memref<1x64xi32, #tpu.memory_space<vmem>>
      %dma_wait3A_346 = tpu.memref_squeeze %dma_wait3A_345 : memref<1x64xi32, #tpu.memory_space<vmem>> -> memref<64xi32, #tpu.memory_space<vmem>>
      %dma_wait3A_347 = arith.constant 0 : i32
      %dma_wait3A_348 = arith.constant 0 : i32
      %dma_wait3A_349 = tpu.memref_slice %arg2[%dma_wait3A_347, %dma_wait3A_348] : memref<10240x144xf32, #tpu.memory_space<hbm>> -> memref<10240x144xf32, #tpu.memory_space<hbm>>
      tpu.wait_indirect_dma semaphore(%arg12 : memref<!tpu.dma_semaphore, #tpu.memory_space<semaphore_mem>>) src(%dma_wait3A_349 : memref<10240x144xf32, #tpu.memory_space<hbm>>) dst(%arg11 : memref<64x144xf32, #tpu.memory_space<vmem>>)
      %add3A_350 = arith.constant 1 : i32
      %add3A_351 = arith.addi %add3A_237, %add3A_350 : i32
      %lt3A_352 = arith.cmpi slt, %add3A_351, %select_n3A_9 : i32
      %convert_element_type3A_353 = arith.extui %lt3A_352 : i1 to i32
      %cond3A_354 = arith.constant 0 : i32
      %cond3A_355 = arith.cmpi ne, %convert_element_type3A_353, %cond3A_354 : i32
      scf.if %cond3A_355 {
        %dma_start3A_370 = arith.constant 0 : i32
        %dma_start3A_371 = arith.constant 0 : i32
        %dma_start3A_372 = tpu.memref_slice %arg6[%dma_start3A_370, %dma_start3A_371] : memref<8x64xi32, #tpu.memory_space<vmem>> -> memref<1x64xi32, #tpu.memory_space<vmem>>
        %dma_start3A_373 = tpu.memref_squeeze %dma_start3A_372 : memref<1x64xi32, #tpu.memory_space<vmem>> -> memref<64xi32, #tpu.memory_space<vmem>>
        %dma_start3A_374 = arith.constant 0 : i32
        %dma_start3A_375 = arith.constant 0 : i32
        %dma_start3A_376 = tpu.memref_slice %arg2[%dma_start3A_374, %dma_start3A_375] : memref<10240x144xf32, #tpu.memory_space<hbm>> -> memref<10240x144xf32, #tpu.memory_space<hbm>>
        tpu.enqueue_indirect_dma source(%dma_start3A_376 : memref<10240x144xf32, #tpu.memory_space<hbm>>) target(%arg10 : memref<64x144xf32, #tpu.memory_space<vmem>>) offsets(%dma_start3A_373 : memref<64xi32, #tpu.memory_space<vmem>>) semaphore(%arg12 : memref<!tpu.dma_semaphore, #tpu.memory_space<semaphore_mem>>)
      } else {
      }
      %run_scoped3A_356 = arith.constant 7 : i32
      "tpu.region"() ({
        %run_scoped3A_370 = tpu.sem_alloc : memref<!tpu.dma_semaphore, #tpu.memory_space<semaphore_mem>>
        %dma_start3A_371 = arith.constant 0 : i32
        %dma_start3A_372 = tpu.memref_slice %arg9[%run_scoped3A_356, %dma_start3A_371] : memref<8x64xi32, #tpu.memory_space<vmem>> -> memref<1x64xi32, #tpu.memory_space<vmem>>
        %dma_start3A_373 = tpu.memref_squeeze %dma_start3A_372 : memref<1x64xi32, #tpu.memory_space<vmem>> -> memref<64xi32, #tpu.memory_space<vmem>>
        %dma_start3A_374 = arith.constant 0 : i32
        %dma_start3A_375 = arith.constant 0 : i32
        %dma_start3A_376 = tpu.memref_slice %arg14[%dma_start3A_374, %dma_start3A_375] : memref<10240x144xf32, #tpu.memory_space<vmem_shared>> -> memref<10240x144xf32, #tpu.memory_space<vmem_shared>>
        tpu.enqueue_indirect_dma source(%arg11 : memref<64x144xf32, #tpu.memory_space<vmem>>) target(%dma_start3A_376 : memref<10240x144xf32, #tpu.memory_space<vmem_shared>>) offsets(%dma_start3A_373 : memref<64xi32, #tpu.memory_space<vmem>>) semaphore(%run_scoped3A_370 : memref<!tpu.dma_semaphore, #tpu.memory_space<semaphore_mem>>) {add = true}
        %dma_wait3A_377 = arith.constant 0 : i32
        %dma_wait3A_378 = tpu.memref_slice %arg9[%run_scoped3A_356, %dma_wait3A_377] : memref<8x64xi32, #tpu.memory_space<vmem>> -> memref<1x64xi32, #tpu.memory_space<vmem>>
        %dma_wait3A_379 = tpu.memref_squeeze %dma_wait3A_378 : memref<1x64xi32, #tpu.memory_space<vmem>> -> memref<64xi32, #tpu.memory_space<vmem>>
        %dma_wait3A_380 = arith.constant 0 : i32
        %dma_wait3A_381 = arith.constant 0 : i32
        %dma_wait3A_382 = tpu.memref_slice %arg14[%dma_wait3A_380, %dma_wait3A_381] : memref<10240x144xf32, #tpu.memory_space<vmem_shared>> -> memref<10240x144xf32, #tpu.memory_space<vmem_shared>>
        tpu.wait_indirect_dma semaphore(%run_scoped3A_370 : memref<!tpu.dma_semaphore, #tpu.memory_space<semaphore_mem>>) src(%arg11 : memref<64x144xf32, #tpu.memory_space<vmem>>) dst(%dma_wait3A_382 : memref<10240x144xf32, #tpu.memory_space<vmem_shared>>)
        tpu.yield
      }) : () -> ()
      %add3A_357 = arith.constant 2 : i32
      %add3A_358 = arith.addi %add3A_237, %add3A_357 : i32
      %lt3A_359 = arith.cmpi slt, %add3A_358, %select_n3A_9 : i32
      %convert_element_type3A_360 = arith.extui %lt3A_359 : i1 to i32
      %cond3A_361 = arith.constant 0 : i32
      %cond3A_362 = arith.cmpi ne, %convert_element_type3A_360, %cond3A_361 : i32
      scf.if %cond3A_362 {
        %add3A_370 = arith.constant 2 : i32
        %add3A_371 = arith.addi %add3A_237, %add3A_370 : i32
        %mul3A_372 = arith.constant 8 : i32
        %mul3A_373 = arith.muli %add3A_371, %mul3A_372 : i32
        %add3A_374 = arith.addi %select_n3A, %mul3A_373 : i32
        %dma_start3A_375 = arith.constant 0 : i32
        %dma_start3A_376 = tpu.memref_slice %arg3[%add3A_374, %dma_start3A_375] : memref<5120x64xi32, #tpu.memory_space<hbm>> -> memref<8x64xi32, #tpu.memory_space<hbm>>
        %dma_start3A_377 = arith.constant 0 : i32
        %dma_start3A_378 = tpu.memref_slice %arg3[%add3A_374, %dma_start3A_377] : memref<5120x64xi32, #tpu.memory_space<hbm>> -> memref<8x64xi32, #tpu.memory_space<hbm>>
        tpu.enqueue_dma source(%dma_start3A_378 : memref<8x64xi32, #tpu.memory_space<hbm>>) target(%arg8 : memref<8x64xi32, #tpu.memory_space<vmem>>) target_semaphore(%arg13 : memref<!tpu.dma_semaphore, #tpu.memory_space<semaphore_mem>>)
        %mul3A_379 = arith.constant 8 : i32
        %mul3A_380 = arith.muli %add3A_371, %mul3A_379 : i32
        %add3A_381 = arith.addi %select_n3A, %mul3A_380 : i32
        %dma_start3A_382 = arith.constant 0 : i32
        %dma_start3A_383 = tpu.memref_slice %arg4[%add3A_381, %dma_start3A_382] : memref<5120x64xi32, #tpu.memory_space<hbm>> -> memref<8x64xi32, #tpu.memory_space<hbm>>
        %dma_start3A_384 = arith.constant 0 : i32
        %dma_start3A_385 = tpu.memref_slice %arg4[%add3A_381, %dma_start3A_384] : memref<5120x64xi32, #tpu.memory_space<hbm>> -> memref<8x64xi32, #tpu.memory_space<hbm>>
        tpu.enqueue_dma source(%dma_start3A_385 : memref<8x64xi32, #tpu.memory_space<hbm>>) target(%arg9 : memref<8x64xi32, #tpu.memory_space<vmem>>) target_semaphore(%arg13 : memref<!tpu.dma_semaphore, #tpu.memory_space<semaphore_mem>>)
      } else {
      }
      %add3A_363 = arith.constant 1 : i32
      %add3A_364 = arith.addi %add3A_237, %add3A_363 : i32
      %lt3A_365 = arith.cmpi slt, %add3A_364, %select_n3A_9 : i32
      %convert_element_type3A_366 = arith.extui %lt3A_365 : i1 to i32
      %cond3A_367 = arith.constant 0 : i32
      %cond3A_368 = arith.cmpi ne, %convert_element_type3A_366, %cond3A_367 : i32
      scf.if %cond3A_368 {
        %add3A_370 = arith.constant 1 : i32
        %add3A_371 = arith.addi %add3A_237, %add3A_370 : i32
        %mul3A_372 = arith.constant 8 : i32
        %mul3A_373 = arith.muli %add3A_371, %mul3A_372 : i32
        %add3A_374 = arith.addi %select_n3A, %mul3A_373 : i32
        %dma_wait3A_375 = arith.constant 0 : i32
        %dma_wait3A_376 = tpu.memref_slice %arg3[%add3A_374, %dma_wait3A_375] : memref<5120x64xi32, #tpu.memory_space<hbm>> -> memref<8x64xi32, #tpu.memory_space<hbm>>
        %dma_wait3A_377 = arith.constant 0 : i32
        %dma_wait3A_378 = tpu.memref_slice %arg3[%add3A_374, %dma_wait3A_377] : memref<5120x64xi32, #tpu.memory_space<hbm>> -> memref<8x64xi32, #tpu.memory_space<hbm>>
        tpu.wait_dma2 semaphore(%arg13 : memref<!tpu.dma_semaphore, #tpu.memory_space<semaphore_mem>>) src(%dma_wait3A_378 : memref<8x64xi32, #tpu.memory_space<hbm>>) dst(%arg6 : memref<8x64xi32, #tpu.memory_space<vmem>>)
        %mul3A_379 = arith.constant 8 : i32
        %mul3A_380 = arith.muli %add3A_371, %mul3A_379 : i32
        %add3A_381 = arith.addi %select_n3A, %mul3A_380 : i32
        %dma_wait3A_382 = arith.constant 0 : i32
        %dma_wait3A_383 = tpu.memref_slice %arg4[%add3A_381, %dma_wait3A_382] : memref<5120x64xi32, #tpu.memory_space<hbm>> -> memref<8x64xi32, #tpu.memory_space<hbm>>
        %dma_wait3A_384 = arith.constant 0 : i32
        %dma_wait3A_385 = tpu.memref_slice %arg4[%add3A_381, %dma_wait3A_384] : memref<5120x64xi32, #tpu.memory_space<hbm>> -> memref<8x64xi32, #tpu.memory_space<hbm>>
        tpu.wait_dma2 semaphore(%arg13 : memref<!tpu.dma_semaphore, #tpu.memory_space<semaphore_mem>>) src(%dma_wait3A_385 : memref<8x64xi32, #tpu.memory_space<hbm>>) dst(%arg7 : memref<8x64xi32, #tpu.memory_space<vmem>>)
      } else {
      }
      %while3A_369 = arith.constant 0 : i32
      scf.yield %while3A_369 : i32
    }
    %while3A_96 = arith.constant 1 : i32
    %while3A_97 = scf.for %while3A_99 = %while3A_93 to %while3A_89 step %while3A_96 iter_args(%while3A_100 = %while3A_95) -> (i32)  : i32 {
      %mul3A_101 = arith.constant 2 : i32
      %mul3A_102 = arith.muli %mul3A_101, %while3A_99 : i32
      %add3A_103 = arith.constant 0 : i32
      %add3A_104 = arith.addi %mul3A_102, %add3A_103 : i32
      %dma_wait3A_105 = arith.constant 0 : i32
      %dma_wait3A_106 = arith.constant 0 : i32
      %dma_wait3A_107 = tpu.memref_slice %arg6[%dma_wait3A_105, %dma_wait3A_106] : memref<8x64xi32, #tpu.memory_space<vmem>> -> memref<1x64xi32, #tpu.memory_space<vmem>>
      %dma_wait3A_108 = tpu.memref_squeeze %dma_wait3A_107 : memref<1x64xi32, #tpu.memory_space<vmem>> -> memref<64xi32, #tpu.memory_space<vmem>>
      %dma_wait3A_109 = arith.constant 0 : i32
      %dma_wait3A_110 = arith.constant 0 : i32
      %dma_wait3A_111 = tpu.memref_slice %arg2[%dma_wait3A_109, %dma_wait3A_110] : memref<10240x144xf32, #tpu.memory_space<hbm>> -> memref<10240x144xf32, #tpu.memory_space<hbm>>
      tpu.wait_indirect_dma semaphore(%arg12 : memref<!tpu.dma_semaphore, #tpu.memory_space<semaphore_mem>>) src(%dma_wait3A_111 : memref<10240x144xf32, #tpu.memory_space<hbm>>) dst(%arg10 : memref<64x144xf32, #tpu.memory_space<vmem>>)
      %dma_start3A_112 = arith.constant 1 : i32
      %dma_start3A_113 = arith.constant 0 : i32
      %dma_start3A_114 = tpu.memref_slice %arg6[%dma_start3A_112, %dma_start3A_113] : memref<8x64xi32, #tpu.memory_space<vmem>> -> memref<1x64xi32, #tpu.memory_space<vmem>>
      %dma_start3A_115 = tpu.memref_squeeze %dma_start3A_114 : memref<1x64xi32, #tpu.memory_space<vmem>> -> memref<64xi32, #tpu.memory_space<vmem>>
      %dma_start3A_116 = arith.constant 0 : i32
      %dma_start3A_117 = arith.constant 0 : i32
      %dma_start3A_118 = tpu.memref_slice %arg2[%dma_start3A_116, %dma_start3A_117] : memref<10240x144xf32, #tpu.memory_space<hbm>> -> memref<10240x144xf32, #tpu.memory_space<hbm>>
      tpu.enqueue_indirect_dma source(%dma_start3A_118 : memref<10240x144xf32, #tpu.memory_space<hbm>>) target(%arg11 : memref<64x144xf32, #tpu.memory_space<vmem>>) offsets(%dma_start3A_115 : memref<64xi32, #tpu.memory_space<vmem>>) semaphore(%arg12 : memref<!tpu.dma_semaphore, #tpu.memory_space<semaphore_mem>>)
      %run_scoped3A = arith.constant 0 : i32
      "tpu.region"() ({
        %run_scoped3A_370 = tpu.sem_alloc : memref<!tpu.dma_semaphore, #tpu.memory_space<semaphore_mem>>
        %dma_start3A_371 = arith.constant 0 : i32
        %dma_start3A_372 = tpu.memref_slice %arg7[%run_scoped3A, %dma_start3A_371] : memref<8x64xi32, #tpu.memory_space<vmem>> -> memref<1x64xi32, #tpu.memory_space<vmem>>
        %dma_start3A_373 = tpu.memref_squeeze %dma_start3A_372 : memref<1x64xi32, #tpu.memory_space<vmem>> -> memref<64xi32, #tpu.memory_space<vmem>>
        %dma_start3A_374 = arith.constant 0 : i32
        %dma_start3A_375 = arith.constant 0 : i32
        %dma_start3A_376 = tpu.memref_slice %arg14[%dma_start3A_374, %dma_start3A_375] : memref<10240x144xf32, #tpu.memory_space<vmem_shared>> -> memref<10240x144xf32, #tpu.memory_space<vmem_shared>>
        tpu.enqueue_indirect_dma source(%arg10 : memref<64x144xf32, #tpu.memory_space<vmem>>) target(%dma_start3A_376 : memref<10240x144xf32, #tpu.memory_space<vmem_shared>>) offsets(%dma_start3A_373 : memref<64xi32, #tpu.memory_space<vmem>>) semaphore(%run_scoped3A_370 : memref<!tpu.dma_semaphore, #tpu.memory_space<semaphore_mem>>) {add = true}
        %dma_wait3A_377 = arith.constant 0 : i32
        %dma_wait3A_378 = tpu.memref_slice %arg7[%run_scoped3A, %dma_wait3A_377] : memref<8x64xi32, #tpu.memory_space<vmem>> -> memref<1x64xi32, #tpu.memory_space<vmem>>
        %dma_wait3A_379 = tpu.memref_squeeze %dma_wait3A_378 : memref<1x64xi32, #tpu.memory_space<vmem>> -> memref<64xi32, #tpu.memory_space<vmem>>
        %dma_wait3A_380 = arith.constant 0 : i32
        %dma_wait3A_381 = arith.constant 0 : i32
        %dma_wait3A_382 = tpu.memref_slice %arg14[%dma_wait3A_380, %dma_wait3A_381] : memref<10240x144xf32, #tpu.memory_space<vmem_shared>> -> memref<10240x144xf32, #tpu.memory_space<vmem_shared>>
        tpu.wait_indirect_dma semaphore(%run_scoped3A_370 : memref<!tpu.dma_semaphore, #tpu.memory_space<semaphore_mem>>) src(%arg10 : memref<64x144xf32, #tpu.memory_space<vmem>>) dst(%dma_wait3A_382 : memref<10240x144xf32, #tpu.memory_space<vmem_shared>>)
        tpu.yield
      }) : () -> ()
      %dma_wait3A_119 = arith.constant 1 : i32
      %dma_wait3A_120 = arith.constant 0 : i32
      %dma_wait3A_121 = tpu.memref_slice %arg6[%dma_wait3A_119, %dma_wait3A_120] : memref<8x64xi32, #tpu.memory_space<vmem>> -> memref<1x64xi32, #tpu.memory_space<vmem>>
      %dma_wait3A_122 = tpu.memref_squeeze %dma_wait3A_121 : memref<1x64xi32, #tpu.memory_space<vmem>> -> memref<64xi32, #tpu.memory_space<vmem>>
      %dma_wait3A_123 = arith.constant 0 : i32
      %dma_wait3A_124 = arith.constant 0 : i32
      %dma_wait3A_125 = tpu.memref_slice %arg2[%dma_wait3A_123, %dma_wait3A_124] : memref<10240x144xf32, #tpu.memory_space<hbm>> -> memref<10240x144xf32, #tpu.memory_space<hbm>>
      tpu.wait_indirect_dma semaphore(%arg12 : memref<!tpu.dma_semaphore, #tpu.memory_space<semaphore_mem>>) src(%dma_wait3A_125 : memref<10240x144xf32, #tpu.memory_space<hbm>>) dst(%arg11 : memref<64x144xf32, #tpu.memory_space<vmem>>)
      %dma_start3A_126 = arith.constant 2 : i32
      %dma_start3A_127 = arith.constant 0 : i32
      %dma_start3A_128 = tpu.memref_slice %arg6[%dma_start3A_126, %dma_start3A_127] : memref<8x64xi32, #tpu.memory_space<vmem>> -> memref<1x64xi32, #tpu.memory_space<vmem>>
      %dma_start3A_129 = tpu.memref_squeeze %dma_start3A_128 : memref<1x64xi32, #tpu.memory_space<vmem>> -> memref<64xi32, #tpu.memory_space<vmem>>
      %dma_start3A_130 = arith.constant 0 : i32
      %dma_start3A_131 = arith.constant 0 : i32
      %dma_start3A_132 = tpu.memref_slice %arg2[%dma_start3A_130, %dma_start3A_131] : memref<10240x144xf32, #tpu.memory_space<hbm>> -> memref<10240x144xf32, #tpu.memory_space<hbm>>
      tpu.enqueue_indirect_dma source(%dma_start3A_132 : memref<10240x144xf32, #tpu.memory_space<hbm>>) target(%arg10 : memref<64x144xf32, #tpu.memory_space<vmem>>) offsets(%dma_start3A_129 : memref<64xi32, #tpu.memory_space<vmem>>) semaphore(%arg12 : memref<!tpu.dma_semaphore, #tpu.memory_space<semaphore_mem>>)
      %run_scoped3A_133 = arith.constant 1 : i32
      "tpu.region"() ({
        %run_scoped3A_370 = tpu.sem_alloc : memref<!tpu.dma_semaphore, #tpu.memory_space<semaphore_mem>>
        %dma_start3A_371 = arith.constant 0 : i32
        %dma_start3A_372 = tpu.memref_slice %arg7[%run_scoped3A_133, %dma_start3A_371] : memref<8x64xi32, #tpu.memory_space<vmem>> -> memref<1x64xi32, #tpu.memory_space<vmem>>
        %dma_start3A_373 = tpu.memref_squeeze %dma_start3A_372 : memref<1x64xi32, #tpu.memory_space<vmem>> -> memref<64xi32, #tpu.memory_space<vmem>>
        %dma_start3A_374 = arith.constant 0 : i32
        %dma_start3A_375 = arith.constant 0 : i32
        %dma_start3A_376 = tpu.memref_slice %arg14[%dma_start3A_374, %dma_start3A_375] : memref<10240x144xf32, #tpu.memory_space<vmem_shared>> -> memref<10240x144xf32, #tpu.memory_space<vmem_shared>>
        tpu.enqueue_indirect_dma source(%arg11 : memref<64x144xf32, #tpu.memory_space<vmem>>) target(%dma_start3A_376 : memref<10240x144xf32, #tpu.memory_space<vmem_shared>>) offsets(%dma_start3A_373 : memref<64xi32, #tpu.memory_space<vmem>>) semaphore(%run_scoped3A_370 : memref<!tpu.dma_semaphore, #tpu.memory_space<semaphore_mem>>) {add = true}
        %dma_wait3A_377 = arith.constant 0 : i32
        %dma_wait3A_378 = tpu.memref_slice %arg7[%run_scoped3A_133, %dma_wait3A_377] : memref<8x64xi32, #tpu.memory_space<vmem>> -> memref<1x64xi32, #tpu.memory_space<vmem>>
        %dma_wait3A_379 = tpu.memref_squeeze %dma_wait3A_378 : memref<1x64xi32, #tpu.memory_space<vmem>> -> memref<64xi32, #tpu.memory_space<vmem>>
        %dma_wait3A_380 = arith.constant 0 : i32
        %dma_wait3A_381 = arith.constant 0 : i32
        %dma_wait3A_382 = tpu.memref_slice %arg14[%dma_wait3A_380, %dma_wait3A_381] : memref<10240x144xf32, #tpu.memory_space<vmem_shared>> -> memref<10240x144xf32, #tpu.memory_space<vmem_shared>>
        tpu.wait_indirect_dma semaphore(%run_scoped3A_370 : memref<!tpu.dma_semaphore, #tpu.memory_space<semaphore_mem>>) src(%arg11 : memref<64x144xf32, #tpu.memory_space<vmem>>) dst(%dma_wait3A_382 : memref<10240x144xf32, #tpu.memory_space<vmem_shared>>)
        tpu.yield
      }) : () -> ()
      %dma_wait3A_134 = arith.constant 2 : i32
      %dma_wait3A_135 = arith.constant 0 : i32
      %dma_wait3A_136 = tpu.memref_slice %arg6[%dma_wait3A_134, %dma_wait3A_135] : memref<8x64xi32, #tpu.memory_space<vmem>> -> memref<1x64xi32, #tpu.memory_space<vmem>>
      %dma_wait3A_137 = tpu.memref_squeeze %dma_wait3A_136 : memref<1x64xi32, #tpu.memory_space<vmem>> -> memref<64xi32, #tpu.memory_space<vmem>>
      %dma_wait3A_138 = arith.constant 0 : i32
      %dma_wait3A_139 = arith.constant 0 : i32
      %dma_wait3A_140 = tpu.memref_slice %arg2[%dma_wait3A_138, %dma_wait3A_139] : memref<10240x144xf32, #tpu.memory_space<hbm>> -> memref<10240x144xf32, #tpu.memory_space<hbm>>
      tpu.wait_indirect_dma semaphore(%arg12 : memref<!tpu.dma_semaphore, #tpu.memory_space<semaphore_mem>>) src(%dma_wait3A_140 : memref<10240x144xf32, #tpu.memory_space<hbm>>) dst(%arg10 : memref<64x144xf32, #tpu.memory_space<vmem>>)
      %dma_start3A_141 = arith.constant 3 : i32
      %dma_start3A_142 = arith.constant 0 : i32
      %dma_start3A_143 = tpu.memref_slice %arg6[%dma_start3A_141, %dma_start3A_142] : memref<8x64xi32, #tpu.memory_space<vmem>> -> memref<1x64xi32, #tpu.memory_space<vmem>>
      %dma_start3A_144 = tpu.memref_squeeze %dma_start3A_143 : memref<1x64xi32, #tpu.memory_space<vmem>> -> memref<64xi32, #tpu.memory_space<vmem>>
      %dma_start3A_145 = arith.constant 0 : i32
      %dma_start3A_146 = arith.constant 0 : i32
      %dma_start3A_147 = tpu.memref_slice %arg2[%dma_start3A_145, %dma_start3A_146] : memref<10240x144xf32, #tpu.memory_space<hbm>> -> memref<10240x144xf32, #tpu.memory_space<hbm>>
      tpu.enqueue_indirect_dma source(%dma_start3A_147 : memref<10240x144xf32, #tpu.memory_space<hbm>>) target(%arg11 : memref<64x144xf32, #tpu.memory_space<vmem>>) offsets(%dma_start3A_144 : memref<64xi32, #tpu.memory_space<vmem>>) semaphore(%arg12 : memref<!tpu.dma_semaphore, #tpu.memory_space<semaphore_mem>>)
      %run_scoped3A_148 = arith.constant 2 : i32
      "tpu.region"() ({
        %run_scoped3A_370 = tpu.sem_alloc : memref<!tpu.dma_semaphore, #tpu.memory_space<semaphore_mem>>
        %dma_start3A_371 = arith.constant 0 : i32
        %dma_start3A_372 = tpu.memref_slice %arg7[%run_scoped3A_148, %dma_start3A_371] : memref<8x64xi32, #tpu.memory_space<vmem>> -> memref<1x64xi32, #tpu.memory_space<vmem>>
        %dma_start3A_373 = tpu.memref_squeeze %dma_start3A_372 : memref<1x64xi32, #tpu.memory_space<vmem>> -> memref<64xi32, #tpu.memory_space<vmem>>
        %dma_start3A_374 = arith.constant 0 : i32
        %dma_start3A_375 = arith.constant 0 : i32
        %dma_start3A_376 = tpu.memref_slice %arg14[%dma_start3A_374, %dma_start3A_375] : memref<10240x144xf32, #tpu.memory_space<vmem_shared>> -> memref<10240x144xf32, #tpu.memory_space<vmem_shared>>
        tpu.enqueue_indirect_dma source(%arg10 : memref<64x144xf32, #tpu.memory_space<vmem>>) target(%dma_start3A_376 : memref<10240x144xf32, #tpu.memory_space<vmem_shared>>) offsets(%dma_start3A_373 : memref<64xi32, #tpu.memory_space<vmem>>) semaphore(%run_scoped3A_370 : memref<!tpu.dma_semaphore, #tpu.memory_space<semaphore_mem>>) {add = true}
        %dma_wait3A_377 = arith.constant 0 : i32
        %dma_wait3A_378 = tpu.memref_slice %arg7[%run_scoped3A_148, %dma_wait3A_377] : memref<8x64xi32, #tpu.memory_space<vmem>> -> memref<1x64xi32, #tpu.memory_space<vmem>>
        %dma_wait3A_379 = tpu.memref_squeeze %dma_wait3A_378 : memref<1x64xi32, #tpu.memory_space<vmem>> -> memref<64xi32, #tpu.memory_space<vmem>>
        %dma_wait3A_380 = arith.constant 0 : i32
        %dma_wait3A_381 = arith.constant 0 : i32
        %dma_wait3A_382 = tpu.memref_slice %arg14[%dma_wait3A_380, %dma_wait3A_381] : memref<10240x144xf32, #tpu.memory_space<vmem_shared>> -> memref<10240x144xf32, #tpu.memory_space<vmem_shared>>
        tpu.wait_indirect_dma semaphore(%run_scoped3A_370 : memref<!tpu.dma_semaphore, #tpu.memory_space<semaphore_mem>>) src(%arg10 : memref<64x144xf32, #tpu.memory_space<vmem>>) dst(%dma_wait3A_382 : memref<10240x144xf32, #tpu.memory_space<vmem_shared>>)
        tpu.yield
      }) : () -> ()
      %dma_wait3A_149 = arith.constant 3 : i32
      %dma_wait3A_150 = arith.constant 0 : i32
      %dma_wait3A_151 = tpu.memref_slice %arg6[%dma_wait3A_149, %dma_wait3A_150] : memref<8x64xi32, #tpu.memory_space<vmem>> -> memref<1x64xi32, #tpu.memory_space<vmem>>
      %dma_wait3A_152 = tpu.memref_squeeze %dma_wait3A_151 : memref<1x64xi32, #tpu.memory_space<vmem>> -> memref<64xi32, #tpu.memory_space<vmem>>
      %dma_wait3A_153 = arith.constant 0 : i32
      %dma_wait3A_154 = arith.constant 0 : i32
      %dma_wait3A_155 = tpu.memref_slice %arg2[%dma_wait3A_153, %dma_wait3A_154] : memref<10240x144xf32, #tpu.memory_space<hbm>> -> memref<10240x144xf32, #tpu.memory_space<hbm>>
      tpu.wait_indirect_dma semaphore(%arg12 : memref<!tpu.dma_semaphore, #tpu.memory_space<semaphore_mem>>) src(%dma_wait3A_155 : memref<10240x144xf32, #tpu.memory_space<hbm>>) dst(%arg11 : memref<64x144xf32, #tpu.memory_space<vmem>>)
      %dma_start3A_156 = arith.constant 4 : i32
      %dma_start3A_157 = arith.constant 0 : i32
      %dma_start3A_158 = tpu.memref_slice %arg6[%dma_start3A_156, %dma_start3A_157] : memref<8x64xi32, #tpu.memory_space<vmem>> -> memref<1x64xi32, #tpu.memory_space<vmem>>
      %dma_start3A_159 = tpu.memref_squeeze %dma_start3A_158 : memref<1x64xi32, #tpu.memory_space<vmem>> -> memref<64xi32, #tpu.memory_space<vmem>>
      %dma_start3A_160 = arith.constant 0 : i32
      %dma_start3A_161 = arith.constant 0 : i32
      %dma_start3A_162 = tpu.memref_slice %arg2[%dma_start3A_160, %dma_start3A_161] : memref<10240x144xf32, #tpu.memory_space<hbm>> -> memref<10240x144xf32, #tpu.memory_space<hbm>>
      tpu.enqueue_indirect_dma source(%dma_start3A_162 : memref<10240x144xf32, #tpu.memory_space<hbm>>) target(%arg10 : memref<64x144xf32, #tpu.memory_space<vmem>>) offsets(%dma_start3A_159 : memref<64xi32, #tpu.memory_space<vmem>>) semaphore(%arg12 : memref<!tpu.dma_semaphore, #tpu.memory_space<semaphore_mem>>)
      %run_scoped3A_163 = arith.constant 3 : i32
      "tpu.region"() ({
        %run_scoped3A_370 = tpu.sem_alloc : memref<!tpu.dma_semaphore, #tpu.memory_space<semaphore_mem>>
        %dma_start3A_371 = arith.constant 0 : i32
        %dma_start3A_372 = tpu.memref_slice %arg7[%run_scoped3A_163, %dma_start3A_371] : memref<8x64xi32, #tpu.memory_space<vmem>> -> memref<1x64xi32, #tpu.memory_space<vmem>>
        %dma_start3A_373 = tpu.memref_squeeze %dma_start3A_372 : memref<1x64xi32, #tpu.memory_space<vmem>> -> memref<64xi32, #tpu.memory_space<vmem>>
        %dma_start3A_374 = arith.constant 0 : i32
        %dma_start3A_375 = arith.constant 0 : i32
        %dma_start3A_376 = tpu.memref_slice %arg14[%dma_start3A_374, %dma_start3A_375] : memref<10240x144xf32, #tpu.memory_space<vmem_shared>> -> memref<10240x144xf32, #tpu.memory_space<vmem_shared>>
        tpu.enqueue_indirect_dma source(%arg11 : memref<64x144xf32, #tpu.memory_space<vmem>>) target(%dma_start3A_376 : memref<10240x144xf32, #tpu.memory_space<vmem_shared>>) offsets(%dma_start3A_373 : memref<64xi32, #tpu.memory_space<vmem>>) semaphore(%run_scoped3A_370 : memref<!tpu.dma_semaphore, #tpu.memory_space<semaphore_mem>>) {add = true}
        %dma_wait3A_377 = arith.constant 0 : i32
        %dma_wait3A_378 = tpu.memref_slice %arg7[%run_scoped3A_163, %dma_wait3A_377] : memref<8x64xi32, #tpu.memory_space<vmem>> -> memref<1x64xi32, #tpu.memory_space<vmem>>
        %dma_wait3A_379 = tpu.memref_squeeze %dma_wait3A_378 : memref<1x64xi32, #tpu.memory_space<vmem>> -> memref<64xi32, #tpu.memory_space<vmem>>
        %dma_wait3A_380 = arith.constant 0 : i32
        %dma_wait3A_381 = arith.constant 0 : i32
        %dma_wait3A_382 = tpu.memref_slice %arg14[%dma_wait3A_380, %dma_wait3A_381] : memref<10240x144xf32, #tpu.memory_space<vmem_shared>> -> memref<10240x144xf32, #tpu.memory_space<vmem_shared>>
        tpu.wait_indirect_dma semaphore(%run_scoped3A_370 : memref<!tpu.dma_semaphore, #tpu.memory_space<semaphore_mem>>) src(%arg11 : memref<64x144xf32, #tpu.memory_space<vmem>>) dst(%dma_wait3A_382 : memref<10240x144xf32, #tpu.memory_space<vmem_shared>>)
        tpu.yield
      }) : () -> ()
      %dma_wait3A_164 = arith.constant 4 : i32
      %dma_wait3A_165 = arith.constant 0 : i32
      %dma_wait3A_166 = tpu.memref_slice %arg6[%dma_wait3A_164, %dma_wait3A_165] : memref<8x64xi32, #tpu.memory_space<vmem>> -> memref<1x64xi32, #tpu.memory_space<vmem>>
      %dma_wait3A_167 = tpu.memref_squeeze %dma_wait3A_166 : memref<1x64xi32, #tpu.memory_space<vmem>> -> memref<64xi32, #tpu.memory_space<vmem>>
      %dma_wait3A_168 = arith.constant 0 : i32
      %dma_wait3A_169 = arith.constant 0 : i32
      %dma_wait3A_170 = tpu.memref_slice %arg2[%dma_wait3A_168, %dma_wait3A_169] : memref<10240x144xf32, #tpu.memory_space<hbm>> -> memref<10240x144xf32, #tpu.memory_space<hbm>>
      tpu.wait_indirect_dma semaphore(%arg12 : memref<!tpu.dma_semaphore, #tpu.memory_space<semaphore_mem>>) src(%dma_wait3A_170 : memref<10240x144xf32, #tpu.memory_space<hbm>>) dst(%arg10 : memref<64x144xf32, #tpu.memory_space<vmem>>)
      %dma_start3A_171 = arith.constant 5 : i32
      %dma_start3A_172 = arith.constant 0 : i32
      %dma_start3A_173 = tpu.memref_slice %arg6[%dma_start3A_171, %dma_start3A_172] : memref<8x64xi32, #tpu.memory_space<vmem>> -> memref<1x64xi32, #tpu.memory_space<vmem>>
      %dma_start3A_174 = tpu.memref_squeeze %dma_start3A_173 : memref<1x64xi32, #tpu.memory_space<vmem>> -> memref<64xi32, #tpu.memory_space<vmem>>
      %dma_start3A_175 = arith.constant 0 : i32
      %dma_start3A_176 = arith.constant 0 : i32
      %dma_start3A_177 = tpu.memref_slice %arg2[%dma_start3A_175, %dma_start3A_176] : memref<10240x144xf32, #tpu.memory_space<hbm>> -> memref<10240x144xf32, #tpu.memory_space<hbm>>
      tpu.enqueue_indirect_dma source(%dma_start3A_177 : memref<10240x144xf32, #tpu.memory_space<hbm>>) target(%arg11 : memref<64x144xf32, #tpu.memory_space<vmem>>) offsets(%dma_start3A_174 : memref<64xi32, #tpu.memory_space<vmem>>) semaphore(%arg12 : memref<!tpu.dma_semaphore, #tpu.memory_space<semaphore_mem>>)
      %run_scoped3A_178 = arith.constant 4 : i32
      "tpu.region"() ({
        %run_scoped3A_370 = tpu.sem_alloc : memref<!tpu.dma_semaphore, #tpu.memory_space<semaphore_mem>>
        %dma_start3A_371 = arith.constant 0 : i32
        %dma_start3A_372 = tpu.memref_slice %arg7[%run_scoped3A_178, %dma_start3A_371] : memref<8x64xi32, #tpu.memory_space<vmem>> -> memref<1x64xi32, #tpu.memory_space<vmem>>
        %dma_start3A_373 = tpu.memref_squeeze %dma_start3A_372 : memref<1x64xi32, #tpu.memory_space<vmem>> -> memref<64xi32, #tpu.memory_space<vmem>>
        %dma_start3A_374 = arith.constant 0 : i32
        %dma_start3A_375 = arith.constant 0 : i32
        %dma_start3A_376 = tpu.memref_slice %arg14[%dma_start3A_374, %dma_start3A_375] : memref<10240x144xf32, #tpu.memory_space<vmem_shared>> -> memref<10240x144xf32, #tpu.memory_space<vmem_shared>>
        tpu.enqueue_indirect_dma source(%arg10 : memref<64x144xf32, #tpu.memory_space<vmem>>) target(%dma_start3A_376 : memref<10240x144xf32, #tpu.memory_space<vmem_shared>>) offsets(%dma_start3A_373 : memref<64xi32, #tpu.memory_space<vmem>>) semaphore(%run_scoped3A_370 : memref<!tpu.dma_semaphore, #tpu.memory_space<semaphore_mem>>) {add = true}
        %dma_wait3A_377 = arith.constant 0 : i32
        %dma_wait3A_378 = tpu.memref_slice %arg7[%run_scoped3A_178, %dma_wait3A_377] : memref<8x64xi32, #tpu.memory_space<vmem>> -> memref<1x64xi32, #tpu.memory_space<vmem>>
        %dma_wait3A_379 = tpu.memref_squeeze %dma_wait3A_378 : memref<1x64xi32, #tpu.memory_space<vmem>> -> memref<64xi32, #tpu.memory_space<vmem>>
        %dma_wait3A_380 = arith.constant 0 : i32
        %dma_wait3A_381 = arith.constant 0 : i32
        %dma_wait3A_382 = tpu.memref_slice %arg14[%dma_wait3A_380, %dma_wait3A_381] : memref<10240x144xf32, #tpu.memory_space<vmem_shared>> -> memref<10240x144xf32, #tpu.memory_space<vmem_shared>>
        tpu.wait_indirect_dma semaphore(%run_scoped3A_370 : memref<!tpu.dma_semaphore, #tpu.memory_space<semaphore_mem>>) src(%arg10 : memref<64x144xf32, #tpu.memory_space<vmem>>) dst(%dma_wait3A_382 : memref<10240x144xf32, #tpu.memory_space<vmem_shared>>)
        tpu.yield
      }) : () -> ()
      %dma_wait3A_179 = arith.constant 5 : i32
      %dma_wait3A_180 = arith.constant 0 : i32
      %dma_wait3A_181 = tpu.memref_slice %arg6[%dma_wait3A_179, %dma_wait3A_180] : memref<8x64xi32, #tpu.memory_space<vmem>> -> memref<1x64xi32, #tpu.memory_space<vmem>>
      %dma_wait3A_182 = tpu.memref_squeeze %dma_wait3A_181 : memref<1x64xi32, #tpu.memory_space<vmem>> -> memref<64xi32, #tpu.memory_space<vmem>>
      %dma_wait3A_183 = arith.constant 0 : i32
      %dma_wait3A_184 = arith.constant 0 : i32
      %dma_wait3A_185 = tpu.memref_slice %arg2[%dma_wait3A_183, %dma_wait3A_184] : memref<10240x144xf32, #tpu.memory_space<hbm>> -> memref<10240x144xf32, #tpu.memory_space<hbm>>
      tpu.wait_indirect_dma semaphore(%arg12 : memref<!tpu.dma_semaphore, #tpu.memory_space<semaphore_mem>>) src(%dma_wait3A_185 : memref<10240x144xf32, #tpu.memory_space<hbm>>) dst(%arg11 : memref<64x144xf32, #tpu.memory_space<vmem>>)
      %dma_start3A_186 = arith.constant 6 : i32
      %dma_start3A_187 = arith.constant 0 : i32
      %dma_start3A_188 = tpu.memref_slice %arg6[%dma_start3A_186, %dma_start3A_187] : memref<8x64xi32, #tpu.memory_space<vmem>> -> memref<1x64xi32, #tpu.memory_space<vmem>>
      %dma_start3A_189 = tpu.memref_squeeze %dma_start3A_188 : memref<1x64xi32, #tpu.memory_space<vmem>> -> memref<64xi32, #tpu.memory_space<vmem>>
      %dma_start3A_190 = arith.constant 0 : i32
      %dma_start3A_191 = arith.constant 0 : i32
      %dma_start3A_192 = tpu.memref_slice %arg2[%dma_start3A_190, %dma_start3A_191] : memref<10240x144xf32, #tpu.memory_space<hbm>> -> memref<10240x144xf32, #tpu.memory_space<hbm>>
      tpu.enqueue_indirect_dma source(%dma_start3A_192 : memref<10240x144xf32, #tpu.memory_space<hbm>>) target(%arg10 : memref<64x144xf32, #tpu.memory_space<vmem>>) offsets(%dma_start3A_189 : memref<64xi32, #tpu.memory_space<vmem>>) semaphore(%arg12 : memref<!tpu.dma_semaphore, #tpu.memory_space<semaphore_mem>>)
      %run_scoped3A_193 = arith.constant 5 : i32
      "tpu.region"() ({
        %run_scoped3A_370 = tpu.sem_alloc : memref<!tpu.dma_semaphore, #tpu.memory_space<semaphore_mem>>
        %dma_start3A_371 = arith.constant 0 : i32
        %dma_start3A_372 = tpu.memref_slice %arg7[%run_scoped3A_193, %dma_start3A_371] : memref<8x64xi32, #tpu.memory_space<vmem>> -> memref<1x64xi32, #tpu.memory_space<vmem>>
        %dma_start3A_373 = tpu.memref_squeeze %dma_start3A_372 : memref<1x64xi32, #tpu.memory_space<vmem>> -> memref<64xi32, #tpu.memory_space<vmem>>
        %dma_start3A_374 = arith.constant 0 : i32
        %dma_start3A_375 = arith.constant 0 : i32
        %dma_start3A_376 = tpu.memref_slice %arg14[%dma_start3A_374, %dma_start3A_375] : memref<10240x144xf32, #tpu.memory_space<vmem_shared>> -> memref<10240x144xf32, #tpu.memory_space<vmem_shared>>
        tpu.enqueue_indirect_dma source(%arg11 : memref<64x144xf32, #tpu.memory_space<vmem>>) target(%dma_start3A_376 : memref<10240x144xf32, #tpu.memory_space<vmem_shared>>) offsets(%dma_start3A_373 : memref<64xi32, #tpu.memory_space<vmem>>) semaphore(%run_scoped3A_370 : memref<!tpu.dma_semaphore, #tpu.memory_space<semaphore_mem>>) {add = true}
        %dma_wait3A_377 = arith.constant 0 : i32
        %dma_wait3A_378 = tpu.memref_slice %arg7[%run_scoped3A_193, %dma_wait3A_377] : memref<8x64xi32, #tpu.memory_space<vmem>> -> memref<1x64xi32, #tpu.memory_space<vmem>>
        %dma_wait3A_379 = tpu.memref_squeeze %dma_wait3A_378 : memref<1x64xi32, #tpu.memory_space<vmem>> -> memref<64xi32, #tpu.memory_space<vmem>>
        %dma_wait3A_380 = arith.constant 0 : i32
        %dma_wait3A_381 = arith.constant 0 : i32
        %dma_wait3A_382 = tpu.memref_slice %arg14[%dma_wait3A_380, %dma_wait3A_381] : memref<10240x144xf32, #tpu.memory_space<vmem_shared>> -> memref<10240x144xf32, #tpu.memory_space<vmem_shared>>
        tpu.wait_indirect_dma semaphore(%run_scoped3A_370 : memref<!tpu.dma_semaphore, #tpu.memory_space<semaphore_mem>>) src(%arg11 : memref<64x144xf32, #tpu.memory_space<vmem>>) dst(%dma_wait3A_382 : memref<10240x144xf32, #tpu.memory_space<vmem_shared>>)
        tpu.yield
      }) : () -> ()
      %dma_wait3A_194 = arith.constant 6 : i32
      %dma_wait3A_195 = arith.constant 0 : i32
      %dma_wait3A_196 = tpu.memref_slice %arg6[%dma_wait3A_194, %dma_wait3A_195] : memref<8x64xi32, #tpu.memory_space<vmem>> -> memref<1x64xi32, #tpu.memory_space<vmem>>
      %dma_wait3A_197 = tpu.memref_squeeze %dma_wait3A_196 : memref<1x64xi32, #tpu.memory_space<vmem>> -> memref<64xi32, #tpu.memory_space<vmem>>
      %dma_wait3A_198 = arith.constant 0 : i32
      %dma_wait3A_199 = arith.constant 0 : i32
      %dma_wait3A_200 = tpu.memref_slice %arg2[%dma_wait3A_198, %dma_wait3A_199] : memref<10240x144xf32, #tpu.memory_space<hbm>> -> memref<10240x144xf32, #tpu.memory_space<hbm>>
      tpu.wait_indirect_dma semaphore(%arg12 : memref<!tpu.dma_semaphore, #tpu.memory_space<semaphore_mem>>) src(%dma_wait3A_200 : memref<10240x144xf32, #tpu.memory_space<hbm>>) dst(%arg10 : memref<64x144xf32, #tpu.memory_space<vmem>>)
      %dma_start3A_201 = arith.constant 7 : i32
      %dma_start3A_202 = arith.constant 0 : i32
      %dma_start3A_203 = tpu.memref_slice %arg6[%dma_start3A_201, %dma_start3A_202] : memref<8x64xi32, #tpu.memory_space<vmem>> -> memref<1x64xi32, #tpu.memory_space<vmem>>
      %dma_start3A_204 = tpu.memref_squeeze %dma_start3A_203 : memref<1x64xi32, #tpu.memory_space<vmem>> -> memref<64xi32, #tpu.memory_space<vmem>>
      %dma_start3A_205 = arith.constant 0 : i32
      %dma_start3A_206 = arith.constant 0 : i32
      %dma_start3A_207 = tpu.memref_slice %arg2[%dma_start3A_205, %dma_start3A_206] : memref<10240x144xf32, #tpu.memory_space<hbm>> -> memref<10240x144xf32, #tpu.memory_space<hbm>>
      tpu.enqueue_indirect_dma source(%dma_start3A_207 : memref<10240x144xf32, #tpu.memory_space<hbm>>) target(%arg11 : memref<64x144xf32, #tpu.memory_space<vmem>>) offsets(%dma_start3A_204 : memref<64xi32, #tpu.memory_space<vmem>>) semaphore(%arg12 : memref<!tpu.dma_semaphore, #tpu.memory_space<semaphore_mem>>)
      %run_scoped3A_208 = arith.constant 6 : i32
      "tpu.region"() ({
        %run_scoped3A_370 = tpu.sem_alloc : memref<!tpu.dma_semaphore, #tpu.memory_space<semaphore_mem>>
        %dma_start3A_371 = arith.constant 0 : i32
        %dma_start3A_372 = tpu.memref_slice %arg7[%run_scoped3A_208, %dma_start3A_371] : memref<8x64xi32, #tpu.memory_space<vmem>> -> memref<1x64xi32, #tpu.memory_space<vmem>>
        %dma_start3A_373 = tpu.memref_squeeze %dma_start3A_372 : memref<1x64xi32, #tpu.memory_space<vmem>> -> memref<64xi32, #tpu.memory_space<vmem>>
        %dma_start3A_374 = arith.constant 0 : i32
        %dma_start3A_375 = arith.constant 0 : i32
        %dma_start3A_376 = tpu.memref_slice %arg14[%dma_start3A_374, %dma_start3A_375] : memref<10240x144xf32, #tpu.memory_space<vmem_shared>> -> memref<10240x144xf32, #tpu.memory_space<vmem_shared>>
        tpu.enqueue_indirect_dma source(%arg10 : memref<64x144xf32, #tpu.memory_space<vmem>>) target(%dma_start3A_376 : memref<10240x144xf32, #tpu.memory_space<vmem_shared>>) offsets(%dma_start3A_373 : memref<64xi32, #tpu.memory_space<vmem>>) semaphore(%run_scoped3A_370 : memref<!tpu.dma_semaphore, #tpu.memory_space<semaphore_mem>>) {add = true}
        %dma_wait3A_377 = arith.constant 0 : i32
        %dma_wait3A_378 = tpu.memref_slice %arg7[%run_scoped3A_208, %dma_wait3A_377] : memref<8x64xi32, #tpu.memory_space<vmem>> -> memref<1x64xi32, #tpu.memory_space<vmem>>
        %dma_wait3A_379 = tpu.memref_squeeze %dma_wait3A_378 : memref<1x64xi32, #tpu.memory_space<vmem>> -> memref<64xi32, #tpu.memory_space<vmem>>
        %dma_wait3A_380 = arith.constant 0 : i32
        %dma_wait3A_381 = arith.constant 0 : i32
        %dma_wait3A_382 = tpu.memref_slice %arg14[%dma_wait3A_380, %dma_wait3A_381] : memref<10240x144xf32, #tpu.memory_space<vmem_shared>> -> memref<10240x144xf32, #tpu.memory_space<vmem_shared>>
        tpu.wait_indirect_dma semaphore(%run_scoped3A_370 : memref<!tpu.dma_semaphore, #tpu.memory_space<semaphore_mem>>) src(%arg10 : memref<64x144xf32, #tpu.memory_space<vmem>>) dst(%dma_wait3A_382 : memref<10240x144xf32, #tpu.memory_space<vmem_shared>>)
        tpu.yield
      }) : () -> ()
      %dma_wait3A_209 = arith.constant 7 : i32
      %dma_wait3A_210 = arith.constant 0 : i32
      %dma_wait3A_211 = tpu.memref_slice %arg6[%dma_wait3A_209, %dma_wait3A_210] : memref<8x64xi32, #tpu.memory_space<vmem>> -> memref<1x64xi32, #tpu.memory_space<vmem>>
      %dma_wait3A_212 = tpu.memref_squeeze %dma_wait3A_211 : memref<1x64xi32, #tpu.memory_space<vmem>> -> memref<64xi32, #tpu.memory_space<vmem>>
      %dma_wait3A_213 = arith.constant 0 : i32
      %dma_wait3A_214 = arith.constant 0 : i32
      %dma_wait3A_215 = tpu.memref_slice %arg2[%dma_wait3A_213, %dma_wait3A_214] : memref<10240x144xf32, #tpu.memory_space<hbm>> -> memref<10240x144xf32, #tpu.memory_space<hbm>>
      tpu.wait_indirect_dma semaphore(%arg12 : memref<!tpu.dma_semaphore, #tpu.memory_space<semaphore_mem>>) src(%dma_wait3A_215 : memref<10240x144xf32, #tpu.memory_space<hbm>>) dst(%arg11 : memref<64x144xf32, #tpu.memory_space<vmem>>)
      %add3A_216 = arith.constant 1 : i32
      %add3A_217 = arith.addi %add3A_104, %add3A_216 : i32
      %lt3A = arith.cmpi slt, %add3A_217, %select_n3A_9 : i32
      %convert_element_type3A_218 = arith.extui %lt3A : i1 to i32
      %cond3A_219 = arith.constant 0 : i32
      %cond3A_220 = arith.cmpi ne, %convert_element_type3A_218, %cond3A_219 : i32
      scf.if %cond3A_220 {
        %dma_start3A_370 = arith.constant 0 : i32
        %dma_start3A_371 = arith.constant 0 : i32
        %dma_start3A_372 = tpu.memref_slice %arg8[%dma_start3A_370, %dma_start3A_371] : memref<8x64xi32, #tpu.memory_space<vmem>> -> memref<1x64xi32, #tpu.memory_space<vmem>>
        %dma_start3A_373 = tpu.memref_squeeze %dma_start3A_372 : memref<1x64xi32, #tpu.memory_space<vmem>> -> memref<64xi32, #tpu.memory_space<vmem>>
        %dma_start3A_374 = arith.constant 0 : i32
        %dma_start3A_375 = arith.constant 0 : i32
        %dma_start3A_376 = tpu.memref_slice %arg2[%dma_start3A_374, %dma_start3A_375] : memref<10240x144xf32, #tpu.memory_space<hbm>> -> memref<10240x144xf32, #tpu.memory_space<hbm>>
        tpu.enqueue_indirect_dma source(%dma_start3A_376 : memref<10240x144xf32, #tpu.memory_space<hbm>>) target(%arg10 : memref<64x144xf32, #tpu.memory_space<vmem>>) offsets(%dma_start3A_373 : memref<64xi32, #tpu.memory_space<vmem>>) semaphore(%arg12 : memref<!tpu.dma_semaphore, #tpu.memory_space<semaphore_mem>>)
      } else {
      }
      %run_scoped3A_221 = arith.constant 7 : i32
      "tpu.region"() ({
        %run_scoped3A_370 = tpu.sem_alloc : memref<!tpu.dma_semaphore, #tpu.memory_space<semaphore_mem>>
        %dma_start3A_371 = arith.constant 0 : i32
        %dma_start3A_372 = tpu.memref_slice %arg7[%run_scoped3A_221, %dma_start3A_371] : memref<8x64xi32, #tpu.memory_space<vmem>> -> memref<1x64xi32, #tpu.memory_space<vmem>>
        %dma_start3A_373 = tpu.memref_squeeze %dma_start3A_372 : memref<1x64xi32, #tpu.memory_space<vmem>> -> memref<64xi32, #tpu.memory_space<vmem>>
        %dma_start3A_374 = arith.constant 0 : i32
        %dma_start3A_375 = arith.constant 0 : i32
        %dma_start3A_376 = tpu.memref_slice %arg14[%dma_start3A_374, %dma_start3A_375] : memref<10240x144xf32, #tpu.memory_space<vmem_shared>> -> memref<10240x144xf32, #tpu.memory_space<vmem_shared>>
        tpu.enqueue_indirect_dma source(%arg11 : memref<64x144xf32, #tpu.memory_space<vmem>>) target(%dma_start3A_376 : memref<10240x144xf32, #tpu.memory_space<vmem_shared>>) offsets(%dma_start3A_373 : memref<64xi32, #tpu.memory_space<vmem>>) semaphore(%run_scoped3A_370 : memref<!tpu.dma_semaphore, #tpu.memory_space<semaphore_mem>>) {add = true}
        %dma_wait3A_377 = arith.constant 0 : i32
        %dma_wait3A_378 = tpu.memref_slice %arg7[%run_scoped3A_221, %dma_wait3A_377] : memref<8x64xi32, #tpu.memory_space<vmem>> -> memref<1x64xi32, #tpu.memory_space<vmem>>
        %dma_wait3A_379 = tpu.memref_squeeze %dma_wait3A_378 : memref<1x64xi32, #tpu.memory_space<vmem>> -> memref<64xi32, #tpu.memory_space<vmem>>
        %dma_wait3A_380 = arith.constant 0 : i32
        %dma_wait3A_381 = arith.constant 0 : i32
        %dma_wait3A_382 = tpu.memref_slice %arg14[%dma_wait3A_380, %dma_wait3A_381] : memref<10240x144xf32, #tpu.memory_space<vmem_shared>> -> memref<10240x144xf32, #tpu.memory_space<vmem_shared>>
        tpu.wait_indirect_dma semaphore(%run_scoped3A_370 : memref<!tpu.dma_semaphore, #tpu.memory_space<semaphore_mem>>) src(%arg11 : memref<64x144xf32, #tpu.memory_space<vmem>>) dst(%dma_wait3A_382 : memref<10240x144xf32, #tpu.memory_space<vmem_shared>>)
        tpu.yield
      }) : () -> ()
      %add3A_222 = arith.constant 2 : i32
      %add3A_223 = arith.addi %add3A_104, %add3A_222 : i32
      %lt3A_224 = arith.cmpi slt, %add3A_223, %select_n3A_9 : i32
      %convert_element_type3A_225 = arith.extui %lt3A_224 : i1 to i32
      %cond3A_226 = arith.constant 0 : i32
      %cond3A_227 = arith.cmpi ne, %convert_element_type3A_225, %cond3A_226 : i32
      scf.if %cond3A_227 {
        %add3A_370 = arith.constant 2 : i32
        %add3A_371 = arith.addi %add3A_104, %add3A_370 : i32
        %mul3A_372 = arith.constant 8 : i32
        %mul3A_373 = arith.muli %add3A_371, %mul3A_372 : i32
        %add3A_374 = arith.addi %select_n3A, %mul3A_373 : i32
        %dma_start3A_375 = arith.constant 0 : i32
        %dma_start3A_376 = tpu.memref_slice %arg3[%add3A_374, %dma_start3A_375] : memref<5120x64xi32, #tpu.memory_space<hbm>> -> memref<8x64xi32, #tpu.memory_space<hbm>>
        %dma_start3A_377 = arith.constant 0 : i32
        %dma_start3A_378 = tpu.memref_slice %arg3[%add3A_374, %dma_start3A_377] : memref<5120x64xi32, #tpu.memory_space<hbm>> -> memref<8x64xi32, #tpu.memory_space<hbm>>
        tpu.enqueue_dma source(%dma_start3A_378 : memref<8x64xi32, #tpu.memory_space<hbm>>) target(%arg6 : memref<8x64xi32, #tpu.memory_space<vmem>>) target_semaphore(%arg13 : memref<!tpu.dma_semaphore, #tpu.memory_space<semaphore_mem>>)
        %mul3A_379 = arith.constant 8 : i32
        %mul3A_380 = arith.muli %add3A_371, %mul3A_379 : i32
        %add3A_381 = arith.addi %select_n3A, %mul3A_380 : i32
        %dma_start3A_382 = arith.constant 0 : i32
        %dma_start3A_383 = tpu.memref_slice %arg4[%add3A_381, %dma_start3A_382] : memref<5120x64xi32, #tpu.memory_space<hbm>> -> memref<8x64xi32, #tpu.memory_space<hbm>>
        %dma_start3A_384 = arith.constant 0 : i32
        %dma_start3A_385 = tpu.memref_slice %arg4[%add3A_381, %dma_start3A_384] : memref<5120x64xi32, #tpu.memory_space<hbm>> -> memref<8x64xi32, #tpu.memory_space<hbm>>
        tpu.enqueue_dma source(%dma_start3A_385 : memref<8x64xi32, #tpu.memory_space<hbm>>) target(%arg7 : memref<8x64xi32, #tpu.memory_space<vmem>>) target_semaphore(%arg13 : memref<!tpu.dma_semaphore, #tpu.memory_space<semaphore_mem>>)
      } else {
      }
      %add3A_228 = arith.constant 1 : i32
      %add3A_229 = arith.addi %add3A_104, %add3A_228 : i32
      %lt3A_230 = arith.cmpi slt, %add3A_229, %select_n3A_9 : i32
      %convert_element_type3A_231 = arith.extui %lt3A_230 : i1 to i32
      %cond3A_232 = arith.constant 0 : i32
      %cond3A_233 = arith.cmpi ne, %convert_element_type3A_231, %cond3A_232 : i32
      scf.if %cond3A_233 {
        %add3A_370 = arith.constant 1 : i32
        %add3A_371 = arith.addi %add3A_104, %add3A_370 : i32
        %mul3A_372 = arith.constant 8 : i32
        %mul3A_373 = arith.muli %add3A_371, %mul3A_372 : i32
        %add3A_374 = arith.addi %select_n3A, %mul3A_373 : i32
        %dma_wait3A_375 = arith.constant 0 : i32
        %dma_wait3A_376 = tpu.memref_slice %arg3[%add3A_374, %dma_wait3A_375] : memref<5120x64xi32, #tpu.memory_space<hbm>> -> memref<8x64xi32, #tpu.memory_space<hbm>>
        %dma_wait3A_377 = arith.constant 0 : i32
        %dma_wait3A_378 = tpu.memref_slice %arg3[%add3A_374, %dma_wait3A_377] : memref<5120x64xi32, #tpu.memory_space<hbm>> -> memref<8x64xi32, #tpu.memory_space<hbm>>
        tpu.wait_dma2 semaphore(%arg13 : memref<!tpu.dma_semaphore, #tpu.memory_space<semaphore_mem>>) src(%dma_wait3A_378 : memref<8x64xi32, #tpu.memory_space<hbm>>) dst(%arg8 : memref<8x64xi32, #tpu.memory_space<vmem>>)
        %mul3A_379 = arith.constant 8 : i32
        %mul3A_380 = arith.muli %add3A_371, %mul3A_379 : i32
        %add3A_381 = arith.addi %select_n3A, %mul3A_380 : i32
        %dma_wait3A_382 = arith.constant 0 : i32
        %dma_wait3A_383 = tpu.memref_slice %arg4[%add3A_381, %dma_wait3A_382] : memref<5120x64xi32, #tpu.memory_space<hbm>> -> memref<8x64xi32, #tpu.memory_space<hbm>>
        %dma_wait3A_384 = arith.constant 0 : i32
        %dma_wait3A_385 = tpu.memref_slice %arg4[%add3A_381, %dma_wait3A_384] : memref<5120x64xi32, #tpu.memory_space<hbm>> -> memref<8x64xi32, #tpu.memory_space<hbm>>
        tpu.wait_dma2 semaphore(%arg13 : memref<!tpu.dma_semaphore, #tpu.memory_space<semaphore_mem>>) src(%dma_wait3A_385 : memref<8x64xi32, #tpu.memory_space<hbm>>) dst(%arg9 : memref<8x64xi32, #tpu.memory_space<vmem>>)
      } else {
      }
      %mul3A_234 = arith.constant 2 : i32
      %mul3A_235 = arith.muli %mul3A_234, %while3A_99 : i32
      %add3A_236 = arith.constant 1 : i32
      %add3A_237 = arith.addi %mul3A_235, %add3A_236 : i32
      %dma_wait3A_238 = arith.constant 0 : i32
      %dma_wait3A_239 = arith.constant 0 : i32
      %dma_wait3A_240 = tpu.memref_slice %arg8[%dma_wait3A_238, %dma_wait3A_239] : memref<8x64xi32, #tpu.memory_space<vmem>> -> memref<1x64xi32, #tpu.memory_space<vmem>>
      %dma_wait3A_241 = tpu.memref_squeeze %dma_wait3A_240 : memref<1x64xi32, #tpu.memory_space<vmem>> -> memref<64xi32, #tpu.memory_space<vmem>>
      %dma_wait3A_242 = arith.constant 0 : i32
      %dma_wait3A_243 = arith.constant 0 : i32
      %dma_wait3A_244 = tpu.memref_slice %arg2[%dma_wait3A_242, %dma_wait3A_243] : memref<10240x144xf32, #tpu.memory_space<hbm>> -> memref<10240x144xf32, #tpu.memory_space<hbm>>
      tpu.wait_indirect_dma semaphore(%arg12 : memref<!tpu.dma_semaphore, #tpu.memory_space<semaphore_mem>>) src(%dma_wait3A_244 : memref<10240x144xf32, #tpu.memory_space<hbm>>) dst(%arg10 : memref<64x144xf32, #tpu.memory_space<vmem>>)
      %dma_start3A_245 = arith.constant 1 : i32
      %dma_start3A_246 = arith.constant 0 : i32
      %dma_start3A_247 = tpu.memref_slice %arg8[%dma_start3A_245, %dma_start3A_246] : memref<8x64xi32, #tpu.memory_space<vmem>> -> memref<1x64xi32, #tpu.memory_space<vmem>>
      %dma_start3A_248 = tpu.memref_squeeze %dma_start3A_247 : memref<1x64xi32, #tpu.memory_space<vmem>> -> memref<64xi32, #tpu.memory_space<vmem>>
      %dma_start3A_249 = arith.constant 0 : i32
      %dma_start3A_250 = arith.constant 0 : i32
      %dma_start3A_251 = tpu.memref_slice %arg2[%dma_start3A_249, %dma_start3A_250] : memref<10240x144xf32, #tpu.memory_space<hbm>> -> memref<10240x144xf32, #tpu.memory_space<hbm>>
      tpu.enqueue_indirect_dma source(%dma_start3A_251 : memref<10240x144xf32, #tpu.memory_space<hbm>>) target(%arg11 : memref<64x144xf32, #tpu.memory_space<vmem>>) offsets(%dma_start3A_248 : memref<64xi32, #tpu.memory_space<vmem>>) semaphore(%arg12 : memref<!tpu.dma_semaphore, #tpu.memory_space<semaphore_mem>>)
      %run_scoped3A_252 = arith.constant 0 : i32
      "tpu.region"() ({
        %run_scoped3A_370 = tpu.sem_alloc : memref<!tpu.dma_semaphore, #tpu.memory_space<semaphore_mem>>
        %dma_start3A_371 = arith.constant 0 : i32
        %dma_start3A_372 = tpu.memref_slice %arg9[%run_scoped3A_252, %dma_start3A_371] : memref<8x64xi32, #tpu.memory_space<vmem>> -> memref<1x64xi32, #tpu.memory_space<vmem>>
        %dma_start3A_373 = tpu.memref_squeeze %dma_start3A_372 : memref<1x64xi32, #tpu.memory_space<vmem>> -> memref<64xi32, #tpu.memory_space<vmem>>
        %dma_start3A_374 = arith.constant 0 : i32
        %dma_start3A_375 = arith.constant 0 : i32
        %dma_start3A_376 = tpu.memref_slice %arg14[%dma_start3A_374, %dma_start3A_375] : memref<10240x144xf32, #tpu.memory_space<vmem_shared>> -> memref<10240x144xf32, #tpu.memory_space<vmem_shared>>
        tpu.enqueue_indirect_dma source(%arg10 : memref<64x144xf32, #tpu.memory_space<vmem>>) target(%dma_start3A_376 : memref<10240x144xf32, #tpu.memory_space<vmem_shared>>) offsets(%dma_start3A_373 : memref<64xi32, #tpu.memory_space<vmem>>) semaphore(%run_scoped3A_370 : memref<!tpu.dma_semaphore, #tpu.memory_space<semaphore_mem>>) {add = true}
        %dma_wait3A_377 = arith.constant 0 : i32
        %dma_wait3A_378 = tpu.memref_slice %arg9[%run_scoped3A_252, %dma_wait3A_377] : memref<8x64xi32, #tpu.memory_space<vmem>> -> memref<1x64xi32, #tpu.memory_space<vmem>>
        %dma_wait3A_379 = tpu.memref_squeeze %dma_wait3A_378 : memref<1x64xi32, #tpu.memory_space<vmem>> -> memref<64xi32, #tpu.memory_space<vmem>>
        %dma_wait3A_380 = arith.constant 0 : i32
        %dma_wait3A_381 = arith.constant 0 : i32
        %dma_wait3A_382 = tpu.memref_slice %arg14[%dma_wait3A_380, %dma_wait3A_381] : memref<10240x144xf32, #tpu.memory_space<vmem_shared>> -> memref<10240x144xf32, #tpu.memory_space<vmem_shared>>
        tpu.wait_indirect_dma semaphore(%run_scoped3A_370 : memref<!tpu.dma_semaphore, #tpu.memory_space<semaphore_mem>>) src(%arg10 : memref<64x144xf32, #tpu.memory_space<vmem>>) dst(%dma_wait3A_382 : memref<10240x144xf32, #tpu.memory_space<vmem_shared>>)
        tpu.yield
      }) : () -> ()
      %dma_wait3A_253 = arith.constant 1 : i32
      %dma_wait3A_254 = arith.constant 0 : i32
      %dma_wait3A_255 = tpu.memref_slice %arg8[%dma_wait3A_253, %dma_wait3A_254] : memref<8x64xi32, #tpu.memory_space<vmem>> -> memref<1x64xi32, #tpu.memory_space<vmem>>
      %dma_wait3A_256 = tpu.memref_squeeze %dma_wait3A_255 : memref<1x64xi32, #tpu.memory_space<vmem>> -> memref<64xi32, #tpu.memory_space<vmem>>
      %dma_wait3A_257 = arith.constant 0 : i32
      %dma_wait3A_258 = arith.constant 0 : i32
      %dma_wait3A_259 = tpu.memref_slice %arg2[%dma_wait3A_257, %dma_wait3A_258] : memref<10240x144xf32, #tpu.memory_space<hbm>> -> memref<10240x144xf32, #tpu.memory_space<hbm>>
      tpu.wait_indirect_dma semaphore(%arg12 : memref<!tpu.dma_semaphore, #tpu.memory_space<semaphore_mem>>) src(%dma_wait3A_259 : memref<10240x144xf32, #tpu.memory_space<hbm>>) dst(%arg11 : memref<64x144xf32, #tpu.memory_space<vmem>>)
      %dma_start3A_260 = arith.constant 2 : i32
      %dma_start3A_261 = arith.constant 0 : i32
      %dma_start3A_262 = tpu.memref_slice %arg8[%dma_start3A_260, %dma_start3A_261] : memref<8x64xi32, #tpu.memory_space<vmem>> -> memref<1x64xi32, #tpu.memory_space<vmem>>
      %dma_start3A_263 = tpu.memref_squeeze %dma_start3A_262 : memref<1x64xi32, #tpu.memory_space<vmem>> -> memref<64xi32, #tpu.memory_space<vmem>>
      %dma_start3A_264 = arith.constant 0 : i32
      %dma_start3A_265 = arith.constant 0 : i32
      %dma_start3A_266 = tpu.memref_slice %arg2[%dma_start3A_264, %dma_start3A_265] : memref<10240x144xf32, #tpu.memory_space<hbm>> -> memref<10240x144xf32, #tpu.memory_space<hbm>>
      tpu.enqueue_indirect_dma source(%dma_start3A_266 : memref<10240x144xf32, #tpu.memory_space<hbm>>) target(%arg10 : memref<64x144xf32, #tpu.memory_space<vmem>>) offsets(%dma_start3A_263 : memref<64xi32, #tpu.memory_space<vmem>>) semaphore(%arg12 : memref<!tpu.dma_semaphore, #tpu.memory_space<semaphore_mem>>)
      %run_scoped3A_267 = arith.constant 1 : i32
      "tpu.region"() ({
        %run_scoped3A_370 = tpu.sem_alloc : memref<!tpu.dma_semaphore, #tpu.memory_space<semaphore_mem>>
        %dma_start3A_371 = arith.constant 0 : i32
        %dma_start3A_372 = tpu.memref_slice %arg9[%run_scoped3A_267, %dma_start3A_371] : memref<8x64xi32, #tpu.memory_space<vmem>> -> memref<1x64xi32, #tpu.memory_space<vmem>>
        %dma_start3A_373 = tpu.memref_squeeze %dma_start3A_372 : memref<1x64xi32, #tpu.memory_space<vmem>> -> memref<64xi32, #tpu.memory_space<vmem>>
        %dma_start3A_374 = arith.constant 0 : i32
        %dma_start3A_375 = arith.constant 0 : i32
        %dma_start3A_376 = tpu.memref_slice %arg14[%dma_start3A_374, %dma_start3A_375] : memref<10240x144xf32, #tpu.memory_space<vmem_shared>> -> memref<10240x144xf32, #tpu.memory_space<vmem_shared>>
        tpu.enqueue_indirect_dma source(%arg11 : memref<64x144xf32, #tpu.memory_space<vmem>>) target(%dma_start3A_376 : memref<10240x144xf32, #tpu.memory_space<vmem_shared>>) offsets(%dma_start3A_373 : memref<64xi32, #tpu.memory_space<vmem>>) semaphore(%run_scoped3A_370 : memref<!tpu.dma_semaphore, #tpu.memory_space<semaphore_mem>>) {add = true}
        %dma_wait3A_377 = arith.constant 0 : i32
        %dma_wait3A_378 = tpu.memref_slice %arg9[%run_scoped3A_267, %dma_wait3A_377] : memref<8x64xi32, #tpu.memory_space<vmem>> -> memref<1x64xi32, #tpu.memory_space<vmem>>
        %dma_wait3A_379 = tpu.memref_squeeze %dma_wait3A_378 : memref<1x64xi32, #tpu.memory_space<vmem>> -> memref<64xi32, #tpu.memory_space<vmem>>
        %dma_wait3A_380 = arith.constant 0 : i32
        %dma_wait3A_381 = arith.constant 0 : i32
        %dma_wait3A_382 = tpu.memref_slice %arg14[%dma_wait3A_380, %dma_wait3A_381] : memref<10240x144xf32, #tpu.memory_space<vmem_shared>> -> memref<10240x144xf32, #tpu.memory_space<vmem_shared>>
        tpu.wait_indirect_dma semaphore(%run_scoped3A_370 : memref<!tpu.dma_semaphore, #tpu.memory_space<semaphore_mem>>) src(%arg11 : memref<64x144xf32, #tpu.memory_space<vmem>>) dst(%dma_wait3A_382 : memref<10240x144xf32, #tpu.memory_space<vmem_shared>>)
        tpu.yield
      }) : () -> ()
      %dma_wait3A_268 = arith.constant 2 : i32
      %dma_wait3A_269 = arith.constant 0 : i32
      %dma_wait3A_270 = tpu.memref_slice %arg8[%dma_wait3A_268, %dma_wait3A_269] : memref<8x64xi32, #tpu.memory_space<vmem>> -> memref<1x64xi32, #tpu.memory_space<vmem>>
      %dma_wait3A_271 = tpu.memref_squeeze %dma_wait3A_270 : memref<1x64xi32, #tpu.memory_space<vmem>> -> memref<64xi32, #tpu.memory_space<vmem>>
      %dma_wait3A_272 = arith.constant 0 : i32
      %dma_wait3A_273 = arith.constant 0 : i32
      %dma_wait3A_274 = tpu.memref_slice %arg2[%dma_wait3A_272, %dma_wait3A_273] : memref<10240x144xf32, #tpu.memory_space<hbm>> -> memref<10240x144xf32, #tpu.memory_space<hbm>>
      tpu.wait_indirect_dma semaphore(%arg12 : memref<!tpu.dma_semaphore, #tpu.memory_space<semaphore_mem>>) src(%dma_wait3A_274 : memref<10240x144xf32, #tpu.memory_space<hbm>>) dst(%arg10 : memref<64x144xf32, #tpu.memory_space<vmem>>)
      %dma_start3A_275 = arith.constant 3 : i32
      %dma_start3A_276 = arith.constant 0 : i32
      %dma_start3A_277 = tpu.memref_slice %arg8[%dma_start3A_275, %dma_start3A_276] : memref<8x64xi32, #tpu.memory_space<vmem>> -> memref<1x64xi32, #tpu.memory_space<vmem>>
      %dma_start3A_278 = tpu.memref_squeeze %dma_start3A_277 : memref<1x64xi32, #tpu.memory_space<vmem>> -> memref<64xi32, #tpu.memory_space<vmem>>
      %dma_start3A_279 = arith.constant 0 : i32
      %dma_start3A_280 = arith.constant 0 : i32
      %dma_start3A_281 = tpu.memref_slice %arg2[%dma_start3A_279, %dma_start3A_280] : memref<10240x144xf32, #tpu.memory_space<hbm>> -> memref<10240x144xf32, #tpu.memory_space<hbm>>
      tpu.enqueue_indirect_dma source(%dma_start3A_281 : memref<10240x144xf32, #tpu.memory_space<hbm>>) target(%arg11 : memref<64x144xf32, #tpu.memory_space<vmem>>) offsets(%dma_start3A_278 : memref<64xi32, #tpu.memory_space<vmem>>) semaphore(%arg12 : memref<!tpu.dma_semaphore, #tpu.memory_space<semaphore_mem>>)
      %run_scoped3A_282 = arith.constant 2 : i32
      "tpu.region"() ({
        %run_scoped3A_370 = tpu.sem_alloc : memref<!tpu.dma_semaphore, #tpu.memory_space<semaphore_mem>>
        %dma_start3A_371 = arith.constant 0 : i32
        %dma_start3A_372 = tpu.memref_slice %arg9[%run_scoped3A_282, %dma_start3A_371] : memref<8x64xi32, #tpu.memory_space<vmem>> -> memref<1x64xi32, #tpu.memory_space<vmem>>
        %dma_start3A_373 = tpu.memref_squeeze %dma_start3A_372 : memref<1x64xi32, #tpu.memory_space<vmem>> -> memref<64xi32, #tpu.memory_space<vmem>>
        %dma_start3A_374 = arith.constant 0 : i32
        %dma_start3A_375 = arith.constant 0 : i32
        %dma_start3A_376 = tpu.memref_slice %arg14[%dma_start3A_374, %dma_start3A_375] : memref<10240x144xf32, #tpu.memory_space<vmem_shared>> -> memref<10240x144xf32, #tpu.memory_space<vmem_shared>>
        tpu.enqueue_indirect_dma source(%arg10 : memref<64x144xf32, #tpu.memory_space<vmem>>) target(%dma_start3A_376 : memref<10240x144xf32, #tpu.memory_space<vmem_shared>>) offsets(%dma_start3A_373 : memref<64xi32, #tpu.memory_space<vmem>>) semaphore(%run_scoped3A_370 : memref<!tpu.dma_semaphore, #tpu.memory_space<semaphore_mem>>) {add = true}
        %dma_wait3A_377 = arith.constant 0 : i32
        %dma_wait3A_378 = tpu.memref_slice %arg9[%run_scoped3A_282, %dma_wait3A_377] : memref<8x64xi32, #tpu.memory_space<vmem>> -> memref<1x64xi32, #tpu.memory_space<vmem>>
        %dma_wait3A_379 = tpu.memref_squeeze %dma_wait3A_378 : memref<1x64xi32, #tpu.memory_space<vmem>> -> memref<64xi32, #tpu.memory_space<vmem>>
        %dma_wait3A_380 = arith.constant 0 : i32
        %dma_wait3A_381 = arith.constant 0 : i32
        %dma_wait3A_382 = tpu.memref_slice %arg14[%dma_wait3A_380, %dma_wait3A_381] : memref<10240x144xf32, #tpu.memory_space<vmem_shared>> -> memref<10240x144xf32, #tpu.memory_space<vmem_shared>>
        tpu.wait_indirect_dma semaphore(%run_scoped3A_370 : memref<!tpu.dma_semaphore, #tpu.memory_space<semaphore_mem>>) src(%arg10 : memref<64x144xf32, #tpu.memory_space<vmem>>) dst(%dma_wait3A_382 : memref<10240x144xf32, #tpu.memory_space<vmem_shared>>)
        tpu.yield
      }) : () -> ()
      %dma_wait3A_283 = arith.constant 3 : i32
      %dma_wait3A_284 = arith.constant 0 : i32
      %dma_wait3A_285 = tpu.memref_slice %arg8[%dma_wait3A_283, %dma_wait3A_284] : memref<8x64xi32, #tpu.memory_space<vmem>> -> memref<1x64xi32, #tpu.memory_space<vmem>>
      %dma_wait3A_286 = tpu.memref_squeeze %dma_wait3A_285 : memref<1x64xi32, #tpu.memory_space<vmem>> -> memref<64xi32, #tpu.memory_space<vmem>>
      %dma_wait3A_287 = arith.constant 0 : i32
      %dma_wait3A_288 = arith.constant 0 : i32
      %dma_wait3A_289 = tpu.memref_slice %arg2[%dma_wait3A_287, %dma_wait3A_288] : memref<10240x144xf32, #tpu.memory_space<hbm>> -> memref<10240x144xf32, #tpu.memory_space<hbm>>
      tpu.wait_indirect_dma semaphore(%arg12 : memref<!tpu.dma_semaphore, #tpu.memory_space<semaphore_mem>>) src(%dma_wait3A_289 : memref<10240x144xf32, #tpu.memory_space<hbm>>) dst(%arg11 : memref<64x144xf32, #tpu.memory_space<vmem>>)
      %dma_start3A_290 = arith.constant 4 : i32
      %dma_start3A_291 = arith.constant 0 : i32
      %dma_start3A_292 = tpu.memref_slice %arg8[%dma_start3A_290, %dma_start3A_291] : memref<8x64xi32, #tpu.memory_space<vmem>> -> memref<1x64xi32, #tpu.memory_space<vmem>>
      %dma_start3A_293 = tpu.memref_squeeze %dma_start3A_292 : memref<1x64xi32, #tpu.memory_space<vmem>> -> memref<64xi32, #tpu.memory_space<vmem>>
      %dma_start3A_294 = arith.constant 0 : i32
      %dma_start3A_295 = arith.constant 0 : i32
      %dma_start3A_296 = tpu.memref_slice %arg2[%dma_start3A_294, %dma_start3A_295] : memref<10240x144xf32, #tpu.memory_space<hbm>> -> memref<10240x144xf32, #tpu.memory_space<hbm>>
      tpu.enqueue_indirect_dma source(%dma_start3A_296 : memref<10240x144xf32, #tpu.memory_space<hbm>>) target(%arg10 : memref<64x144xf32, #tpu.memory_space<vmem>>) offsets(%dma_start3A_293 : memref<64xi32, #tpu.memory_space<vmem>>) semaphore(%arg12 : memref<!tpu.dma_semaphore, #tpu.memory_space<semaphore_mem>>)
      %run_scoped3A_297 = arith.constant 3 : i32
      "tpu.region"() ({
        %run_scoped3A_370 = tpu.sem_alloc : memref<!tpu.dma_semaphore, #tpu.memory_space<semaphore_mem>>
        %dma_start3A_371 = arith.constant 0 : i32
        %dma_start3A_372 = tpu.memref_slice %arg9[%run_scoped3A_297, %dma_start3A_371] : memref<8x64xi32, #tpu.memory_space<vmem>> -> memref<1x64xi32, #tpu.memory_space<vmem>>
        %dma_start3A_373 = tpu.memref_squeeze %dma_start3A_372 : memref<1x64xi32, #tpu.memory_space<vmem>> -> memref<64xi32, #tpu.memory_space<vmem>>
        %dma_start3A_374 = arith.constant 0 : i32
        %dma_start3A_375 = arith.constant 0 : i32
        %dma_start3A_376 = tpu.memref_slice %arg14[%dma_start3A_374, %dma_start3A_375] : memref<10240x144xf32, #tpu.memory_space<vmem_shared>> -> memref<10240x144xf32, #tpu.memory_space<vmem_shared>>
        tpu.enqueue_indirect_dma source(%arg11 : memref<64x144xf32, #tpu.memory_space<vmem>>) target(%dma_start3A_376 : memref<10240x144xf32, #tpu.memory_space<vmem_shared>>) offsets(%dma_start3A_373 : memref<64xi32, #tpu.memory_space<vmem>>) semaphore(%run_scoped3A_370 : memref<!tpu.dma_semaphore, #tpu.memory_space<semaphore_mem>>) {add = true}
        %dma_wait3A_377 = arith.constant 0 : i32
        %dma_wait3A_378 = tpu.memref_slice %arg9[%run_scoped3A_297, %dma_wait3A_377] : memref<8x64xi32, #tpu.memory_space<vmem>> -> memref<1x64xi32, #tpu.memory_space<vmem>>
        %dma_wait3A_379 = tpu.memref_squeeze %dma_wait3A_378 : memref<1x64xi32, #tpu.memory_space<vmem>> -> memref<64xi32, #tpu.memory_space<vmem>>
        %dma_wait3A_380 = arith.constant 0 : i32
        %dma_wait3A_381 = arith.constant 0 : i32
        %dma_wait3A_382 = tpu.memref_slice %arg14[%dma_wait3A_380, %dma_wait3A_381] : memref<10240x144xf32, #tpu.memory_space<vmem_shared>> -> memref<10240x144xf32, #tpu.memory_space<vmem_shared>>
        tpu.wait_indirect_dma semaphore(%run_scoped3A_370 : memref<!tpu.dma_semaphore, #tpu.memory_space<semaphore_mem>>) src(%arg11 : memref<64x144xf32, #tpu.memory_space<vmem>>) dst(%dma_wait3A_382 : memref<10240x144xf32, #tpu.memory_space<vmem_shared>>)
        tpu.yield
      }) : () -> ()
      %dma_wait3A_298 = arith.constant 4 : i32
      %dma_wait3A_299 = arith.constant 0 : i32
      %dma_wait3A_300 = tpu.memref_slice %arg8[%dma_wait3A_298, %dma_wait3A_299] : memref<8x64xi32, #tpu.memory_space<vmem>> -> memref<1x64xi32, #tpu.memory_space<vmem>>
      %dma_wait3A_301 = tpu.memref_squeeze %dma_wait3A_300 : memref<1x64xi32, #tpu.memory_space<vmem>> -> memref<64xi32, #tpu.memory_space<vmem>>
      %dma_wait3A_302 = arith.constant 0 : i32
      %dma_wait3A_303 = arith.constant 0 : i32
      %dma_wait3A_304 = tpu.memref_slice %arg2[%dma_wait3A_302, %dma_wait3A_303] : memref<10240x144xf32, #tpu.memory_space<hbm>> -> memref<10240x144xf32, #tpu.memory_space<hbm>>
      tpu.wait_indirect_dma semaphore(%arg12 : memref<!tpu.dma_semaphore, #tpu.memory_space<semaphore_mem>>) src(%dma_wait3A_304 : memref<10240x144xf32, #tpu.memory_space<hbm>>) dst(%arg10 : memref<64x144xf32, #tpu.memory_space<vmem>>)
      %dma_start3A_305 = arith.constant 5 : i32
      %dma_start3A_306 = arith.constant 0 : i32
      %dma_start3A_307 = tpu.memref_slice %arg8[%dma_start3A_305, %dma_start3A_306] : memref<8x64xi32, #tpu.memory_space<vmem>> -> memref<1x64xi32, #tpu.memory_space<vmem>>
      %dma_start3A_308 = tpu.memref_squeeze %dma_start3A_307 : memref<1x64xi32, #tpu.memory_space<vmem>> -> memref<64xi32, #tpu.memory_space<vmem>>
      %dma_start3A_309 = arith.constant 0 : i32
      %dma_start3A_310 = arith.constant 0 : i32
      %dma_start3A_311 = tpu.memref_slice %arg2[%dma_start3A_309, %dma_start3A_310] : memref<10240x144xf32, #tpu.memory_space<hbm>> -> memref<10240x144xf32, #tpu.memory_space<hbm>>
      tpu.enqueue_indirect_dma source(%dma_start3A_311 : memref<10240x144xf32, #tpu.memory_space<hbm>>) target(%arg11 : memref<64x144xf32, #tpu.memory_space<vmem>>) offsets(%dma_start3A_308 : memref<64xi32, #tpu.memory_space<vmem>>) semaphore(%arg12 : memref<!tpu.dma_semaphore, #tpu.memory_space<semaphore_mem>>)
      %run_scoped3A_312 = arith.constant 4 : i32
      "tpu.region"() ({
        %run_scoped3A_370 = tpu.sem_alloc : memref<!tpu.dma_semaphore, #tpu.memory_space<semaphore_mem>>
        %dma_start3A_371 = arith.constant 0 : i32
        %dma_start3A_372 = tpu.memref_slice %arg9[%run_scoped3A_312, %dma_start3A_371] : memref<8x64xi32, #tpu.memory_space<vmem>> -> memref<1x64xi32, #tpu.memory_space<vmem>>
        %dma_start3A_373 = tpu.memref_squeeze %dma_start3A_372 : memref<1x64xi32, #tpu.memory_space<vmem>> -> memref<64xi32, #tpu.memory_space<vmem>>
        %dma_start3A_374 = arith.constant 0 : i32
        %dma_start3A_375 = arith.constant 0 : i32
        %dma_start3A_376 = tpu.memref_slice %arg14[%dma_start3A_374, %dma_start3A_375] : memref<10240x144xf32, #tpu.memory_space<vmem_shared>> -> memref<10240x144xf32, #tpu.memory_space<vmem_shared>>
        tpu.enqueue_indirect_dma source(%arg10 : memref<64x144xf32, #tpu.memory_space<vmem>>) target(%dma_start3A_376 : memref<10240x144xf32, #tpu.memory_space<vmem_shared>>) offsets(%dma_start3A_373 : memref<64xi32, #tpu.memory_space<vmem>>) semaphore(%run_scoped3A_370 : memref<!tpu.dma_semaphore, #tpu.memory_space<semaphore_mem>>) {add = true}
        %dma_wait3A_377 = arith.constant 0 : i32
        %dma_wait3A_378 = tpu.memref_slice %arg9[%run_scoped3A_312, %dma_wait3A_377] : memref<8x64xi32, #tpu.memory_space<vmem>> -> memref<1x64xi32, #tpu.memory_space<vmem>>
        %dma_wait3A_379 = tpu.memref_squeeze %dma_wait3A_378 : memref<1x64xi32, #tpu.memory_space<vmem>> -> memref<64xi32, #tpu.memory_space<vmem>>
        %dma_wait3A_380 = arith.constant 0 : i32
        %dma_wait3A_381 = arith.constant 0 : i32
        %dma_wait3A_382 = tpu.memref_slice %arg14[%dma_wait3A_380, %dma_wait3A_381] : memref<10240x144xf32, #tpu.memory_space<vmem_shared>> -> memref<10240x144xf32, #tpu.memory_space<vmem_shared>>
        tpu.wait_indirect_dma semaphore(%run_scoped3A_370 : memref<!tpu.dma_semaphore, #tpu.memory_space<semaphore_mem>>) src(%arg10 : memref<64x144xf32, #tpu.memory_space<vmem>>) dst(%dma_wait3A_382 : memref<10240x144xf32, #tpu.memory_space<vmem_shared>>)
        tpu.yield
      }) : () -> ()
      %dma_wait3A_313 = arith.constant 5 : i32
      %dma_wait3A_314 = arith.constant 0 : i32
      %dma_wait3A_315 = tpu.memref_slice %arg8[%dma_wait3A_313, %dma_wait3A_314] : memref<8x64xi32, #tpu.memory_space<vmem>> -> memref<1x64xi32, #tpu.memory_space<vmem>>
      %dma_wait3A_316 = tpu.memref_squeeze %dma_wait3A_315 : memref<1x64xi32, #tpu.memory_space<vmem>> -> memref<64xi32, #tpu.memory_space<vmem>>
      %dma_wait3A_317 = arith.constant 0 : i32
      %dma_wait3A_318 = arith.constant 0 : i32
      %dma_wait3A_319 = tpu.memref_slice %arg2[%dma_wait3A_317, %dma_wait3A_318] : memref<10240x144xf32, #tpu.memory_space<hbm>> -> memref<10240x144xf32, #tpu.memory_space<hbm>>
      tpu.wait_indirect_dma semaphore(%arg12 : memref<!tpu.dma_semaphore, #tpu.memory_space<semaphore_mem>>) src(%dma_wait3A_319 : memref<10240x144xf32, #tpu.memory_space<hbm>>) dst(%arg11 : memref<64x144xf32, #tpu.memory_space<vmem>>)
      %dma_start3A_320 = arith.constant 6 : i32
      %dma_start3A_321 = arith.constant 0 : i32
      %dma_start3A_322 = tpu.memref_slice %arg8[%dma_start3A_320, %dma_start3A_321] : memref<8x64xi32, #tpu.memory_space<vmem>> -> memref<1x64xi32, #tpu.memory_space<vmem>>
      %dma_start3A_323 = tpu.memref_squeeze %dma_start3A_322 : memref<1x64xi32, #tpu.memory_space<vmem>> -> memref<64xi32, #tpu.memory_space<vmem>>
      %dma_start3A_324 = arith.constant 0 : i32
      %dma_start3A_325 = arith.constant 0 : i32
      %dma_start3A_326 = tpu.memref_slice %arg2[%dma_start3A_324, %dma_start3A_325] : memref<10240x144xf32, #tpu.memory_space<hbm>> -> memref<10240x144xf32, #tpu.memory_space<hbm>>
      tpu.enqueue_indirect_dma source(%dma_start3A_326 : memref<10240x144xf32, #tpu.memory_space<hbm>>) target(%arg10 : memref<64x144xf32, #tpu.memory_space<vmem>>) offsets(%dma_start3A_323 : memref<64xi32, #tpu.memory_space<vmem>>) semaphore(%arg12 : memref<!tpu.dma_semaphore, #tpu.memory_space<semaphore_mem>>)
      %run_scoped3A_327 = arith.constant 5 : i32
      "tpu.region"() ({
        %run_scoped3A_370 = tpu.sem_alloc : memref<!tpu.dma_semaphore, #tpu.memory_space<semaphore_mem>>
        %dma_start3A_371 = arith.constant 0 : i32
        %dma_start3A_372 = tpu.memref_slice %arg9[%run_scoped3A_327, %dma_start3A_371] : memref<8x64xi32, #tpu.memory_space<vmem>> -> memref<1x64xi32, #tpu.memory_space<vmem>>
        %dma_start3A_373 = tpu.memref_squeeze %dma_start3A_372 : memref<1x64xi32, #tpu.memory_space<vmem>> -> memref<64xi32, #tpu.memory_space<vmem>>
        %dma_start3A_374 = arith.constant 0 : i32
        %dma_start3A_375 = arith.constant 0 : i32
        %dma_start3A_376 = tpu.memref_slice %arg14[%dma_start3A_374, %dma_start3A_375] : memref<10240x144xf32, #tpu.memory_space<vmem_shared>> -> memref<10240x144xf32, #tpu.memory_space<vmem_shared>>
        tpu.enqueue_indirect_dma source(%arg11 : memref<64x144xf32, #tpu.memory_space<vmem>>) target(%dma_start3A_376 : memref<10240x144xf32, #tpu.memory_space<vmem_shared>>) offsets(%dma_start3A_373 : memref<64xi32, #tpu.memory_space<vmem>>) semaphore(%run_scoped3A_370 : memref<!tpu.dma_semaphore, #tpu.memory_space<semaphore_mem>>) {add = true}
        %dma_wait3A_377 = arith.constant 0 : i32
        %dma_wait3A_378 = tpu.memref_slice %arg9[%run_scoped3A_327, %dma_wait3A_377] : memref<8x64xi32, #tpu.memory_space<vmem>> -> memref<1x64xi32, #tpu.memory_space<vmem>>
        %dma_wait3A_379 = tpu.memref_squeeze %dma_wait3A_378 : memref<1x64xi32, #tpu.memory_space<vmem>> -> memref<64xi32, #tpu.memory_space<vmem>>
        %dma_wait3A_380 = arith.constant 0 : i32
        %dma_wait3A_381 = arith.constant 0 : i32
        %dma_wait3A_382 = tpu.memref_slice %arg14[%dma_wait3A_380, %dma_wait3A_381] : memref<10240x144xf32, #tpu.memory_space<vmem_shared>> -> memref<10240x144xf32, #tpu.memory_space<vmem_shared>>
        tpu.wait_indirect_dma semaphore(%run_scoped3A_370 : memref<!tpu.dma_semaphore, #tpu.memory_space<semaphore_mem>>) src(%arg11 : memref<64x144xf32, #tpu.memory_space<vmem>>) dst(%dma_wait3A_382 : memref<10240x144xf32, #tpu.memory_space<vmem_shared>>)
        tpu.yield
      }) : () -> ()
      %dma_wait3A_328 = arith.constant 6 : i32
      %dma_wait3A_329 = arith.constant 0 : i32
      %dma_wait3A_330 = tpu.memref_slice %arg8[%dma_wait3A_328, %dma_wait3A_329] : memref<8x64xi32, #tpu.memory_space<vmem>> -> memref<1x64xi32, #tpu.memory_space<vmem>>
      %dma_wait3A_331 = tpu.memref_squeeze %dma_wait3A_330 : memref<1x64xi32, #tpu.memory_space<vmem>> -> memref<64xi32, #tpu.memory_space<vmem>>
      %dma_wait3A_332 = arith.constant 0 : i32
      %dma_wait3A_333 = arith.constant 0 : i32
      %dma_wait3A_334 = tpu.memref_slice %arg2[%dma_wait3A_332, %dma_wait3A_333] : memref<10240x144xf32, #tpu.memory_space<hbm>> -> memref<10240x144xf32, #tpu.memory_space<hbm>>
      tpu.wait_indirect_dma semaphore(%arg12 : memref<!tpu.dma_semaphore, #tpu.memory_space<semaphore_mem>>) src(%dma_wait3A_334 : memref<10240x144xf32, #tpu.memory_space<hbm>>) dst(%arg10 : memref<64x144xf32, #tpu.memory_space<vmem>>)
      %dma_start3A_335 = arith.constant 7 : i32
      %dma_start3A_336 = arith.constant 0 : i32
      %dma_start3A_337 = tpu.memref_slice %arg8[%dma_start3A_335, %dma_start3A_336] : memref<8x64xi32, #tpu.memory_space<vmem>> -> memref<1x64xi32, #tpu.memory_space<vmem>>
      %dma_start3A_338 = tpu.memref_squeeze %dma_start3A_337 : memref<1x64xi32, #tpu.memory_space<vmem>> -> memref<64xi32, #tpu.memory_space<vmem>>
      %dma_start3A_339 = arith.constant 0 : i32
      %dma_start3A_340 = arith.constant 0 : i32
      %dma_start3A_341 = tpu.memref_slice %arg2[%dma_start3A_339, %dma_start3A_340] : memref<10240x144xf32, #tpu.memory_space<hbm>> -> memref<10240x144xf32, #tpu.memory_space<hbm>>
      tpu.enqueue_indirect_dma source(%dma_start3A_341 : memref<10240x144xf32, #tpu.memory_space<hbm>>) target(%arg11 : memref<64x144xf32, #tpu.memory_space<vmem>>) offsets(%dma_start3A_338 : memref<64xi32, #tpu.memory_space<vmem>>) semaphore(%arg12 : memref<!tpu.dma_semaphore, #tpu.memory_space<semaphore_mem>>)
      %run_scoped3A_342 = arith.constant 6 : i32
      "tpu.region"() ({
        %run_scoped3A_370 = tpu.sem_alloc : memref<!tpu.dma_semaphore, #tpu.memory_space<semaphore_mem>>
        %dma_start3A_371 = arith.constant 0 : i32
        %dma_start3A_372 = tpu.memref_slice %arg9[%run_scoped3A_342, %dma_start3A_371] : memref<8x64xi32, #tpu.memory_space<vmem>> -> memref<1x64xi32, #tpu.memory_space<vmem>>
        %dma_start3A_373 = tpu.memref_squeeze %dma_start3A_372 : memref<1x64xi32, #tpu.memory_space<vmem>> -> memref<64xi32, #tpu.memory_space<vmem>>
        %dma_start3A_374 = arith.constant 0 : i32
        %dma_start3A_375 = arith.constant 0 : i32
        %dma_start3A_376 = tpu.memref_slice %arg14[%dma_start3A_374, %dma_start3A_375] : memref<10240x144xf32, #tpu.memory_space<vmem_shared>> -> memref<10240x144xf32, #tpu.memory_space<vmem_shared>>
        tpu.enqueue_indirect_dma source(%arg10 : memref<64x144xf32, #tpu.memory_space<vmem>>) target(%dma_start3A_376 : memref<10240x144xf32, #tpu.memory_space<vmem_shared>>) offsets(%dma_start3A_373 : memref<64xi32, #tpu.memory_space<vmem>>) semaphore(%run_scoped3A_370 : memref<!tpu.dma_semaphore, #tpu.memory_space<semaphore_mem>>) {add = true}
        %dma_wait3A_377 = arith.constant 0 : i32
        %dma_wait3A_378 = tpu.memref_slice %arg9[%run_scoped3A_342, %dma_wait3A_377] : memref<8x64xi32, #tpu.memory_space<vmem>> -> memref<1x64xi32, #tpu.memory_space<vmem>>
        %dma_wait3A_379 = tpu.memref_squeeze %dma_wait3A_378 : memref<1x64xi32, #tpu.memory_space<vmem>> -> memref<64xi32, #tpu.memory_space<vmem>>
        %dma_wait3A_380 = arith.constant 0 : i32
        %dma_wait3A_381 = arith.constant 0 : i32
        %dma_wait3A_382 = tpu.memref_slice %arg14[%dma_wait3A_380, %dma_wait3A_381] : memref<10240x144xf32, #tpu.memory_space<vmem_shared>> -> memref<10240x144xf32, #tpu.memory_space<vmem_shared>>
        tpu.wait_indirect_dma semaphore(%run_scoped3A_370 : memref<!tpu.dma_semaphore, #tpu.memory_space<semaphore_mem>>) src(%arg10 : memref<64x144xf32, #tpu.memory_space<vmem>>) dst(%dma_wait3A_382 : memref<10240x144xf32, #tpu.memory_space<vmem_shared>>)
        tpu.yield
      }) : () -> ()
      %dma_wait3A_343 = arith.constant 7 : i32
      %dma_wait3A_344 = arith.constant 0 : i32
      %dma_wait3A_345 = tpu.memref_slice %arg8[%dma_wait3A_343, %dma_wait3A_344] : memref<8x64xi32, #tpu.memory_space<vmem>> -> memref<1x64xi32, #tpu.memory_space<vmem>>
      %dma_wait3A_346 = tpu.memref_squeeze %dma_wait3A_345 : memref<1x64xi32, #tpu.memory_space<vmem>> -> memref<64xi32, #tpu.memory_space<vmem>>
      %dma_wait3A_347 = arith.constant 0 : i32
      %dma_wait3A_348 = arith.constant 0 : i32
      %dma_wait3A_349 = tpu.memref_slice %arg2[%dma_wait3A_347, %dma_wait3A_348] : memref<10240x144xf32, #tpu.memory_space<hbm>> -> memref<10240x144xf32, #tpu.memory_space<hbm>>
      tpu.wait_indirect_dma semaphore(%arg12 : memref<!tpu.dma_semaphore, #tpu.memory_space<semaphore_mem>>) src(%dma_wait3A_349 : memref<10240x144xf32, #tpu.memory_space<hbm>>) dst(%arg11 : memref<64x144xf32, #tpu.memory_space<vmem>>)
      %add3A_350 = arith.constant 1 : i32
      %add3A_351 = arith.addi %add3A_237, %add3A_350 : i32
      %lt3A_352 = arith.cmpi slt, %add3A_351, %select_n3A_9 : i32
      %convert_element_type3A_353 = arith.extui %lt3A_352 : i1 to i32
      %cond3A_354 = arith.constant 0 : i32
      %cond3A_355 = arith.cmpi ne, %convert_element_type3A_353, %cond3A_354 : i32
      scf.if %cond3A_355 {
        %dma_start3A_370 = arith.constant 0 : i32
        %dma_start3A_371 = arith.constant 0 : i32
        %dma_start3A_372 = tpu.memref_slice %arg6[%dma_start3A_370, %dma_start3A_371] : memref<8x64xi32, #tpu.memory_space<vmem>> -> memref<1x64xi32, #tpu.memory_space<vmem>>
        %dma_start3A_373 = tpu.memref_squeeze %dma_start3A_372 : memref<1x64xi32, #tpu.memory_space<vmem>> -> memref<64xi32, #tpu.memory_space<vmem>>
        %dma_start3A_374 = arith.constant 0 : i32
        %dma_start3A_375 = arith.constant 0 : i32
        %dma_start3A_376 = tpu.memref_slice %arg2[%dma_start3A_374, %dma_start3A_375] : memref<10240x144xf32, #tpu.memory_space<hbm>> -> memref<10240x144xf32, #tpu.memory_space<hbm>>
        tpu.enqueue_indirect_dma source(%dma_start3A_376 : memref<10240x144xf32, #tpu.memory_space<hbm>>) target(%arg10 : memref<64x144xf32, #tpu.memory_space<vmem>>) offsets(%dma_start3A_373 : memref<64xi32, #tpu.memory_space<vmem>>) semaphore(%arg12 : memref<!tpu.dma_semaphore, #tpu.memory_space<semaphore_mem>>)
      } else {
      }
      %run_scoped3A_356 = arith.constant 7 : i32
      "tpu.region"() ({
        %run_scoped3A_370 = tpu.sem_alloc : memref<!tpu.dma_semaphore, #tpu.memory_space<semaphore_mem>>
        %dma_start3A_371 = arith.constant 0 : i32
        %dma_start3A_372 = tpu.memref_slice %arg9[%run_scoped3A_356, %dma_start3A_371] : memref<8x64xi32, #tpu.memory_space<vmem>> -> memref<1x64xi32, #tpu.memory_space<vmem>>
        %dma_start3A_373 = tpu.memref_squeeze %dma_start3A_372 : memref<1x64xi32, #tpu.memory_space<vmem>> -> memref<64xi32, #tpu.memory_space<vmem>>
        %dma_start3A_374 = arith.constant 0 : i32
        %dma_start3A_375 = arith.constant 0 : i32
        %dma_start3A_376 = tpu.memref_slice %arg14[%dma_start3A_374, %dma_start3A_375] : memref<10240x144xf32, #tpu.memory_space<vmem_shared>> -> memref<10240x144xf32, #tpu.memory_space<vmem_shared>>
        tpu.enqueue_indirect_dma source(%arg11 : memref<64x144xf32, #tpu.memory_space<vmem>>) target(%dma_start3A_376 : memref<10240x144xf32, #tpu.memory_space<vmem_shared>>) offsets(%dma_start3A_373 : memref<64xi32, #tpu.memory_space<vmem>>) semaphore(%run_scoped3A_370 : memref<!tpu.dma_semaphore, #tpu.memory_space<semaphore_mem>>) {add = true}
        %dma_wait3A_377 = arith.constant 0 : i32
        %dma_wait3A_378 = tpu.memref_slice %arg9[%run_scoped3A_356, %dma_wait3A_377] : memref<8x64xi32, #tpu.memory_space<vmem>> -> memref<1x64xi32, #tpu.memory_space<vmem>>
        %dma_wait3A_379 = tpu.memref_squeeze %dma_wait3A_378 : memref<1x64xi32, #tpu.memory_space<vmem>> -> memref<64xi32, #tpu.memory_space<vmem>>
        %dma_wait3A_380 = arith.constant 0 : i32
        %dma_wait3A_381 = arith.constant 0 : i32
        %dma_wait3A_382 = tpu.memref_slice %arg14[%dma_wait3A_380, %dma_wait3A_381] : memref<10240x144xf32, #tpu.memory_space<vmem_shared>> -> memref<10240x144xf32, #tpu.memory_space<vmem_shared>>
        tpu.wait_indirect_dma semaphore(%run_scoped3A_370 : memref<!tpu.dma_semaphore, #tpu.memory_space<semaphore_mem>>) src(%arg11 : memref<64x144xf32, #tpu.memory_space<vmem>>) dst(%dma_wait3A_382 : memref<10240x144xf32, #tpu.memory_space<vmem_shared>>)
        tpu.yield
      }) : () -> ()
      %add3A_357 = arith.constant 2 : i32
      %add3A_358 = arith.addi %add3A_237, %add3A_357 : i32
      %lt3A_359 = arith.cmpi slt, %add3A_358, %select_n3A_9 : i32
      %convert_element_type3A_360 = arith.extui %lt3A_359 : i1 to i32
      %cond3A_361 = arith.constant 0 : i32
      %cond3A_362 = arith.cmpi ne, %convert_element_type3A_360, %cond3A_361 : i32
      scf.if %cond3A_362 {
        %add3A_370 = arith.constant 2 : i32
        %add3A_371 = arith.addi %add3A_237, %add3A_370 : i32
        %mul3A_372 = arith.constant 8 : i32
        %mul3A_373 = arith.muli %add3A_371, %mul3A_372 : i32
        %add3A_374 = arith.addi %select_n3A, %mul3A_373 : i32
        %dma_start3A_375 = arith.constant 0 : i32
        %dma_start3A_376 = tpu.memref_slice %arg3[%add3A_374, %dma_start3A_375] : memref<5120x64xi32, #tpu.memory_space<hbm>> -> memref<8x64xi32, #tpu.memory_space<hbm>>
        %dma_start3A_377 = arith.constant 0 : i32
        %dma_start3A_378 = tpu.memref_slice %arg3[%add3A_374, %dma_start3A_377] : memref<5120x64xi32, #tpu.memory_space<hbm>> -> memref<8x64xi32, #tpu.memory_space<hbm>>
        tpu.enqueue_dma source(%dma_start3A_378 : memref<8x64xi32, #tpu.memory_space<hbm>>) target(%arg8 : memref<8x64xi32, #tpu.memory_space<vmem>>) target_semaphore(%arg13 : memref<!tpu.dma_semaphore, #tpu.memory_space<semaphore_mem>>)
        %mul3A_379 = arith.constant 8 : i32
        %mul3A_380 = arith.muli %add3A_371, %mul3A_379 : i32
        %add3A_381 = arith.addi %select_n3A, %mul3A_380 : i32
        %dma_start3A_382 = arith.constant 0 : i32
        %dma_start3A_383 = tpu.memref_slice %arg4[%add3A_381, %dma_start3A_382] : memref<5120x64xi32, #tpu.memory_space<hbm>> -> memref<8x64xi32, #tpu.memory_space<hbm>>
        %dma_start3A_384 = arith.constant 0 : i32
        %dma_start3A_385 = tpu.memref_slice %arg4[%add3A_381, %dma_start3A_384] : memref<5120x64xi32, #tpu.memory_space<hbm>> -> memref<8x64xi32, #tpu.memory_space<hbm>>
        tpu.enqueue_dma source(%dma_start3A_385 : memref<8x64xi32, #tpu.memory_space<hbm>>) target(%arg9 : memref<8x64xi32, #tpu.memory_space<vmem>>) target_semaphore(%arg13 : memref<!tpu.dma_semaphore, #tpu.memory_space<semaphore_mem>>)
      } else {
      }
      %add3A_363 = arith.constant 1 : i32
      %add3A_364 = arith.addi %add3A_237, %add3A_363 : i32
      %lt3A_365 = arith.cmpi slt, %add3A_364, %select_n3A_9 : i32
      %convert_element_type3A_366 = arith.extui %lt3A_365 : i1 to i32
      %cond3A_367 = arith.constant 0 : i32
      %cond3A_368 = arith.cmpi ne, %convert_element_type3A_366, %cond3A_367 : i32
      scf.if %cond3A_368 {
        %add3A_370 = arith.constant 1 : i32
        %add3A_371 = arith.addi %add3A_237, %add3A_370 : i32
        %mul3A_372 = arith.constant 8 : i32
        %mul3A_373 = arith.muli %add3A_371, %mul3A_372 : i32
        %add3A_374 = arith.addi %select_n3A, %mul3A_373 : i32
        %dma_wait3A_375 = arith.constant 0 : i32
        %dma_wait3A_376 = tpu.memref_slice %arg3[%add3A_374, %dma_wait3A_375] : memref<5120x64xi32, #tpu.memory_space<hbm>> -> memref<8x64xi32, #tpu.memory_space<hbm>>
        %dma_wait3A_377 = arith.constant 0 : i32
        %dma_wait3A_378 = tpu.memref_slice %arg3[%add3A_374, %dma_wait3A_377] : memref<5120x64xi32, #tpu.memory_space<hbm>> -> memref<8x64xi32, #tpu.memory_space<hbm>>
        tpu.wait_dma2 semaphore(%arg13 : memref<!tpu.dma_semaphore, #tpu.memory_space<semaphore_mem>>) src(%dma_wait3A_378 : memref<8x64xi32, #tpu.memory_space<hbm>>) dst(%arg6 : memref<8x64xi32, #tpu.memory_space<vmem>>)
        %mul3A_379 = arith.constant 8 : i32
        %mul3A_380 = arith.muli %add3A_371, %mul3A_379 : i32
        %add3A_381 = arith.addi %select_n3A, %mul3A_380 : i32
        %dma_wait3A_382 = arith.constant 0 : i32
        %dma_wait3A_383 = tpu.memref_slice %arg4[%add3A_381, %dma_wait3A_382] : memref<5120x64xi32, #tpu.memory_space<hbm>> -> memref<8x64xi32, #tpu.memory_space<hbm>>
        %dma_wait3A_384 = arith.constant 0 : i32
        %dma_wait3A_385 = tpu.memref_slice %arg4[%add3A_381, %dma_wait3A_384] : memref<5120x64xi32, #tpu.memory_space<hbm>> -> memref<8x64xi32, #tpu.memory_space<hbm>>
        tpu.wait_dma2 semaphore(%arg13 : memref<!tpu.dma_semaphore, #tpu.memory_space<semaphore_mem>>) src(%dma_wait3A_385 : memref<8x64xi32, #tpu.memory_space<hbm>>) dst(%arg7 : memref<8x64xi32, #tpu.memory_space<vmem>>)
      } else {
      }
      %while3A_369 = arith.constant 0 : i32
      scf.yield %while3A_369 : i32
    }
    %barrier3A_98 = arith.constant 0 : index
    tpu.barrier barrier_id(%barrier3A_98)
    "tpu.region"() ({
      %run_scoped3A = tpu.sem_alloc : memref<!tpu.dma_semaphore, #tpu.memory_space<semaphore_mem>>
      %dma_start3A_99 = arith.constant 0 : i32
      %dma_start3A_100 = tpu.memref_slice %arg5[%arg0, %mul3A_17, %dma_start3A_99] : memref<2x10240x144xf32, #tpu.memory_space<hbm>> -> memref<1x640x144xf32, #tpu.memory_space<hbm>>
      %dma_start3A_101 = tpu.memref_squeeze %dma_start3A_100 : memref<1x640x144xf32, #tpu.memory_space<hbm>> -> memref<640x144xf32, #tpu.memory_space<hbm>>
      %dma_start3A_102 = arith.constant 0 : i32
      %dma_start3A_103 = tpu.memref_slice %arg14[%mul3A_17, %dma_start3A_102] : memref<10240x144xf32, #tpu.memory_space<vmem_shared>> -> memref<640x144xf32, #tpu.memory_space<vmem_shared>>
      tpu.enqueue_dma source(%dma_start3A_103 : memref<640x144xf32, #tpu.memory_space<vmem_shared>>) target(%dma_start3A_101 : memref<640x144xf32, #tpu.memory_space<hbm>>) target_semaphore(%run_scoped3A : memref<!tpu.dma_semaphore, #tpu.memory_space<semaphore_mem>>)
      %dma_wait3A_104 = arith.constant 0 : i32
      %dma_wait3A_105 = tpu.memref_slice %arg5[%arg0, %mul3A_17, %dma_wait3A_104] : memref<2x10240x144xf32, #tpu.memory_space<hbm>> -> memref<1x640x144xf32, #tpu.memory_space<hbm>>
      %dma_wait3A_106 = tpu.memref_squeeze %dma_wait3A_105 : memref<1x640x144xf32, #tpu.memory_space<hbm>> -> memref<640x144xf32, #tpu.memory_space<hbm>>
      %dma_wait3A_107 = arith.constant 0 : i32
      %dma_wait3A_108 = tpu.memref_slice %arg14[%mul3A_17, %dma_wait3A_107] : memref<10240x144xf32, #tpu.memory_space<vmem_shared>> -> memref<640x144xf32, #tpu.memory_space<vmem_shared>>
      tpu.wait_dma2 semaphore(%run_scoped3A : memref<!tpu.dma_semaphore, #tpu.memory_space<semaphore_mem>>) src(%dma_wait3A_108 : memref<640x144xf32, #tpu.memory_space<vmem_shared>>) dst(%dma_wait3A_106 : memref<640x144xf32, #tpu.memory_space<hbm>>)
      tpu.yield
    }) : () -> ()
    return
  }
}

#map = affine_map<(d0, d1) -> (0)>
#map1 = affine_map<(d0, d1) -> (0, 0)>
#map2 = affine_map<(d0, d1) -> (0, 0, 0)>
module attributes {stable_mosaic.version = 14 : i64} {
  func.func @_pass_a_body(%arg0: i32, %arg1: i32, %arg2: memref<10000xf32, #tpu.memory_space<hbm>>, %arg3: memref<10000xf32, #tpu.memory_space<hbm>>, %arg4: memref<10000xf32, #tpu.memory_space<hbm>>, %arg5: memref<327680xi32, #tpu.memory_space<hbm>>, %arg6: memref<327680xi32, #tpu.memory_space<hbm>>, %arg7: memref<2x10240xf32, #tpu.memory_space<hbm>>, %arg8: memref<2x10240xf32, #tpu.memory_space<hbm>>, %arg9: memref<32x3x16xf32, #tpu.memory_space<hbm>>, %arg10: memref<10000xf32, #tpu.memory_space<vmem>>, %arg11: memref<10000xf32, #tpu.memory_space<vmem>>, %arg12: memref<10000xf32, #tpu.memory_space<vmem>>, %arg13: memref<10240xi32, #tpu.memory_space<vmem>>, %arg14: memref<10240xi32, #tpu.memory_space<vmem>>, %arg15: memref<10240xf32, #tpu.memory_space<vmem>>, %arg16: memref<10240xf32, #tpu.memory_space<vmem>>, %arg17: memref<16x640xf32, #tpu.memory_space<vmem>>, %arg18: memref<16x640xf32, #tpu.memory_space<vmem>>, %arg19: memref<640xf32, #tpu.memory_space<vmem>>, %arg20: memref<640xf32, #tpu.memory_space<vmem>>, %arg21: memref<3x16xf32, #tpu.memory_space<vmem>>, %arg22: memref<16x10240xf32, #tpu.memory_space<vmem_shared>>, %arg23: memref<16x10240xf32, #tpu.memory_space<vmem_shared>>) attributes {dimension_semantics = [#tpu.dimension_semantics<core_parallel>, #tpu.dimension_semantics<subcore_parallel>], iteration_bounds = array<i64: 2, 16>, scalar_prefetch = 0 : i64, scratch_operands = 14 : i64, tpu.core_type = #tpu.core_type<sc_vector_subcore>, window_params = [{transform_indices = #map}, {transform_indices = #map}, {transform_indices = #map}, {transform_indices = #map}, {transform_indices = #map}, {transform_indices = #map1}, {transform_indices = #map1}, {transform_indices = #map2}]} {
    %mul3A = arith.constant 16 : i32
    %mul3A_0 = arith.muli %arg0, %mul3A : i32
    %add3A = arith.addi %mul3A_0, %arg1 : i32
    %broadcast_in_dim3A = arith.constant 0.000000e+00 : f32
    %broadcast_in_dim3A_1 = vector.broadcast %broadcast_in_dim3A : f32 to vector<16xf32>
    %broadcast_in_dim3A_2 = arith.constant 1.000000e+00 : f32
    %broadcast_in_dim3A_3 = vector.broadcast %broadcast_in_dim3A_2 : f32 to vector<16xf32>
    "tpu.region"() ({
      %run_scoped3A_134 = tpu.sem_alloc : memref<!tpu.dma_semaphore, #tpu.memory_space<semaphore_mem>>
      tpu.enqueue_dma source(%arg2 : memref<10000xf32, #tpu.memory_space<hbm>>) target(%arg10 : memref<10000xf32, #tpu.memory_space<vmem>>) target_semaphore(%run_scoped3A_134 : memref<!tpu.dma_semaphore, #tpu.memory_space<semaphore_mem>>)
      tpu.wait_dma2 semaphore(%run_scoped3A_134 : memref<!tpu.dma_semaphore, #tpu.memory_space<semaphore_mem>>) src(%arg2 : memref<10000xf32, #tpu.memory_space<hbm>>) dst(%arg10 : memref<10000xf32, #tpu.memory_space<vmem>>)
      tpu.yield
    }) : () -> ()
    "tpu.region"() ({
      %run_scoped3A_134 = tpu.sem_alloc : memref<!tpu.dma_semaphore, #tpu.memory_space<semaphore_mem>>
      tpu.enqueue_dma source(%arg3 : memref<10000xf32, #tpu.memory_space<hbm>>) target(%arg11 : memref<10000xf32, #tpu.memory_space<vmem>>) target_semaphore(%run_scoped3A_134 : memref<!tpu.dma_semaphore, #tpu.memory_space<semaphore_mem>>)
      tpu.wait_dma2 semaphore(%run_scoped3A_134 : memref<!tpu.dma_semaphore, #tpu.memory_space<semaphore_mem>>) src(%arg3 : memref<10000xf32, #tpu.memory_space<hbm>>) dst(%arg11 : memref<10000xf32, #tpu.memory_space<vmem>>)
      tpu.yield
    }) : () -> ()
    "tpu.region"() ({
      %run_scoped3A_134 = tpu.sem_alloc : memref<!tpu.dma_semaphore, #tpu.memory_space<semaphore_mem>>
      tpu.enqueue_dma source(%arg4 : memref<10000xf32, #tpu.memory_space<hbm>>) target(%arg12 : memref<10000xf32, #tpu.memory_space<vmem>>) target_semaphore(%run_scoped3A_134 : memref<!tpu.dma_semaphore, #tpu.memory_space<semaphore_mem>>)
      tpu.wait_dma2 semaphore(%run_scoped3A_134 : memref<!tpu.dma_semaphore, #tpu.memory_space<semaphore_mem>>) src(%arg4 : memref<10000xf32, #tpu.memory_space<hbm>>) dst(%arg12 : memref<10000xf32, #tpu.memory_space<vmem>>)
      tpu.yield
    }) : () -> ()
    %mul3A_4 = arith.constant 10240 : i32
    %mul3A_5 = arith.muli %add3A, %mul3A_4 : i32
    "tpu.region"() ({
      %run_scoped3A_134 = tpu.sem_alloc : memref<!tpu.dma_semaphore, #tpu.memory_space<semaphore_mem>>
      %dma_start3A = tpu.memref_slice %arg5[%mul3A_5] : memref<327680xi32, #tpu.memory_space<hbm>> -> memref<10240xi32, #tpu.memory_space<hbm>>
      %dma_start3A_135 = tpu.memref_slice %arg5[%mul3A_5] : memref<327680xi32, #tpu.memory_space<hbm>> -> memref<10240xi32, #tpu.memory_space<hbm>>
      tpu.enqueue_dma source(%dma_start3A_135 : memref<10240xi32, #tpu.memory_space<hbm>>) target(%arg13 : memref<10240xi32, #tpu.memory_space<vmem>>) target_semaphore(%run_scoped3A_134 : memref<!tpu.dma_semaphore, #tpu.memory_space<semaphore_mem>>)
      %dma_wait3A = tpu.memref_slice %arg5[%mul3A_5] : memref<327680xi32, #tpu.memory_space<hbm>> -> memref<10240xi32, #tpu.memory_space<hbm>>
      %dma_wait3A_136 = tpu.memref_slice %arg5[%mul3A_5] : memref<327680xi32, #tpu.memory_space<hbm>> -> memref<10240xi32, #tpu.memory_space<hbm>>
      tpu.wait_dma2 semaphore(%run_scoped3A_134 : memref<!tpu.dma_semaphore, #tpu.memory_space<semaphore_mem>>) src(%dma_wait3A_136 : memref<10240xi32, #tpu.memory_space<hbm>>) dst(%arg13 : memref<10240xi32, #tpu.memory_space<vmem>>)
      tpu.yield
    }) : () -> ()
    %mul3A_6 = arith.constant 10240 : i32
    %mul3A_7 = arith.muli %add3A, %mul3A_6 : i32
    "tpu.region"() ({
      %run_scoped3A_134 = tpu.sem_alloc : memref<!tpu.dma_semaphore, #tpu.memory_space<semaphore_mem>>
      %dma_start3A = tpu.memref_slice %arg6[%mul3A_7] : memref<327680xi32, #tpu.memory_space<hbm>> -> memref<10240xi32, #tpu.memory_space<hbm>>
      %dma_start3A_135 = tpu.memref_slice %arg6[%mul3A_7] : memref<327680xi32, #tpu.memory_space<hbm>> -> memref<10240xi32, #tpu.memory_space<hbm>>
      tpu.enqueue_dma source(%dma_start3A_135 : memref<10240xi32, #tpu.memory_space<hbm>>) target(%arg14 : memref<10240xi32, #tpu.memory_space<vmem>>) target_semaphore(%run_scoped3A_134 : memref<!tpu.dma_semaphore, #tpu.memory_space<semaphore_mem>>)
      %dma_wait3A = tpu.memref_slice %arg6[%mul3A_7] : memref<327680xi32, #tpu.memory_space<hbm>> -> memref<10240xi32, #tpu.memory_space<hbm>>
      %dma_wait3A_136 = tpu.memref_slice %arg6[%mul3A_7] : memref<327680xi32, #tpu.memory_space<hbm>> -> memref<10240xi32, #tpu.memory_space<hbm>>
      tpu.wait_dma2 semaphore(%run_scoped3A_134 : memref<!tpu.dma_semaphore, #tpu.memory_space<semaphore_mem>>) src(%dma_wait3A_136 : memref<10240xi32, #tpu.memory_space<hbm>>) dst(%arg14 : memref<10240xi32, #tpu.memory_space<vmem>>)
      tpu.yield
    }) : () -> ()
    %scan3A = arith.constant 0 : i32
    %scan3A_8 = arith.constant 0 : i32
    %scan3A_9 = arith.constant 640 : i32
    %scan3A_10 = arith.addi %scan3A_8, %scan3A_9 : i32
    %scan3A_11 = arith.constant 1 : i32
    %scan3A_12 = scf.for %scan3A_134 = %scan3A_8 to %scan3A_10 step %scan3A_11 iter_args(%scan3A_135 = %scan3A) -> (i32)  : i32 {
      %mul3A_136 = arith.constant 16 : i32
      %mul3A_137 = arith.muli %scan3A_134, %mul3A_136 : i32
      %swap3A_138 = arith.index_cast %mul3A_137 : i32 to index
      %swap3A_139 = tpu.vector_load %arg15[%swap3A_138] {strides = array<i32>} : memref<10240xf32, #tpu.memory_space<vmem>>, vector<16xf32>,
      tpu.vector_store %arg15[%swap3A_138], %broadcast_in_dim3A_1 {strides = array<i32>} : memref<10240xf32, #tpu.memory_space<vmem>>, vector<16xf32>,
      %mul3A_140 = arith.constant 16 : i32
      %mul3A_141 = arith.muli %scan3A_134, %mul3A_140 : i32
      %swap3A_142 = arith.index_cast %mul3A_141 : i32 to index
      %swap3A_143 = tpu.vector_load %arg16[%swap3A_142] {strides = array<i32>} : memref<10240xf32, #tpu.memory_space<vmem>>, vector<16xf32>,
      tpu.vector_store %arg16[%swap3A_142], %broadcast_in_dim3A_1 {strides = array<i32>} : memref<10240xf32, #tpu.memory_space<vmem>>, vector<16xf32>,
      %scan3A_144 = arith.constant 0 : i32
      scf.yield %scan3A_144 : i32
    }
    %scan3A_13 = arith.constant 640 : i32
    %scan3A_14 = arith.constant 0 : i32
    %scan3A_15 = arith.constant 0 : i32
    %scan3A_16 = arith.constant 320 : i32
    %scan3A_17 = arith.addi %scan3A_15, %scan3A_16 : i32
    %scan3A_18 = arith.constant 1 : i32
    %scan3A_19 = scf.for %scan3A_134 = %scan3A_15 to %scan3A_17 step %scan3A_18 iter_args(%scan3A_135 = %scan3A_14) -> (i32)  : i32 {
      %mul3A_136 = arith.constant 32 : i32
      %mul3A_137 = arith.muli %scan3A_134, %mul3A_136 : i32
      %add3A_138 = arith.constant 0 : i32
      %add3A_139 = arith.addi %mul3A_137, %add3A_138 : i32
      %get3A = arith.index_cast %add3A_139 : i32 to index
      %get3A_140 = tpu.vector_load %arg13[%get3A] {strides = array<i32>} : memref<10240xi32, #tpu.memory_space<vmem>>, vector<16xi32>,
      %get3A_141 = arith.index_cast %add3A_139 : i32 to index
      %get3A_142 = tpu.vector_load %arg14[%get3A_141] {strides = array<i32>} : memref<10240xi32, #tpu.memory_space<vmem>>, vector<16xi32>,
      %gather3A = tpu.vector_load_idx %arg10[%get3A_140] : memref<10000xf32, #tpu.memory_space<vmem>>[vector<16xi32>], vector<16xf32>,
      %gather3A_143 = tpu.vector_load_idx %arg11[%get3A_140] : memref<10000xf32, #tpu.memory_space<vmem>>[vector<16xi32>], vector<16xf32>,
      %gather3A_144 = tpu.vector_load_idx %arg12[%get3A_140] : memref<10000xf32, #tpu.memory_space<vmem>>[vector<16xi32>], vector<16xf32>,
      %gather3A_145 = tpu.vector_load_idx %arg10[%get3A_142] : memref<10000xf32, #tpu.memory_space<vmem>>[vector<16xi32>], vector<16xf32>,
      %gather3A_146 = tpu.vector_load_idx %arg11[%get3A_142] : memref<10000xf32, #tpu.memory_space<vmem>>[vector<16xi32>], vector<16xf32>,
      %gather3A_147 = tpu.vector_load_idx %arg12[%get3A_142] : memref<10000xf32, #tpu.memory_space<vmem>>[vector<16xi32>], vector<16xf32>,
      %sub3A_148 = arith.subf %gather3A, %gather3A_145 : vector<16xf32>
      %sub3A_149 = arith.subf %gather3A_143, %gather3A_146 : vector<16xf32>
      %sub3A_150 = arith.subf %gather3A_144, %gather3A_147 : vector<16xf32>
      %mul3A_151 = arith.mulf %sub3A_148, %sub3A_148 : vector<16xf32>
      %mul3A_152 = arith.mulf %sub3A_149, %sub3A_149 : vector<16xf32>
      %add3A_153 = arith.addf %mul3A_151, %mul3A_152 : vector<16xf32>
      %mul3A_154 = arith.mulf %sub3A_150, %sub3A_150 : vector<16xf32>
      %add3A_155 = arith.addf %add3A_153, %mul3A_154 : vector<16xf32>
      %bitcast_convert_type3A = tpu.bitcast %add3A_155 : vector<16xf32> -> vector<16xi32>
      %shift_right_logical3A = arith.constant 1 : i32
      %shift_right_logical3A_156 = vector.broadcast %shift_right_logical3A : i32 to vector<16xi32>
      %shift_right_logical3A_157 = arith.shrui %bitcast_convert_type3A, %shift_right_logical3A_156 : vector<16xi32>
      %add3A_158 = arith.constant 532487669 : i32
      %add3A_159 = vector.broadcast %add3A_158 : i32 to vector<16xi32>
      %add3A_160 = arith.addi %add3A_159, %shift_right_logical3A_157 : vector<16xi32>
      %bitcast_convert_type3A_161 = tpu.bitcast %add3A_160 : vector<16xi32> -> vector<16xf32>
      %div3A_162 = arith.divf %add3A_155, %bitcast_convert_type3A_161 : vector<16xf32>
      %add3A_163 = arith.addf %bitcast_convert_type3A_161, %div3A_162 : vector<16xf32>
      %mul3A_164 = arith.constant 5.000000e-01 : f32
      %mul3A_165 = vector.broadcast %mul3A_164 : f32 to vector<16xf32>
      %mul3A_166 = arith.mulf %add3A_163, %mul3A_165 : vector<16xf32>
      %div3A_167 = arith.divf %add3A_155, %mul3A_166 : vector<16xf32>
      %add3A_168 = arith.addf %mul3A_166, %div3A_167 : vector<16xf32>
      %mul3A_169 = arith.constant 5.000000e-01 : f32
      %mul3A_170 = vector.broadcast %mul3A_169 : f32 to vector<16xf32>
      %mul3A_171 = arith.mulf %add3A_168, %mul3A_170 : vector<16xf32>
      %div3A_172 = arith.divf %add3A_155, %mul3A_171 : vector<16xf32>
      %add3A_173 = arith.addf %mul3A_171, %div3A_172 : vector<16xf32>
      %mul3A_174 = arith.constant 5.000000e-01 : f32
      %mul3A_175 = vector.broadcast %mul3A_174 : f32 to vector<16xf32>
      %mul3A_176 = arith.mulf %add3A_173, %mul3A_175 : vector<16xf32>
      %gt3A = arith.constant 0.000000e+00 : f32
      %gt3A_177 = vector.broadcast %gt3A : f32 to vector<16xf32>
      %gt3A_178 = arith.cmpf ogt, %add3A_155, %gt3A_177 : vector<16xf32>
      %select_n3A_179 = arith.select %gt3A_178, %mul3A_176, %broadcast_in_dim3A_1 : vector<16xi1>, vector<16xf32>
      tpu.vector_store_idx %arg16[%get3A_142], %select_n3A_179 {add = true} : memref<10240xf32, #tpu.memory_space<vmem>>[vector<16xi32>], vector<16xf32>,
      tpu.vector_store_idx %arg15[%get3A_142], %broadcast_in_dim3A_3 {add = true} : memref<10240xf32, #tpu.memory_space<vmem>>[vector<16xi32>], vector<16xf32>,
      %mul3A_180 = arith.constant 32 : i32
      %mul3A_181 = arith.muli %scan3A_134, %mul3A_180 : i32
      %add3A_182 = arith.constant 16 : i32
      %add3A_183 = arith.addi %mul3A_181, %add3A_182 : i32
      %get3A_184 = arith.index_cast %add3A_183 : i32 to index
      %get3A_185 = tpu.vector_load %arg13[%get3A_184] {strides = array<i32>} : memref<10240xi32, #tpu.memory_space<vmem>>, vector<16xi32>,
      %get3A_186 = arith.index_cast %add3A_183 : i32 to index
      %get3A_187 = tpu.vector_load %arg14[%get3A_186] {strides = array<i32>} : memref<10240xi32, #tpu.memory_space<vmem>>, vector<16xi32>,
      %gather3A_188 = tpu.vector_load_idx %arg10[%get3A_185] : memref<10000xf32, #tpu.memory_space<vmem>>[vector<16xi32>], vector<16xf32>,
      %gather3A_189 = tpu.vector_load_idx %arg11[%get3A_185] : memref<10000xf32, #tpu.memory_space<vmem>>[vector<16xi32>], vector<16xf32>,
      %gather3A_190 = tpu.vector_load_idx %arg12[%get3A_185] : memref<10000xf32, #tpu.memory_space<vmem>>[vector<16xi32>], vector<16xf32>,
      %gather3A_191 = tpu.vector_load_idx %arg10[%get3A_187] : memref<10000xf32, #tpu.memory_space<vmem>>[vector<16xi32>], vector<16xf32>,
      %gather3A_192 = tpu.vector_load_idx %arg11[%get3A_187] : memref<10000xf32, #tpu.memory_space<vmem>>[vector<16xi32>], vector<16xf32>,
      %gather3A_193 = tpu.vector_load_idx %arg12[%get3A_187] : memref<10000xf32, #tpu.memory_space<vmem>>[vector<16xi32>], vector<16xf32>,
      %sub3A_194 = arith.subf %gather3A_188, %gather3A_191 : vector<16xf32>
      %sub3A_195 = arith.subf %gather3A_189, %gather3A_192 : vector<16xf32>
      %sub3A_196 = arith.subf %gather3A_190, %gather3A_193 : vector<16xf32>
      %mul3A_197 = arith.mulf %sub3A_194, %sub3A_194 : vector<16xf32>
      %mul3A_198 = arith.mulf %sub3A_195, %sub3A_195 : vector<16xf32>
      %add3A_199 = arith.addf %mul3A_197, %mul3A_198 : vector<16xf32>
      %mul3A_200 = arith.mulf %sub3A_196, %sub3A_196 : vector<16xf32>
      %add3A_201 = arith.addf %add3A_199, %mul3A_200 : vector<16xf32>
      %bitcast_convert_type3A_202 = tpu.bitcast %add3A_201 : vector<16xf32> -> vector<16xi32>
      %shift_right_logical3A_203 = arith.constant 1 : i32
      %shift_right_logical3A_204 = vector.broadcast %shift_right_logical3A_203 : i32 to vector<16xi32>
      %shift_right_logical3A_205 = arith.shrui %bitcast_convert_type3A_202, %shift_right_logical3A_204 : vector<16xi32>
      %add3A_206 = arith.constant 532487669 : i32
      %add3A_207 = vector.broadcast %add3A_206 : i32 to vector<16xi32>
      %add3A_208 = arith.addi %add3A_207, %shift_right_logical3A_205 : vector<16xi32>
      %bitcast_convert_type3A_209 = tpu.bitcast %add3A_208 : vector<16xi32> -> vector<16xf32>
      %div3A_210 = arith.divf %add3A_201, %bitcast_convert_type3A_209 : vector<16xf32>
      %add3A_211 = arith.addf %bitcast_convert_type3A_209, %div3A_210 : vector<16xf32>
      %mul3A_212 = arith.constant 5.000000e-01 : f32
      %mul3A_213 = vector.broadcast %mul3A_212 : f32 to vector<16xf32>
      %mul3A_214 = arith.mulf %add3A_211, %mul3A_213 : vector<16xf32>
      %div3A_215 = arith.divf %add3A_201, %mul3A_214 : vector<16xf32>
      %add3A_216 = arith.addf %mul3A_214, %div3A_215 : vector<16xf32>
      %mul3A_217 = arith.constant 5.000000e-01 : f32
      %mul3A_218 = vector.broadcast %mul3A_217 : f32 to vector<16xf32>
      %mul3A_219 = arith.mulf %add3A_216, %mul3A_218 : vector<16xf32>
      %div3A_220 = arith.divf %add3A_201, %mul3A_219 : vector<16xf32>
      %add3A_221 = arith.addf %mul3A_219, %div3A_220 : vector<16xf32>
      %mul3A_222 = arith.constant 5.000000e-01 : f32
      %mul3A_223 = vector.broadcast %mul3A_222 : f32 to vector<16xf32>
      %mul3A_224 = arith.mulf %add3A_221, %mul3A_223 : vector<16xf32>
      %gt3A_225 = arith.constant 0.000000e+00 : f32
      %gt3A_226 = vector.broadcast %gt3A_225 : f32 to vector<16xf32>
      %gt3A_227 = arith.cmpf ogt, %add3A_201, %gt3A_226 : vector<16xf32>
      %select_n3A_228 = arith.select %gt3A_227, %mul3A_224, %broadcast_in_dim3A_1 : vector<16xi1>, vector<16xf32>
      tpu.vector_store_idx %arg16[%get3A_187], %select_n3A_228 {add = true} : memref<10240xf32, #tpu.memory_space<vmem>>[vector<16xi32>], vector<16xf32>,
      tpu.vector_store_idx %arg15[%get3A_187], %broadcast_in_dim3A_3 {add = true} : memref<10240xf32, #tpu.memory_space<vmem>>[vector<16xi32>], vector<16xf32>,
      %scan3A_229 = arith.constant 0 : i32
      scf.yield %scan3A_229 : i32
    }
    %scan3A_20 = arith.constant 320 : i32
    "tpu.region"() ({
      %run_scoped3A_134 = tpu.sem_alloc : memref<!tpu.dma_semaphore, #tpu.memory_space<semaphore_mem>>
      %dma_start3A = arith.constant 0 : i32
      %dma_start3A_135 = tpu.memref_slice %arg22[%arg1, %dma_start3A] : memref<16x10240xf32, #tpu.memory_space<vmem_shared>> -> memref<1x10240xf32, #tpu.memory_space<vmem_shared>>
      %dma_start3A_136 = tpu.memref_squeeze %dma_start3A_135 : memref<1x10240xf32, #tpu.memory_space<vmem_shared>> -> memref<10240xf32, #tpu.memory_space<vmem_shared>>
      %dma_start3A_137 = arith.constant 0 : i32
      %dma_start3A_138 = tpu.memref_slice %arg22[%arg1, %dma_start3A_137] : memref<16x10240xf32, #tpu.memory_space<vmem_shared>> -> memref<1x10240xf32, #tpu.memory_space<vmem_shared>>
      %dma_start3A_139 = tpu.memref_squeeze %dma_start3A_138 : memref<1x10240xf32, #tpu.memory_space<vmem_shared>> -> memref<10240xf32, #tpu.memory_space<vmem_shared>>
      tpu.enqueue_dma source(%arg15 : memref<10240xf32, #tpu.memory_space<vmem>>) target(%dma_start3A_139 : memref<10240xf32, #tpu.memory_space<vmem_shared>>) target_semaphore(%run_scoped3A_134 : memref<!tpu.dma_semaphore, #tpu.memory_space<semaphore_mem>>)
      %dma_wait3A = arith.constant 0 : i32
      %dma_wait3A_140 = tpu.memref_slice %arg22[%arg1, %dma_wait3A] : memref<16x10240xf32, #tpu.memory_space<vmem_shared>> -> memref<1x10240xf32, #tpu.memory_space<vmem_shared>>
      %dma_wait3A_141 = tpu.memref_squeeze %dma_wait3A_140 : memref<1x10240xf32, #tpu.memory_space<vmem_shared>> -> memref<10240xf32, #tpu.memory_space<vmem_shared>>
      %dma_wait3A_142 = arith.constant 0 : i32
      %dma_wait3A_143 = tpu.memref_slice %arg22[%arg1, %dma_wait3A_142] : memref<16x10240xf32, #tpu.memory_space<vmem_shared>> -> memref<1x10240xf32, #tpu.memory_space<vmem_shared>>
      %dma_wait3A_144 = tpu.memref_squeeze %dma_wait3A_143 : memref<1x10240xf32, #tpu.memory_space<vmem_shared>> -> memref<10240xf32, #tpu.memory_space<vmem_shared>>
      tpu.wait_dma2 semaphore(%run_scoped3A_134 : memref<!tpu.dma_semaphore, #tpu.memory_space<semaphore_mem>>) src(%arg15 : memref<10240xf32, #tpu.memory_space<vmem>>) dst(%dma_wait3A_144 : memref<10240xf32, #tpu.memory_space<vmem_shared>>)
      tpu.yield
    }) : () -> ()
    "tpu.region"() ({
      %run_scoped3A_134 = tpu.sem_alloc : memref<!tpu.dma_semaphore, #tpu.memory_space<semaphore_mem>>
      %dma_start3A = arith.constant 0 : i32
      %dma_start3A_135 = tpu.memref_slice %arg23[%arg1, %dma_start3A] : memref<16x10240xf32, #tpu.memory_space<vmem_shared>> -> memref<1x10240xf32, #tpu.memory_space<vmem_shared>>
      %dma_start3A_136 = tpu.memref_squeeze %dma_start3A_135 : memref<1x10240xf32, #tpu.memory_space<vmem_shared>> -> memref<10240xf32, #tpu.memory_space<vmem_shared>>
      %dma_start3A_137 = arith.constant 0 : i32
      %dma_start3A_138 = tpu.memref_slice %arg23[%arg1, %dma_start3A_137] : memref<16x10240xf32, #tpu.memory_space<vmem_shared>> -> memref<1x10240xf32, #tpu.memory_space<vmem_shared>>
      %dma_start3A_139 = tpu.memref_squeeze %dma_start3A_138 : memref<1x10240xf32, #tpu.memory_space<vmem_shared>> -> memref<10240xf32, #tpu.memory_space<vmem_shared>>
      tpu.enqueue_dma source(%arg16 : memref<10240xf32, #tpu.memory_space<vmem>>) target(%dma_start3A_139 : memref<10240xf32, #tpu.memory_space<vmem_shared>>) target_semaphore(%run_scoped3A_134 : memref<!tpu.dma_semaphore, #tpu.memory_space<semaphore_mem>>)
      %dma_wait3A = arith.constant 0 : i32
      %dma_wait3A_140 = tpu.memref_slice %arg23[%arg1, %dma_wait3A] : memref<16x10240xf32, #tpu.memory_space<vmem_shared>> -> memref<1x10240xf32, #tpu.memory_space<vmem_shared>>
      %dma_wait3A_141 = tpu.memref_squeeze %dma_wait3A_140 : memref<1x10240xf32, #tpu.memory_space<vmem_shared>> -> memref<10240xf32, #tpu.memory_space<vmem_shared>>
      %dma_wait3A_142 = arith.constant 0 : i32
      %dma_wait3A_143 = tpu.memref_slice %arg23[%arg1, %dma_wait3A_142] : memref<16x10240xf32, #tpu.memory_space<vmem_shared>> -> memref<1x10240xf32, #tpu.memory_space<vmem_shared>>
      %dma_wait3A_144 = tpu.memref_squeeze %dma_wait3A_143 : memref<1x10240xf32, #tpu.memory_space<vmem_shared>> -> memref<10240xf32, #tpu.memory_space<vmem_shared>>
      tpu.wait_dma2 semaphore(%run_scoped3A_134 : memref<!tpu.dma_semaphore, #tpu.memory_space<semaphore_mem>>) src(%arg16 : memref<10240xf32, #tpu.memory_space<vmem>>) dst(%dma_wait3A_144 : memref<10240xf32, #tpu.memory_space<vmem_shared>>)
      tpu.yield
    }) : () -> ()
    %barrier3A = arith.constant 0 : index
    tpu.barrier barrier_id(%barrier3A)
    %mul3A_21 = arith.constant 640 : i32
    %mul3A_22 = arith.muli %arg1, %mul3A_21 : i32
    %run_scoped3A = arith.constant 0 : i32
    %run_scoped3A_23 = arith.constant 0 : i32
    "tpu.region"() ({
      %run_scoped3A_134 = tpu.sem_alloc : memref<!tpu.dma_semaphore, #tpu.memory_space<semaphore_mem>>
      %dma_start3A = arith.constant 0 : i32
      %dma_start3A_135 = tpu.memref_slice %arg17[%run_scoped3A_23, %dma_start3A] : memref<16x640xf32, #tpu.memory_space<vmem>> -> memref<1x640xf32, #tpu.memory_space<vmem>>
      %dma_start3A_136 = tpu.memref_squeeze %dma_start3A_135 : memref<1x640xf32, #tpu.memory_space<vmem>> -> memref<640xf32, #tpu.memory_space<vmem>>
      %dma_start3A_137 = tpu.memref_slice %arg22[%run_scoped3A, %mul3A_22] : memref<16x10240xf32, #tpu.memory_space<vmem_shared>> -> memref<1x640xf32, #tpu.memory_space<vmem_shared>>
      %dma_start3A_138 = tpu.memref_squeeze %dma_start3A_137 : memref<1x640xf32, #tpu.memory_space<vmem_shared>> -> memref<640xf32, #tpu.memory_space<vmem_shared>>
      %dma_start3A_139 = arith.constant 0 : i32
      %dma_start3A_140 = tpu.memref_slice %arg17[%run_scoped3A_23, %dma_start3A_139] : memref<16x640xf32, #tpu.memory_space<vmem>> -> memref<1x640xf32, #tpu.memory_space<vmem>>
      %dma_start3A_141 = tpu.memref_squeeze %dma_start3A_140 : memref<1x640xf32, #tpu.memory_space<vmem>> -> memref<640xf32, #tpu.memory_space<vmem>>
      %dma_start3A_142 = tpu.memref_slice %arg22[%run_scoped3A, %mul3A_22] : memref<16x10240xf32, #tpu.memory_space<vmem_shared>> -> memref<1x640xf32, #tpu.memory_space<vmem_shared>>
      %dma_start3A_143 = tpu.memref_squeeze %dma_start3A_142 : memref<1x640xf32, #tpu.memory_space<vmem_shared>> -> memref<640xf32, #tpu.memory_space<vmem_shared>>
      tpu.enqueue_dma source(%dma_start3A_143 : memref<640xf32, #tpu.memory_space<vmem_shared>>) target(%dma_start3A_141 : memref<640xf32, #tpu.memory_space<vmem>>) target_semaphore(%run_scoped3A_134 : memref<!tpu.dma_semaphore, #tpu.memory_space<semaphore_mem>>)
      %dma_wait3A = arith.constant 0 : i32
      %dma_wait3A_144 = tpu.memref_slice %arg17[%run_scoped3A_23, %dma_wait3A] : memref<16x640xf32, #tpu.memory_space<vmem>> -> memref<1x640xf32, #tpu.memory_space<vmem>>
      %dma_wait3A_145 = tpu.memref_squeeze %dma_wait3A_144 : memref<1x640xf32, #tpu.memory_space<vmem>> -> memref<640xf32, #tpu.memory_space<vmem>>
      %dma_wait3A_146 = tpu.memref_slice %arg22[%run_scoped3A, %mul3A_22] : memref<16x10240xf32, #tpu.memory_space<vmem_shared>> -> memref<1x640xf32, #tpu.memory_space<vmem_shared>>
      %dma_wait3A_147 = tpu.memref_squeeze %dma_wait3A_146 : memref<1x640xf32, #tpu.memory_space<vmem_shared>> -> memref<640xf32, #tpu.memory_space<vmem_shared>>
      %dma_wait3A_148 = arith.constant 0 : i32
      %dma_wait3A_149 = tpu.memref_slice %arg17[%run_scoped3A_23, %dma_wait3A_148] : memref<16x640xf32, #tpu.memory_space<vmem>> -> memref<1x640xf32, #tpu.memory_space<vmem>>
      %dma_wait3A_150 = tpu.memref_squeeze %dma_wait3A_149 : memref<1x640xf32, #tpu.memory_space<vmem>> -> memref<640xf32, #tpu.memory_space<vmem>>
      %dma_wait3A_151 = tpu.memref_slice %arg22[%run_scoped3A, %mul3A_22] : memref<16x10240xf32, #tpu.memory_space<vmem_shared>> -> memref<1x640xf32, #tpu.memory_space<vmem_shared>>
      %dma_wait3A_152 = tpu.memref_squeeze %dma_wait3A_151 : memref<1x640xf32, #tpu.memory_space<vmem_shared>> -> memref<640xf32, #tpu.memory_space<vmem_shared>>
      tpu.wait_dma2 semaphore(%run_scoped3A_134 : memref<!tpu.dma_semaphore, #tpu.memory_space<semaphore_mem>>) src(%dma_wait3A_152 : memref<640xf32, #tpu.memory_space<vmem_shared>>) dst(%dma_wait3A_150 : memref<640xf32, #tpu.memory_space<vmem>>)
      tpu.yield
    }) : () -> ()
    %run_scoped3A_24 = arith.constant 0 : i32
    %run_scoped3A_25 = arith.constant 0 : i32
    "tpu.region"() ({
      %run_scoped3A_134 = tpu.sem_alloc : memref<!tpu.dma_semaphore, #tpu.memory_space<semaphore_mem>>
      %dma_start3A = arith.constant 0 : i32
      %dma_start3A_135 = tpu.memref_slice %arg18[%run_scoped3A_25, %dma_start3A] : memref<16x640xf32, #tpu.memory_space<vmem>> -> memref<1x640xf32, #tpu.memory_space<vmem>>
      %dma_start3A_136 = tpu.memref_squeeze %dma_start3A_135 : memref<1x640xf32, #tpu.memory_space<vmem>> -> memref<640xf32, #tpu.memory_space<vmem>>
      %dma_start3A_137 = tpu.memref_slice %arg23[%run_scoped3A_24, %mul3A_22] : memref<16x10240xf32, #tpu.memory_space<vmem_shared>> -> memref<1x640xf32, #tpu.memory_space<vmem_shared>>
      %dma_start3A_138 = tpu.memref_squeeze %dma_start3A_137 : memref<1x640xf32, #tpu.memory_space<vmem_shared>> -> memref<640xf32, #tpu.memory_space<vmem_shared>>
      %dma_start3A_139 = arith.constant 0 : i32
      %dma_start3A_140 = tpu.memref_slice %arg18[%run_scoped3A_25, %dma_start3A_139] : memref<16x640xf32, #tpu.memory_space<vmem>> -> memref<1x640xf32, #tpu.memory_space<vmem>>
      %dma_start3A_141 = tpu.memref_squeeze %dma_start3A_140 : memref<1x640xf32, #tpu.memory_space<vmem>> -> memref<640xf32, #tpu.memory_space<vmem>>
      %dma_start3A_142 = tpu.memref_slice %arg23[%run_scoped3A_24, %mul3A_22] : memref<16x10240xf32, #tpu.memory_space<vmem_shared>> -> memref<1x640xf32, #tpu.memory_space<vmem_shared>>
      %dma_start3A_143 = tpu.memref_squeeze %dma_start3A_142 : memref<1x640xf32, #tpu.memory_space<vmem_shared>> -> memref<640xf32, #tpu.memory_space<vmem_shared>>
      tpu.enqueue_dma source(%dma_start3A_143 : memref<640xf32, #tpu.memory_space<vmem_shared>>) target(%dma_start3A_141 : memref<640xf32, #tpu.memory_space<vmem>>) target_semaphore(%run_scoped3A_134 : memref<!tpu.dma_semaphore, #tpu.memory_space<semaphore_mem>>)
      %dma_wait3A = arith.constant 0 : i32
      %dma_wait3A_144 = tpu.memref_slice %arg18[%run_scoped3A_25, %dma_wait3A] : memref<16x640xf32, #tpu.memory_space<vmem>> -> memref<1x640xf32, #tpu.memory_space<vmem>>
      %dma_wait3A_145 = tpu.memref_squeeze %dma_wait3A_144 : memref<1x640xf32, #tpu.memory_space<vmem>> -> memref<640xf32, #tpu.memory_space<vmem>>
      %dma_wait3A_146 = tpu.memref_slice %arg23[%run_scoped3A_24, %mul3A_22] : memref<16x10240xf32, #tpu.memory_space<vmem_shared>> -> memref<1x640xf32, #tpu.memory_space<vmem_shared>>
      %dma_wait3A_147 = tpu.memref_squeeze %dma_wait3A_146 : memref<1x640xf32, #tpu.memory_space<vmem_shared>> -> memref<640xf32, #tpu.memory_space<vmem_shared>>
      %dma_wait3A_148 = arith.constant 0 : i32
      %dma_wait3A_149 = tpu.memref_slice %arg18[%run_scoped3A_25, %dma_wait3A_148] : memref<16x640xf32, #tpu.memory_space<vmem>> -> memref<1x640xf32, #tpu.memory_space<vmem>>
      %dma_wait3A_150 = tpu.memref_squeeze %dma_wait3A_149 : memref<1x640xf32, #tpu.memory_space<vmem>> -> memref<640xf32, #tpu.memory_space<vmem>>
      %dma_wait3A_151 = tpu.memref_slice %arg23[%run_scoped3A_24, %mul3A_22] : memref<16x10240xf32, #tpu.memory_space<vmem_shared>> -> memref<1x640xf32, #tpu.memory_space<vmem_shared>>
      %dma_wait3A_152 = tpu.memref_squeeze %dma_wait3A_151 : memref<1x640xf32, #tpu.memory_space<vmem_shared>> -> memref<640xf32, #tpu.memory_space<vmem_shared>>
      tpu.wait_dma2 semaphore(%run_scoped3A_134 : memref<!tpu.dma_semaphore, #tpu.memory_space<semaphore_mem>>) src(%dma_wait3A_152 : memref<640xf32, #tpu.memory_space<vmem_shared>>) dst(%dma_wait3A_150 : memref<640xf32, #tpu.memory_space<vmem>>)
      tpu.yield
    }) : () -> ()
    %run_scoped3A_26 = arith.constant 1 : i32
    %run_scoped3A_27 = arith.constant 1 : i32
    "tpu.region"() ({
      %run_scoped3A_134 = tpu.sem_alloc : memref<!tpu.dma_semaphore, #tpu.memory_space<semaphore_mem>>
      %dma_start3A = arith.constant 0 : i32
      %dma_start3A_135 = tpu.memref_slice %arg17[%run_scoped3A_27, %dma_start3A] : memref<16x640xf32, #tpu.memory_space<vmem>> -> memref<1x640xf32, #tpu.memory_space<vmem>>
      %dma_start3A_136 = tpu.memref_squeeze %dma_start3A_135 : memref<1x640xf32, #tpu.memory_space<vmem>> -> memref<640xf32, #tpu.memory_space<vmem>>
      %dma_start3A_137 = tpu.memref_slice %arg22[%run_scoped3A_26, %mul3A_22] : memref<16x10240xf32, #tpu.memory_space<vmem_shared>> -> memref<1x640xf32, #tpu.memory_space<vmem_shared>>
      %dma_start3A_138 = tpu.memref_squeeze %dma_start3A_137 : memref<1x640xf32, #tpu.memory_space<vmem_shared>> -> memref<640xf32, #tpu.memory_space<vmem_shared>>
      %dma_start3A_139 = arith.constant 0 : i32
      %dma_start3A_140 = tpu.memref_slice %arg17[%run_scoped3A_27, %dma_start3A_139] : memref<16x640xf32, #tpu.memory_space<vmem>> -> memref<1x640xf32, #tpu.memory_space<vmem>>
      %dma_start3A_141 = tpu.memref_squeeze %dma_start3A_140 : memref<1x640xf32, #tpu.memory_space<vmem>> -> memref<640xf32, #tpu.memory_space<vmem>>
      %dma_start3A_142 = tpu.memref_slice %arg22[%run_scoped3A_26, %mul3A_22] : memref<16x10240xf32, #tpu.memory_space<vmem_shared>> -> memref<1x640xf32, #tpu.memory_space<vmem_shared>>
      %dma_start3A_143 = tpu.memref_squeeze %dma_start3A_142 : memref<1x640xf32, #tpu.memory_space<vmem_shared>> -> memref<640xf32, #tpu.memory_space<vmem_shared>>
      tpu.enqueue_dma source(%dma_start3A_143 : memref<640xf32, #tpu.memory_space<vmem_shared>>) target(%dma_start3A_141 : memref<640xf32, #tpu.memory_space<vmem>>) target_semaphore(%run_scoped3A_134 : memref<!tpu.dma_semaphore, #tpu.memory_space<semaphore_mem>>)
      %dma_wait3A = arith.constant 0 : i32
      %dma_wait3A_144 = tpu.memref_slice %arg17[%run_scoped3A_27, %dma_wait3A] : memref<16x640xf32, #tpu.memory_space<vmem>> -> memref<1x640xf32, #tpu.memory_space<vmem>>
      %dma_wait3A_145 = tpu.memref_squeeze %dma_wait3A_144 : memref<1x640xf32, #tpu.memory_space<vmem>> -> memref<640xf32, #tpu.memory_space<vmem>>
      %dma_wait3A_146 = tpu.memref_slice %arg22[%run_scoped3A_26, %mul3A_22] : memref<16x10240xf32, #tpu.memory_space<vmem_shared>> -> memref<1x640xf32, #tpu.memory_space<vmem_shared>>
      %dma_wait3A_147 = tpu.memref_squeeze %dma_wait3A_146 : memref<1x640xf32, #tpu.memory_space<vmem_shared>> -> memref<640xf32, #tpu.memory_space<vmem_shared>>
      %dma_wait3A_148 = arith.constant 0 : i32
      %dma_wait3A_149 = tpu.memref_slice %arg17[%run_scoped3A_27, %dma_wait3A_148] : memref<16x640xf32, #tpu.memory_space<vmem>> -> memref<1x640xf32, #tpu.memory_space<vmem>>
      %dma_wait3A_150 = tpu.memref_squeeze %dma_wait3A_149 : memref<1x640xf32, #tpu.memory_space<vmem>> -> memref<640xf32, #tpu.memory_space<vmem>>
      %dma_wait3A_151 = tpu.memref_slice %arg22[%run_scoped3A_26, %mul3A_22] : memref<16x10240xf32, #tpu.memory_space<vmem_shared>> -> memref<1x640xf32, #tpu.memory_space<vmem_shared>>
      %dma_wait3A_152 = tpu.memref_squeeze %dma_wait3A_151 : memref<1x640xf32, #tpu.memory_space<vmem_shared>> -> memref<640xf32, #tpu.memory_space<vmem_shared>>
      tpu.wait_dma2 semaphore(%run_scoped3A_134 : memref<!tpu.dma_semaphore, #tpu.memory_space<semaphore_mem>>) src(%dma_wait3A_152 : memref<640xf32, #tpu.memory_space<vmem_shared>>) dst(%dma_wait3A_150 : memref<640xf32, #tpu.memory_space<vmem>>)
      tpu.yield
    }) : () -> ()
    %run_scoped3A_28 = arith.constant 1 : i32
    %run_scoped3A_29 = arith.constant 1 : i32
    "tpu.region"() ({
      %run_scoped3A_134 = tpu.sem_alloc : memref<!tpu.dma_semaphore, #tpu.memory_space<semaphore_mem>>
      %dma_start3A = arith.constant 0 : i32
      %dma_start3A_135 = tpu.memref_slice %arg18[%run_scoped3A_29, %dma_start3A] : memref<16x640xf32, #tpu.memory_space<vmem>> -> memref<1x640xf32, #tpu.memory_space<vmem>>
      %dma_start3A_136 = tpu.memref_squeeze %dma_start3A_135 : memref<1x640xf32, #tpu.memory_space<vmem>> -> memref<640xf32, #tpu.memory_space<vmem>>
      %dma_start3A_137 = tpu.memref_slice %arg23[%run_scoped3A_28, %mul3A_22] : memref<16x10240xf32, #tpu.memory_space<vmem_shared>> -> memref<1x640xf32, #tpu.memory_space<vmem_shared>>
      %dma_start3A_138 = tpu.memref_squeeze %dma_start3A_137 : memref<1x640xf32, #tpu.memory_space<vmem_shared>> -> memref<640xf32, #tpu.memory_space<vmem_shared>>
      %dma_start3A_139 = arith.constant 0 : i32
      %dma_start3A_140 = tpu.memref_slice %arg18[%run_scoped3A_29, %dma_start3A_139] : memref<16x640xf32, #tpu.memory_space<vmem>> -> memref<1x640xf32, #tpu.memory_space<vmem>>
      %dma_start3A_141 = tpu.memref_squeeze %dma_start3A_140 : memref<1x640xf32, #tpu.memory_space<vmem>> -> memref<640xf32, #tpu.memory_space<vmem>>
      %dma_start3A_142 = tpu.memref_slice %arg23[%run_scoped3A_28, %mul3A_22] : memref<16x10240xf32, #tpu.memory_space<vmem_shared>> -> memref<1x640xf32, #tpu.memory_space<vmem_shared>>
      %dma_start3A_143 = tpu.memref_squeeze %dma_start3A_142 : memref<1x640xf32, #tpu.memory_space<vmem_shared>> -> memref<640xf32, #tpu.memory_space<vmem_shared>>
      tpu.enqueue_dma source(%dma_start3A_143 : memref<640xf32, #tpu.memory_space<vmem_shared>>) target(%dma_start3A_141 : memref<640xf32, #tpu.memory_space<vmem>>) target_semaphore(%run_scoped3A_134 : memref<!tpu.dma_semaphore, #tpu.memory_space<semaphore_mem>>)
      %dma_wait3A = arith.constant 0 : i32
      %dma_wait3A_144 = tpu.memref_slice %arg18[%run_scoped3A_29, %dma_wait3A] : memref<16x640xf32, #tpu.memory_space<vmem>> -> memref<1x640xf32, #tpu.memory_space<vmem>>
      %dma_wait3A_145 = tpu.memref_squeeze %dma_wait3A_144 : memref<1x640xf32, #tpu.memory_space<vmem>> -> memref<640xf32, #tpu.memory_space<vmem>>
      %dma_wait3A_146 = tpu.memref_slice %arg23[%run_scoped3A_28, %mul3A_22] : memref<16x10240xf32, #tpu.memory_space<vmem_shared>> -> memref<1x640xf32, #tpu.memory_space<vmem_shared>>
      %dma_wait3A_147 = tpu.memref_squeeze %dma_wait3A_146 : memref<1x640xf32, #tpu.memory_space<vmem_shared>> -> memref<640xf32, #tpu.memory_space<vmem_shared>>
      %dma_wait3A_148 = arith.constant 0 : i32
      %dma_wait3A_149 = tpu.memref_slice %arg18[%run_scoped3A_29, %dma_wait3A_148] : memref<16x640xf32, #tpu.memory_space<vmem>> -> memref<1x640xf32, #tpu.memory_space<vmem>>
      %dma_wait3A_150 = tpu.memref_squeeze %dma_wait3A_149 : memref<1x640xf32, #tpu.memory_space<vmem>> -> memref<640xf32, #tpu.memory_space<vmem>>
      %dma_wait3A_151 = tpu.memref_slice %arg23[%run_scoped3A_28, %mul3A_22] : memref<16x10240xf32, #tpu.memory_space<vmem_shared>> -> memref<1x640xf32, #tpu.memory_space<vmem_shared>>
      %dma_wait3A_152 = tpu.memref_squeeze %dma_wait3A_151 : memref<1x640xf32, #tpu.memory_space<vmem_shared>> -> memref<640xf32, #tpu.memory_space<vmem_shared>>
      tpu.wait_dma2 semaphore(%run_scoped3A_134 : memref<!tpu.dma_semaphore, #tpu.memory_space<semaphore_mem>>) src(%dma_wait3A_152 : memref<640xf32, #tpu.memory_space<vmem_shared>>) dst(%dma_wait3A_150 : memref<640xf32, #tpu.memory_space<vmem>>)
      tpu.yield
    }) : () -> ()
    %run_scoped3A_30 = arith.constant 2 : i32
    %run_scoped3A_31 = arith.constant 2 : i32
    "tpu.region"() ({
      %run_scoped3A_134 = tpu.sem_alloc : memref<!tpu.dma_semaphore, #tpu.memory_space<semaphore_mem>>
      %dma_start3A = arith.constant 0 : i32
      %dma_start3A_135 = tpu.memref_slice %arg17[%run_scoped3A_31, %dma_start3A] : memref<16x640xf32, #tpu.memory_space<vmem>> -> memref<1x640xf32, #tpu.memory_space<vmem>>
      %dma_start3A_136 = tpu.memref_squeeze %dma_start3A_135 : memref<1x640xf32, #tpu.memory_space<vmem>> -> memref<640xf32, #tpu.memory_space<vmem>>
      %dma_start3A_137 = tpu.memref_slice %arg22[%run_scoped3A_30, %mul3A_22] : memref<16x10240xf32, #tpu.memory_space<vmem_shared>> -> memref<1x640xf32, #tpu.memory_space<vmem_shared>>
      %dma_start3A_138 = tpu.memref_squeeze %dma_start3A_137 : memref<1x640xf32, #tpu.memory_space<vmem_shared>> -> memref<640xf32, #tpu.memory_space<vmem_shared>>
      %dma_start3A_139 = arith.constant 0 : i32
      %dma_start3A_140 = tpu.memref_slice %arg17[%run_scoped3A_31, %dma_start3A_139] : memref<16x640xf32, #tpu.memory_space<vmem>> -> memref<1x640xf32, #tpu.memory_space<vmem>>
      %dma_start3A_141 = tpu.memref_squeeze %dma_start3A_140 : memref<1x640xf32, #tpu.memory_space<vmem>> -> memref<640xf32, #tpu.memory_space<vmem>>
      %dma_start3A_142 = tpu.memref_slice %arg22[%run_scoped3A_30, %mul3A_22] : memref<16x10240xf32, #tpu.memory_space<vmem_shared>> -> memref<1x640xf32, #tpu.memory_space<vmem_shared>>
      %dma_start3A_143 = tpu.memref_squeeze %dma_start3A_142 : memref<1x640xf32, #tpu.memory_space<vmem_shared>> -> memref<640xf32, #tpu.memory_space<vmem_shared>>
      tpu.enqueue_dma source(%dma_start3A_143 : memref<640xf32, #tpu.memory_space<vmem_shared>>) target(%dma_start3A_141 : memref<640xf32, #tpu.memory_space<vmem>>) target_semaphore(%run_scoped3A_134 : memref<!tpu.dma_semaphore, #tpu.memory_space<semaphore_mem>>)
      %dma_wait3A = arith.constant 0 : i32
      %dma_wait3A_144 = tpu.memref_slice %arg17[%run_scoped3A_31, %dma_wait3A] : memref<16x640xf32, #tpu.memory_space<vmem>> -> memref<1x640xf32, #tpu.memory_space<vmem>>
      %dma_wait3A_145 = tpu.memref_squeeze %dma_wait3A_144 : memref<1x640xf32, #tpu.memory_space<vmem>> -> memref<640xf32, #tpu.memory_space<vmem>>
      %dma_wait3A_146 = tpu.memref_slice %arg22[%run_scoped3A_30, %mul3A_22] : memref<16x10240xf32, #tpu.memory_space<vmem_shared>> -> memref<1x640xf32, #tpu.memory_space<vmem_shared>>
      %dma_wait3A_147 = tpu.memref_squeeze %dma_wait3A_146 : memref<1x640xf32, #tpu.memory_space<vmem_shared>> -> memref<640xf32, #tpu.memory_space<vmem_shared>>
      %dma_wait3A_148 = arith.constant 0 : i32
      %dma_wait3A_149 = tpu.memref_slice %arg17[%run_scoped3A_31, %dma_wait3A_148] : memref<16x640xf32, #tpu.memory_space<vmem>> -> memref<1x640xf32, #tpu.memory_space<vmem>>
      %dma_wait3A_150 = tpu.memref_squeeze %dma_wait3A_149 : memref<1x640xf32, #tpu.memory_space<vmem>> -> memref<640xf32, #tpu.memory_space<vmem>>
      %dma_wait3A_151 = tpu.memref_slice %arg22[%run_scoped3A_30, %mul3A_22] : memref<16x10240xf32, #tpu.memory_space<vmem_shared>> -> memref<1x640xf32, #tpu.memory_space<vmem_shared>>
      %dma_wait3A_152 = tpu.memref_squeeze %dma_wait3A_151 : memref<1x640xf32, #tpu.memory_space<vmem_shared>> -> memref<640xf32, #tpu.memory_space<vmem_shared>>
      tpu.wait_dma2 semaphore(%run_scoped3A_134 : memref<!tpu.dma_semaphore, #tpu.memory_space<semaphore_mem>>) src(%dma_wait3A_152 : memref<640xf32, #tpu.memory_space<vmem_shared>>) dst(%dma_wait3A_150 : memref<640xf32, #tpu.memory_space<vmem>>)
      tpu.yield
    }) : () -> ()
    %run_scoped3A_32 = arith.constant 2 : i32
    %run_scoped3A_33 = arith.constant 2 : i32
    "tpu.region"() ({
      %run_scoped3A_134 = tpu.sem_alloc : memref<!tpu.dma_semaphore, #tpu.memory_space<semaphore_mem>>
      %dma_start3A = arith.constant 0 : i32
      %dma_start3A_135 = tpu.memref_slice %arg18[%run_scoped3A_33, %dma_start3A] : memref<16x640xf32, #tpu.memory_space<vmem>> -> memref<1x640xf32, #tpu.memory_space<vmem>>
      %dma_start3A_136 = tpu.memref_squeeze %dma_start3A_135 : memref<1x640xf32, #tpu.memory_space<vmem>> -> memref<640xf32, #tpu.memory_space<vmem>>
      %dma_start3A_137 = tpu.memref_slice %arg23[%run_scoped3A_32, %mul3A_22] : memref<16x10240xf32, #tpu.memory_space<vmem_shared>> -> memref<1x640xf32, #tpu.memory_space<vmem_shared>>
      %dma_start3A_138 = tpu.memref_squeeze %dma_start3A_137 : memref<1x640xf32, #tpu.memory_space<vmem_shared>> -> memref<640xf32, #tpu.memory_space<vmem_shared>>
      %dma_start3A_139 = arith.constant 0 : i32
      %dma_start3A_140 = tpu.memref_slice %arg18[%run_scoped3A_33, %dma_start3A_139] : memref<16x640xf32, #tpu.memory_space<vmem>> -> memref<1x640xf32, #tpu.memory_space<vmem>>
      %dma_start3A_141 = tpu.memref_squeeze %dma_start3A_140 : memref<1x640xf32, #tpu.memory_space<vmem>> -> memref<640xf32, #tpu.memory_space<vmem>>
      %dma_start3A_142 = tpu.memref_slice %arg23[%run_scoped3A_32, %mul3A_22] : memref<16x10240xf32, #tpu.memory_space<vmem_shared>> -> memref<1x640xf32, #tpu.memory_space<vmem_shared>>
      %dma_start3A_143 = tpu.memref_squeeze %dma_start3A_142 : memref<1x640xf32, #tpu.memory_space<vmem_shared>> -> memref<640xf32, #tpu.memory_space<vmem_shared>>
      tpu.enqueue_dma source(%dma_start3A_143 : memref<640xf32, #tpu.memory_space<vmem_shared>>) target(%dma_start3A_141 : memref<640xf32, #tpu.memory_space<vmem>>) target_semaphore(%run_scoped3A_134 : memref<!tpu.dma_semaphore, #tpu.memory_space<semaphore_mem>>)
      %dma_wait3A = arith.constant 0 : i32
      %dma_wait3A_144 = tpu.memref_slice %arg18[%run_scoped3A_33, %dma_wait3A] : memref<16x640xf32, #tpu.memory_space<vmem>> -> memref<1x640xf32, #tpu.memory_space<vmem>>
      %dma_wait3A_145 = tpu.memref_squeeze %dma_wait3A_144 : memref<1x640xf32, #tpu.memory_space<vmem>> -> memref<640xf32, #tpu.memory_space<vmem>>
      %dma_wait3A_146 = tpu.memref_slice %arg23[%run_scoped3A_32, %mul3A_22] : memref<16x10240xf32, #tpu.memory_space<vmem_shared>> -> memref<1x640xf32, #tpu.memory_space<vmem_shared>>
      %dma_wait3A_147 = tpu.memref_squeeze %dma_wait3A_146 : memref<1x640xf32, #tpu.memory_space<vmem_shared>> -> memref<640xf32, #tpu.memory_space<vmem_shared>>
      %dma_wait3A_148 = arith.constant 0 : i32
      %dma_wait3A_149 = tpu.memref_slice %arg18[%run_scoped3A_33, %dma_wait3A_148] : memref<16x640xf32, #tpu.memory_space<vmem>> -> memref<1x640xf32, #tpu.memory_space<vmem>>
      %dma_wait3A_150 = tpu.memref_squeeze %dma_wait3A_149 : memref<1x640xf32, #tpu.memory_space<vmem>> -> memref<640xf32, #tpu.memory_space<vmem>>
      %dma_wait3A_151 = tpu.memref_slice %arg23[%run_scoped3A_32, %mul3A_22] : memref<16x10240xf32, #tpu.memory_space<vmem_shared>> -> memref<1x640xf32, #tpu.memory_space<vmem_shared>>
      %dma_wait3A_152 = tpu.memref_squeeze %dma_wait3A_151 : memref<1x640xf32, #tpu.memory_space<vmem_shared>> -> memref<640xf32, #tpu.memory_space<vmem_shared>>
      tpu.wait_dma2 semaphore(%run_scoped3A_134 : memref<!tpu.dma_semaphore, #tpu.memory_space<semaphore_mem>>) src(%dma_wait3A_152 : memref<640xf32, #tpu.memory_space<vmem_shared>>) dst(%dma_wait3A_150 : memref<640xf32, #tpu.memory_space<vmem>>)
      tpu.yield
    }) : () -> ()
    %run_scoped3A_34 = arith.constant 3 : i32
    %run_scoped3A_35 = arith.constant 3 : i32
    "tpu.region"() ({
      %run_scoped3A_134 = tpu.sem_alloc : memref<!tpu.dma_semaphore, #tpu.memory_space<semaphore_mem>>
      %dma_start3A = arith.constant 0 : i32
      %dma_start3A_135 = tpu.memref_slice %arg17[%run_scoped3A_35, %dma_start3A] : memref<16x640xf32, #tpu.memory_space<vmem>> -> memref<1x640xf32, #tpu.memory_space<vmem>>
      %dma_start3A_136 = tpu.memref_squeeze %dma_start3A_135 : memref<1x640xf32, #tpu.memory_space<vmem>> -> memref<640xf32, #tpu.memory_space<vmem>>
      %dma_start3A_137 = tpu.memref_slice %arg22[%run_scoped3A_34, %mul3A_22] : memref<16x10240xf32, #tpu.memory_space<vmem_shared>> -> memref<1x640xf32, #tpu.memory_space<vmem_shared>>
      %dma_start3A_138 = tpu.memref_squeeze %dma_start3A_137 : memref<1x640xf32, #tpu.memory_space<vmem_shared>> -> memref<640xf32, #tpu.memory_space<vmem_shared>>
      %dma_start3A_139 = arith.constant 0 : i32
      %dma_start3A_140 = tpu.memref_slice %arg17[%run_scoped3A_35, %dma_start3A_139] : memref<16x640xf32, #tpu.memory_space<vmem>> -> memref<1x640xf32, #tpu.memory_space<vmem>>
      %dma_start3A_141 = tpu.memref_squeeze %dma_start3A_140 : memref<1x640xf32, #tpu.memory_space<vmem>> -> memref<640xf32, #tpu.memory_space<vmem>>
      %dma_start3A_142 = tpu.memref_slice %arg22[%run_scoped3A_34, %mul3A_22] : memref<16x10240xf32, #tpu.memory_space<vmem_shared>> -> memref<1x640xf32, #tpu.memory_space<vmem_shared>>
      %dma_start3A_143 = tpu.memref_squeeze %dma_start3A_142 : memref<1x640xf32, #tpu.memory_space<vmem_shared>> -> memref<640xf32, #tpu.memory_space<vmem_shared>>
      tpu.enqueue_dma source(%dma_start3A_143 : memref<640xf32, #tpu.memory_space<vmem_shared>>) target(%dma_start3A_141 : memref<640xf32, #tpu.memory_space<vmem>>) target_semaphore(%run_scoped3A_134 : memref<!tpu.dma_semaphore, #tpu.memory_space<semaphore_mem>>)
      %dma_wait3A = arith.constant 0 : i32
      %dma_wait3A_144 = tpu.memref_slice %arg17[%run_scoped3A_35, %dma_wait3A] : memref<16x640xf32, #tpu.memory_space<vmem>> -> memref<1x640xf32, #tpu.memory_space<vmem>>
      %dma_wait3A_145 = tpu.memref_squeeze %dma_wait3A_144 : memref<1x640xf32, #tpu.memory_space<vmem>> -> memref<640xf32, #tpu.memory_space<vmem>>
      %dma_wait3A_146 = tpu.memref_slice %arg22[%run_scoped3A_34, %mul3A_22] : memref<16x10240xf32, #tpu.memory_space<vmem_shared>> -> memref<1x640xf32, #tpu.memory_space<vmem_shared>>
      %dma_wait3A_147 = tpu.memref_squeeze %dma_wait3A_146 : memref<1x640xf32, #tpu.memory_space<vmem_shared>> -> memref<640xf32, #tpu.memory_space<vmem_shared>>
      %dma_wait3A_148 = arith.constant 0 : i32
      %dma_wait3A_149 = tpu.memref_slice %arg17[%run_scoped3A_35, %dma_wait3A_148] : memref<16x640xf32, #tpu.memory_space<vmem>> -> memref<1x640xf32, #tpu.memory_space<vmem>>
      %dma_wait3A_150 = tpu.memref_squeeze %dma_wait3A_149 : memref<1x640xf32, #tpu.memory_space<vmem>> -> memref<640xf32, #tpu.memory_space<vmem>>
      %dma_wait3A_151 = tpu.memref_slice %arg22[%run_scoped3A_34, %mul3A_22] : memref<16x10240xf32, #tpu.memory_space<vmem_shared>> -> memref<1x640xf32, #tpu.memory_space<vmem_shared>>
      %dma_wait3A_152 = tpu.memref_squeeze %dma_wait3A_151 : memref<1x640xf32, #tpu.memory_space<vmem_shared>> -> memref<640xf32, #tpu.memory_space<vmem_shared>>
      tpu.wait_dma2 semaphore(%run_scoped3A_134 : memref<!tpu.dma_semaphore, #tpu.memory_space<semaphore_mem>>) src(%dma_wait3A_152 : memref<640xf32, #tpu.memory_space<vmem_shared>>) dst(%dma_wait3A_150 : memref<640xf32, #tpu.memory_space<vmem>>)
      tpu.yield
    }) : () -> ()
    %run_scoped3A_36 = arith.constant 3 : i32
    %run_scoped3A_37 = arith.constant 3 : i32
    "tpu.region"() ({
      %run_scoped3A_134 = tpu.sem_alloc : memref<!tpu.dma_semaphore, #tpu.memory_space<semaphore_mem>>
      %dma_start3A = arith.constant 0 : i32
      %dma_start3A_135 = tpu.memref_slice %arg18[%run_scoped3A_37, %dma_start3A] : memref<16x640xf32, #tpu.memory_space<vmem>> -> memref<1x640xf32, #tpu.memory_space<vmem>>
      %dma_start3A_136 = tpu.memref_squeeze %dma_start3A_135 : memref<1x640xf32, #tpu.memory_space<vmem>> -> memref<640xf32, #tpu.memory_space<vmem>>
      %dma_start3A_137 = tpu.memref_slice %arg23[%run_scoped3A_36, %mul3A_22] : memref<16x10240xf32, #tpu.memory_space<vmem_shared>> -> memref<1x640xf32, #tpu.memory_space<vmem_shared>>
      %dma_start3A_138 = tpu.memref_squeeze %dma_start3A_137 : memref<1x640xf32, #tpu.memory_space<vmem_shared>> -> memref<640xf32, #tpu.memory_space<vmem_shared>>
      %dma_start3A_139 = arith.constant 0 : i32
      %dma_start3A_140 = tpu.memref_slice %arg18[%run_scoped3A_37, %dma_start3A_139] : memref<16x640xf32, #tpu.memory_space<vmem>> -> memref<1x640xf32, #tpu.memory_space<vmem>>
      %dma_start3A_141 = tpu.memref_squeeze %dma_start3A_140 : memref<1x640xf32, #tpu.memory_space<vmem>> -> memref<640xf32, #tpu.memory_space<vmem>>
      %dma_start3A_142 = tpu.memref_slice %arg23[%run_scoped3A_36, %mul3A_22] : memref<16x10240xf32, #tpu.memory_space<vmem_shared>> -> memref<1x640xf32, #tpu.memory_space<vmem_shared>>
      %dma_start3A_143 = tpu.memref_squeeze %dma_start3A_142 : memref<1x640xf32, #tpu.memory_space<vmem_shared>> -> memref<640xf32, #tpu.memory_space<vmem_shared>>
      tpu.enqueue_dma source(%dma_start3A_143 : memref<640xf32, #tpu.memory_space<vmem_shared>>) target(%dma_start3A_141 : memref<640xf32, #tpu.memory_space<vmem>>) target_semaphore(%run_scoped3A_134 : memref<!tpu.dma_semaphore, #tpu.memory_space<semaphore_mem>>)
      %dma_wait3A = arith.constant 0 : i32
      %dma_wait3A_144 = tpu.memref_slice %arg18[%run_scoped3A_37, %dma_wait3A] : memref<16x640xf32, #tpu.memory_space<vmem>> -> memref<1x640xf32, #tpu.memory_space<vmem>>
      %dma_wait3A_145 = tpu.memref_squeeze %dma_wait3A_144 : memref<1x640xf32, #tpu.memory_space<vmem>> -> memref<640xf32, #tpu.memory_space<vmem>>
      %dma_wait3A_146 = tpu.memref_slice %arg23[%run_scoped3A_36, %mul3A_22] : memref<16x10240xf32, #tpu.memory_space<vmem_shared>> -> memref<1x640xf32, #tpu.memory_space<vmem_shared>>
      %dma_wait3A_147 = tpu.memref_squeeze %dma_wait3A_146 : memref<1x640xf32, #tpu.memory_space<vmem_shared>> -> memref<640xf32, #tpu.memory_space<vmem_shared>>
      %dma_wait3A_148 = arith.constant 0 : i32
      %dma_wait3A_149 = tpu.memref_slice %arg18[%run_scoped3A_37, %dma_wait3A_148] : memref<16x640xf32, #tpu.memory_space<vmem>> -> memref<1x640xf32, #tpu.memory_space<vmem>>
      %dma_wait3A_150 = tpu.memref_squeeze %dma_wait3A_149 : memref<1x640xf32, #tpu.memory_space<vmem>> -> memref<640xf32, #tpu.memory_space<vmem>>
      %dma_wait3A_151 = tpu.memref_slice %arg23[%run_scoped3A_36, %mul3A_22] : memref<16x10240xf32, #tpu.memory_space<vmem_shared>> -> memref<1x640xf32, #tpu.memory_space<vmem_shared>>
      %dma_wait3A_152 = tpu.memref_squeeze %dma_wait3A_151 : memref<1x640xf32, #tpu.memory_space<vmem_shared>> -> memref<640xf32, #tpu.memory_space<vmem_shared>>
      tpu.wait_dma2 semaphore(%run_scoped3A_134 : memref<!tpu.dma_semaphore, #tpu.memory_space<semaphore_mem>>) src(%dma_wait3A_152 : memref<640xf32, #tpu.memory_space<vmem_shared>>) dst(%dma_wait3A_150 : memref<640xf32, #tpu.memory_space<vmem>>)
      tpu.yield
    }) : () -> ()
    %run_scoped3A_38 = arith.constant 4 : i32
    %run_scoped3A_39 = arith.constant 4 : i32
    "tpu.region"() ({
      %run_scoped3A_134 = tpu.sem_alloc : memref<!tpu.dma_semaphore, #tpu.memory_space<semaphore_mem>>
      %dma_start3A = arith.constant 0 : i32
      %dma_start3A_135 = tpu.memref_slice %arg17[%run_scoped3A_39, %dma_start3A] : memref<16x640xf32, #tpu.memory_space<vmem>> -> memref<1x640xf32, #tpu.memory_space<vmem>>
      %dma_start3A_136 = tpu.memref_squeeze %dma_start3A_135 : memref<1x640xf32, #tpu.memory_space<vmem>> -> memref<640xf32, #tpu.memory_space<vmem>>
      %dma_start3A_137 = tpu.memref_slice %arg22[%run_scoped3A_38, %mul3A_22] : memref<16x10240xf32, #tpu.memory_space<vmem_shared>> -> memref<1x640xf32, #tpu.memory_space<vmem_shared>>
      %dma_start3A_138 = tpu.memref_squeeze %dma_start3A_137 : memref<1x640xf32, #tpu.memory_space<vmem_shared>> -> memref<640xf32, #tpu.memory_space<vmem_shared>>
      %dma_start3A_139 = arith.constant 0 : i32
      %dma_start3A_140 = tpu.memref_slice %arg17[%run_scoped3A_39, %dma_start3A_139] : memref<16x640xf32, #tpu.memory_space<vmem>> -> memref<1x640xf32, #tpu.memory_space<vmem>>
      %dma_start3A_141 = tpu.memref_squeeze %dma_start3A_140 : memref<1x640xf32, #tpu.memory_space<vmem>> -> memref<640xf32, #tpu.memory_space<vmem>>
      %dma_start3A_142 = tpu.memref_slice %arg22[%run_scoped3A_38, %mul3A_22] : memref<16x10240xf32, #tpu.memory_space<vmem_shared>> -> memref<1x640xf32, #tpu.memory_space<vmem_shared>>
      %dma_start3A_143 = tpu.memref_squeeze %dma_start3A_142 : memref<1x640xf32, #tpu.memory_space<vmem_shared>> -> memref<640xf32, #tpu.memory_space<vmem_shared>>
      tpu.enqueue_dma source(%dma_start3A_143 : memref<640xf32, #tpu.memory_space<vmem_shared>>) target(%dma_start3A_141 : memref<640xf32, #tpu.memory_space<vmem>>) target_semaphore(%run_scoped3A_134 : memref<!tpu.dma_semaphore, #tpu.memory_space<semaphore_mem>>)
      %dma_wait3A = arith.constant 0 : i32
      %dma_wait3A_144 = tpu.memref_slice %arg17[%run_scoped3A_39, %dma_wait3A] : memref<16x640xf32, #tpu.memory_space<vmem>> -> memref<1x640xf32, #tpu.memory_space<vmem>>
      %dma_wait3A_145 = tpu.memref_squeeze %dma_wait3A_144 : memref<1x640xf32, #tpu.memory_space<vmem>> -> memref<640xf32, #tpu.memory_space<vmem>>
      %dma_wait3A_146 = tpu.memref_slice %arg22[%run_scoped3A_38, %mul3A_22] : memref<16x10240xf32, #tpu.memory_space<vmem_shared>> -> memref<1x640xf32, #tpu.memory_space<vmem_shared>>
      %dma_wait3A_147 = tpu.memref_squeeze %dma_wait3A_146 : memref<1x640xf32, #tpu.memory_space<vmem_shared>> -> memref<640xf32, #tpu.memory_space<vmem_shared>>
      %dma_wait3A_148 = arith.constant 0 : i32
      %dma_wait3A_149 = tpu.memref_slice %arg17[%run_scoped3A_39, %dma_wait3A_148] : memref<16x640xf32, #tpu.memory_space<vmem>> -> memref<1x640xf32, #tpu.memory_space<vmem>>
      %dma_wait3A_150 = tpu.memref_squeeze %dma_wait3A_149 : memref<1x640xf32, #tpu.memory_space<vmem>> -> memref<640xf32, #tpu.memory_space<vmem>>
      %dma_wait3A_151 = tpu.memref_slice %arg22[%run_scoped3A_38, %mul3A_22] : memref<16x10240xf32, #tpu.memory_space<vmem_shared>> -> memref<1x640xf32, #tpu.memory_space<vmem_shared>>
      %dma_wait3A_152 = tpu.memref_squeeze %dma_wait3A_151 : memref<1x640xf32, #tpu.memory_space<vmem_shared>> -> memref<640xf32, #tpu.memory_space<vmem_shared>>
      tpu.wait_dma2 semaphore(%run_scoped3A_134 : memref<!tpu.dma_semaphore, #tpu.memory_space<semaphore_mem>>) src(%dma_wait3A_152 : memref<640xf32, #tpu.memory_space<vmem_shared>>) dst(%dma_wait3A_150 : memref<640xf32, #tpu.memory_space<vmem>>)
      tpu.yield
    }) : () -> ()
    %run_scoped3A_40 = arith.constant 4 : i32
    %run_scoped3A_41 = arith.constant 4 : i32
    "tpu.region"() ({
      %run_scoped3A_134 = tpu.sem_alloc : memref<!tpu.dma_semaphore, #tpu.memory_space<semaphore_mem>>
      %dma_start3A = arith.constant 0 : i32
      %dma_start3A_135 = tpu.memref_slice %arg18[%run_scoped3A_41, %dma_start3A] : memref<16x640xf32, #tpu.memory_space<vmem>> -> memref<1x640xf32, #tpu.memory_space<vmem>>
      %dma_start3A_136 = tpu.memref_squeeze %dma_start3A_135 : memref<1x640xf32, #tpu.memory_space<vmem>> -> memref<640xf32, #tpu.memory_space<vmem>>
      %dma_start3A_137 = tpu.memref_slice %arg23[%run_scoped3A_40, %mul3A_22] : memref<16x10240xf32, #tpu.memory_space<vmem_shared>> -> memref<1x640xf32, #tpu.memory_space<vmem_shared>>
      %dma_start3A_138 = tpu.memref_squeeze %dma_start3A_137 : memref<1x640xf32, #tpu.memory_space<vmem_shared>> -> memref<640xf32, #tpu.memory_space<vmem_shared>>
      %dma_start3A_139 = arith.constant 0 : i32
      %dma_start3A_140 = tpu.memref_slice %arg18[%run_scoped3A_41, %dma_start3A_139] : memref<16x640xf32, #tpu.memory_space<vmem>> -> memref<1x640xf32, #tpu.memory_space<vmem>>
      %dma_start3A_141 = tpu.memref_squeeze %dma_start3A_140 : memref<1x640xf32, #tpu.memory_space<vmem>> -> memref<640xf32, #tpu.memory_space<vmem>>
      %dma_start3A_142 = tpu.memref_slice %arg23[%run_scoped3A_40, %mul3A_22] : memref<16x10240xf32, #tpu.memory_space<vmem_shared>> -> memref<1x640xf32, #tpu.memory_space<vmem_shared>>
      %dma_start3A_143 = tpu.memref_squeeze %dma_start3A_142 : memref<1x640xf32, #tpu.memory_space<vmem_shared>> -> memref<640xf32, #tpu.memory_space<vmem_shared>>
      tpu.enqueue_dma source(%dma_start3A_143 : memref<640xf32, #tpu.memory_space<vmem_shared>>) target(%dma_start3A_141 : memref<640xf32, #tpu.memory_space<vmem>>) target_semaphore(%run_scoped3A_134 : memref<!tpu.dma_semaphore, #tpu.memory_space<semaphore_mem>>)
      %dma_wait3A = arith.constant 0 : i32
      %dma_wait3A_144 = tpu.memref_slice %arg18[%run_scoped3A_41, %dma_wait3A] : memref<16x640xf32, #tpu.memory_space<vmem>> -> memref<1x640xf32, #tpu.memory_space<vmem>>
      %dma_wait3A_145 = tpu.memref_squeeze %dma_wait3A_144 : memref<1x640xf32, #tpu.memory_space<vmem>> -> memref<640xf32, #tpu.memory_space<vmem>>
      %dma_wait3A_146 = tpu.memref_slice %arg23[%run_scoped3A_40, %mul3A_22] : memref<16x10240xf32, #tpu.memory_space<vmem_shared>> -> memref<1x640xf32, #tpu.memory_space<vmem_shared>>
      %dma_wait3A_147 = tpu.memref_squeeze %dma_wait3A_146 : memref<1x640xf32, #tpu.memory_space<vmem_shared>> -> memref<640xf32, #tpu.memory_space<vmem_shared>>
      %dma_wait3A_148 = arith.constant 0 : i32
      %dma_wait3A_149 = tpu.memref_slice %arg18[%run_scoped3A_41, %dma_wait3A_148] : memref<16x640xf32, #tpu.memory_space<vmem>> -> memref<1x640xf32, #tpu.memory_space<vmem>>
      %dma_wait3A_150 = tpu.memref_squeeze %dma_wait3A_149 : memref<1x640xf32, #tpu.memory_space<vmem>> -> memref<640xf32, #tpu.memory_space<vmem>>
      %dma_wait3A_151 = tpu.memref_slice %arg23[%run_scoped3A_40, %mul3A_22] : memref<16x10240xf32, #tpu.memory_space<vmem_shared>> -> memref<1x640xf32, #tpu.memory_space<vmem_shared>>
      %dma_wait3A_152 = tpu.memref_squeeze %dma_wait3A_151 : memref<1x640xf32, #tpu.memory_space<vmem_shared>> -> memref<640xf32, #tpu.memory_space<vmem_shared>>
      tpu.wait_dma2 semaphore(%run_scoped3A_134 : memref<!tpu.dma_semaphore, #tpu.memory_space<semaphore_mem>>) src(%dma_wait3A_152 : memref<640xf32, #tpu.memory_space<vmem_shared>>) dst(%dma_wait3A_150 : memref<640xf32, #tpu.memory_space<vmem>>)
      tpu.yield
    }) : () -> ()
    %run_scoped3A_42 = arith.constant 5 : i32
    %run_scoped3A_43 = arith.constant 5 : i32
    "tpu.region"() ({
      %run_scoped3A_134 = tpu.sem_alloc : memref<!tpu.dma_semaphore, #tpu.memory_space<semaphore_mem>>
      %dma_start3A = arith.constant 0 : i32
      %dma_start3A_135 = tpu.memref_slice %arg17[%run_scoped3A_43, %dma_start3A] : memref<16x640xf32, #tpu.memory_space<vmem>> -> memref<1x640xf32, #tpu.memory_space<vmem>>
      %dma_start3A_136 = tpu.memref_squeeze %dma_start3A_135 : memref<1x640xf32, #tpu.memory_space<vmem>> -> memref<640xf32, #tpu.memory_space<vmem>>
      %dma_start3A_137 = tpu.memref_slice %arg22[%run_scoped3A_42, %mul3A_22] : memref<16x10240xf32, #tpu.memory_space<vmem_shared>> -> memref<1x640xf32, #tpu.memory_space<vmem_shared>>
      %dma_start3A_138 = tpu.memref_squeeze %dma_start3A_137 : memref<1x640xf32, #tpu.memory_space<vmem_shared>> -> memref<640xf32, #tpu.memory_space<vmem_shared>>
      %dma_start3A_139 = arith.constant 0 : i32
      %dma_start3A_140 = tpu.memref_slice %arg17[%run_scoped3A_43, %dma_start3A_139] : memref<16x640xf32, #tpu.memory_space<vmem>> -> memref<1x640xf32, #tpu.memory_space<vmem>>
      %dma_start3A_141 = tpu.memref_squeeze %dma_start3A_140 : memref<1x640xf32, #tpu.memory_space<vmem>> -> memref<640xf32, #tpu.memory_space<vmem>>
      %dma_start3A_142 = tpu.memref_slice %arg22[%run_scoped3A_42, %mul3A_22] : memref<16x10240xf32, #tpu.memory_space<vmem_shared>> -> memref<1x640xf32, #tpu.memory_space<vmem_shared>>
      %dma_start3A_143 = tpu.memref_squeeze %dma_start3A_142 : memref<1x640xf32, #tpu.memory_space<vmem_shared>> -> memref<640xf32, #tpu.memory_space<vmem_shared>>
      tpu.enqueue_dma source(%dma_start3A_143 : memref<640xf32, #tpu.memory_space<vmem_shared>>) target(%dma_start3A_141 : memref<640xf32, #tpu.memory_space<vmem>>) target_semaphore(%run_scoped3A_134 : memref<!tpu.dma_semaphore, #tpu.memory_space<semaphore_mem>>)
      %dma_wait3A = arith.constant 0 : i32
      %dma_wait3A_144 = tpu.memref_slice %arg17[%run_scoped3A_43, %dma_wait3A] : memref<16x640xf32, #tpu.memory_space<vmem>> -> memref<1x640xf32, #tpu.memory_space<vmem>>
      %dma_wait3A_145 = tpu.memref_squeeze %dma_wait3A_144 : memref<1x640xf32, #tpu.memory_space<vmem>> -> memref<640xf32, #tpu.memory_space<vmem>>
      %dma_wait3A_146 = tpu.memref_slice %arg22[%run_scoped3A_42, %mul3A_22] : memref<16x10240xf32, #tpu.memory_space<vmem_shared>> -> memref<1x640xf32, #tpu.memory_space<vmem_shared>>
      %dma_wait3A_147 = tpu.memref_squeeze %dma_wait3A_146 : memref<1x640xf32, #tpu.memory_space<vmem_shared>> -> memref<640xf32, #tpu.memory_space<vmem_shared>>
      %dma_wait3A_148 = arith.constant 0 : i32
      %dma_wait3A_149 = tpu.memref_slice %arg17[%run_scoped3A_43, %dma_wait3A_148] : memref<16x640xf32, #tpu.memory_space<vmem>> -> memref<1x640xf32, #tpu.memory_space<vmem>>
      %dma_wait3A_150 = tpu.memref_squeeze %dma_wait3A_149 : memref<1x640xf32, #tpu.memory_space<vmem>> -> memref<640xf32, #tpu.memory_space<vmem>>
      %dma_wait3A_151 = tpu.memref_slice %arg22[%run_scoped3A_42, %mul3A_22] : memref<16x10240xf32, #tpu.memory_space<vmem_shared>> -> memref<1x640xf32, #tpu.memory_space<vmem_shared>>
      %dma_wait3A_152 = tpu.memref_squeeze %dma_wait3A_151 : memref<1x640xf32, #tpu.memory_space<vmem_shared>> -> memref<640xf32, #tpu.memory_space<vmem_shared>>
      tpu.wait_dma2 semaphore(%run_scoped3A_134 : memref<!tpu.dma_semaphore, #tpu.memory_space<semaphore_mem>>) src(%dma_wait3A_152 : memref<640xf32, #tpu.memory_space<vmem_shared>>) dst(%dma_wait3A_150 : memref<640xf32, #tpu.memory_space<vmem>>)
      tpu.yield
    }) : () -> ()
    %run_scoped3A_44 = arith.constant 5 : i32
    %run_scoped3A_45 = arith.constant 5 : i32
    "tpu.region"() ({
      %run_scoped3A_134 = tpu.sem_alloc : memref<!tpu.dma_semaphore, #tpu.memory_space<semaphore_mem>>
      %dma_start3A = arith.constant 0 : i32
      %dma_start3A_135 = tpu.memref_slice %arg18[%run_scoped3A_45, %dma_start3A] : memref<16x640xf32, #tpu.memory_space<vmem>> -> memref<1x640xf32, #tpu.memory_space<vmem>>
      %dma_start3A_136 = tpu.memref_squeeze %dma_start3A_135 : memref<1x640xf32, #tpu.memory_space<vmem>> -> memref<640xf32, #tpu.memory_space<vmem>>
      %dma_start3A_137 = tpu.memref_slice %arg23[%run_scoped3A_44, %mul3A_22] : memref<16x10240xf32, #tpu.memory_space<vmem_shared>> -> memref<1x640xf32, #tpu.memory_space<vmem_shared>>
      %dma_start3A_138 = tpu.memref_squeeze %dma_start3A_137 : memref<1x640xf32, #tpu.memory_space<vmem_shared>> -> memref<640xf32, #tpu.memory_space<vmem_shared>>
      %dma_start3A_139 = arith.constant 0 : i32
      %dma_start3A_140 = tpu.memref_slice %arg18[%run_scoped3A_45, %dma_start3A_139] : memref<16x640xf32, #tpu.memory_space<vmem>> -> memref<1x640xf32, #tpu.memory_space<vmem>>
      %dma_start3A_141 = tpu.memref_squeeze %dma_start3A_140 : memref<1x640xf32, #tpu.memory_space<vmem>> -> memref<640xf32, #tpu.memory_space<vmem>>
      %dma_start3A_142 = tpu.memref_slice %arg23[%run_scoped3A_44, %mul3A_22] : memref<16x10240xf32, #tpu.memory_space<vmem_shared>> -> memref<1x640xf32, #tpu.memory_space<vmem_shared>>
      %dma_start3A_143 = tpu.memref_squeeze %dma_start3A_142 : memref<1x640xf32, #tpu.memory_space<vmem_shared>> -> memref<640xf32, #tpu.memory_space<vmem_shared>>
      tpu.enqueue_dma source(%dma_start3A_143 : memref<640xf32, #tpu.memory_space<vmem_shared>>) target(%dma_start3A_141 : memref<640xf32, #tpu.memory_space<vmem>>) target_semaphore(%run_scoped3A_134 : memref<!tpu.dma_semaphore, #tpu.memory_space<semaphore_mem>>)
      %dma_wait3A = arith.constant 0 : i32
      %dma_wait3A_144 = tpu.memref_slice %arg18[%run_scoped3A_45, %dma_wait3A] : memref<16x640xf32, #tpu.memory_space<vmem>> -> memref<1x640xf32, #tpu.memory_space<vmem>>
      %dma_wait3A_145 = tpu.memref_squeeze %dma_wait3A_144 : memref<1x640xf32, #tpu.memory_space<vmem>> -> memref<640xf32, #tpu.memory_space<vmem>>
      %dma_wait3A_146 = tpu.memref_slice %arg23[%run_scoped3A_44, %mul3A_22] : memref<16x10240xf32, #tpu.memory_space<vmem_shared>> -> memref<1x640xf32, #tpu.memory_space<vmem_shared>>
      %dma_wait3A_147 = tpu.memref_squeeze %dma_wait3A_146 : memref<1x640xf32, #tpu.memory_space<vmem_shared>> -> memref<640xf32, #tpu.memory_space<vmem_shared>>
      %dma_wait3A_148 = arith.constant 0 : i32
      %dma_wait3A_149 = tpu.memref_slice %arg18[%run_scoped3A_45, %dma_wait3A_148] : memref<16x640xf32, #tpu.memory_space<vmem>> -> memref<1x640xf32, #tpu.memory_space<vmem>>
      %dma_wait3A_150 = tpu.memref_squeeze %dma_wait3A_149 : memref<1x640xf32, #tpu.memory_space<vmem>> -> memref<640xf32, #tpu.memory_space<vmem>>
      %dma_wait3A_151 = tpu.memref_slice %arg23[%run_scoped3A_44, %mul3A_22] : memref<16x10240xf32, #tpu.memory_space<vmem_shared>> -> memref<1x640xf32, #tpu.memory_space<vmem_shared>>
      %dma_wait3A_152 = tpu.memref_squeeze %dma_wait3A_151 : memref<1x640xf32, #tpu.memory_space<vmem_shared>> -> memref<640xf32, #tpu.memory_space<vmem_shared>>
      tpu.wait_dma2 semaphore(%run_scoped3A_134 : memref<!tpu.dma_semaphore, #tpu.memory_space<semaphore_mem>>) src(%dma_wait3A_152 : memref<640xf32, #tpu.memory_space<vmem_shared>>) dst(%dma_wait3A_150 : memref<640xf32, #tpu.memory_space<vmem>>)
      tpu.yield
    }) : () -> ()
    %run_scoped3A_46 = arith.constant 6 : i32
    %run_scoped3A_47 = arith.constant 6 : i32
    "tpu.region"() ({
      %run_scoped3A_134 = tpu.sem_alloc : memref<!tpu.dma_semaphore, #tpu.memory_space<semaphore_mem>>
      %dma_start3A = arith.constant 0 : i32
      %dma_start3A_135 = tpu.memref_slice %arg17[%run_scoped3A_47, %dma_start3A] : memref<16x640xf32, #tpu.memory_space<vmem>> -> memref<1x640xf32, #tpu.memory_space<vmem>>
      %dma_start3A_136 = tpu.memref_squeeze %dma_start3A_135 : memref<1x640xf32, #tpu.memory_space<vmem>> -> memref<640xf32, #tpu.memory_space<vmem>>
      %dma_start3A_137 = tpu.memref_slice %arg22[%run_scoped3A_46, %mul3A_22] : memref<16x10240xf32, #tpu.memory_space<vmem_shared>> -> memref<1x640xf32, #tpu.memory_space<vmem_shared>>
      %dma_start3A_138 = tpu.memref_squeeze %dma_start3A_137 : memref<1x640xf32, #tpu.memory_space<vmem_shared>> -> memref<640xf32, #tpu.memory_space<vmem_shared>>
      %dma_start3A_139 = arith.constant 0 : i32
      %dma_start3A_140 = tpu.memref_slice %arg17[%run_scoped3A_47, %dma_start3A_139] : memref<16x640xf32, #tpu.memory_space<vmem>> -> memref<1x640xf32, #tpu.memory_space<vmem>>
      %dma_start3A_141 = tpu.memref_squeeze %dma_start3A_140 : memref<1x640xf32, #tpu.memory_space<vmem>> -> memref<640xf32, #tpu.memory_space<vmem>>
      %dma_start3A_142 = tpu.memref_slice %arg22[%run_scoped3A_46, %mul3A_22] : memref<16x10240xf32, #tpu.memory_space<vmem_shared>> -> memref<1x640xf32, #tpu.memory_space<vmem_shared>>
      %dma_start3A_143 = tpu.memref_squeeze %dma_start3A_142 : memref<1x640xf32, #tpu.memory_space<vmem_shared>> -> memref<640xf32, #tpu.memory_space<vmem_shared>>
      tpu.enqueue_dma source(%dma_start3A_143 : memref<640xf32, #tpu.memory_space<vmem_shared>>) target(%dma_start3A_141 : memref<640xf32, #tpu.memory_space<vmem>>) target_semaphore(%run_scoped3A_134 : memref<!tpu.dma_semaphore, #tpu.memory_space<semaphore_mem>>)
      %dma_wait3A = arith.constant 0 : i32
      %dma_wait3A_144 = tpu.memref_slice %arg17[%run_scoped3A_47, %dma_wait3A] : memref<16x640xf32, #tpu.memory_space<vmem>> -> memref<1x640xf32, #tpu.memory_space<vmem>>
      %dma_wait3A_145 = tpu.memref_squeeze %dma_wait3A_144 : memref<1x640xf32, #tpu.memory_space<vmem>> -> memref<640xf32, #tpu.memory_space<vmem>>
      %dma_wait3A_146 = tpu.memref_slice %arg22[%run_scoped3A_46, %mul3A_22] : memref<16x10240xf32, #tpu.memory_space<vmem_shared>> -> memref<1x640xf32, #tpu.memory_space<vmem_shared>>
      %dma_wait3A_147 = tpu.memref_squeeze %dma_wait3A_146 : memref<1x640xf32, #tpu.memory_space<vmem_shared>> -> memref<640xf32, #tpu.memory_space<vmem_shared>>
      %dma_wait3A_148 = arith.constant 0 : i32
      %dma_wait3A_149 = tpu.memref_slice %arg17[%run_scoped3A_47, %dma_wait3A_148] : memref<16x640xf32, #tpu.memory_space<vmem>> -> memref<1x640xf32, #tpu.memory_space<vmem>>
      %dma_wait3A_150 = tpu.memref_squeeze %dma_wait3A_149 : memref<1x640xf32, #tpu.memory_space<vmem>> -> memref<640xf32, #tpu.memory_space<vmem>>
      %dma_wait3A_151 = tpu.memref_slice %arg22[%run_scoped3A_46, %mul3A_22] : memref<16x10240xf32, #tpu.memory_space<vmem_shared>> -> memref<1x640xf32, #tpu.memory_space<vmem_shared>>
      %dma_wait3A_152 = tpu.memref_squeeze %dma_wait3A_151 : memref<1x640xf32, #tpu.memory_space<vmem_shared>> -> memref<640xf32, #tpu.memory_space<vmem_shared>>
      tpu.wait_dma2 semaphore(%run_scoped3A_134 : memref<!tpu.dma_semaphore, #tpu.memory_space<semaphore_mem>>) src(%dma_wait3A_152 : memref<640xf32, #tpu.memory_space<vmem_shared>>) dst(%dma_wait3A_150 : memref<640xf32, #tpu.memory_space<vmem>>)
      tpu.yield
    }) : () -> ()
    %run_scoped3A_48 = arith.constant 6 : i32
    %run_scoped3A_49 = arith.constant 6 : i32
    "tpu.region"() ({
      %run_scoped3A_134 = tpu.sem_alloc : memref<!tpu.dma_semaphore, #tpu.memory_space<semaphore_mem>>
      %dma_start3A = arith.constant 0 : i32
      %dma_start3A_135 = tpu.memref_slice %arg18[%run_scoped3A_49, %dma_start3A] : memref<16x640xf32, #tpu.memory_space<vmem>> -> memref<1x640xf32, #tpu.memory_space<vmem>>
      %dma_start3A_136 = tpu.memref_squeeze %dma_start3A_135 : memref<1x640xf32, #tpu.memory_space<vmem>> -> memref<640xf32, #tpu.memory_space<vmem>>
      %dma_start3A_137 = tpu.memref_slice %arg23[%run_scoped3A_48, %mul3A_22] : memref<16x10240xf32, #tpu.memory_space<vmem_shared>> -> memref<1x640xf32, #tpu.memory_space<vmem_shared>>
      %dma_start3A_138 = tpu.memref_squeeze %dma_start3A_137 : memref<1x640xf32, #tpu.memory_space<vmem_shared>> -> memref<640xf32, #tpu.memory_space<vmem_shared>>
      %dma_start3A_139 = arith.constant 0 : i32
      %dma_start3A_140 = tpu.memref_slice %arg18[%run_scoped3A_49, %dma_start3A_139] : memref<16x640xf32, #tpu.memory_space<vmem>> -> memref<1x640xf32, #tpu.memory_space<vmem>>
      %dma_start3A_141 = tpu.memref_squeeze %dma_start3A_140 : memref<1x640xf32, #tpu.memory_space<vmem>> -> memref<640xf32, #tpu.memory_space<vmem>>
      %dma_start3A_142 = tpu.memref_slice %arg23[%run_scoped3A_48, %mul3A_22] : memref<16x10240xf32, #tpu.memory_space<vmem_shared>> -> memref<1x640xf32, #tpu.memory_space<vmem_shared>>
      %dma_start3A_143 = tpu.memref_squeeze %dma_start3A_142 : memref<1x640xf32, #tpu.memory_space<vmem_shared>> -> memref<640xf32, #tpu.memory_space<vmem_shared>>
      tpu.enqueue_dma source(%dma_start3A_143 : memref<640xf32, #tpu.memory_space<vmem_shared>>) target(%dma_start3A_141 : memref<640xf32, #tpu.memory_space<vmem>>) target_semaphore(%run_scoped3A_134 : memref<!tpu.dma_semaphore, #tpu.memory_space<semaphore_mem>>)
      %dma_wait3A = arith.constant 0 : i32
      %dma_wait3A_144 = tpu.memref_slice %arg18[%run_scoped3A_49, %dma_wait3A] : memref<16x640xf32, #tpu.memory_space<vmem>> -> memref<1x640xf32, #tpu.memory_space<vmem>>
      %dma_wait3A_145 = tpu.memref_squeeze %dma_wait3A_144 : memref<1x640xf32, #tpu.memory_space<vmem>> -> memref<640xf32, #tpu.memory_space<vmem>>
      %dma_wait3A_146 = tpu.memref_slice %arg23[%run_scoped3A_48, %mul3A_22] : memref<16x10240xf32, #tpu.memory_space<vmem_shared>> -> memref<1x640xf32, #tpu.memory_space<vmem_shared>>
      %dma_wait3A_147 = tpu.memref_squeeze %dma_wait3A_146 : memref<1x640xf32, #tpu.memory_space<vmem_shared>> -> memref<640xf32, #tpu.memory_space<vmem_shared>>
      %dma_wait3A_148 = arith.constant 0 : i32
      %dma_wait3A_149 = tpu.memref_slice %arg18[%run_scoped3A_49, %dma_wait3A_148] : memref<16x640xf32, #tpu.memory_space<vmem>> -> memref<1x640xf32, #tpu.memory_space<vmem>>
      %dma_wait3A_150 = tpu.memref_squeeze %dma_wait3A_149 : memref<1x640xf32, #tpu.memory_space<vmem>> -> memref<640xf32, #tpu.memory_space<vmem>>
      %dma_wait3A_151 = tpu.memref_slice %arg23[%run_scoped3A_48, %mul3A_22] : memref<16x10240xf32, #tpu.memory_space<vmem_shared>> -> memref<1x640xf32, #tpu.memory_space<vmem_shared>>
      %dma_wait3A_152 = tpu.memref_squeeze %dma_wait3A_151 : memref<1x640xf32, #tpu.memory_space<vmem_shared>> -> memref<640xf32, #tpu.memory_space<vmem_shared>>
      tpu.wait_dma2 semaphore(%run_scoped3A_134 : memref<!tpu.dma_semaphore, #tpu.memory_space<semaphore_mem>>) src(%dma_wait3A_152 : memref<640xf32, #tpu.memory_space<vmem_shared>>) dst(%dma_wait3A_150 : memref<640xf32, #tpu.memory_space<vmem>>)
      tpu.yield
    }) : () -> ()
    %run_scoped3A_50 = arith.constant 7 : i32
    %run_scoped3A_51 = arith.constant 7 : i32
    "tpu.region"() ({
      %run_scoped3A_134 = tpu.sem_alloc : memref<!tpu.dma_semaphore, #tpu.memory_space<semaphore_mem>>
      %dma_start3A = arith.constant 0 : i32
      %dma_start3A_135 = tpu.memref_slice %arg17[%run_scoped3A_51, %dma_start3A] : memref<16x640xf32, #tpu.memory_space<vmem>> -> memref<1x640xf32, #tpu.memory_space<vmem>>
      %dma_start3A_136 = tpu.memref_squeeze %dma_start3A_135 : memref<1x640xf32, #tpu.memory_space<vmem>> -> memref<640xf32, #tpu.memory_space<vmem>>
      %dma_start3A_137 = tpu.memref_slice %arg22[%run_scoped3A_50, %mul3A_22] : memref<16x10240xf32, #tpu.memory_space<vmem_shared>> -> memref<1x640xf32, #tpu.memory_space<vmem_shared>>
      %dma_start3A_138 = tpu.memref_squeeze %dma_start3A_137 : memref<1x640xf32, #tpu.memory_space<vmem_shared>> -> memref<640xf32, #tpu.memory_space<vmem_shared>>
      %dma_start3A_139 = arith.constant 0 : i32
      %dma_start3A_140 = tpu.memref_slice %arg17[%run_scoped3A_51, %dma_start3A_139] : memref<16x640xf32, #tpu.memory_space<vmem>> -> memref<1x640xf32, #tpu.memory_space<vmem>>
      %dma_start3A_141 = tpu.memref_squeeze %dma_start3A_140 : memref<1x640xf32, #tpu.memory_space<vmem>> -> memref<640xf32, #tpu.memory_space<vmem>>
      %dma_start3A_142 = tpu.memref_slice %arg22[%run_scoped3A_50, %mul3A_22] : memref<16x10240xf32, #tpu.memory_space<vmem_shared>> -> memref<1x640xf32, #tpu.memory_space<vmem_shared>>
      %dma_start3A_143 = tpu.memref_squeeze %dma_start3A_142 : memref<1x640xf32, #tpu.memory_space<vmem_shared>> -> memref<640xf32, #tpu.memory_space<vmem_shared>>
      tpu.enqueue_dma source(%dma_start3A_143 : memref<640xf32, #tpu.memory_space<vmem_shared>>) target(%dma_start3A_141 : memref<640xf32, #tpu.memory_space<vmem>>) target_semaphore(%run_scoped3A_134 : memref<!tpu.dma_semaphore, #tpu.memory_space<semaphore_mem>>)
      %dma_wait3A = arith.constant 0 : i32
      %dma_wait3A_144 = tpu.memref_slice %arg17[%run_scoped3A_51, %dma_wait3A] : memref<16x640xf32, #tpu.memory_space<vmem>> -> memref<1x640xf32, #tpu.memory_space<vmem>>
      %dma_wait3A_145 = tpu.memref_squeeze %dma_wait3A_144 : memref<1x640xf32, #tpu.memory_space<vmem>> -> memref<640xf32, #tpu.memory_space<vmem>>
      %dma_wait3A_146 = tpu.memref_slice %arg22[%run_scoped3A_50, %mul3A_22] : memref<16x10240xf32, #tpu.memory_space<vmem_shared>> -> memref<1x640xf32, #tpu.memory_space<vmem_shared>>
      %dma_wait3A_147 = tpu.memref_squeeze %dma_wait3A_146 : memref<1x640xf32, #tpu.memory_space<vmem_shared>> -> memref<640xf32, #tpu.memory_space<vmem_shared>>
      %dma_wait3A_148 = arith.constant 0 : i32
      %dma_wait3A_149 = tpu.memref_slice %arg17[%run_scoped3A_51, %dma_wait3A_148] : memref<16x640xf32, #tpu.memory_space<vmem>> -> memref<1x640xf32, #tpu.memory_space<vmem>>
      %dma_wait3A_150 = tpu.memref_squeeze %dma_wait3A_149 : memref<1x640xf32, #tpu.memory_space<vmem>> -> memref<640xf32, #tpu.memory_space<vmem>>
      %dma_wait3A_151 = tpu.memref_slice %arg22[%run_scoped3A_50, %mul3A_22] : memref<16x10240xf32, #tpu.memory_space<vmem_shared>> -> memref<1x640xf32, #tpu.memory_space<vmem_shared>>
      %dma_wait3A_152 = tpu.memref_squeeze %dma_wait3A_151 : memref<1x640xf32, #tpu.memory_space<vmem_shared>> -> memref<640xf32, #tpu.memory_space<vmem_shared>>
      tpu.wait_dma2 semaphore(%run_scoped3A_134 : memref<!tpu.dma_semaphore, #tpu.memory_space<semaphore_mem>>) src(%dma_wait3A_152 : memref<640xf32, #tpu.memory_space<vmem_shared>>) dst(%dma_wait3A_150 : memref<640xf32, #tpu.memory_space<vmem>>)
      tpu.yield
    }) : () -> ()
    %run_scoped3A_52 = arith.constant 7 : i32
    %run_scoped3A_53 = arith.constant 7 : i32
    "tpu.region"() ({
      %run_scoped3A_134 = tpu.sem_alloc : memref<!tpu.dma_semaphore, #tpu.memory_space<semaphore_mem>>
      %dma_start3A = arith.constant 0 : i32
      %dma_start3A_135 = tpu.memref_slice %arg18[%run_scoped3A_53, %dma_start3A] : memref<16x640xf32, #tpu.memory_space<vmem>> -> memref<1x640xf32, #tpu.memory_space<vmem>>
      %dma_start3A_136 = tpu.memref_squeeze %dma_start3A_135 : memref<1x640xf32, #tpu.memory_space<vmem>> -> memref<640xf32, #tpu.memory_space<vmem>>
      %dma_start3A_137 = tpu.memref_slice %arg23[%run_scoped3A_52, %mul3A_22] : memref<16x10240xf32, #tpu.memory_space<vmem_shared>> -> memref<1x640xf32, #tpu.memory_space<vmem_shared>>
      %dma_start3A_138 = tpu.memref_squeeze %dma_start3A_137 : memref<1x640xf32, #tpu.memory_space<vmem_shared>> -> memref<640xf32, #tpu.memory_space<vmem_shared>>
      %dma_start3A_139 = arith.constant 0 : i32
      %dma_start3A_140 = tpu.memref_slice %arg18[%run_scoped3A_53, %dma_start3A_139] : memref<16x640xf32, #tpu.memory_space<vmem>> -> memref<1x640xf32, #tpu.memory_space<vmem>>
      %dma_start3A_141 = tpu.memref_squeeze %dma_start3A_140 : memref<1x640xf32, #tpu.memory_space<vmem>> -> memref<640xf32, #tpu.memory_space<vmem>>
      %dma_start3A_142 = tpu.memref_slice %arg23[%run_scoped3A_52, %mul3A_22] : memref<16x10240xf32, #tpu.memory_space<vmem_shared>> -> memref<1x640xf32, #tpu.memory_space<vmem_shared>>
      %dma_start3A_143 = tpu.memref_squeeze %dma_start3A_142 : memref<1x640xf32, #tpu.memory_space<vmem_shared>> -> memref<640xf32, #tpu.memory_space<vmem_shared>>
      tpu.enqueue_dma source(%dma_start3A_143 : memref<640xf32, #tpu.memory_space<vmem_shared>>) target(%dma_start3A_141 : memref<640xf32, #tpu.memory_space<vmem>>) target_semaphore(%run_scoped3A_134 : memref<!tpu.dma_semaphore, #tpu.memory_space<semaphore_mem>>)
      %dma_wait3A = arith.constant 0 : i32
      %dma_wait3A_144 = tpu.memref_slice %arg18[%run_scoped3A_53, %dma_wait3A] : memref<16x640xf32, #tpu.memory_space<vmem>> -> memref<1x640xf32, #tpu.memory_space<vmem>>
      %dma_wait3A_145 = tpu.memref_squeeze %dma_wait3A_144 : memref<1x640xf32, #tpu.memory_space<vmem>> -> memref<640xf32, #tpu.memory_space<vmem>>
      %dma_wait3A_146 = tpu.memref_slice %arg23[%run_scoped3A_52, %mul3A_22] : memref<16x10240xf32, #tpu.memory_space<vmem_shared>> -> memref<1x640xf32, #tpu.memory_space<vmem_shared>>
      %dma_wait3A_147 = tpu.memref_squeeze %dma_wait3A_146 : memref<1x640xf32, #tpu.memory_space<vmem_shared>> -> memref<640xf32, #tpu.memory_space<vmem_shared>>
      %dma_wait3A_148 = arith.constant 0 : i32
      %dma_wait3A_149 = tpu.memref_slice %arg18[%run_scoped3A_53, %dma_wait3A_148] : memref<16x640xf32, #tpu.memory_space<vmem>> -> memref<1x640xf32, #tpu.memory_space<vmem>>
      %dma_wait3A_150 = tpu.memref_squeeze %dma_wait3A_149 : memref<1x640xf32, #tpu.memory_space<vmem>> -> memref<640xf32, #tpu.memory_space<vmem>>
      %dma_wait3A_151 = tpu.memref_slice %arg23[%run_scoped3A_52, %mul3A_22] : memref<16x10240xf32, #tpu.memory_space<vmem_shared>> -> memref<1x640xf32, #tpu.memory_space<vmem_shared>>
      %dma_wait3A_152 = tpu.memref_squeeze %dma_wait3A_151 : memref<1x640xf32, #tpu.memory_space<vmem_shared>> -> memref<640xf32, #tpu.memory_space<vmem_shared>>
      tpu.wait_dma2 semaphore(%run_scoped3A_134 : memref<!tpu.dma_semaphore, #tpu.memory_space<semaphore_mem>>) src(%dma_wait3A_152 : memref<640xf32, #tpu.memory_space<vmem_shared>>) dst(%dma_wait3A_150 : memref<640xf32, #tpu.memory_space<vmem>>)
      tpu.yield
    }) : () -> ()
    %run_scoped3A_54 = arith.constant 8 : i32
    %run_scoped3A_55 = arith.constant 8 : i32
    "tpu.region"() ({
      %run_scoped3A_134 = tpu.sem_alloc : memref<!tpu.dma_semaphore, #tpu.memory_space<semaphore_mem>>
      %dma_start3A = arith.constant 0 : i32
      %dma_start3A_135 = tpu.memref_slice %arg17[%run_scoped3A_55, %dma_start3A] : memref<16x640xf32, #tpu.memory_space<vmem>> -> memref<1x640xf32, #tpu.memory_space<vmem>>
      %dma_start3A_136 = tpu.memref_squeeze %dma_start3A_135 : memref<1x640xf32, #tpu.memory_space<vmem>> -> memref<640xf32, #tpu.memory_space<vmem>>
      %dma_start3A_137 = tpu.memref_slice %arg22[%run_scoped3A_54, %mul3A_22] : memref<16x10240xf32, #tpu.memory_space<vmem_shared>> -> memref<1x640xf32, #tpu.memory_space<vmem_shared>>
      %dma_start3A_138 = tpu.memref_squeeze %dma_start3A_137 : memref<1x640xf32, #tpu.memory_space<vmem_shared>> -> memref<640xf32, #tpu.memory_space<vmem_shared>>
      %dma_start3A_139 = arith.constant 0 : i32
      %dma_start3A_140 = tpu.memref_slice %arg17[%run_scoped3A_55, %dma_start3A_139] : memref<16x640xf32, #tpu.memory_space<vmem>> -> memref<1x640xf32, #tpu.memory_space<vmem>>
      %dma_start3A_141 = tpu.memref_squeeze %dma_start3A_140 : memref<1x640xf32, #tpu.memory_space<vmem>> -> memref<640xf32, #tpu.memory_space<vmem>>
      %dma_start3A_142 = tpu.memref_slice %arg22[%run_scoped3A_54, %mul3A_22] : memref<16x10240xf32, #tpu.memory_space<vmem_shared>> -> memref<1x640xf32, #tpu.memory_space<vmem_shared>>
      %dma_start3A_143 = tpu.memref_squeeze %dma_start3A_142 : memref<1x640xf32, #tpu.memory_space<vmem_shared>> -> memref<640xf32, #tpu.memory_space<vmem_shared>>
      tpu.enqueue_dma source(%dma_start3A_143 : memref<640xf32, #tpu.memory_space<vmem_shared>>) target(%dma_start3A_141 : memref<640xf32, #tpu.memory_space<vmem>>) target_semaphore(%run_scoped3A_134 : memref<!tpu.dma_semaphore, #tpu.memory_space<semaphore_mem>>)
      %dma_wait3A = arith.constant 0 : i32
      %dma_wait3A_144 = tpu.memref_slice %arg17[%run_scoped3A_55, %dma_wait3A] : memref<16x640xf32, #tpu.memory_space<vmem>> -> memref<1x640xf32, #tpu.memory_space<vmem>>
      %dma_wait3A_145 = tpu.memref_squeeze %dma_wait3A_144 : memref<1x640xf32, #tpu.memory_space<vmem>> -> memref<640xf32, #tpu.memory_space<vmem>>
      %dma_wait3A_146 = tpu.memref_slice %arg22[%run_scoped3A_54, %mul3A_22] : memref<16x10240xf32, #tpu.memory_space<vmem_shared>> -> memref<1x640xf32, #tpu.memory_space<vmem_shared>>
      %dma_wait3A_147 = tpu.memref_squeeze %dma_wait3A_146 : memref<1x640xf32, #tpu.memory_space<vmem_shared>> -> memref<640xf32, #tpu.memory_space<vmem_shared>>
      %dma_wait3A_148 = arith.constant 0 : i32
      %dma_wait3A_149 = tpu.memref_slice %arg17[%run_scoped3A_55, %dma_wait3A_148] : memref<16x640xf32, #tpu.memory_space<vmem>> -> memref<1x640xf32, #tpu.memory_space<vmem>>
      %dma_wait3A_150 = tpu.memref_squeeze %dma_wait3A_149 : memref<1x640xf32, #tpu.memory_space<vmem>> -> memref<640xf32, #tpu.memory_space<vmem>>
      %dma_wait3A_151 = tpu.memref_slice %arg22[%run_scoped3A_54, %mul3A_22] : memref<16x10240xf32, #tpu.memory_space<vmem_shared>> -> memref<1x640xf32, #tpu.memory_space<vmem_shared>>
      %dma_wait3A_152 = tpu.memref_squeeze %dma_wait3A_151 : memref<1x640xf32, #tpu.memory_space<vmem_shared>> -> memref<640xf32, #tpu.memory_space<vmem_shared>>
      tpu.wait_dma2 semaphore(%run_scoped3A_134 : memref<!tpu.dma_semaphore, #tpu.memory_space<semaphore_mem>>) src(%dma_wait3A_152 : memref<640xf32, #tpu.memory_space<vmem_shared>>) dst(%dma_wait3A_150 : memref<640xf32, #tpu.memory_space<vmem>>)
      tpu.yield
    }) : () -> ()
    %run_scoped3A_56 = arith.constant 8 : i32
    %run_scoped3A_57 = arith.constant 8 : i32
    "tpu.region"() ({
      %run_scoped3A_134 = tpu.sem_alloc : memref<!tpu.dma_semaphore, #tpu.memory_space<semaphore_mem>>
      %dma_start3A = arith.constant 0 : i32
      %dma_start3A_135 = tpu.memref_slice %arg18[%run_scoped3A_57, %dma_start3A] : memref<16x640xf32, #tpu.memory_space<vmem>> -> memref<1x640xf32, #tpu.memory_space<vmem>>
      %dma_start3A_136 = tpu.memref_squeeze %dma_start3A_135 : memref<1x640xf32, #tpu.memory_space<vmem>> -> memref<640xf32, #tpu.memory_space<vmem>>
      %dma_start3A_137 = tpu.memref_slice %arg23[%run_scoped3A_56, %mul3A_22] : memref<16x10240xf32, #tpu.memory_space<vmem_shared>> -> memref<1x640xf32, #tpu.memory_space<vmem_shared>>
      %dma_start3A_138 = tpu.memref_squeeze %dma_start3A_137 : memref<1x640xf32, #tpu.memory_space<vmem_shared>> -> memref<640xf32, #tpu.memory_space<vmem_shared>>
      %dma_start3A_139 = arith.constant 0 : i32
      %dma_start3A_140 = tpu.memref_slice %arg18[%run_scoped3A_57, %dma_start3A_139] : memref<16x640xf32, #tpu.memory_space<vmem>> -> memref<1x640xf32, #tpu.memory_space<vmem>>
      %dma_start3A_141 = tpu.memref_squeeze %dma_start3A_140 : memref<1x640xf32, #tpu.memory_space<vmem>> -> memref<640xf32, #tpu.memory_space<vmem>>
      %dma_start3A_142 = tpu.memref_slice %arg23[%run_scoped3A_56, %mul3A_22] : memref<16x10240xf32, #tpu.memory_space<vmem_shared>> -> memref<1x640xf32, #tpu.memory_space<vmem_shared>>
      %dma_start3A_143 = tpu.memref_squeeze %dma_start3A_142 : memref<1x640xf32, #tpu.memory_space<vmem_shared>> -> memref<640xf32, #tpu.memory_space<vmem_shared>>
      tpu.enqueue_dma source(%dma_start3A_143 : memref<640xf32, #tpu.memory_space<vmem_shared>>) target(%dma_start3A_141 : memref<640xf32, #tpu.memory_space<vmem>>) target_semaphore(%run_scoped3A_134 : memref<!tpu.dma_semaphore, #tpu.memory_space<semaphore_mem>>)
      %dma_wait3A = arith.constant 0 : i32
      %dma_wait3A_144 = tpu.memref_slice %arg18[%run_scoped3A_57, %dma_wait3A] : memref<16x640xf32, #tpu.memory_space<vmem>> -> memref<1x640xf32, #tpu.memory_space<vmem>>
      %dma_wait3A_145 = tpu.memref_squeeze %dma_wait3A_144 : memref<1x640xf32, #tpu.memory_space<vmem>> -> memref<640xf32, #tpu.memory_space<vmem>>
      %dma_wait3A_146 = tpu.memref_slice %arg23[%run_scoped3A_56, %mul3A_22] : memref<16x10240xf32, #tpu.memory_space<vmem_shared>> -> memref<1x640xf32, #tpu.memory_space<vmem_shared>>
      %dma_wait3A_147 = tpu.memref_squeeze %dma_wait3A_146 : memref<1x640xf32, #tpu.memory_space<vmem_shared>> -> memref<640xf32, #tpu.memory_space<vmem_shared>>
      %dma_wait3A_148 = arith.constant 0 : i32
      %dma_wait3A_149 = tpu.memref_slice %arg18[%run_scoped3A_57, %dma_wait3A_148] : memref<16x640xf32, #tpu.memory_space<vmem>> -> memref<1x640xf32, #tpu.memory_space<vmem>>
      %dma_wait3A_150 = tpu.memref_squeeze %dma_wait3A_149 : memref<1x640xf32, #tpu.memory_space<vmem>> -> memref<640xf32, #tpu.memory_space<vmem>>
      %dma_wait3A_151 = tpu.memref_slice %arg23[%run_scoped3A_56, %mul3A_22] : memref<16x10240xf32, #tpu.memory_space<vmem_shared>> -> memref<1x640xf32, #tpu.memory_space<vmem_shared>>
      %dma_wait3A_152 = tpu.memref_squeeze %dma_wait3A_151 : memref<1x640xf32, #tpu.memory_space<vmem_shared>> -> memref<640xf32, #tpu.memory_space<vmem_shared>>
      tpu.wait_dma2 semaphore(%run_scoped3A_134 : memref<!tpu.dma_semaphore, #tpu.memory_space<semaphore_mem>>) src(%dma_wait3A_152 : memref<640xf32, #tpu.memory_space<vmem_shared>>) dst(%dma_wait3A_150 : memref<640xf32, #tpu.memory_space<vmem>>)
      tpu.yield
    }) : () -> ()
    %run_scoped3A_58 = arith.constant 9 : i32
    %run_scoped3A_59 = arith.constant 9 : i32
    "tpu.region"() ({
      %run_scoped3A_134 = tpu.sem_alloc : memref<!tpu.dma_semaphore, #tpu.memory_space<semaphore_mem>>
      %dma_start3A = arith.constant 0 : i32
      %dma_start3A_135 = tpu.memref_slice %arg17[%run_scoped3A_59, %dma_start3A] : memref<16x640xf32, #tpu.memory_space<vmem>> -> memref<1x640xf32, #tpu.memory_space<vmem>>
      %dma_start3A_136 = tpu.memref_squeeze %dma_start3A_135 : memref<1x640xf32, #tpu.memory_space<vmem>> -> memref<640xf32, #tpu.memory_space<vmem>>
      %dma_start3A_137 = tpu.memref_slice %arg22[%run_scoped3A_58, %mul3A_22] : memref<16x10240xf32, #tpu.memory_space<vmem_shared>> -> memref<1x640xf32, #tpu.memory_space<vmem_shared>>
      %dma_start3A_138 = tpu.memref_squeeze %dma_start3A_137 : memref<1x640xf32, #tpu.memory_space<vmem_shared>> -> memref<640xf32, #tpu.memory_space<vmem_shared>>
      %dma_start3A_139 = arith.constant 0 : i32
      %dma_start3A_140 = tpu.memref_slice %arg17[%run_scoped3A_59, %dma_start3A_139] : memref<16x640xf32, #tpu.memory_space<vmem>> -> memref<1x640xf32, #tpu.memory_space<vmem>>
      %dma_start3A_141 = tpu.memref_squeeze %dma_start3A_140 : memref<1x640xf32, #tpu.memory_space<vmem>> -> memref<640xf32, #tpu.memory_space<vmem>>
      %dma_start3A_142 = tpu.memref_slice %arg22[%run_scoped3A_58, %mul3A_22] : memref<16x10240xf32, #tpu.memory_space<vmem_shared>> -> memref<1x640xf32, #tpu.memory_space<vmem_shared>>
      %dma_start3A_143 = tpu.memref_squeeze %dma_start3A_142 : memref<1x640xf32, #tpu.memory_space<vmem_shared>> -> memref<640xf32, #tpu.memory_space<vmem_shared>>
      tpu.enqueue_dma source(%dma_start3A_143 : memref<640xf32, #tpu.memory_space<vmem_shared>>) target(%dma_start3A_141 : memref<640xf32, #tpu.memory_space<vmem>>) target_semaphore(%run_scoped3A_134 : memref<!tpu.dma_semaphore, #tpu.memory_space<semaphore_mem>>)
      %dma_wait3A = arith.constant 0 : i32
      %dma_wait3A_144 = tpu.memref_slice %arg17[%run_scoped3A_59, %dma_wait3A] : memref<16x640xf32, #tpu.memory_space<vmem>> -> memref<1x640xf32, #tpu.memory_space<vmem>>
      %dma_wait3A_145 = tpu.memref_squeeze %dma_wait3A_144 : memref<1x640xf32, #tpu.memory_space<vmem>> -> memref<640xf32, #tpu.memory_space<vmem>>
      %dma_wait3A_146 = tpu.memref_slice %arg22[%run_scoped3A_58, %mul3A_22] : memref<16x10240xf32, #tpu.memory_space<vmem_shared>> -> memref<1x640xf32, #tpu.memory_space<vmem_shared>>
      %dma_wait3A_147 = tpu.memref_squeeze %dma_wait3A_146 : memref<1x640xf32, #tpu.memory_space<vmem_shared>> -> memref<640xf32, #tpu.memory_space<vmem_shared>>
      %dma_wait3A_148 = arith.constant 0 : i32
      %dma_wait3A_149 = tpu.memref_slice %arg17[%run_scoped3A_59, %dma_wait3A_148] : memref<16x640xf32, #tpu.memory_space<vmem>> -> memref<1x640xf32, #tpu.memory_space<vmem>>
      %dma_wait3A_150 = tpu.memref_squeeze %dma_wait3A_149 : memref<1x640xf32, #tpu.memory_space<vmem>> -> memref<640xf32, #tpu.memory_space<vmem>>
      %dma_wait3A_151 = tpu.memref_slice %arg22[%run_scoped3A_58, %mul3A_22] : memref<16x10240xf32, #tpu.memory_space<vmem_shared>> -> memref<1x640xf32, #tpu.memory_space<vmem_shared>>
      %dma_wait3A_152 = tpu.memref_squeeze %dma_wait3A_151 : memref<1x640xf32, #tpu.memory_space<vmem_shared>> -> memref<640xf32, #tpu.memory_space<vmem_shared>>
      tpu.wait_dma2 semaphore(%run_scoped3A_134 : memref<!tpu.dma_semaphore, #tpu.memory_space<semaphore_mem>>) src(%dma_wait3A_152 : memref<640xf32, #tpu.memory_space<vmem_shared>>) dst(%dma_wait3A_150 : memref<640xf32, #tpu.memory_space<vmem>>)
      tpu.yield
    }) : () -> ()
    %run_scoped3A_60 = arith.constant 9 : i32
    %run_scoped3A_61 = arith.constant 9 : i32
    "tpu.region"() ({
      %run_scoped3A_134 = tpu.sem_alloc : memref<!tpu.dma_semaphore, #tpu.memory_space<semaphore_mem>>
      %dma_start3A = arith.constant 0 : i32
      %dma_start3A_135 = tpu.memref_slice %arg18[%run_scoped3A_61, %dma_start3A] : memref<16x640xf32, #tpu.memory_space<vmem>> -> memref<1x640xf32, #tpu.memory_space<vmem>>
      %dma_start3A_136 = tpu.memref_squeeze %dma_start3A_135 : memref<1x640xf32, #tpu.memory_space<vmem>> -> memref<640xf32, #tpu.memory_space<vmem>>
      %dma_start3A_137 = tpu.memref_slice %arg23[%run_scoped3A_60, %mul3A_22] : memref<16x10240xf32, #tpu.memory_space<vmem_shared>> -> memref<1x640xf32, #tpu.memory_space<vmem_shared>>
      %dma_start3A_138 = tpu.memref_squeeze %dma_start3A_137 : memref<1x640xf32, #tpu.memory_space<vmem_shared>> -> memref<640xf32, #tpu.memory_space<vmem_shared>>
      %dma_start3A_139 = arith.constant 0 : i32
      %dma_start3A_140 = tpu.memref_slice %arg18[%run_scoped3A_61, %dma_start3A_139] : memref<16x640xf32, #tpu.memory_space<vmem>> -> memref<1x640xf32, #tpu.memory_space<vmem>>
      %dma_start3A_141 = tpu.memref_squeeze %dma_start3A_140 : memref<1x640xf32, #tpu.memory_space<vmem>> -> memref<640xf32, #tpu.memory_space<vmem>>
      %dma_start3A_142 = tpu.memref_slice %arg23[%run_scoped3A_60, %mul3A_22] : memref<16x10240xf32, #tpu.memory_space<vmem_shared>> -> memref<1x640xf32, #tpu.memory_space<vmem_shared>>
      %dma_start3A_143 = tpu.memref_squeeze %dma_start3A_142 : memref<1x640xf32, #tpu.memory_space<vmem_shared>> -> memref<640xf32, #tpu.memory_space<vmem_shared>>
      tpu.enqueue_dma source(%dma_start3A_143 : memref<640xf32, #tpu.memory_space<vmem_shared>>) target(%dma_start3A_141 : memref<640xf32, #tpu.memory_space<vmem>>) target_semaphore(%run_scoped3A_134 : memref<!tpu.dma_semaphore, #tpu.memory_space<semaphore_mem>>)
      %dma_wait3A = arith.constant 0 : i32
      %dma_wait3A_144 = tpu.memref_slice %arg18[%run_scoped3A_61, %dma_wait3A] : memref<16x640xf32, #tpu.memory_space<vmem>> -> memref<1x640xf32, #tpu.memory_space<vmem>>
      %dma_wait3A_145 = tpu.memref_squeeze %dma_wait3A_144 : memref<1x640xf32, #tpu.memory_space<vmem>> -> memref<640xf32, #tpu.memory_space<vmem>>
      %dma_wait3A_146 = tpu.memref_slice %arg23[%run_scoped3A_60, %mul3A_22] : memref<16x10240xf32, #tpu.memory_space<vmem_shared>> -> memref<1x640xf32, #tpu.memory_space<vmem_shared>>
      %dma_wait3A_147 = tpu.memref_squeeze %dma_wait3A_146 : memref<1x640xf32, #tpu.memory_space<vmem_shared>> -> memref<640xf32, #tpu.memory_space<vmem_shared>>
      %dma_wait3A_148 = arith.constant 0 : i32
      %dma_wait3A_149 = tpu.memref_slice %arg18[%run_scoped3A_61, %dma_wait3A_148] : memref<16x640xf32, #tpu.memory_space<vmem>> -> memref<1x640xf32, #tpu.memory_space<vmem>>
      %dma_wait3A_150 = tpu.memref_squeeze %dma_wait3A_149 : memref<1x640xf32, #tpu.memory_space<vmem>> -> memref<640xf32, #tpu.memory_space<vmem>>
      %dma_wait3A_151 = tpu.memref_slice %arg23[%run_scoped3A_60, %mul3A_22] : memref<16x10240xf32, #tpu.memory_space<vmem_shared>> -> memref<1x640xf32, #tpu.memory_space<vmem_shared>>
      %dma_wait3A_152 = tpu.memref_squeeze %dma_wait3A_151 : memref<1x640xf32, #tpu.memory_space<vmem_shared>> -> memref<640xf32, #tpu.memory_space<vmem_shared>>
      tpu.wait_dma2 semaphore(%run_scoped3A_134 : memref<!tpu.dma_semaphore, #tpu.memory_space<semaphore_mem>>) src(%dma_wait3A_152 : memref<640xf32, #tpu.memory_space<vmem_shared>>) dst(%dma_wait3A_150 : memref<640xf32, #tpu.memory_space<vmem>>)
      tpu.yield
    }) : () -> ()
    %run_scoped3A_62 = arith.constant 10 : i32
    %run_scoped3A_63 = arith.constant 10 : i32
    "tpu.region"() ({
      %run_scoped3A_134 = tpu.sem_alloc : memref<!tpu.dma_semaphore, #tpu.memory_space<semaphore_mem>>
      %dma_start3A = arith.constant 0 : i32
      %dma_start3A_135 = tpu.memref_slice %arg17[%run_scoped3A_63, %dma_start3A] : memref<16x640xf32, #tpu.memory_space<vmem>> -> memref<1x640xf32, #tpu.memory_space<vmem>>
      %dma_start3A_136 = tpu.memref_squeeze %dma_start3A_135 : memref<1x640xf32, #tpu.memory_space<vmem>> -> memref<640xf32, #tpu.memory_space<vmem>>
      %dma_start3A_137 = tpu.memref_slice %arg22[%run_scoped3A_62, %mul3A_22] : memref<16x10240xf32, #tpu.memory_space<vmem_shared>> -> memref<1x640xf32, #tpu.memory_space<vmem_shared>>
      %dma_start3A_138 = tpu.memref_squeeze %dma_start3A_137 : memref<1x640xf32, #tpu.memory_space<vmem_shared>> -> memref<640xf32, #tpu.memory_space<vmem_shared>>
      %dma_start3A_139 = arith.constant 0 : i32
      %dma_start3A_140 = tpu.memref_slice %arg17[%run_scoped3A_63, %dma_start3A_139] : memref<16x640xf32, #tpu.memory_space<vmem>> -> memref<1x640xf32, #tpu.memory_space<vmem>>
      %dma_start3A_141 = tpu.memref_squeeze %dma_start3A_140 : memref<1x640xf32, #tpu.memory_space<vmem>> -> memref<640xf32, #tpu.memory_space<vmem>>
      %dma_start3A_142 = tpu.memref_slice %arg22[%run_scoped3A_62, %mul3A_22] : memref<16x10240xf32, #tpu.memory_space<vmem_shared>> -> memref<1x640xf32, #tpu.memory_space<vmem_shared>>
      %dma_start3A_143 = tpu.memref_squeeze %dma_start3A_142 : memref<1x640xf32, #tpu.memory_space<vmem_shared>> -> memref<640xf32, #tpu.memory_space<vmem_shared>>
      tpu.enqueue_dma source(%dma_start3A_143 : memref<640xf32, #tpu.memory_space<vmem_shared>>) target(%dma_start3A_141 : memref<640xf32, #tpu.memory_space<vmem>>) target_semaphore(%run_scoped3A_134 : memref<!tpu.dma_semaphore, #tpu.memory_space<semaphore_mem>>)
      %dma_wait3A = arith.constant 0 : i32
      %dma_wait3A_144 = tpu.memref_slice %arg17[%run_scoped3A_63, %dma_wait3A] : memref<16x640xf32, #tpu.memory_space<vmem>> -> memref<1x640xf32, #tpu.memory_space<vmem>>
      %dma_wait3A_145 = tpu.memref_squeeze %dma_wait3A_144 : memref<1x640xf32, #tpu.memory_space<vmem>> -> memref<640xf32, #tpu.memory_space<vmem>>
      %dma_wait3A_146 = tpu.memref_slice %arg22[%run_scoped3A_62, %mul3A_22] : memref<16x10240xf32, #tpu.memory_space<vmem_shared>> -> memref<1x640xf32, #tpu.memory_space<vmem_shared>>
      %dma_wait3A_147 = tpu.memref_squeeze %dma_wait3A_146 : memref<1x640xf32, #tpu.memory_space<vmem_shared>> -> memref<640xf32, #tpu.memory_space<vmem_shared>>
      %dma_wait3A_148 = arith.constant 0 : i32
      %dma_wait3A_149 = tpu.memref_slice %arg17[%run_scoped3A_63, %dma_wait3A_148] : memref<16x640xf32, #tpu.memory_space<vmem>> -> memref<1x640xf32, #tpu.memory_space<vmem>>
      %dma_wait3A_150 = tpu.memref_squeeze %dma_wait3A_149 : memref<1x640xf32, #tpu.memory_space<vmem>> -> memref<640xf32, #tpu.memory_space<vmem>>
      %dma_wait3A_151 = tpu.memref_slice %arg22[%run_scoped3A_62, %mul3A_22] : memref<16x10240xf32, #tpu.memory_space<vmem_shared>> -> memref<1x640xf32, #tpu.memory_space<vmem_shared>>
      %dma_wait3A_152 = tpu.memref_squeeze %dma_wait3A_151 : memref<1x640xf32, #tpu.memory_space<vmem_shared>> -> memref<640xf32, #tpu.memory_space<vmem_shared>>
      tpu.wait_dma2 semaphore(%run_scoped3A_134 : memref<!tpu.dma_semaphore, #tpu.memory_space<semaphore_mem>>) src(%dma_wait3A_152 : memref<640xf32, #tpu.memory_space<vmem_shared>>) dst(%dma_wait3A_150 : memref<640xf32, #tpu.memory_space<vmem>>)
      tpu.yield
    }) : () -> ()
    %run_scoped3A_64 = arith.constant 10 : i32
    %run_scoped3A_65 = arith.constant 10 : i32
    "tpu.region"() ({
      %run_scoped3A_134 = tpu.sem_alloc : memref<!tpu.dma_semaphore, #tpu.memory_space<semaphore_mem>>
      %dma_start3A = arith.constant 0 : i32
      %dma_start3A_135 = tpu.memref_slice %arg18[%run_scoped3A_65, %dma_start3A] : memref<16x640xf32, #tpu.memory_space<vmem>> -> memref<1x640xf32, #tpu.memory_space<vmem>>
      %dma_start3A_136 = tpu.memref_squeeze %dma_start3A_135 : memref<1x640xf32, #tpu.memory_space<vmem>> -> memref<640xf32, #tpu.memory_space<vmem>>
      %dma_start3A_137 = tpu.memref_slice %arg23[%run_scoped3A_64, %mul3A_22] : memref<16x10240xf32, #tpu.memory_space<vmem_shared>> -> memref<1x640xf32, #tpu.memory_space<vmem_shared>>
      %dma_start3A_138 = tpu.memref_squeeze %dma_start3A_137 : memref<1x640xf32, #tpu.memory_space<vmem_shared>> -> memref<640xf32, #tpu.memory_space<vmem_shared>>
      %dma_start3A_139 = arith.constant 0 : i32
      %dma_start3A_140 = tpu.memref_slice %arg18[%run_scoped3A_65, %dma_start3A_139] : memref<16x640xf32, #tpu.memory_space<vmem>> -> memref<1x640xf32, #tpu.memory_space<vmem>>
      %dma_start3A_141 = tpu.memref_squeeze %dma_start3A_140 : memref<1x640xf32, #tpu.memory_space<vmem>> -> memref<640xf32, #tpu.memory_space<vmem>>
      %dma_start3A_142 = tpu.memref_slice %arg23[%run_scoped3A_64, %mul3A_22] : memref<16x10240xf32, #tpu.memory_space<vmem_shared>> -> memref<1x640xf32, #tpu.memory_space<vmem_shared>>
      %dma_start3A_143 = tpu.memref_squeeze %dma_start3A_142 : memref<1x640xf32, #tpu.memory_space<vmem_shared>> -> memref<640xf32, #tpu.memory_space<vmem_shared>>
      tpu.enqueue_dma source(%dma_start3A_143 : memref<640xf32, #tpu.memory_space<vmem_shared>>) target(%dma_start3A_141 : memref<640xf32, #tpu.memory_space<vmem>>) target_semaphore(%run_scoped3A_134 : memref<!tpu.dma_semaphore, #tpu.memory_space<semaphore_mem>>)
      %dma_wait3A = arith.constant 0 : i32
      %dma_wait3A_144 = tpu.memref_slice %arg18[%run_scoped3A_65, %dma_wait3A] : memref<16x640xf32, #tpu.memory_space<vmem>> -> memref<1x640xf32, #tpu.memory_space<vmem>>
      %dma_wait3A_145 = tpu.memref_squeeze %dma_wait3A_144 : memref<1x640xf32, #tpu.memory_space<vmem>> -> memref<640xf32, #tpu.memory_space<vmem>>
      %dma_wait3A_146 = tpu.memref_slice %arg23[%run_scoped3A_64, %mul3A_22] : memref<16x10240xf32, #tpu.memory_space<vmem_shared>> -> memref<1x640xf32, #tpu.memory_space<vmem_shared>>
      %dma_wait3A_147 = tpu.memref_squeeze %dma_wait3A_146 : memref<1x640xf32, #tpu.memory_space<vmem_shared>> -> memref<640xf32, #tpu.memory_space<vmem_shared>>
      %dma_wait3A_148 = arith.constant 0 : i32
      %dma_wait3A_149 = tpu.memref_slice %arg18[%run_scoped3A_65, %dma_wait3A_148] : memref<16x640xf32, #tpu.memory_space<vmem>> -> memref<1x640xf32, #tpu.memory_space<vmem>>
      %dma_wait3A_150 = tpu.memref_squeeze %dma_wait3A_149 : memref<1x640xf32, #tpu.memory_space<vmem>> -> memref<640xf32, #tpu.memory_space<vmem>>
      %dma_wait3A_151 = tpu.memref_slice %arg23[%run_scoped3A_64, %mul3A_22] : memref<16x10240xf32, #tpu.memory_space<vmem_shared>> -> memref<1x640xf32, #tpu.memory_space<vmem_shared>>
      %dma_wait3A_152 = tpu.memref_squeeze %dma_wait3A_151 : memref<1x640xf32, #tpu.memory_space<vmem_shared>> -> memref<640xf32, #tpu.memory_space<vmem_shared>>
      tpu.wait_dma2 semaphore(%run_scoped3A_134 : memref<!tpu.dma_semaphore, #tpu.memory_space<semaphore_mem>>) src(%dma_wait3A_152 : memref<640xf32, #tpu.memory_space<vmem_shared>>) dst(%dma_wait3A_150 : memref<640xf32, #tpu.memory_space<vmem>>)
      tpu.yield
    }) : () -> ()
    %run_scoped3A_66 = arith.constant 11 : i32
    %run_scoped3A_67 = arith.constant 11 : i32
    "tpu.region"() ({
      %run_scoped3A_134 = tpu.sem_alloc : memref<!tpu.dma_semaphore, #tpu.memory_space<semaphore_mem>>
      %dma_start3A = arith.constant 0 : i32
      %dma_start3A_135 = tpu.memref_slice %arg17[%run_scoped3A_67, %dma_start3A] : memref<16x640xf32, #tpu.memory_space<vmem>> -> memref<1x640xf32, #tpu.memory_space<vmem>>
      %dma_start3A_136 = tpu.memref_squeeze %dma_start3A_135 : memref<1x640xf32, #tpu.memory_space<vmem>> -> memref<640xf32, #tpu.memory_space<vmem>>
      %dma_start3A_137 = tpu.memref_slice %arg22[%run_scoped3A_66, %mul3A_22] : memref<16x10240xf32, #tpu.memory_space<vmem_shared>> -> memref<1x640xf32, #tpu.memory_space<vmem_shared>>
      %dma_start3A_138 = tpu.memref_squeeze %dma_start3A_137 : memref<1x640xf32, #tpu.memory_space<vmem_shared>> -> memref<640xf32, #tpu.memory_space<vmem_shared>>
      %dma_start3A_139 = arith.constant 0 : i32
      %dma_start3A_140 = tpu.memref_slice %arg17[%run_scoped3A_67, %dma_start3A_139] : memref<16x640xf32, #tpu.memory_space<vmem>> -> memref<1x640xf32, #tpu.memory_space<vmem>>
      %dma_start3A_141 = tpu.memref_squeeze %dma_start3A_140 : memref<1x640xf32, #tpu.memory_space<vmem>> -> memref<640xf32, #tpu.memory_space<vmem>>
      %dma_start3A_142 = tpu.memref_slice %arg22[%run_scoped3A_66, %mul3A_22] : memref<16x10240xf32, #tpu.memory_space<vmem_shared>> -> memref<1x640xf32, #tpu.memory_space<vmem_shared>>
      %dma_start3A_143 = tpu.memref_squeeze %dma_start3A_142 : memref<1x640xf32, #tpu.memory_space<vmem_shared>> -> memref<640xf32, #tpu.memory_space<vmem_shared>>
      tpu.enqueue_dma source(%dma_start3A_143 : memref<640xf32, #tpu.memory_space<vmem_shared>>) target(%dma_start3A_141 : memref<640xf32, #tpu.memory_space<vmem>>) target_semaphore(%run_scoped3A_134 : memref<!tpu.dma_semaphore, #tpu.memory_space<semaphore_mem>>)
      %dma_wait3A = arith.constant 0 : i32
      %dma_wait3A_144 = tpu.memref_slice %arg17[%run_scoped3A_67, %dma_wait3A] : memref<16x640xf32, #tpu.memory_space<vmem>> -> memref<1x640xf32, #tpu.memory_space<vmem>>
      %dma_wait3A_145 = tpu.memref_squeeze %dma_wait3A_144 : memref<1x640xf32, #tpu.memory_space<vmem>> -> memref<640xf32, #tpu.memory_space<vmem>>
      %dma_wait3A_146 = tpu.memref_slice %arg22[%run_scoped3A_66, %mul3A_22] : memref<16x10240xf32, #tpu.memory_space<vmem_shared>> -> memref<1x640xf32, #tpu.memory_space<vmem_shared>>
      %dma_wait3A_147 = tpu.memref_squeeze %dma_wait3A_146 : memref<1x640xf32, #tpu.memory_space<vmem_shared>> -> memref<640xf32, #tpu.memory_space<vmem_shared>>
      %dma_wait3A_148 = arith.constant 0 : i32
      %dma_wait3A_149 = tpu.memref_slice %arg17[%run_scoped3A_67, %dma_wait3A_148] : memref<16x640xf32, #tpu.memory_space<vmem>> -> memref<1x640xf32, #tpu.memory_space<vmem>>
      %dma_wait3A_150 = tpu.memref_squeeze %dma_wait3A_149 : memref<1x640xf32, #tpu.memory_space<vmem>> -> memref<640xf32, #tpu.memory_space<vmem>>
      %dma_wait3A_151 = tpu.memref_slice %arg22[%run_scoped3A_66, %mul3A_22] : memref<16x10240xf32, #tpu.memory_space<vmem_shared>> -> memref<1x640xf32, #tpu.memory_space<vmem_shared>>
      %dma_wait3A_152 = tpu.memref_squeeze %dma_wait3A_151 : memref<1x640xf32, #tpu.memory_space<vmem_shared>> -> memref<640xf32, #tpu.memory_space<vmem_shared>>
      tpu.wait_dma2 semaphore(%run_scoped3A_134 : memref<!tpu.dma_semaphore, #tpu.memory_space<semaphore_mem>>) src(%dma_wait3A_152 : memref<640xf32, #tpu.memory_space<vmem_shared>>) dst(%dma_wait3A_150 : memref<640xf32, #tpu.memory_space<vmem>>)
      tpu.yield
    }) : () -> ()
    %run_scoped3A_68 = arith.constant 11 : i32
    %run_scoped3A_69 = arith.constant 11 : i32
    "tpu.region"() ({
      %run_scoped3A_134 = tpu.sem_alloc : memref<!tpu.dma_semaphore, #tpu.memory_space<semaphore_mem>>
      %dma_start3A = arith.constant 0 : i32
      %dma_start3A_135 = tpu.memref_slice %arg18[%run_scoped3A_69, %dma_start3A] : memref<16x640xf32, #tpu.memory_space<vmem>> -> memref<1x640xf32, #tpu.memory_space<vmem>>
      %dma_start3A_136 = tpu.memref_squeeze %dma_start3A_135 : memref<1x640xf32, #tpu.memory_space<vmem>> -> memref<640xf32, #tpu.memory_space<vmem>>
      %dma_start3A_137 = tpu.memref_slice %arg23[%run_scoped3A_68, %mul3A_22] : memref<16x10240xf32, #tpu.memory_space<vmem_shared>> -> memref<1x640xf32, #tpu.memory_space<vmem_shared>>
      %dma_start3A_138 = tpu.memref_squeeze %dma_start3A_137 : memref<1x640xf32, #tpu.memory_space<vmem_shared>> -> memref<640xf32, #tpu.memory_space<vmem_shared>>
      %dma_start3A_139 = arith.constant 0 : i32
      %dma_start3A_140 = tpu.memref_slice %arg18[%run_scoped3A_69, %dma_start3A_139] : memref<16x640xf32, #tpu.memory_space<vmem>> -> memref<1x640xf32, #tpu.memory_space<vmem>>
      %dma_start3A_141 = tpu.memref_squeeze %dma_start3A_140 : memref<1x640xf32, #tpu.memory_space<vmem>> -> memref<640xf32, #tpu.memory_space<vmem>>
      %dma_start3A_142 = tpu.memref_slice %arg23[%run_scoped3A_68, %mul3A_22] : memref<16x10240xf32, #tpu.memory_space<vmem_shared>> -> memref<1x640xf32, #tpu.memory_space<vmem_shared>>
      %dma_start3A_143 = tpu.memref_squeeze %dma_start3A_142 : memref<1x640xf32, #tpu.memory_space<vmem_shared>> -> memref<640xf32, #tpu.memory_space<vmem_shared>>
      tpu.enqueue_dma source(%dma_start3A_143 : memref<640xf32, #tpu.memory_space<vmem_shared>>) target(%dma_start3A_141 : memref<640xf32, #tpu.memory_space<vmem>>) target_semaphore(%run_scoped3A_134 : memref<!tpu.dma_semaphore, #tpu.memory_space<semaphore_mem>>)
      %dma_wait3A = arith.constant 0 : i32
      %dma_wait3A_144 = tpu.memref_slice %arg18[%run_scoped3A_69, %dma_wait3A] : memref<16x640xf32, #tpu.memory_space<vmem>> -> memref<1x640xf32, #tpu.memory_space<vmem>>
      %dma_wait3A_145 = tpu.memref_squeeze %dma_wait3A_144 : memref<1x640xf32, #tpu.memory_space<vmem>> -> memref<640xf32, #tpu.memory_space<vmem>>
      %dma_wait3A_146 = tpu.memref_slice %arg23[%run_scoped3A_68, %mul3A_22] : memref<16x10240xf32, #tpu.memory_space<vmem_shared>> -> memref<1x640xf32, #tpu.memory_space<vmem_shared>>
      %dma_wait3A_147 = tpu.memref_squeeze %dma_wait3A_146 : memref<1x640xf32, #tpu.memory_space<vmem_shared>> -> memref<640xf32, #tpu.memory_space<vmem_shared>>
      %dma_wait3A_148 = arith.constant 0 : i32
      %dma_wait3A_149 = tpu.memref_slice %arg18[%run_scoped3A_69, %dma_wait3A_148] : memref<16x640xf32, #tpu.memory_space<vmem>> -> memref<1x640xf32, #tpu.memory_space<vmem>>
      %dma_wait3A_150 = tpu.memref_squeeze %dma_wait3A_149 : memref<1x640xf32, #tpu.memory_space<vmem>> -> memref<640xf32, #tpu.memory_space<vmem>>
      %dma_wait3A_151 = tpu.memref_slice %arg23[%run_scoped3A_68, %mul3A_22] : memref<16x10240xf32, #tpu.memory_space<vmem_shared>> -> memref<1x640xf32, #tpu.memory_space<vmem_shared>>
      %dma_wait3A_152 = tpu.memref_squeeze %dma_wait3A_151 : memref<1x640xf32, #tpu.memory_space<vmem_shared>> -> memref<640xf32, #tpu.memory_space<vmem_shared>>
      tpu.wait_dma2 semaphore(%run_scoped3A_134 : memref<!tpu.dma_semaphore, #tpu.memory_space<semaphore_mem>>) src(%dma_wait3A_152 : memref<640xf32, #tpu.memory_space<vmem_shared>>) dst(%dma_wait3A_150 : memref<640xf32, #tpu.memory_space<vmem>>)
      tpu.yield
    }) : () -> ()
    %run_scoped3A_70 = arith.constant 12 : i32
    %run_scoped3A_71 = arith.constant 12 : i32
    "tpu.region"() ({
      %run_scoped3A_134 = tpu.sem_alloc : memref<!tpu.dma_semaphore, #tpu.memory_space<semaphore_mem>>
      %dma_start3A = arith.constant 0 : i32
      %dma_start3A_135 = tpu.memref_slice %arg17[%run_scoped3A_71, %dma_start3A] : memref<16x640xf32, #tpu.memory_space<vmem>> -> memref<1x640xf32, #tpu.memory_space<vmem>>
      %dma_start3A_136 = tpu.memref_squeeze %dma_start3A_135 : memref<1x640xf32, #tpu.memory_space<vmem>> -> memref<640xf32, #tpu.memory_space<vmem>>
      %dma_start3A_137 = tpu.memref_slice %arg22[%run_scoped3A_70, %mul3A_22] : memref<16x10240xf32, #tpu.memory_space<vmem_shared>> -> memref<1x640xf32, #tpu.memory_space<vmem_shared>>
      %dma_start3A_138 = tpu.memref_squeeze %dma_start3A_137 : memref<1x640xf32, #tpu.memory_space<vmem_shared>> -> memref<640xf32, #tpu.memory_space<vmem_shared>>
      %dma_start3A_139 = arith.constant 0 : i32
      %dma_start3A_140 = tpu.memref_slice %arg17[%run_scoped3A_71, %dma_start3A_139] : memref<16x640xf32, #tpu.memory_space<vmem>> -> memref<1x640xf32, #tpu.memory_space<vmem>>
      %dma_start3A_141 = tpu.memref_squeeze %dma_start3A_140 : memref<1x640xf32, #tpu.memory_space<vmem>> -> memref<640xf32, #tpu.memory_space<vmem>>
      %dma_start3A_142 = tpu.memref_slice %arg22[%run_scoped3A_70, %mul3A_22] : memref<16x10240xf32, #tpu.memory_space<vmem_shared>> -> memref<1x640xf32, #tpu.memory_space<vmem_shared>>
      %dma_start3A_143 = tpu.memref_squeeze %dma_start3A_142 : memref<1x640xf32, #tpu.memory_space<vmem_shared>> -> memref<640xf32, #tpu.memory_space<vmem_shared>>
      tpu.enqueue_dma source(%dma_start3A_143 : memref<640xf32, #tpu.memory_space<vmem_shared>>) target(%dma_start3A_141 : memref<640xf32, #tpu.memory_space<vmem>>) target_semaphore(%run_scoped3A_134 : memref<!tpu.dma_semaphore, #tpu.memory_space<semaphore_mem>>)
      %dma_wait3A = arith.constant 0 : i32
      %dma_wait3A_144 = tpu.memref_slice %arg17[%run_scoped3A_71, %dma_wait3A] : memref<16x640xf32, #tpu.memory_space<vmem>> -> memref<1x640xf32, #tpu.memory_space<vmem>>
      %dma_wait3A_145 = tpu.memref_squeeze %dma_wait3A_144 : memref<1x640xf32, #tpu.memory_space<vmem>> -> memref<640xf32, #tpu.memory_space<vmem>>
      %dma_wait3A_146 = tpu.memref_slice %arg22[%run_scoped3A_70, %mul3A_22] : memref<16x10240xf32, #tpu.memory_space<vmem_shared>> -> memref<1x640xf32, #tpu.memory_space<vmem_shared>>
      %dma_wait3A_147 = tpu.memref_squeeze %dma_wait3A_146 : memref<1x640xf32, #tpu.memory_space<vmem_shared>> -> memref<640xf32, #tpu.memory_space<vmem_shared>>
      %dma_wait3A_148 = arith.constant 0 : i32
      %dma_wait3A_149 = tpu.memref_slice %arg17[%run_scoped3A_71, %dma_wait3A_148] : memref<16x640xf32, #tpu.memory_space<vmem>> -> memref<1x640xf32, #tpu.memory_space<vmem>>
      %dma_wait3A_150 = tpu.memref_squeeze %dma_wait3A_149 : memref<1x640xf32, #tpu.memory_space<vmem>> -> memref<640xf32, #tpu.memory_space<vmem>>
      %dma_wait3A_151 = tpu.memref_slice %arg22[%run_scoped3A_70, %mul3A_22] : memref<16x10240xf32, #tpu.memory_space<vmem_shared>> -> memref<1x640xf32, #tpu.memory_space<vmem_shared>>
      %dma_wait3A_152 = tpu.memref_squeeze %dma_wait3A_151 : memref<1x640xf32, #tpu.memory_space<vmem_shared>> -> memref<640xf32, #tpu.memory_space<vmem_shared>>
      tpu.wait_dma2 semaphore(%run_scoped3A_134 : memref<!tpu.dma_semaphore, #tpu.memory_space<semaphore_mem>>) src(%dma_wait3A_152 : memref<640xf32, #tpu.memory_space<vmem_shared>>) dst(%dma_wait3A_150 : memref<640xf32, #tpu.memory_space<vmem>>)
      tpu.yield
    }) : () -> ()
    %run_scoped3A_72 = arith.constant 12 : i32
    %run_scoped3A_73 = arith.constant 12 : i32
    "tpu.region"() ({
      %run_scoped3A_134 = tpu.sem_alloc : memref<!tpu.dma_semaphore, #tpu.memory_space<semaphore_mem>>
      %dma_start3A = arith.constant 0 : i32
      %dma_start3A_135 = tpu.memref_slice %arg18[%run_scoped3A_73, %dma_start3A] : memref<16x640xf32, #tpu.memory_space<vmem>> -> memref<1x640xf32, #tpu.memory_space<vmem>>
      %dma_start3A_136 = tpu.memref_squeeze %dma_start3A_135 : memref<1x640xf32, #tpu.memory_space<vmem>> -> memref<640xf32, #tpu.memory_space<vmem>>
      %dma_start3A_137 = tpu.memref_slice %arg23[%run_scoped3A_72, %mul3A_22] : memref<16x10240xf32, #tpu.memory_space<vmem_shared>> -> memref<1x640xf32, #tpu.memory_space<vmem_shared>>
      %dma_start3A_138 = tpu.memref_squeeze %dma_start3A_137 : memref<1x640xf32, #tpu.memory_space<vmem_shared>> -> memref<640xf32, #tpu.memory_space<vmem_shared>>
      %dma_start3A_139 = arith.constant 0 : i32
      %dma_start3A_140 = tpu.memref_slice %arg18[%run_scoped3A_73, %dma_start3A_139] : memref<16x640xf32, #tpu.memory_space<vmem>> -> memref<1x640xf32, #tpu.memory_space<vmem>>
      %dma_start3A_141 = tpu.memref_squeeze %dma_start3A_140 : memref<1x640xf32, #tpu.memory_space<vmem>> -> memref<640xf32, #tpu.memory_space<vmem>>
      %dma_start3A_142 = tpu.memref_slice %arg23[%run_scoped3A_72, %mul3A_22] : memref<16x10240xf32, #tpu.memory_space<vmem_shared>> -> memref<1x640xf32, #tpu.memory_space<vmem_shared>>
      %dma_start3A_143 = tpu.memref_squeeze %dma_start3A_142 : memref<1x640xf32, #tpu.memory_space<vmem_shared>> -> memref<640xf32, #tpu.memory_space<vmem_shared>>
      tpu.enqueue_dma source(%dma_start3A_143 : memref<640xf32, #tpu.memory_space<vmem_shared>>) target(%dma_start3A_141 : memref<640xf32, #tpu.memory_space<vmem>>) target_semaphore(%run_scoped3A_134 : memref<!tpu.dma_semaphore, #tpu.memory_space<semaphore_mem>>)
      %dma_wait3A = arith.constant 0 : i32
      %dma_wait3A_144 = tpu.memref_slice %arg18[%run_scoped3A_73, %dma_wait3A] : memref<16x640xf32, #tpu.memory_space<vmem>> -> memref<1x640xf32, #tpu.memory_space<vmem>>
      %dma_wait3A_145 = tpu.memref_squeeze %dma_wait3A_144 : memref<1x640xf32, #tpu.memory_space<vmem>> -> memref<640xf32, #tpu.memory_space<vmem>>
      %dma_wait3A_146 = tpu.memref_slice %arg23[%run_scoped3A_72, %mul3A_22] : memref<16x10240xf32, #tpu.memory_space<vmem_shared>> -> memref<1x640xf32, #tpu.memory_space<vmem_shared>>
      %dma_wait3A_147 = tpu.memref_squeeze %dma_wait3A_146 : memref<1x640xf32, #tpu.memory_space<vmem_shared>> -> memref<640xf32, #tpu.memory_space<vmem_shared>>
      %dma_wait3A_148 = arith.constant 0 : i32
      %dma_wait3A_149 = tpu.memref_slice %arg18[%run_scoped3A_73, %dma_wait3A_148] : memref<16x640xf32, #tpu.memory_space<vmem>> -> memref<1x640xf32, #tpu.memory_space<vmem>>
      %dma_wait3A_150 = tpu.memref_squeeze %dma_wait3A_149 : memref<1x640xf32, #tpu.memory_space<vmem>> -> memref<640xf32, #tpu.memory_space<vmem>>
      %dma_wait3A_151 = tpu.memref_slice %arg23[%run_scoped3A_72, %mul3A_22] : memref<16x10240xf32, #tpu.memory_space<vmem_shared>> -> memref<1x640xf32, #tpu.memory_space<vmem_shared>>
      %dma_wait3A_152 = tpu.memref_squeeze %dma_wait3A_151 : memref<1x640xf32, #tpu.memory_space<vmem_shared>> -> memref<640xf32, #tpu.memory_space<vmem_shared>>
      tpu.wait_dma2 semaphore(%run_scoped3A_134 : memref<!tpu.dma_semaphore, #tpu.memory_space<semaphore_mem>>) src(%dma_wait3A_152 : memref<640xf32, #tpu.memory_space<vmem_shared>>) dst(%dma_wait3A_150 : memref<640xf32, #tpu.memory_space<vmem>>)
      tpu.yield
    }) : () -> ()
    %run_scoped3A_74 = arith.constant 13 : i32
    %run_scoped3A_75 = arith.constant 13 : i32
    "tpu.region"() ({
      %run_scoped3A_134 = tpu.sem_alloc : memref<!tpu.dma_semaphore, #tpu.memory_space<semaphore_mem>>
      %dma_start3A = arith.constant 0 : i32
      %dma_start3A_135 = tpu.memref_slice %arg17[%run_scoped3A_75, %dma_start3A] : memref<16x640xf32, #tpu.memory_space<vmem>> -> memref<1x640xf32, #tpu.memory_space<vmem>>
      %dma_start3A_136 = tpu.memref_squeeze %dma_start3A_135 : memref<1x640xf32, #tpu.memory_space<vmem>> -> memref<640xf32, #tpu.memory_space<vmem>>
      %dma_start3A_137 = tpu.memref_slice %arg22[%run_scoped3A_74, %mul3A_22] : memref<16x10240xf32, #tpu.memory_space<vmem_shared>> -> memref<1x640xf32, #tpu.memory_space<vmem_shared>>
      %dma_start3A_138 = tpu.memref_squeeze %dma_start3A_137 : memref<1x640xf32, #tpu.memory_space<vmem_shared>> -> memref<640xf32, #tpu.memory_space<vmem_shared>>
      %dma_start3A_139 = arith.constant 0 : i32
      %dma_start3A_140 = tpu.memref_slice %arg17[%run_scoped3A_75, %dma_start3A_139] : memref<16x640xf32, #tpu.memory_space<vmem>> -> memref<1x640xf32, #tpu.memory_space<vmem>>
      %dma_start3A_141 = tpu.memref_squeeze %dma_start3A_140 : memref<1x640xf32, #tpu.memory_space<vmem>> -> memref<640xf32, #tpu.memory_space<vmem>>
      %dma_start3A_142 = tpu.memref_slice %arg22[%run_scoped3A_74, %mul3A_22] : memref<16x10240xf32, #tpu.memory_space<vmem_shared>> -> memref<1x640xf32, #tpu.memory_space<vmem_shared>>
      %dma_start3A_143 = tpu.memref_squeeze %dma_start3A_142 : memref<1x640xf32, #tpu.memory_space<vmem_shared>> -> memref<640xf32, #tpu.memory_space<vmem_shared>>
      tpu.enqueue_dma source(%dma_start3A_143 : memref<640xf32, #tpu.memory_space<vmem_shared>>) target(%dma_start3A_141 : memref<640xf32, #tpu.memory_space<vmem>>) target_semaphore(%run_scoped3A_134 : memref<!tpu.dma_semaphore, #tpu.memory_space<semaphore_mem>>)
      %dma_wait3A = arith.constant 0 : i32
      %dma_wait3A_144 = tpu.memref_slice %arg17[%run_scoped3A_75, %dma_wait3A] : memref<16x640xf32, #tpu.memory_space<vmem>> -> memref<1x640xf32, #tpu.memory_space<vmem>>
      %dma_wait3A_145 = tpu.memref_squeeze %dma_wait3A_144 : memref<1x640xf32, #tpu.memory_space<vmem>> -> memref<640xf32, #tpu.memory_space<vmem>>
      %dma_wait3A_146 = tpu.memref_slice %arg22[%run_scoped3A_74, %mul3A_22] : memref<16x10240xf32, #tpu.memory_space<vmem_shared>> -> memref<1x640xf32, #tpu.memory_space<vmem_shared>>
      %dma_wait3A_147 = tpu.memref_squeeze %dma_wait3A_146 : memref<1x640xf32, #tpu.memory_space<vmem_shared>> -> memref<640xf32, #tpu.memory_space<vmem_shared>>
      %dma_wait3A_148 = arith.constant 0 : i32
      %dma_wait3A_149 = tpu.memref_slice %arg17[%run_scoped3A_75, %dma_wait3A_148] : memref<16x640xf32, #tpu.memory_space<vmem>> -> memref<1x640xf32, #tpu.memory_space<vmem>>
      %dma_wait3A_150 = tpu.memref_squeeze %dma_wait3A_149 : memref<1x640xf32, #tpu.memory_space<vmem>> -> memref<640xf32, #tpu.memory_space<vmem>>
      %dma_wait3A_151 = tpu.memref_slice %arg22[%run_scoped3A_74, %mul3A_22] : memref<16x10240xf32, #tpu.memory_space<vmem_shared>> -> memref<1x640xf32, #tpu.memory_space<vmem_shared>>
      %dma_wait3A_152 = tpu.memref_squeeze %dma_wait3A_151 : memref<1x640xf32, #tpu.memory_space<vmem_shared>> -> memref<640xf32, #tpu.memory_space<vmem_shared>>
      tpu.wait_dma2 semaphore(%run_scoped3A_134 : memref<!tpu.dma_semaphore, #tpu.memory_space<semaphore_mem>>) src(%dma_wait3A_152 : memref<640xf32, #tpu.memory_space<vmem_shared>>) dst(%dma_wait3A_150 : memref<640xf32, #tpu.memory_space<vmem>>)
      tpu.yield
    }) : () -> ()
    %run_scoped3A_76 = arith.constant 13 : i32
    %run_scoped3A_77 = arith.constant 13 : i32
    "tpu.region"() ({
      %run_scoped3A_134 = tpu.sem_alloc : memref<!tpu.dma_semaphore, #tpu.memory_space<semaphore_mem>>
      %dma_start3A = arith.constant 0 : i32
      %dma_start3A_135 = tpu.memref_slice %arg18[%run_scoped3A_77, %dma_start3A] : memref<16x640xf32, #tpu.memory_space<vmem>> -> memref<1x640xf32, #tpu.memory_space<vmem>>
      %dma_start3A_136 = tpu.memref_squeeze %dma_start3A_135 : memref<1x640xf32, #tpu.memory_space<vmem>> -> memref<640xf32, #tpu.memory_space<vmem>>
      %dma_start3A_137 = tpu.memref_slice %arg23[%run_scoped3A_76, %mul3A_22] : memref<16x10240xf32, #tpu.memory_space<vmem_shared>> -> memref<1x640xf32, #tpu.memory_space<vmem_shared>>
      %dma_start3A_138 = tpu.memref_squeeze %dma_start3A_137 : memref<1x640xf32, #tpu.memory_space<vmem_shared>> -> memref<640xf32, #tpu.memory_space<vmem_shared>>
      %dma_start3A_139 = arith.constant 0 : i32
      %dma_start3A_140 = tpu.memref_slice %arg18[%run_scoped3A_77, %dma_start3A_139] : memref<16x640xf32, #tpu.memory_space<vmem>> -> memref<1x640xf32, #tpu.memory_space<vmem>>
      %dma_start3A_141 = tpu.memref_squeeze %dma_start3A_140 : memref<1x640xf32, #tpu.memory_space<vmem>> -> memref<640xf32, #tpu.memory_space<vmem>>
      %dma_start3A_142 = tpu.memref_slice %arg23[%run_scoped3A_76, %mul3A_22] : memref<16x10240xf32, #tpu.memory_space<vmem_shared>> -> memref<1x640xf32, #tpu.memory_space<vmem_shared>>
      %dma_start3A_143 = tpu.memref_squeeze %dma_start3A_142 : memref<1x640xf32, #tpu.memory_space<vmem_shared>> -> memref<640xf32, #tpu.memory_space<vmem_shared>>
      tpu.enqueue_dma source(%dma_start3A_143 : memref<640xf32, #tpu.memory_space<vmem_shared>>) target(%dma_start3A_141 : memref<640xf32, #tpu.memory_space<vmem>>) target_semaphore(%run_scoped3A_134 : memref<!tpu.dma_semaphore, #tpu.memory_space<semaphore_mem>>)
      %dma_wait3A = arith.constant 0 : i32
      %dma_wait3A_144 = tpu.memref_slice %arg18[%run_scoped3A_77, %dma_wait3A] : memref<16x640xf32, #tpu.memory_space<vmem>> -> memref<1x640xf32, #tpu.memory_space<vmem>>
      %dma_wait3A_145 = tpu.memref_squeeze %dma_wait3A_144 : memref<1x640xf32, #tpu.memory_space<vmem>> -> memref<640xf32, #tpu.memory_space<vmem>>
      %dma_wait3A_146 = tpu.memref_slice %arg23[%run_scoped3A_76, %mul3A_22] : memref<16x10240xf32, #tpu.memory_space<vmem_shared>> -> memref<1x640xf32, #tpu.memory_space<vmem_shared>>
      %dma_wait3A_147 = tpu.memref_squeeze %dma_wait3A_146 : memref<1x640xf32, #tpu.memory_space<vmem_shared>> -> memref<640xf32, #tpu.memory_space<vmem_shared>>
      %dma_wait3A_148 = arith.constant 0 : i32
      %dma_wait3A_149 = tpu.memref_slice %arg18[%run_scoped3A_77, %dma_wait3A_148] : memref<16x640xf32, #tpu.memory_space<vmem>> -> memref<1x640xf32, #tpu.memory_space<vmem>>
      %dma_wait3A_150 = tpu.memref_squeeze %dma_wait3A_149 : memref<1x640xf32, #tpu.memory_space<vmem>> -> memref<640xf32, #tpu.memory_space<vmem>>
      %dma_wait3A_151 = tpu.memref_slice %arg23[%run_scoped3A_76, %mul3A_22] : memref<16x10240xf32, #tpu.memory_space<vmem_shared>> -> memref<1x640xf32, #tpu.memory_space<vmem_shared>>
      %dma_wait3A_152 = tpu.memref_squeeze %dma_wait3A_151 : memref<1x640xf32, #tpu.memory_space<vmem_shared>> -> memref<640xf32, #tpu.memory_space<vmem_shared>>
      tpu.wait_dma2 semaphore(%run_scoped3A_134 : memref<!tpu.dma_semaphore, #tpu.memory_space<semaphore_mem>>) src(%dma_wait3A_152 : memref<640xf32, #tpu.memory_space<vmem_shared>>) dst(%dma_wait3A_150 : memref<640xf32, #tpu.memory_space<vmem>>)
      tpu.yield
    }) : () -> ()
    %run_scoped3A_78 = arith.constant 14 : i32
    %run_scoped3A_79 = arith.constant 14 : i32
    "tpu.region"() ({
      %run_scoped3A_134 = tpu.sem_alloc : memref<!tpu.dma_semaphore, #tpu.memory_space<semaphore_mem>>
      %dma_start3A = arith.constant 0 : i32
      %dma_start3A_135 = tpu.memref_slice %arg17[%run_scoped3A_79, %dma_start3A] : memref<16x640xf32, #tpu.memory_space<vmem>> -> memref<1x640xf32, #tpu.memory_space<vmem>>
      %dma_start3A_136 = tpu.memref_squeeze %dma_start3A_135 : memref<1x640xf32, #tpu.memory_space<vmem>> -> memref<640xf32, #tpu.memory_space<vmem>>
      %dma_start3A_137 = tpu.memref_slice %arg22[%run_scoped3A_78, %mul3A_22] : memref<16x10240xf32, #tpu.memory_space<vmem_shared>> -> memref<1x640xf32, #tpu.memory_space<vmem_shared>>
      %dma_start3A_138 = tpu.memref_squeeze %dma_start3A_137 : memref<1x640xf32, #tpu.memory_space<vmem_shared>> -> memref<640xf32, #tpu.memory_space<vmem_shared>>
      %dma_start3A_139 = arith.constant 0 : i32
      %dma_start3A_140 = tpu.memref_slice %arg17[%run_scoped3A_79, %dma_start3A_139] : memref<16x640xf32, #tpu.memory_space<vmem>> -> memref<1x640xf32, #tpu.memory_space<vmem>>
      %dma_start3A_141 = tpu.memref_squeeze %dma_start3A_140 : memref<1x640xf32, #tpu.memory_space<vmem>> -> memref<640xf32, #tpu.memory_space<vmem>>
      %dma_start3A_142 = tpu.memref_slice %arg22[%run_scoped3A_78, %mul3A_22] : memref<16x10240xf32, #tpu.memory_space<vmem_shared>> -> memref<1x640xf32, #tpu.memory_space<vmem_shared>>
      %dma_start3A_143 = tpu.memref_squeeze %dma_start3A_142 : memref<1x640xf32, #tpu.memory_space<vmem_shared>> -> memref<640xf32, #tpu.memory_space<vmem_shared>>
      tpu.enqueue_dma source(%dma_start3A_143 : memref<640xf32, #tpu.memory_space<vmem_shared>>) target(%dma_start3A_141 : memref<640xf32, #tpu.memory_space<vmem>>) target_semaphore(%run_scoped3A_134 : memref<!tpu.dma_semaphore, #tpu.memory_space<semaphore_mem>>)
      %dma_wait3A = arith.constant 0 : i32
      %dma_wait3A_144 = tpu.memref_slice %arg17[%run_scoped3A_79, %dma_wait3A] : memref<16x640xf32, #tpu.memory_space<vmem>> -> memref<1x640xf32, #tpu.memory_space<vmem>>
      %dma_wait3A_145 = tpu.memref_squeeze %dma_wait3A_144 : memref<1x640xf32, #tpu.memory_space<vmem>> -> memref<640xf32, #tpu.memory_space<vmem>>
      %dma_wait3A_146 = tpu.memref_slice %arg22[%run_scoped3A_78, %mul3A_22] : memref<16x10240xf32, #tpu.memory_space<vmem_shared>> -> memref<1x640xf32, #tpu.memory_space<vmem_shared>>
      %dma_wait3A_147 = tpu.memref_squeeze %dma_wait3A_146 : memref<1x640xf32, #tpu.memory_space<vmem_shared>> -> memref<640xf32, #tpu.memory_space<vmem_shared>>
      %dma_wait3A_148 = arith.constant 0 : i32
      %dma_wait3A_149 = tpu.memref_slice %arg17[%run_scoped3A_79, %dma_wait3A_148] : memref<16x640xf32, #tpu.memory_space<vmem>> -> memref<1x640xf32, #tpu.memory_space<vmem>>
      %dma_wait3A_150 = tpu.memref_squeeze %dma_wait3A_149 : memref<1x640xf32, #tpu.memory_space<vmem>> -> memref<640xf32, #tpu.memory_space<vmem>>
      %dma_wait3A_151 = tpu.memref_slice %arg22[%run_scoped3A_78, %mul3A_22] : memref<16x10240xf32, #tpu.memory_space<vmem_shared>> -> memref<1x640xf32, #tpu.memory_space<vmem_shared>>
      %dma_wait3A_152 = tpu.memref_squeeze %dma_wait3A_151 : memref<1x640xf32, #tpu.memory_space<vmem_shared>> -> memref<640xf32, #tpu.memory_space<vmem_shared>>
      tpu.wait_dma2 semaphore(%run_scoped3A_134 : memref<!tpu.dma_semaphore, #tpu.memory_space<semaphore_mem>>) src(%dma_wait3A_152 : memref<640xf32, #tpu.memory_space<vmem_shared>>) dst(%dma_wait3A_150 : memref<640xf32, #tpu.memory_space<vmem>>)
      tpu.yield
    }) : () -> ()
    %run_scoped3A_80 = arith.constant 14 : i32
    %run_scoped3A_81 = arith.constant 14 : i32
    "tpu.region"() ({
      %run_scoped3A_134 = tpu.sem_alloc : memref<!tpu.dma_semaphore, #tpu.memory_space<semaphore_mem>>
      %dma_start3A = arith.constant 0 : i32
      %dma_start3A_135 = tpu.memref_slice %arg18[%run_scoped3A_81, %dma_start3A] : memref<16x640xf32, #tpu.memory_space<vmem>> -> memref<1x640xf32, #tpu.memory_space<vmem>>
      %dma_start3A_136 = tpu.memref_squeeze %dma_start3A_135 : memref<1x640xf32, #tpu.memory_space<vmem>> -> memref<640xf32, #tpu.memory_space<vmem>>
      %dma_start3A_137 = tpu.memref_slice %arg23[%run_scoped3A_80, %mul3A_22] : memref<16x10240xf32, #tpu.memory_space<vmem_shared>> -> memref<1x640xf32, #tpu.memory_space<vmem_shared>>
      %dma_start3A_138 = tpu.memref_squeeze %dma_start3A_137 : memref<1x640xf32, #tpu.memory_space<vmem_shared>> -> memref<640xf32, #tpu.memory_space<vmem_shared>>
      %dma_start3A_139 = arith.constant 0 : i32
      %dma_start3A_140 = tpu.memref_slice %arg18[%run_scoped3A_81, %dma_start3A_139] : memref<16x640xf32, #tpu.memory_space<vmem>> -> memref<1x640xf32, #tpu.memory_space<vmem>>
      %dma_start3A_141 = tpu.memref_squeeze %dma_start3A_140 : memref<1x640xf32, #tpu.memory_space<vmem>> -> memref<640xf32, #tpu.memory_space<vmem>>
      %dma_start3A_142 = tpu.memref_slice %arg23[%run_scoped3A_80, %mul3A_22] : memref<16x10240xf32, #tpu.memory_space<vmem_shared>> -> memref<1x640xf32, #tpu.memory_space<vmem_shared>>
      %dma_start3A_143 = tpu.memref_squeeze %dma_start3A_142 : memref<1x640xf32, #tpu.memory_space<vmem_shared>> -> memref<640xf32, #tpu.memory_space<vmem_shared>>
      tpu.enqueue_dma source(%dma_start3A_143 : memref<640xf32, #tpu.memory_space<vmem_shared>>) target(%dma_start3A_141 : memref<640xf32, #tpu.memory_space<vmem>>) target_semaphore(%run_scoped3A_134 : memref<!tpu.dma_semaphore, #tpu.memory_space<semaphore_mem>>)
      %dma_wait3A = arith.constant 0 : i32
      %dma_wait3A_144 = tpu.memref_slice %arg18[%run_scoped3A_81, %dma_wait3A] : memref<16x640xf32, #tpu.memory_space<vmem>> -> memref<1x640xf32, #tpu.memory_space<vmem>>
      %dma_wait3A_145 = tpu.memref_squeeze %dma_wait3A_144 : memref<1x640xf32, #tpu.memory_space<vmem>> -> memref<640xf32, #tpu.memory_space<vmem>>
      %dma_wait3A_146 = tpu.memref_slice %arg23[%run_scoped3A_80, %mul3A_22] : memref<16x10240xf32, #tpu.memory_space<vmem_shared>> -> memref<1x640xf32, #tpu.memory_space<vmem_shared>>
      %dma_wait3A_147 = tpu.memref_squeeze %dma_wait3A_146 : memref<1x640xf32, #tpu.memory_space<vmem_shared>> -> memref<640xf32, #tpu.memory_space<vmem_shared>>
      %dma_wait3A_148 = arith.constant 0 : i32
      %dma_wait3A_149 = tpu.memref_slice %arg18[%run_scoped3A_81, %dma_wait3A_148] : memref<16x640xf32, #tpu.memory_space<vmem>> -> memref<1x640xf32, #tpu.memory_space<vmem>>
      %dma_wait3A_150 = tpu.memref_squeeze %dma_wait3A_149 : memref<1x640xf32, #tpu.memory_space<vmem>> -> memref<640xf32, #tpu.memory_space<vmem>>
      %dma_wait3A_151 = tpu.memref_slice %arg23[%run_scoped3A_80, %mul3A_22] : memref<16x10240xf32, #tpu.memory_space<vmem_shared>> -> memref<1x640xf32, #tpu.memory_space<vmem_shared>>
      %dma_wait3A_152 = tpu.memref_squeeze %dma_wait3A_151 : memref<1x640xf32, #tpu.memory_space<vmem_shared>> -> memref<640xf32, #tpu.memory_space<vmem_shared>>
      tpu.wait_dma2 semaphore(%run_scoped3A_134 : memref<!tpu.dma_semaphore, #tpu.memory_space<semaphore_mem>>) src(%dma_wait3A_152 : memref<640xf32, #tpu.memory_space<vmem_shared>>) dst(%dma_wait3A_150 : memref<640xf32, #tpu.memory_space<vmem>>)
      tpu.yield
    }) : () -> ()
    %run_scoped3A_82 = arith.constant 15 : i32
    %run_scoped3A_83 = arith.constant 15 : i32
    "tpu.region"() ({
      %run_scoped3A_134 = tpu.sem_alloc : memref<!tpu.dma_semaphore, #tpu.memory_space<semaphore_mem>>
      %dma_start3A = arith.constant 0 : i32
      %dma_start3A_135 = tpu.memref_slice %arg17[%run_scoped3A_83, %dma_start3A] : memref<16x640xf32, #tpu.memory_space<vmem>> -> memref<1x640xf32, #tpu.memory_space<vmem>>
      %dma_start3A_136 = tpu.memref_squeeze %dma_start3A_135 : memref<1x640xf32, #tpu.memory_space<vmem>> -> memref<640xf32, #tpu.memory_space<vmem>>
      %dma_start3A_137 = tpu.memref_slice %arg22[%run_scoped3A_82, %mul3A_22] : memref<16x10240xf32, #tpu.memory_space<vmem_shared>> -> memref<1x640xf32, #tpu.memory_space<vmem_shared>>
      %dma_start3A_138 = tpu.memref_squeeze %dma_start3A_137 : memref<1x640xf32, #tpu.memory_space<vmem_shared>> -> memref<640xf32, #tpu.memory_space<vmem_shared>>
      %dma_start3A_139 = arith.constant 0 : i32
      %dma_start3A_140 = tpu.memref_slice %arg17[%run_scoped3A_83, %dma_start3A_139] : memref<16x640xf32, #tpu.memory_space<vmem>> -> memref<1x640xf32, #tpu.memory_space<vmem>>
      %dma_start3A_141 = tpu.memref_squeeze %dma_start3A_140 : memref<1x640xf32, #tpu.memory_space<vmem>> -> memref<640xf32, #tpu.memory_space<vmem>>
      %dma_start3A_142 = tpu.memref_slice %arg22[%run_scoped3A_82, %mul3A_22] : memref<16x10240xf32, #tpu.memory_space<vmem_shared>> -> memref<1x640xf32, #tpu.memory_space<vmem_shared>>
      %dma_start3A_143 = tpu.memref_squeeze %dma_start3A_142 : memref<1x640xf32, #tpu.memory_space<vmem_shared>> -> memref<640xf32, #tpu.memory_space<vmem_shared>>
      tpu.enqueue_dma source(%dma_start3A_143 : memref<640xf32, #tpu.memory_space<vmem_shared>>) target(%dma_start3A_141 : memref<640xf32, #tpu.memory_space<vmem>>) target_semaphore(%run_scoped3A_134 : memref<!tpu.dma_semaphore, #tpu.memory_space<semaphore_mem>>)
      %dma_wait3A = arith.constant 0 : i32
      %dma_wait3A_144 = tpu.memref_slice %arg17[%run_scoped3A_83, %dma_wait3A] : memref<16x640xf32, #tpu.memory_space<vmem>> -> memref<1x640xf32, #tpu.memory_space<vmem>>
      %dma_wait3A_145 = tpu.memref_squeeze %dma_wait3A_144 : memref<1x640xf32, #tpu.memory_space<vmem>> -> memref<640xf32, #tpu.memory_space<vmem>>
      %dma_wait3A_146 = tpu.memref_slice %arg22[%run_scoped3A_82, %mul3A_22] : memref<16x10240xf32, #tpu.memory_space<vmem_shared>> -> memref<1x640xf32, #tpu.memory_space<vmem_shared>>
      %dma_wait3A_147 = tpu.memref_squeeze %dma_wait3A_146 : memref<1x640xf32, #tpu.memory_space<vmem_shared>> -> memref<640xf32, #tpu.memory_space<vmem_shared>>
      %dma_wait3A_148 = arith.constant 0 : i32
      %dma_wait3A_149 = tpu.memref_slice %arg17[%run_scoped3A_83, %dma_wait3A_148] : memref<16x640xf32, #tpu.memory_space<vmem>> -> memref<1x640xf32, #tpu.memory_space<vmem>>
      %dma_wait3A_150 = tpu.memref_squeeze %dma_wait3A_149 : memref<1x640xf32, #tpu.memory_space<vmem>> -> memref<640xf32, #tpu.memory_space<vmem>>
      %dma_wait3A_151 = tpu.memref_slice %arg22[%run_scoped3A_82, %mul3A_22] : memref<16x10240xf32, #tpu.memory_space<vmem_shared>> -> memref<1x640xf32, #tpu.memory_space<vmem_shared>>
      %dma_wait3A_152 = tpu.memref_squeeze %dma_wait3A_151 : memref<1x640xf32, #tpu.memory_space<vmem_shared>> -> memref<640xf32, #tpu.memory_space<vmem_shared>>
      tpu.wait_dma2 semaphore(%run_scoped3A_134 : memref<!tpu.dma_semaphore, #tpu.memory_space<semaphore_mem>>) src(%dma_wait3A_152 : memref<640xf32, #tpu.memory_space<vmem_shared>>) dst(%dma_wait3A_150 : memref<640xf32, #tpu.memory_space<vmem>>)
      tpu.yield
    }) : () -> ()
    %run_scoped3A_84 = arith.constant 15 : i32
    %run_scoped3A_85 = arith.constant 15 : i32
    "tpu.region"() ({
      %run_scoped3A_134 = tpu.sem_alloc : memref<!tpu.dma_semaphore, #tpu.memory_space<semaphore_mem>>
      %dma_start3A = arith.constant 0 : i32
      %dma_start3A_135 = tpu.memref_slice %arg18[%run_scoped3A_85, %dma_start3A] : memref<16x640xf32, #tpu.memory_space<vmem>> -> memref<1x640xf32, #tpu.memory_space<vmem>>
      %dma_start3A_136 = tpu.memref_squeeze %dma_start3A_135 : memref<1x640xf32, #tpu.memory_space<vmem>> -> memref<640xf32, #tpu.memory_space<vmem>>
      %dma_start3A_137 = tpu.memref_slice %arg23[%run_scoped3A_84, %mul3A_22] : memref<16x10240xf32, #tpu.memory_space<vmem_shared>> -> memref<1x640xf32, #tpu.memory_space<vmem_shared>>
      %dma_start3A_138 = tpu.memref_squeeze %dma_start3A_137 : memref<1x640xf32, #tpu.memory_space<vmem_shared>> -> memref<640xf32, #tpu.memory_space<vmem_shared>>
      %dma_start3A_139 = arith.constant 0 : i32
      %dma_start3A_140 = tpu.memref_slice %arg18[%run_scoped3A_85, %dma_start3A_139] : memref<16x640xf32, #tpu.memory_space<vmem>> -> memref<1x640xf32, #tpu.memory_space<vmem>>
      %dma_start3A_141 = tpu.memref_squeeze %dma_start3A_140 : memref<1x640xf32, #tpu.memory_space<vmem>> -> memref<640xf32, #tpu.memory_space<vmem>>
      %dma_start3A_142 = tpu.memref_slice %arg23[%run_scoped3A_84, %mul3A_22] : memref<16x10240xf32, #tpu.memory_space<vmem_shared>> -> memref<1x640xf32, #tpu.memory_space<vmem_shared>>
      %dma_start3A_143 = tpu.memref_squeeze %dma_start3A_142 : memref<1x640xf32, #tpu.memory_space<vmem_shared>> -> memref<640xf32, #tpu.memory_space<vmem_shared>>
      tpu.enqueue_dma source(%dma_start3A_143 : memref<640xf32, #tpu.memory_space<vmem_shared>>) target(%dma_start3A_141 : memref<640xf32, #tpu.memory_space<vmem>>) target_semaphore(%run_scoped3A_134 : memref<!tpu.dma_semaphore, #tpu.memory_space<semaphore_mem>>)
      %dma_wait3A = arith.constant 0 : i32
      %dma_wait3A_144 = tpu.memref_slice %arg18[%run_scoped3A_85, %dma_wait3A] : memref<16x640xf32, #tpu.memory_space<vmem>> -> memref<1x640xf32, #tpu.memory_space<vmem>>
      %dma_wait3A_145 = tpu.memref_squeeze %dma_wait3A_144 : memref<1x640xf32, #tpu.memory_space<vmem>> -> memref<640xf32, #tpu.memory_space<vmem>>
      %dma_wait3A_146 = tpu.memref_slice %arg23[%run_scoped3A_84, %mul3A_22] : memref<16x10240xf32, #tpu.memory_space<vmem_shared>> -> memref<1x640xf32, #tpu.memory_space<vmem_shared>>
      %dma_wait3A_147 = tpu.memref_squeeze %dma_wait3A_146 : memref<1x640xf32, #tpu.memory_space<vmem_shared>> -> memref<640xf32, #tpu.memory_space<vmem_shared>>
      %dma_wait3A_148 = arith.constant 0 : i32
      %dma_wait3A_149 = tpu.memref_slice %arg18[%run_scoped3A_85, %dma_wait3A_148] : memref<16x640xf32, #tpu.memory_space<vmem>> -> memref<1x640xf32, #tpu.memory_space<vmem>>
      %dma_wait3A_150 = tpu.memref_squeeze %dma_wait3A_149 : memref<1x640xf32, #tpu.memory_space<vmem>> -> memref<640xf32, #tpu.memory_space<vmem>>
      %dma_wait3A_151 = tpu.memref_slice %arg23[%run_scoped3A_84, %mul3A_22] : memref<16x10240xf32, #tpu.memory_space<vmem_shared>> -> memref<1x640xf32, #tpu.memory_space<vmem_shared>>
      %dma_wait3A_152 = tpu.memref_squeeze %dma_wait3A_151 : memref<1x640xf32, #tpu.memory_space<vmem_shared>> -> memref<640xf32, #tpu.memory_space<vmem_shared>>
      tpu.wait_dma2 semaphore(%run_scoped3A_134 : memref<!tpu.dma_semaphore, #tpu.memory_space<semaphore_mem>>) src(%dma_wait3A_152 : memref<640xf32, #tpu.memory_space<vmem_shared>>) dst(%dma_wait3A_150 : memref<640xf32, #tpu.memory_space<vmem>>)
      tpu.yield
    }) : () -> ()
    %scan3A_86 = arith.constant 0 : i32
    %scan3A_87 = arith.constant 0 : i32
    %scan3A_88 = arith.constant 40 : i32
    %scan3A_89 = arith.addi %scan3A_87, %scan3A_88 : i32
    %scan3A_90 = arith.constant 1 : i32
    %scan3A_91 = scf.for %scan3A_134 = %scan3A_87 to %scan3A_89 step %scan3A_90 iter_args(%scan3A_135 = %scan3A_86) -> (i32)  : i32 {
      %mul3A_136 = arith.constant 16 : i32
      %mul3A_137 = arith.muli %scan3A_134, %mul3A_136 : i32
      %get3A = arith.constant 0 : i32
      %get3A_138 = arith.index_cast %get3A : i32 to index
      %get3A_139 = arith.index_cast %mul3A_137 : i32 to index
      %get3A_140 = tpu.vector_load %arg17[%get3A_138, %get3A_139] {strides = array<i32>} : memref<16x640xf32, #tpu.memory_space<vmem>>, vector<16xf32>,
      %add3A_141 = arith.addf %broadcast_in_dim3A_1, %get3A_140 : vector<16xf32>
      %mul3A_142 = arith.constant 16 : i32
      %mul3A_143 = arith.muli %scan3A_134, %mul3A_142 : i32
      %get3A_144 = arith.constant 0 : i32
      %get3A_145 = arith.index_cast %get3A_144 : i32 to index
      %get3A_146 = arith.index_cast %mul3A_143 : i32 to index
      %get3A_147 = tpu.vector_load %arg18[%get3A_145, %get3A_146] {strides = array<i32>} : memref<16x640xf32, #tpu.memory_space<vmem>>, vector<16xf32>,
      %add3A_148 = arith.addf %broadcast_in_dim3A_1, %get3A_147 : vector<16xf32>
      %mul3A_149 = arith.constant 16 : i32
      %mul3A_150 = arith.muli %scan3A_134, %mul3A_149 : i32
      %get3A_151 = arith.constant 1 : i32
      %get3A_152 = arith.index_cast %get3A_151 : i32 to index
      %get3A_153 = arith.index_cast %mul3A_150 : i32 to index
      %get3A_154 = tpu.vector_load %arg17[%get3A_152, %get3A_153] {strides = array<i32>} : memref<16x640xf32, #tpu.memory_space<vmem>>, vector<16xf32>,
      %add3A_155 = arith.addf %add3A_141, %get3A_154 : vector<16xf32>
      %mul3A_156 = arith.constant 16 : i32
      %mul3A_157 = arith.muli %scan3A_134, %mul3A_156 : i32
      %get3A_158 = arith.constant 1 : i32
      %get3A_159 = arith.index_cast %get3A_158 : i32 to index
      %get3A_160 = arith.index_cast %mul3A_157 : i32 to index
      %get3A_161 = tpu.vector_load %arg18[%get3A_159, %get3A_160] {strides = array<i32>} : memref<16x640xf32, #tpu.memory_space<vmem>>, vector<16xf32>,
      %add3A_162 = arith.addf %add3A_148, %get3A_161 : vector<16xf32>
      %mul3A_163 = arith.constant 16 : i32
      %mul3A_164 = arith.muli %scan3A_134, %mul3A_163 : i32
      %get3A_165 = arith.constant 2 : i32
      %get3A_166 = arith.index_cast %get3A_165 : i32 to index
      %get3A_167 = arith.index_cast %mul3A_164 : i32 to index
      %get3A_168 = tpu.vector_load %arg17[%get3A_166, %get3A_167] {strides = array<i32>} : memref<16x640xf32, #tpu.memory_space<vmem>>, vector<16xf32>,
      %add3A_169 = arith.addf %add3A_155, %get3A_168 : vector<16xf32>
      %mul3A_170 = arith.constant 16 : i32
      %mul3A_171 = arith.muli %scan3A_134, %mul3A_170 : i32
      %get3A_172 = arith.constant 2 : i32
      %get3A_173 = arith.index_cast %get3A_172 : i32 to index
      %get3A_174 = arith.index_cast %mul3A_171 : i32 to index
      %get3A_175 = tpu.vector_load %arg18[%get3A_173, %get3A_174] {strides = array<i32>} : memref<16x640xf32, #tpu.memory_space<vmem>>, vector<16xf32>,
      %add3A_176 = arith.addf %add3A_162, %get3A_175 : vector<16xf32>
      %mul3A_177 = arith.constant 16 : i32
      %mul3A_178 = arith.muli %scan3A_134, %mul3A_177 : i32
      %get3A_179 = arith.constant 3 : i32
      %get3A_180 = arith.index_cast %get3A_179 : i32 to index
      %get3A_181 = arith.index_cast %mul3A_178 : i32 to index
      %get3A_182 = tpu.vector_load %arg17[%get3A_180, %get3A_181] {strides = array<i32>} : memref<16x640xf32, #tpu.memory_space<vmem>>, vector<16xf32>,
      %add3A_183 = arith.addf %add3A_169, %get3A_182 : vector<16xf32>
      %mul3A_184 = arith.constant 16 : i32
      %mul3A_185 = arith.muli %scan3A_134, %mul3A_184 : i32
      %get3A_186 = arith.constant 3 : i32
      %get3A_187 = arith.index_cast %get3A_186 : i32 to index
      %get3A_188 = arith.index_cast %mul3A_185 : i32 to index
      %get3A_189 = tpu.vector_load %arg18[%get3A_187, %get3A_188] {strides = array<i32>} : memref<16x640xf32, #tpu.memory_space<vmem>>, vector<16xf32>,
      %add3A_190 = arith.addf %add3A_176, %get3A_189 : vector<16xf32>
      %mul3A_191 = arith.constant 16 : i32
      %mul3A_192 = arith.muli %scan3A_134, %mul3A_191 : i32
      %get3A_193 = arith.constant 4 : i32
      %get3A_194 = arith.index_cast %get3A_193 : i32 to index
      %get3A_195 = arith.index_cast %mul3A_192 : i32 to index
      %get3A_196 = tpu.vector_load %arg17[%get3A_194, %get3A_195] {strides = array<i32>} : memref<16x640xf32, #tpu.memory_space<vmem>>, vector<16xf32>,
      %add3A_197 = arith.addf %add3A_183, %get3A_196 : vector<16xf32>
      %mul3A_198 = arith.constant 16 : i32
      %mul3A_199 = arith.muli %scan3A_134, %mul3A_198 : i32
      %get3A_200 = arith.constant 4 : i32
      %get3A_201 = arith.index_cast %get3A_200 : i32 to index
      %get3A_202 = arith.index_cast %mul3A_199 : i32 to index
      %get3A_203 = tpu.vector_load %arg18[%get3A_201, %get3A_202] {strides = array<i32>} : memref<16x640xf32, #tpu.memory_space<vmem>>, vector<16xf32>,
      %add3A_204 = arith.addf %add3A_190, %get3A_203 : vector<16xf32>
      %mul3A_205 = arith.constant 16 : i32
      %mul3A_206 = arith.muli %scan3A_134, %mul3A_205 : i32
      %get3A_207 = arith.constant 5 : i32
      %get3A_208 = arith.index_cast %get3A_207 : i32 to index
      %get3A_209 = arith.index_cast %mul3A_206 : i32 to index
      %get3A_210 = tpu.vector_load %arg17[%get3A_208, %get3A_209] {strides = array<i32>} : memref<16x640xf32, #tpu.memory_space<vmem>>, vector<16xf32>,
      %add3A_211 = arith.addf %add3A_197, %get3A_210 : vector<16xf32>
      %mul3A_212 = arith.constant 16 : i32
      %mul3A_213 = arith.muli %scan3A_134, %mul3A_212 : i32
      %get3A_214 = arith.constant 5 : i32
      %get3A_215 = arith.index_cast %get3A_214 : i32 to index
      %get3A_216 = arith.index_cast %mul3A_213 : i32 to index
      %get3A_217 = tpu.vector_load %arg18[%get3A_215, %get3A_216] {strides = array<i32>} : memref<16x640xf32, #tpu.memory_space<vmem>>, vector<16xf32>,
      %add3A_218 = arith.addf %add3A_204, %get3A_217 : vector<16xf32>
      %mul3A_219 = arith.constant 16 : i32
      %mul3A_220 = arith.muli %scan3A_134, %mul3A_219 : i32
      %get3A_221 = arith.constant 6 : i32
      %get3A_222 = arith.index_cast %get3A_221 : i32 to index
      %get3A_223 = arith.index_cast %mul3A_220 : i32 to index
      %get3A_224 = tpu.vector_load %arg17[%get3A_222, %get3A_223] {strides = array<i32>} : memref<16x640xf32, #tpu.memory_space<vmem>>, vector<16xf32>,
      %add3A_225 = arith.addf %add3A_211, %get3A_224 : vector<16xf32>
      %mul3A_226 = arith.constant 16 : i32
      %mul3A_227 = arith.muli %scan3A_134, %mul3A_226 : i32
      %get3A_228 = arith.constant 6 : i32
      %get3A_229 = arith.index_cast %get3A_228 : i32 to index
      %get3A_230 = arith.index_cast %mul3A_227 : i32 to index
      %get3A_231 = tpu.vector_load %arg18[%get3A_229, %get3A_230] {strides = array<i32>} : memref<16x640xf32, #tpu.memory_space<vmem>>, vector<16xf32>,
      %add3A_232 = arith.addf %add3A_218, %get3A_231 : vector<16xf32>
      %mul3A_233 = arith.constant 16 : i32
      %mul3A_234 = arith.muli %scan3A_134, %mul3A_233 : i32
      %get3A_235 = arith.constant 7 : i32
      %get3A_236 = arith.index_cast %get3A_235 : i32 to index
      %get3A_237 = arith.index_cast %mul3A_234 : i32 to index
      %get3A_238 = tpu.vector_load %arg17[%get3A_236, %get3A_237] {strides = array<i32>} : memref<16x640xf32, #tpu.memory_space<vmem>>, vector<16xf32>,
      %add3A_239 = arith.addf %add3A_225, %get3A_238 : vector<16xf32>
      %mul3A_240 = arith.constant 16 : i32
      %mul3A_241 = arith.muli %scan3A_134, %mul3A_240 : i32
      %get3A_242 = arith.constant 7 : i32
      %get3A_243 = arith.index_cast %get3A_242 : i32 to index
      %get3A_244 = arith.index_cast %mul3A_241 : i32 to index
      %get3A_245 = tpu.vector_load %arg18[%get3A_243, %get3A_244] {strides = array<i32>} : memref<16x640xf32, #tpu.memory_space<vmem>>, vector<16xf32>,
      %add3A_246 = arith.addf %add3A_232, %get3A_245 : vector<16xf32>
      %mul3A_247 = arith.constant 16 : i32
      %mul3A_248 = arith.muli %scan3A_134, %mul3A_247 : i32
      %get3A_249 = arith.constant 8 : i32
      %get3A_250 = arith.index_cast %get3A_249 : i32 to index
      %get3A_251 = arith.index_cast %mul3A_248 : i32 to index
      %get3A_252 = tpu.vector_load %arg17[%get3A_250, %get3A_251] {strides = array<i32>} : memref<16x640xf32, #tpu.memory_space<vmem>>, vector<16xf32>,
      %add3A_253 = arith.addf %add3A_239, %get3A_252 : vector<16xf32>
      %mul3A_254 = arith.constant 16 : i32
      %mul3A_255 = arith.muli %scan3A_134, %mul3A_254 : i32
      %get3A_256 = arith.constant 8 : i32
      %get3A_257 = arith.index_cast %get3A_256 : i32 to index
      %get3A_258 = arith.index_cast %mul3A_255 : i32 to index
      %get3A_259 = tpu.vector_load %arg18[%get3A_257, %get3A_258] {strides = array<i32>} : memref<16x640xf32, #tpu.memory_space<vmem>>, vector<16xf32>,
      %add3A_260 = arith.addf %add3A_246, %get3A_259 : vector<16xf32>
      %mul3A_261 = arith.constant 16 : i32
      %mul3A_262 = arith.muli %scan3A_134, %mul3A_261 : i32
      %get3A_263 = arith.constant 9 : i32
      %get3A_264 = arith.index_cast %get3A_263 : i32 to index
      %get3A_265 = arith.index_cast %mul3A_262 : i32 to index
      %get3A_266 = tpu.vector_load %arg17[%get3A_264, %get3A_265] {strides = array<i32>} : memref<16x640xf32, #tpu.memory_space<vmem>>, vector<16xf32>,
      %add3A_267 = arith.addf %add3A_253, %get3A_266 : vector<16xf32>
      %mul3A_268 = arith.constant 16 : i32
      %mul3A_269 = arith.muli %scan3A_134, %mul3A_268 : i32
      %get3A_270 = arith.constant 9 : i32
      %get3A_271 = arith.index_cast %get3A_270 : i32 to index
      %get3A_272 = arith.index_cast %mul3A_269 : i32 to index
      %get3A_273 = tpu.vector_load %arg18[%get3A_271, %get3A_272] {strides = array<i32>} : memref<16x640xf32, #tpu.memory_space<vmem>>, vector<16xf32>,
      %add3A_274 = arith.addf %add3A_260, %get3A_273 : vector<16xf32>
      %mul3A_275 = arith.constant 16 : i32
      %mul3A_276 = arith.muli %scan3A_134, %mul3A_275 : i32
      %get3A_277 = arith.constant 10 : i32
      %get3A_278 = arith.index_cast %get3A_277 : i32 to index
      %get3A_279 = arith.index_cast %mul3A_276 : i32 to index
      %get3A_280 = tpu.vector_load %arg17[%get3A_278, %get3A_279] {strides = array<i32>} : memref<16x640xf32, #tpu.memory_space<vmem>>, vector<16xf32>,
      %add3A_281 = arith.addf %add3A_267, %get3A_280 : vector<16xf32>
      %mul3A_282 = arith.constant 16 : i32
      %mul3A_283 = arith.muli %scan3A_134, %mul3A_282 : i32
      %get3A_284 = arith.constant 10 : i32
      %get3A_285 = arith.index_cast %get3A_284 : i32 to index
      %get3A_286 = arith.index_cast %mul3A_283 : i32 to index
      %get3A_287 = tpu.vector_load %arg18[%get3A_285, %get3A_286] {strides = array<i32>} : memref<16x640xf32, #tpu.memory_space<vmem>>, vector<16xf32>,
      %add3A_288 = arith.addf %add3A_274, %get3A_287 : vector<16xf32>
      %mul3A_289 = arith.constant 16 : i32
      %mul3A_290 = arith.muli %scan3A_134, %mul3A_289 : i32
      %get3A_291 = arith.constant 11 : i32
      %get3A_292 = arith.index_cast %get3A_291 : i32 to index
      %get3A_293 = arith.index_cast %mul3A_290 : i32 to index
      %get3A_294 = tpu.vector_load %arg17[%get3A_292, %get3A_293] {strides = array<i32>} : memref<16x640xf32, #tpu.memory_space<vmem>>, vector<16xf32>,
      %add3A_295 = arith.addf %add3A_281, %get3A_294 : vector<16xf32>
      %mul3A_296 = arith.constant 16 : i32
      %mul3A_297 = arith.muli %scan3A_134, %mul3A_296 : i32
      %get3A_298 = arith.constant 11 : i32
      %get3A_299 = arith.index_cast %get3A_298 : i32 to index
      %get3A_300 = arith.index_cast %mul3A_297 : i32 to index
      %get3A_301 = tpu.vector_load %arg18[%get3A_299, %get3A_300] {strides = array<i32>} : memref<16x640xf32, #tpu.memory_space<vmem>>, vector<16xf32>,
      %add3A_302 = arith.addf %add3A_288, %get3A_301 : vector<16xf32>
      %mul3A_303 = arith.constant 16 : i32
      %mul3A_304 = arith.muli %scan3A_134, %mul3A_303 : i32
      %get3A_305 = arith.constant 12 : i32
      %get3A_306 = arith.index_cast %get3A_305 : i32 to index
      %get3A_307 = arith.index_cast %mul3A_304 : i32 to index
      %get3A_308 = tpu.vector_load %arg17[%get3A_306, %get3A_307] {strides = array<i32>} : memref<16x640xf32, #tpu.memory_space<vmem>>, vector<16xf32>,
      %add3A_309 = arith.addf %add3A_295, %get3A_308 : vector<16xf32>
      %mul3A_310 = arith.constant 16 : i32
      %mul3A_311 = arith.muli %scan3A_134, %mul3A_310 : i32
      %get3A_312 = arith.constant 12 : i32
      %get3A_313 = arith.index_cast %get3A_312 : i32 to index
      %get3A_314 = arith.index_cast %mul3A_311 : i32 to index
      %get3A_315 = tpu.vector_load %arg18[%get3A_313, %get3A_314] {strides = array<i32>} : memref<16x640xf32, #tpu.memory_space<vmem>>, vector<16xf32>,
      %add3A_316 = arith.addf %add3A_302, %get3A_315 : vector<16xf32>
      %mul3A_317 = arith.constant 16 : i32
      %mul3A_318 = arith.muli %scan3A_134, %mul3A_317 : i32
      %get3A_319 = arith.constant 13 : i32
      %get3A_320 = arith.index_cast %get3A_319 : i32 to index
      %get3A_321 = arith.index_cast %mul3A_318 : i32 to index
      %get3A_322 = tpu.vector_load %arg17[%get3A_320, %get3A_321] {strides = array<i32>} : memref<16x640xf32, #tpu.memory_space<vmem>>, vector<16xf32>,
      %add3A_323 = arith.addf %add3A_309, %get3A_322 : vector<16xf32>
      %mul3A_324 = arith.constant 16 : i32
      %mul3A_325 = arith.muli %scan3A_134, %mul3A_324 : i32
      %get3A_326 = arith.constant 13 : i32
      %get3A_327 = arith.index_cast %get3A_326 : i32 to index
      %get3A_328 = arith.index_cast %mul3A_325 : i32 to index
      %get3A_329 = tpu.vector_load %arg18[%get3A_327, %get3A_328] {strides = array<i32>} : memref<16x640xf32, #tpu.memory_space<vmem>>, vector<16xf32>,
      %add3A_330 = arith.addf %add3A_316, %get3A_329 : vector<16xf32>
      %mul3A_331 = arith.constant 16 : i32
      %mul3A_332 = arith.muli %scan3A_134, %mul3A_331 : i32
      %get3A_333 = arith.constant 14 : i32
      %get3A_334 = arith.index_cast %get3A_333 : i32 to index
      %get3A_335 = arith.index_cast %mul3A_332 : i32 to index
      %get3A_336 = tpu.vector_load %arg17[%get3A_334, %get3A_335] {strides = array<i32>} : memref<16x640xf32, #tpu.memory_space<vmem>>, vector<16xf32>,
      %add3A_337 = arith.addf %add3A_323, %get3A_336 : vector<16xf32>
      %mul3A_338 = arith.constant 16 : i32
      %mul3A_339 = arith.muli %scan3A_134, %mul3A_338 : i32
      %get3A_340 = arith.constant 14 : i32
      %get3A_341 = arith.index_cast %get3A_340 : i32 to index
      %get3A_342 = arith.index_cast %mul3A_339 : i32 to index
      %get3A_343 = tpu.vector_load %arg18[%get3A_341, %get3A_342] {strides = array<i32>} : memref<16x640xf32, #tpu.memory_space<vmem>>, vector<16xf32>,
      %add3A_344 = arith.addf %add3A_330, %get3A_343 : vector<16xf32>
      %mul3A_345 = arith.constant 16 : i32
      %mul3A_346 = arith.muli %scan3A_134, %mul3A_345 : i32
      %get3A_347 = arith.constant 15 : i32
      %get3A_348 = arith.index_cast %get3A_347 : i32 to index
      %get3A_349 = arith.index_cast %mul3A_346 : i32 to index
      %get3A_350 = tpu.vector_load %arg17[%get3A_348, %get3A_349] {strides = array<i32>} : memref<16x640xf32, #tpu.memory_space<vmem>>, vector<16xf32>,
      %add3A_351 = arith.addf %add3A_337, %get3A_350 : vector<16xf32>
      %mul3A_352 = arith.constant 16 : i32
      %mul3A_353 = arith.muli %scan3A_134, %mul3A_352 : i32
      %get3A_354 = arith.constant 15 : i32
      %get3A_355 = arith.index_cast %get3A_354 : i32 to index
      %get3A_356 = arith.index_cast %mul3A_353 : i32 to index
      %get3A_357 = tpu.vector_load %arg18[%get3A_355, %get3A_356] {strides = array<i32>} : memref<16x640xf32, #tpu.memory_space<vmem>>, vector<16xf32>,
      %add3A_358 = arith.addf %add3A_344, %get3A_357 : vector<16xf32>
      %mul3A_359 = arith.constant 16 : i32
      %mul3A_360 = arith.muli %scan3A_134, %mul3A_359 : i32
      %swap3A_361 = arith.index_cast %mul3A_360 : i32 to index
      %swap3A_362 = tpu.vector_load %arg19[%swap3A_361] {strides = array<i32>} : memref<640xf32, #tpu.memory_space<vmem>>, vector<16xf32>,
      tpu.vector_store %arg19[%swap3A_361], %add3A_351 {strides = array<i32>} : memref<640xf32, #tpu.memory_space<vmem>>, vector<16xf32>,
      %mul3A_363 = arith.constant 16 : i32
      %mul3A_364 = arith.muli %scan3A_134, %mul3A_363 : i32
      %swap3A_365 = arith.index_cast %mul3A_364 : i32 to index
      %swap3A_366 = tpu.vector_load %arg20[%swap3A_365] {strides = array<i32>} : memref<640xf32, #tpu.memory_space<vmem>>, vector<16xf32>,
      tpu.vector_store %arg20[%swap3A_365], %add3A_358 {strides = array<i32>} : memref<640xf32, #tpu.memory_space<vmem>>, vector<16xf32>,
      %scan3A_367 = arith.constant 0 : i32
      scf.yield %scan3A_367 : i32
    }
    %scan3A_92 = arith.constant 40 : i32
    "tpu.region"() ({
      %run_scoped3A_134 = tpu.sem_alloc : memref<!tpu.dma_semaphore, #tpu.memory_space<semaphore_mem>>
      %dma_start3A = tpu.memref_slice %arg7[%arg0, %mul3A_22] : memref<2x10240xf32, #tpu.memory_space<hbm>> -> memref<1x640xf32, #tpu.memory_space<hbm>>
      %dma_start3A_135 = tpu.memref_squeeze %dma_start3A : memref<1x640xf32, #tpu.memory_space<hbm>> -> memref<640xf32, #tpu.memory_space<hbm>>
      %dma_start3A_136 = tpu.memref_slice %arg7[%arg0, %mul3A_22] : memref<2x10240xf32, #tpu.memory_space<hbm>> -> memref<1x640xf32, #tpu.memory_space<hbm>>
      %dma_start3A_137 = tpu.memref_squeeze %dma_start3A_136 : memref<1x640xf32, #tpu.memory_space<hbm>> -> memref<640xf32, #tpu.memory_space<hbm>>
      tpu.enqueue_dma source(%arg19 : memref<640xf32, #tpu.memory_space<vmem>>) target(%dma_start3A_137 : memref<640xf32, #tpu.memory_space<hbm>>) target_semaphore(%run_scoped3A_134 : memref<!tpu.dma_semaphore, #tpu.memory_space<semaphore_mem>>)
      %dma_wait3A = tpu.memref_slice %arg7[%arg0, %mul3A_22] : memref<2x10240xf32, #tpu.memory_space<hbm>> -> memref<1x640xf32, #tpu.memory_space<hbm>>
      %dma_wait3A_138 = tpu.memref_squeeze %dma_wait3A : memref<1x640xf32, #tpu.memory_space<hbm>> -> memref<640xf32, #tpu.memory_space<hbm>>
      %dma_wait3A_139 = tpu.memref_slice %arg7[%arg0, %mul3A_22] : memref<2x10240xf32, #tpu.memory_space<hbm>> -> memref<1x640xf32, #tpu.memory_space<hbm>>
      %dma_wait3A_140 = tpu.memref_squeeze %dma_wait3A_139 : memref<1x640xf32, #tpu.memory_space<hbm>> -> memref<640xf32, #tpu.memory_space<hbm>>
      tpu.wait_dma2 semaphore(%run_scoped3A_134 : memref<!tpu.dma_semaphore, #tpu.memory_space<semaphore_mem>>) src(%arg19 : memref<640xf32, #tpu.memory_space<vmem>>) dst(%dma_wait3A_140 : memref<640xf32, #tpu.memory_space<hbm>>)
      tpu.yield
    }) : () -> ()
    "tpu.region"() ({
      %run_scoped3A_134 = tpu.sem_alloc : memref<!tpu.dma_semaphore, #tpu.memory_space<semaphore_mem>>
      %dma_start3A = tpu.memref_slice %arg8[%arg0, %mul3A_22] : memref<2x10240xf32, #tpu.memory_space<hbm>> -> memref<1x640xf32, #tpu.memory_space<hbm>>
      %dma_start3A_135 = tpu.memref_squeeze %dma_start3A : memref<1x640xf32, #tpu.memory_space<hbm>> -> memref<640xf32, #tpu.memory_space<hbm>>
      %dma_start3A_136 = tpu.memref_slice %arg8[%arg0, %mul3A_22] : memref<2x10240xf32, #tpu.memory_space<hbm>> -> memref<1x640xf32, #tpu.memory_space<hbm>>
      %dma_start3A_137 = tpu.memref_squeeze %dma_start3A_136 : memref<1x640xf32, #tpu.memory_space<hbm>> -> memref<640xf32, #tpu.memory_space<hbm>>
      tpu.enqueue_dma source(%arg20 : memref<640xf32, #tpu.memory_space<vmem>>) target(%dma_start3A_137 : memref<640xf32, #tpu.memory_space<hbm>>) target_semaphore(%run_scoped3A_134 : memref<!tpu.dma_semaphore, #tpu.memory_space<semaphore_mem>>)
      %dma_wait3A = tpu.memref_slice %arg8[%arg0, %mul3A_22] : memref<2x10240xf32, #tpu.memory_space<hbm>> -> memref<1x640xf32, #tpu.memory_space<hbm>>
      %dma_wait3A_138 = tpu.memref_squeeze %dma_wait3A : memref<1x640xf32, #tpu.memory_space<hbm>> -> memref<640xf32, #tpu.memory_space<hbm>>
      %dma_wait3A_139 = tpu.memref_slice %arg8[%arg0, %mul3A_22] : memref<2x10240xf32, #tpu.memory_space<hbm>> -> memref<1x640xf32, #tpu.memory_space<hbm>>
      %dma_wait3A_140 = tpu.memref_squeeze %dma_wait3A_139 : memref<1x640xf32, #tpu.memory_space<hbm>> -> memref<640xf32, #tpu.memory_space<hbm>>
      tpu.wait_dma2 semaphore(%run_scoped3A_134 : memref<!tpu.dma_semaphore, #tpu.memory_space<semaphore_mem>>) src(%arg20 : memref<640xf32, #tpu.memory_space<vmem>>) dst(%dma_wait3A_140 : memref<640xf32, #tpu.memory_space<hbm>>)
      tpu.yield
    }) : () -> ()
    %sub3A = arith.constant 10000 : i32
    %sub3A_93 = arith.subi %sub3A, %mul3A_22 : i32
    %min3A = arith.constant 640 : i32
    %min3A_94 = arith.minsi %min3A, %sub3A_93 : i32
    %max3A = arith.constant 0 : i32
    %max3A_95 = arith.maxsi %max3A, %min3A_94 : i32
    %jit3A = arith.constant 16 : i32
    %div3A = arith.divsi %max3A_95, %jit3A : i32
    %sign3A = arith.constant 0 : i32
    %sign3A_96 = arith.cmpi sgt, %max3A_95, %sign3A : i32
    %sign3A_97 = arith.extui %sign3A_96 : i1 to i32
    %sign3A_98 = arith.constant 0 : i32
    %sign3A_99 = arith.cmpi slt, %max3A_95, %sign3A_98 : i32
    %sign3A_100 = arith.extui %sign3A_99 : i1 to i32
    %sign3A_101 = arith.subi %sign3A_97, %sign3A_100 : i32
    %sign3A_102 = arith.constant 0 : i32
    %sign3A_103 = arith.cmpi sgt, %jit3A, %sign3A_102 : i32
    %sign3A_104 = arith.extui %sign3A_103 : i1 to i32
    %sign3A_105 = arith.constant 0 : i32
    %sign3A_106 = arith.cmpi slt, %jit3A, %sign3A_105 : i32
    %sign3A_107 = arith.extui %sign3A_106 : i1 to i32
    %sign3A_108 = arith.subi %sign3A_104, %sign3A_107 : i32
    %ne3A = arith.cmpi ne, %sign3A_101, %sign3A_108 : i32
    %rem3A = arith.remsi %max3A_95, %jit3A : i32
    %ne3A_109 = arith.constant 0 : i32
    %ne3A_110 = arith.cmpi ne, %rem3A, %ne3A_109 : i32
    %and3A = arith.andi %ne3A, %ne3A_110 : i1
    %sub3A_111 = arith.constant 1 : i32
    %sub3A_112 = arith.subi %div3A, %sub3A_111 : i32
    %select_n3A = arith.select %and3A, %sub3A_112, %div3A : i32
    %while3A = arith.constant 0 : i32
    %while3A_113 = arith.subi %select_n3A, %while3A : i32
    %while3A_114 = arith.addi %while3A, %while3A_113 : i32
    %while3A_115 = arith.constant 1 : i32
    %while3A_116 = arith.divsi %while3A_113, %while3A_115 : i32
    %while3A_117 = arith.muli %while3A_116, %while3A_115 : i32
    %while3A_118 = arith.addi %while3A, %while3A_117 : i32
    %while3A_119 = arith.constant 1 : i32
    %while3A_120:3 = scf.for %while3A_134 = %while3A to %while3A_118 step %while3A_119 iter_args(%while3A_135 = %broadcast_in_dim3A_1, %while3A_136 = %broadcast_in_dim3A_1, %while3A_137 = %broadcast_in_dim3A_1) -> (vector<16xf32>, vector<16xf32>, vector<16xf32>)  : i32 {
      %mul3A_138 = arith.constant 16 : i32
      %mul3A_139 = arith.muli %while3A_134, %mul3A_138 : i32
      %get3A = arith.index_cast %mul3A_139 : i32 to index
      %get3A_140 = tpu.vector_load %arg19[%get3A] {strides = array<i32>} : memref<640xf32, #tpu.memory_space<vmem>>, vector<16xf32>,
      %mul3A_141 = arith.constant 16 : i32
      %mul3A_142 = arith.muli %while3A_134, %mul3A_141 : i32
      %add3A_143 = arith.addi %mul3A_22, %mul3A_142 : i32
      %get3A_144 = arith.index_cast %add3A_143 : i32 to index
      %get3A_145 = tpu.vector_load %arg10[%get3A_144] {strides = array<i32>} : memref<10000xf32, #tpu.memory_space<vmem>>, vector<16xf32>,
      %mul3A_146 = arith.mulf %get3A_140, %get3A_145 : vector<16xf32>
      %add3A_147 = arith.addf %while3A_135, %mul3A_146 : vector<16xf32>
      %get3A_148 = arith.index_cast %add3A_143 : i32 to index
      %get3A_149 = tpu.vector_load %arg11[%get3A_148] {strides = array<i32>} : memref<10000xf32, #tpu.memory_space<vmem>>, vector<16xf32>,
      %mul3A_150 = arith.mulf %get3A_140, %get3A_149 : vector<16xf32>
      %add3A_151 = arith.addf %while3A_136, %mul3A_150 : vector<16xf32>
      %get3A_152 = arith.index_cast %add3A_143 : i32 to index
      %get3A_153 = tpu.vector_load %arg12[%get3A_152] {strides = array<i32>} : memref<10000xf32, #tpu.memory_space<vmem>>, vector<16xf32>,
      %mul3A_154 = arith.mulf %get3A_140, %get3A_153 : vector<16xf32>
      %add3A_155 = arith.addf %while3A_137, %mul3A_154 : vector<16xf32>
      scf.yield %add3A_147, %add3A_151, %add3A_155 : vector<16xf32>, vector<16xf32>, vector<16xf32>
    }
    %while3A_121 = arith.constant 1 : i32
    %while3A_122:3 = scf.for %while3A_134 = %while3A_118 to %while3A_114 step %while3A_121 iter_args(%while3A_135 = %while3A_120#0, %while3A_136 = %while3A_120#1, %while3A_137 = %while3A_120#2) -> (vector<16xf32>, vector<16xf32>, vector<16xf32>)  : i32 {
      %mul3A_138 = arith.constant 16 : i32
      %mul3A_139 = arith.muli %while3A_134, %mul3A_138 : i32
      %get3A = arith.index_cast %mul3A_139 : i32 to index
      %get3A_140 = tpu.vector_load %arg19[%get3A] {strides = array<i32>} : memref<640xf32, #tpu.memory_space<vmem>>, vector<16xf32>,
      %mul3A_141 = arith.constant 16 : i32
      %mul3A_142 = arith.muli %while3A_134, %mul3A_141 : i32
      %add3A_143 = arith.addi %mul3A_22, %mul3A_142 : i32
      %get3A_144 = arith.index_cast %add3A_143 : i32 to index
      %get3A_145 = tpu.vector_load %arg10[%get3A_144] {strides = array<i32>} : memref<10000xf32, #tpu.memory_space<vmem>>, vector<16xf32>,
      %mul3A_146 = arith.mulf %get3A_140, %get3A_145 : vector<16xf32>
      %add3A_147 = arith.addf %while3A_135, %mul3A_146 : vector<16xf32>
      %get3A_148 = arith.index_cast %add3A_143 : i32 to index
      %get3A_149 = tpu.vector_load %arg11[%get3A_148] {strides = array<i32>} : memref<10000xf32, #tpu.memory_space<vmem>>, vector<16xf32>,
      %mul3A_150 = arith.mulf %get3A_140, %get3A_149 : vector<16xf32>
      %add3A_151 = arith.addf %while3A_136, %mul3A_150 : vector<16xf32>
      %get3A_152 = arith.index_cast %add3A_143 : i32 to index
      %get3A_153 = tpu.vector_load %arg12[%get3A_152] {strides = array<i32>} : memref<10000xf32, #tpu.memory_space<vmem>>, vector<16xf32>,
      %mul3A_154 = arith.mulf %get3A_140, %get3A_153 : vector<16xf32>
      %add3A_155 = arith.addf %while3A_137, %mul3A_154 : vector<16xf32>
      scf.yield %add3A_147, %add3A_151, %add3A_155 : vector<16xf32>, vector<16xf32>, vector<16xf32>
    }
    %swap3A = arith.constant 0 : i32
    %swap3A_123 = arith.index_cast %swap3A : i32 to index
    %swap3A_124 = arith.constant 0 : index
    %swap3A_125 = tpu.vector_load %arg21[%swap3A_123, %swap3A_124] {strides = array<i32>} : memref<3x16xf32, #tpu.memory_space<vmem>>, vector<16xf32>,
    tpu.vector_store %arg21[%swap3A_123, %swap3A_124], %while3A_122#0 {strides = array<i32>} : memref<3x16xf32, #tpu.memory_space<vmem>>, vector<16xf32>,
    %swap3A_126 = arith.constant 1 : i32
    %swap3A_127 = arith.index_cast %swap3A_126 : i32 to index
    %swap3A_128 = arith.constant 0 : index
    %swap3A_129 = tpu.vector_load %arg21[%swap3A_127, %swap3A_128] {strides = array<i32>} : memref<3x16xf32, #tpu.memory_space<vmem>>, vector<16xf32>,
    tpu.vector_store %arg21[%swap3A_127, %swap3A_128], %while3A_122#1 {strides = array<i32>} : memref<3x16xf32, #tpu.memory_space<vmem>>, vector<16xf32>,
    %swap3A_130 = arith.constant 2 : i32
    %swap3A_131 = arith.index_cast %swap3A_130 : i32 to index
    %swap3A_132 = arith.constant 0 : index
    %swap3A_133 = tpu.vector_load %arg21[%swap3A_131, %swap3A_132] {strides = array<i32>} : memref<3x16xf32, #tpu.memory_space<vmem>>, vector<16xf32>,
    tpu.vector_store %arg21[%swap3A_131, %swap3A_132], %while3A_122#2 {strides = array<i32>} : memref<3x16xf32, #tpu.memory_space<vmem>>, vector<16xf32>,
    "tpu.region"() ({
      %run_scoped3A_134 = tpu.sem_alloc : memref<!tpu.dma_semaphore, #tpu.memory_space<semaphore_mem>>
      %dma_start3A = arith.constant 0 : i32
      %dma_start3A_135 = arith.constant 0 : i32
      %dma_start3A_136 = tpu.memref_slice %arg9[%add3A, %dma_start3A, %dma_start3A_135] : memref<32x3x16xf32, #tpu.memory_space<hbm>> -> memref<1x3x16xf32, #tpu.memory_space<hbm>>
      %dma_start3A_137 = tpu.memref_squeeze %dma_start3A_136 : memref<1x3x16xf32, #tpu.memory_space<hbm>> -> memref<3x16xf32, #tpu.memory_space<hbm>>
      %dma_start3A_138 = arith.constant 0 : i32
      %dma_start3A_139 = arith.constant 0 : i32
      %dma_start3A_140 = tpu.memref_slice %arg9[%add3A, %dma_start3A_138, %dma_start3A_139] : memref<32x3x16xf32, #tpu.memory_space<hbm>> -> memref<1x3x16xf32, #tpu.memory_space<hbm>>
      %dma_start3A_141 = tpu.memref_squeeze %dma_start3A_140 : memref<1x3x16xf32, #tpu.memory_space<hbm>> -> memref<3x16xf32, #tpu.memory_space<hbm>>
      tpu.enqueue_dma source(%arg21 : memref<3x16xf32, #tpu.memory_space<vmem>>) target(%dma_start3A_141 : memref<3x16xf32, #tpu.memory_space<hbm>>) target_semaphore(%run_scoped3A_134 : memref<!tpu.dma_semaphore, #tpu.memory_space<semaphore_mem>>)
      %dma_wait3A = arith.constant 0 : i32
      %dma_wait3A_142 = arith.constant 0 : i32
      %dma_wait3A_143 = tpu.memref_slice %arg9[%add3A, %dma_wait3A, %dma_wait3A_142] : memref<32x3x16xf32, #tpu.memory_space<hbm>> -> memref<1x3x16xf32, #tpu.memory_space<hbm>>
      %dma_wait3A_144 = tpu.memref_squeeze %dma_wait3A_143 : memref<1x3x16xf32, #tpu.memory_space<hbm>> -> memref<3x16xf32, #tpu.memory_space<hbm>>
      %dma_wait3A_145 = arith.constant 0 : i32
      %dma_wait3A_146 = arith.constant 0 : i32
      %dma_wait3A_147 = tpu.memref_slice %arg9[%add3A, %dma_wait3A_145, %dma_wait3A_146] : memref<32x3x16xf32, #tpu.memory_space<hbm>> -> memref<1x3x16xf32, #tpu.memory_space<hbm>>
      %dma_wait3A_148 = tpu.memref_squeeze %dma_wait3A_147 : memref<1x3x16xf32, #tpu.memory_space<hbm>> -> memref<3x16xf32, #tpu.memory_space<hbm>>
      tpu.wait_dma2 semaphore(%run_scoped3A_134 : memref<!tpu.dma_semaphore, #tpu.memory_space<semaphore_mem>>) src(%arg21 : memref<3x16xf32, #tpu.memory_space<vmem>>) dst(%dma_wait3A_148 : memref<3x16xf32, #tpu.memory_space<hbm>>)
      tpu.yield
    }) : () -> ()
    return
  }
}

module attributes {stable_mosaic.version = 14 : i64} {
  func.func @_pass_b_body(%arg0: i32, %arg1: memref<1280x128xf32, #tpu.memory_space<vmem>>, %arg2: memref<128x144xf32, #tpu.memory_space<vmem>>, %arg3: memref<8x144xf32, #tpu.memory_space<vmem>>, %arg4: memref<2x1280x1xf32, #tpu.memory_space<vmem>>, %arg5: memref<2x1280x1xf32, #tpu.memory_space<vmem>>, %arg6: memref<32x3x16xf32, #tpu.memory_space<vmem>>, %arg7: memref<1280x144xf32, #tpu.memory_space<vmem>>, %arg8: memref<1280x144xf32, #tpu.memory_space<vmem>>) attributes {dimension_semantics = [#tpu.dimension_semantics<arbitrary>], iteration_bounds = array<i64: 8>, scalar_prefetch = 0 : i64, scratch_operands = 0 : i64, tpu.core_type = #tpu.core_type<tc>, window_params = [{transform_indices = @transform_0, window_bounds = array<i64: 1280, 128>}, {pipeline_mode = #tpu.pipeline_mode<synchronous>, transform_indices = @transform_1, window_bounds = array<i64: 128, 144>}, {pipeline_mode = #tpu.pipeline_mode<synchronous>, transform_indices = @transform_2, window_bounds = array<i64: 8, 144>}, {transform_indices = @transform_3, window_bounds = array<i64: 2, 1280, 1>}, {transform_indices = @transform_4, window_bounds = array<i64: 2, 1280, 1>}, {pipeline_mode = #tpu.pipeline_mode<synchronous>, transform_indices = @transform_5, window_bounds = array<i64: 32, 3, 16>}, {transform_indices = @transform_6, window_bounds = array<i64: 1280, 144>}, {transform_indices = @transform_7, window_bounds = array<i64: 1280, 144>}]} {
    %get3A = arith.constant 0 : index
    %get3A_0 = arith.constant 0 : index
    %get3A_1 = vector.load %arg1[%get3A, %get3A_0] : memref<1280x128xf32, #tpu.memory_space<vmem>>, vector<1280x128xf32>
    %get3A_2 = arith.constant 0 : index
    %get3A_3 = arith.constant 0 : index
    %get3A_4 = vector.load %arg2[%get3A_2, %get3A_3] : memref<128x144xf32, #tpu.memory_space<vmem>>, vector<128x144xf32>
    %get3A_5 = arith.constant 0 : index
    %get3A_6 = arith.constant 0 : index
    %get3A_7 = vector.load %arg3[%get3A_5, %get3A_6] : memref<8x144xf32, #tpu.memory_space<vmem>>, vector<8x144xf32>
    %get3A_8 = arith.constant 0 : index
    %get3A_9 = arith.constant 0 : index
    %get3A_10 = arith.constant 0 : index
    %get3A_11 = vector.load %arg4[%get3A_8, %get3A_9, %get3A_10] : memref<2x1280x1xf32, #tpu.memory_space<vmem>>, vector<2x1280x1xf32>
    %reduce_sum3A = arith.constant dense<0.000000e+00> : vector<1280x1xf32>
    %reduce_sum3A_12 = vector.multi_reduction <add>, %get3A_11, %reduce_sum3A [0] : vector<2x1280x1xf32> to vector<1280x1xf32>
    %get3A_13 = arith.constant 0 : index
    %get3A_14 = arith.constant 0 : index
    %get3A_15 = arith.constant 0 : index
    %get3A_16 = vector.load %arg5[%get3A_13, %get3A_14, %get3A_15] : memref<2x1280x1xf32, #tpu.memory_space<vmem>>, vector<2x1280x1xf32>
    %reduce_sum3A_17 = arith.constant dense<0.000000e+00> : vector<1280x1xf32>
    %reduce_sum3A_18 = vector.multi_reduction <add>, %get3A_16, %reduce_sum3A_17 [0] : vector<2x1280x1xf32> to vector<1280x1xf32>
    %get3A_19 = arith.constant 0 : index
    %get3A_20 = arith.constant 0 : index
    %get3A_21 = arith.constant 0 : index
    %get3A_22 = vector.load %arg6[%get3A_19, %get3A_20, %get3A_21] : memref<32x3x16xf32, #tpu.memory_space<vmem>>, vector<32x3x16xf32>
    %reduce_sum3A_23 = arith.constant dense<0.000000e+00> : vector<3x16xf32>
    %reduce_sum3A_24 = vector.multi_reduction <add>, %get3A_22, %reduce_sum3A_23 [0] : vector<32x3x16xf32> to vector<3x16xf32>
    %reduce_sum3A_25 = arith.constant dense<0.000000e+00> : vector<3xf32>
    %reduce_sum3A_26 = vector.multi_reduction <add>, %reduce_sum3A_24, %reduce_sum3A_25 [1] : vector<3x16xf32> to vector<3xf32>
    %broadcast_in_dim3A = vector.shape_cast %reduce_sum3A_26 : vector<3xf32> to vector<3x1xf32>
    %mul3A = arith.constant 3.125000e-06 : f32
    %mul3A_27 = vector.broadcast %mul3A : f32 to vector<3x1xf32>
    %mul3A_28 = arith.mulf %broadcast_in_dim3A, %mul3A_27 : vector<3x1xf32>
    %dot_general3A = arith.constant dense<0.000000e+00> : vector<1280x144xf32>
    %dot_general3A_29 = tpu.matmul %get3A_1, %get3A_4, %dot_general3A {dimension_numbers = #tpu.dot_dimension_numbers<[1], [0], [0], [1], [0, 0, 1, 1], [], []>, transpose_lhs_hint = false} : vector<1280x128xf32>, vector<128x144xf32>, vector<1280x144xf32> -> vector<1280x144xf32>
    %slice3A = vector.extract_strided_slice %get3A_1 {offsets = [0, 0], sizes = [1280, 1], strides = [1, 1]} : vector<1280x128xf32> to vector<1280x1xf32>
    %slice3A_30 = vector.extract_strided_slice %mul3A_28 {offsets = [0, 0], sizes = [1, 1], strides = [1, 1]} : vector<3x1xf32> to vector<1x1xf32>
    %sub3A = vector.broadcast %slice3A_30 : vector<1x1xf32> to vector<1280x1xf32>
    %sub3A_31 = arith.subf %slice3A, %sub3A : vector<1280x1xf32>
    %abs3A = math.absf %sub3A_31 : vector<1280x1xf32>
    %mul3A_32 = arith.constant 0.00176776689 : f32
    %mul3A_33 = vector.broadcast %mul3A_32 : f32 to vector<1280x1xf32>
    %mul3A_34 = arith.mulf %abs3A, %mul3A_33 : vector<1280x1xf32>
    %slice3A_35 = vector.extract_strided_slice %get3A_1 {offsets = [0, 1], sizes = [1280, 1], strides = [1, 1]} : vector<1280x128xf32> to vector<1280x1xf32>
    %slice3A_36 = vector.extract_strided_slice %mul3A_28 {offsets = [1, 0], sizes = [1, 1], strides = [1, 1]} : vector<3x1xf32> to vector<1x1xf32>
    %sub3A_37 = vector.broadcast %slice3A_36 : vector<1x1xf32> to vector<1280x1xf32>
    %sub3A_38 = arith.subf %slice3A_35, %sub3A_37 : vector<1280x1xf32>
    %abs3A_39 = math.absf %sub3A_38 : vector<1280x1xf32>
    %mul3A_40 = arith.constant 0.00176776689 : f32
    %mul3A_41 = vector.broadcast %mul3A_40 : f32 to vector<1280x1xf32>
    %mul3A_42 = arith.mulf %abs3A_39, %mul3A_41 : vector<1280x1xf32>
    %slice3A_43 = vector.extract_strided_slice %get3A_1 {offsets = [0, 2], sizes = [1280, 1], strides = [1, 1]} : vector<1280x128xf32> to vector<1280x1xf32>
    %slice3A_44 = vector.extract_strided_slice %mul3A_28 {offsets = [2, 0], sizes = [1, 1], strides = [1, 1]} : vector<3x1xf32> to vector<1x1xf32>
    %sub3A_45 = vector.broadcast %slice3A_44 : vector<1x1xf32> to vector<1280x1xf32>
    %sub3A_46 = arith.subf %slice3A_43, %sub3A_45 : vector<1280x1xf32>
    %abs3A_47 = math.absf %sub3A_46 : vector<1280x1xf32>
    %mul3A_48 = arith.constant 0.00176776689 : f32
    %mul3A_49 = vector.broadcast %mul3A_48 : f32 to vector<1280x1xf32>
    %mul3A_50 = arith.mulf %abs3A_47, %mul3A_49 : vector<1280x1xf32>
    %slice3A_51 = vector.extract_strided_slice %get3A_7 {offsets = [0, 0], sizes = [1, 144], strides = [1, 1]} : vector<8x144xf32> to vector<1x144xf32>
    %mul3A_52 = vector.broadcast %mul3A_34 : vector<1280x1xf32> to vector<1280x144xf32>
    %mul3A_53 = vector.broadcast %slice3A_51 : vector<1x144xf32> to vector<1280x144xf32>
    %mul3A_54 = arith.mulf %mul3A_52, %mul3A_53 : vector<1280x144xf32>
    %slice3A_55 = vector.extract_strided_slice %get3A_7 {offsets = [1, 0], sizes = [1, 144], strides = [1, 1]} : vector<8x144xf32> to vector<1x144xf32>
    %mul3A_56 = vector.broadcast %mul3A_42 : vector<1280x1xf32> to vector<1280x144xf32>
    %mul3A_57 = vector.broadcast %slice3A_55 : vector<1x144xf32> to vector<1280x144xf32>
    %mul3A_58 = arith.mulf %mul3A_56, %mul3A_57 : vector<1280x144xf32>
    %add3A = arith.addf %mul3A_54, %mul3A_58 : vector<1280x144xf32>
    %slice3A_59 = vector.extract_strided_slice %get3A_7 {offsets = [2, 0], sizes = [1, 144], strides = [1, 1]} : vector<8x144xf32> to vector<1x144xf32>
    %mul3A_60 = vector.broadcast %mul3A_50 : vector<1280x1xf32> to vector<1280x144xf32>
    %mul3A_61 = vector.broadcast %slice3A_59 : vector<1x144xf32> to vector<1280x144xf32>
    %mul3A_62 = arith.mulf %mul3A_60, %mul3A_61 : vector<1280x144xf32>
    %add3A_63 = arith.addf %add3A, %mul3A_62 : vector<1280x144xf32>
    %sub3A_64 = arith.subf %add3A_63, %dot_general3A_29 : vector<1280x144xf32>
    %swap3A = arith.constant 0 : index
    %swap3A_65 = arith.constant 0 : index
    %swap3A_66 = vector.load %arg7[%swap3A, %swap3A_65] : memref<1280x144xf32, #tpu.memory_space<vmem>>, vector<1280x144xf32>
    tpu.vector_store %arg7[%swap3A, %swap3A_65], %sub3A_64 {strides = array<i32>} : memref<1280x144xf32, #tpu.memory_space<vmem>>, vector<1280x144xf32>,
    %slice3A_67 = vector.extract_strided_slice %get3A_7 {offsets = [4, 0], sizes = [1, 144], strides = [1, 1]} : vector<8x144xf32> to vector<1x144xf32>
    %add3A_68 = vector.broadcast %slice3A_67 : vector<1x144xf32> to vector<1280x144xf32>
    %add3A_69 = arith.addf %dot_general3A_29, %add3A_68 : vector<1280x144xf32>
    %mul3A_70 = vector.broadcast %reduce_sum3A_12 : vector<1280x1xf32> to vector<1280x144xf32>
    %mul3A_71 = arith.mulf %mul3A_70, %add3A_69 : vector<1280x144xf32>
    %slice3A_72 = vector.extract_strided_slice %get3A_7 {offsets = [3, 0], sizes = [1, 144], strides = [1, 1]} : vector<8x144xf32> to vector<1x144xf32>
    %mul3A_73 = vector.broadcast %reduce_sum3A_18 : vector<1280x1xf32> to vector<1280x144xf32>
    %mul3A_74 = vector.broadcast %slice3A_72 : vector<1x144xf32> to vector<1280x144xf32>
    %mul3A_75 = arith.mulf %mul3A_73, %mul3A_74 : vector<1280x144xf32>
    %add3A_76 = arith.addf %mul3A_71, %mul3A_75 : vector<1280x144xf32>
    %swap3A_77 = arith.constant 0 : index
    %swap3A_78 = arith.constant 0 : index
    %swap3A_79 = vector.load %arg8[%swap3A_77, %swap3A_78] : memref<1280x144xf32, #tpu.memory_space<vmem>>, vector<1280x144xf32>
    tpu.vector_store %arg8[%swap3A_77, %swap3A_78], %add3A_76 {strides = array<i32>} : memref<1280x144xf32, #tpu.memory_space<vmem>>, vector<1280x144xf32>,
    return
  }
  func.func @transform_0(%arg0: i32) -> (i32, i32) {
    %c0_i32 = arith.constant 0 : i32
    %c0_i32_0 = arith.constant 0 : i32
    return %arg0, %c0_i32 : i32, i32
  }
  func.func @transform_1(%arg0: i32) -> (i32, i32) {
    %c0_i32 = arith.constant 0 : i32
    %c0_i32_0 = arith.constant 0 : i32
    %c0_i32_1 = arith.constant 0 : i32
    return %c0_i32, %c0_i32_0 : i32, i32
  }
  func.func @transform_2(%arg0: i32) -> (i32, i32) {
    %c0_i32 = arith.constant 0 : i32
    %c0_i32_0 = arith.constant 0 : i32
    %c0_i32_1 = arith.constant 0 : i32
    return %c0_i32, %c0_i32_0 : i32, i32
  }
  func.func @transform_3(%arg0: i32) -> (i32, i32, i32) {
    %c0_i32 = arith.constant 0 : i32
    %c0_i32_0 = arith.constant 0 : i32
    %c0_i32_1 = arith.constant 0 : i32
    return %c0_i32, %arg0, %c0_i32_0 : i32, i32, i32
  }
  func.func @transform_4(%arg0: i32) -> (i32, i32, i32) {
    %c0_i32 = arith.constant 0 : i32
    %c0_i32_0 = arith.constant 0 : i32
    %c0_i32_1 = arith.constant 0 : i32
    return %c0_i32, %arg0, %c0_i32_0 : i32, i32, i32
  }
  func.func @transform_5(%arg0: i32) -> (i32, i32, i32) {
    %c0_i32 = arith.constant 0 : i32
    %c0_i32_0 = arith.constant 0 : i32
    %c0_i32_1 = arith.constant 0 : i32
    %c0_i32_2 = arith.constant 0 : i32
    return %c0_i32, %c0_i32_0, %c0_i32_1 : i32, i32, i32
  }
  func.func @transform_6(%arg0: i32) -> (i32, i32) {
    %c0_i32 = arith.constant 0 : i32
    %c0_i32_0 = arith.constant 0 : i32
    return %arg0, %c0_i32 : i32, i32
  }
  func.func @transform_7(%arg0: i32) -> (i32, i32) {
    %c0_i32 = arith.constant 0 : i32
    %c0_i32_0 = arith.constant 0 : i32
    return %arg0, %c0_i32 : i32, i32
  }
}

module attributes {stable_mosaic.version = 14 : i64} {
  func.func @_pass_d_body(%arg0: i32, %arg1: memref<2x1280x144xf32, #tpu.memory_space<vmem>>, %arg2: memref<1280x144xf32, #tpu.memory_space<vmem>>, %arg3: memref<1280x144xf32, #tpu.memory_space<vmem>>) attributes {dimension_semantics = [#tpu.dimension_semantics<arbitrary>], iteration_bounds = array<i64: 8>, scalar_prefetch = 0 : i64, scratch_operands = 0 : i64, tpu.core_type = #tpu.core_type<tc>, window_params = [{transform_indices = @transform_0, window_bounds = array<i64: 2, 1280, 144>}, {transform_indices = @transform_1, window_bounds = array<i64: 1280, 144>}, {transform_indices = @transform_2, window_bounds = array<i64: 1280, 144>}]} {
    %get3A = arith.constant 0 : index
    %get3A_0 = arith.constant 0 : index
    %get3A_1 = arith.constant 0 : index
    %get3A_2 = vector.load %arg1[%get3A, %get3A_0, %get3A_1] : memref<2x1280x144xf32, #tpu.memory_space<vmem>>, vector<2x1280x144xf32>
    %reduce_sum3A = arith.constant dense<0.000000e+00> : vector<1280x144xf32>
    %reduce_sum3A_3 = vector.multi_reduction <add>, %get3A_2, %reduce_sum3A [0] : vector<2x1280x144xf32> to vector<1280x144xf32>
    %get3A_4 = arith.constant 0 : index
    %get3A_5 = arith.constant 0 : index
    %get3A_6 = vector.load %arg2[%get3A_4, %get3A_5] : memref<1280x144xf32, #tpu.memory_space<vmem>>, vector<1280x144xf32>
    %add3A = arith.addf %reduce_sum3A_3, %get3A_6 : vector<1280x144xf32>
    %swap3A = arith.constant 0 : index
    %swap3A_7 = arith.constant 0 : index
    %swap3A_8 = vector.load %arg3[%swap3A, %swap3A_7] : memref<1280x144xf32, #tpu.memory_space<vmem>>, vector<1280x144xf32>
    tpu.vector_store %arg3[%swap3A, %swap3A_7], %add3A {strides = array<i32>} : memref<1280x144xf32, #tpu.memory_space<vmem>>, vector<1280x144xf32>,
    return
  }
  func.func @transform_0(%arg0: i32) -> (i32, i32, i32) {
    %c0_i32 = arith.constant 0 : i32
    %c0_i32_0 = arith.constant 0 : i32
    %c0_i32_1 = arith.constant 0 : i32
    return %c0_i32, %arg0, %c0_i32_0 : i32, i32, i32
  }
  func.func @transform_1(%arg0: i32) -> (i32, i32) {
    %c0_i32 = arith.constant 0 : i32
    %c0_i32_0 = arith.constant 0 : i32
    return %arg0, %c0_i32 : i32, i32
  }
  func.func @transform_2(%arg0: i32) -> (i32, i32) {
    %c0_i32 = arith.constant 0 : i32
    %c0_i32_0 = arith.constant 0 : i32
    return %arg0, %c0_i32 : i32, i32
  }
}

</mosaic_0001>

<sc_bundles>
// kernel: kernel.6.cloned.1.call-start
scs
__scs_entry_jumppad:
0x0: {  	(pc) =	sbr.rel $0x88, $3  }
0x1: {  	(tag) =	ssettag $0x0;
	lr =	simm.s32 $0x1  }
0x2: {  	[smem:$0x3F9D] =	sst lr;
	_ =	strace $0xD0000000  }
0x3: {  	_ = 	snop  }
0x4: {  	_ = 	snop  }
0x5: {  	_ = 	snop  }
0x6: {  	_ = 	snop  }
0x7: {  	_ = 	snop  }
__scs_overlays_trampoline_lowered:
0x8: {  	[smem:$0x3FAC] =	sst s0  }
0x9: {  	[smem:$0x3FAD] =	sst s1  }
0xa: {  	[smem:$0x3FAE] =	sst s2  }
0xb: {  	[smem:$0x3FAF] =	sst s3  }
0xc: {  	[smem:$0x3FB0] =	sst s4  }
0xd: {  	[smem:$0x3FB1] =	sst s5  }
0xe: {  	[smem:$0x3FB2] =	sst s6  }
0xf: {  	[smem:$0x3FB3] =	sst s7  }
0x10: {  	[smem:$0x3FB4] =	sst s8  }
0x11: {  	[smem:$0x3FB5] =	sst s9;
	s0 =	simm.s32 @!p0 $0x0  }
0x12: {  	s1 =	sld [smem:$0x3F9B];
	s0 =	simm.s32 @p0 $0x1  }
0x13: {  	[smem:$0x3FB6] =	sst s0;
	s0 =	simm.s32 @!p1 $0x0  }
0x14: {  	s2 =	sld [smem:$0x3F9A];
	s0 =	simm.s32 @p1 $0x1  }
0x15: {  	[smem:$0x3FB7] =	sst s0;
	s0 =	simm.s32 @!p2 $0x0  }
0x16: {  	s3 =	sld [smem:$0x3FDB];
	s0 =	simm.s32 @p2 $0x1  }
0x17: {  	s4 =	simm.s32 $0x1BF5;
	[smem:$0x3FB9] =	sst s0  }
0x18: {  	s0 =	sld [smem:$0x3F9C];
	_ =	swait.ge [sflag:s4], $0x0  }
0x19: {  	s7 =	sld [smem:$0x3F9D]  }
0x1a: {  	s8 =	sadd.s32 $0xFFFFE003, lr  }
0x1b: {  	s9 =	sadd.s32 $0xFFFFFEF7, lr;
	s5 =	simm.s32 $0xFFFFFFFF;
	p2 =	slt.u32 s8, $0xFFFFF086  }
0x1c: {  	p1 =	slt.u32 s9, $0xF7A;
	s5 =	simm.s32 @!p2 $0x0  }
0x1d: {  	s5 =	simm.s32 @p1 $0x1;
	p0 =	seq.s32 s7, s2  }
0x1e: {  	s7 =	smul.u32 @!p0 $0xF7A, s2;
	p2 =	seq.s32 @!p0 s5, $0x0  }
0x1f: {  	s9 =	smul.u32 $0xF7A, s1;
	s8 =	simm.s32 @!p0 $0x1BF5;
	p2 =	por !p2, p0  }
0x20: {  	[sflag:s8] =	ssyncset.s32 @!p0 $0xFFFFF086;
	s6 =	sadd.s32 @!p0 s3, s7;
	s7 =	simm.s32 @!p0 $0x108  }
0x21: {  	s3 =	sadd.s32 s3, s9;
	s6 =	sadd.s32 @!p0 $0x88, s6;
	s7 =	simm.s32 @p2 $0x1082  }
0x22: {  	[simem:s7], [sflag:s8] =	dma.local @!p0 [hbm:s6], $0xF7A  }
0x23: {  	s9 =	sor.u32 $0xD0000000, s2;
	s6 =	simm.s32 $0x108;
	_ =	swait.ge @!p0 [sflag:s8], $0x0  }
0x24: {  	s3 =	sadd.s32 $0x88, s3;
	s6 =	simm.s32 @!p1 $0x1082;
	[sflag:s4] =	ssyncset.s32 $0xFFFFF086  }
0x25: {  	[simem:s6], [sflag:s4] =	dma.local [hbm:s3], $0xF7A  }
0x26: {  	[smem:$0x3F9D] =	sst s1;
	(tag) =	ssettag s2;
	_ =	strace s9  }
0x27: {  	s1 =	sld [smem:$0x3FAD]  }
0x28: {  	s2 =	sld [smem:$0x3FAE]  }
0x29: {  	s4 =	sld [smem:$0x3FB0]  }
0x2a: {  	p0 =	seq.s32 s5, $0x0;
	s5 =	sld [smem:$0x3FB1]  }
0x2b: {  	s6 =	sld [smem:$0x3FB2]  }
0x2c: {  	s7 =	sld [smem:$0x3FB3]  }
0x2d: {  	s3 =	simm.s32 $0x108;
	s8 =	sld [smem:$0x3FB4]  }
0x2e: {  	s3 =	simm.s32 @!p0 $0x1082;
	s9 =	sld [smem:$0x3FB5]  }
0x2f: {  	lr =	sadd.s32 s0, s3;
	s0 =	sld [smem:$0x3FAC]  }
0x30: {  	s3 =	sld [smem:$0x3FAF]  }
0x31: {  	[smem:$0x3FB8] =	sst s10  }
0x32: {  	s10 =	sld [smem:$0x3FB6];
	_ =	sdelay $0x3  }
0x33: {  	p0 =	seq.s32 s10, $0x1;
	s10 =	sld [smem:$0x3FB8];
	_ =	sdelay $0x3  }
0x34: {  	[smem:$0x3FB8] =	sst s10  }
0x35: {  	s10 =	sld [smem:$0x3FB7];
	_ =	sdelay $0x3  }
0x36: {  	p1 =	seq.s32 s10, $0x1;
	s10 =	sld [smem:$0x3FB8];
	_ =	sdelay $0x3  }
0x37: {  	[smem:$0x3FB8] =	sst s10  }
0x38: {  	s10 =	sld [smem:$0x3FB9]  }
0x39: {  	_ = 	snop;
	(pc) =	sbr.ind lr, $3  }
0x3a: {  	_ = 	snop  }
0x3b: {  	_ = 	snop  }
0x3c: {  	p2 =	seq.s32 s10, $0x1;
	s10 =	sld [smem:$0x3FB8]  }
0x3d: {  	_ =	shalt  }
0x3e: {  	_ =	shalt  }
0x3f: {  	_ =	shalt  }
0x40: {  	_ =	shalt  }
0x41: {  	_ =	shalt  }
0x42: {  	_ =	shalt  }
0x43: {  	_ =	shalt  }
0x44: {  	_ =	shalt  }
0x45: {  	_ =	shalt  }
0x46: {  	_ =	shalt  }
0x47: {  	_ =	shalt  }
0x48: {  	_ =	shalt  }
0x49: {  	_ =	shalt  }
0x4a: {  	_ =	shalt  }
0x4b: {  	_ =	shalt  }
0x4c: {  	_ =	shalt  }
0x4d: {  	_ =	shalt  }
0x4e: {  	_ =	shalt  }
0x4f: {  	_ =	shalt  }
0x50: {  	_ =	shalt  }
0x51: {  	_ =	shalt  }
0x52: {  	_ =	shalt  }
0x53: {  	_ =	shalt  }
0x54: {  	_ =	shalt  }
0x55: {  	_ =	shalt  }
0x56: {  	_ =	shalt  }
0x57: {  	_ =	shalt  }
0x58: {  	_ =	shalt  }
0x59: {  	_ =	shalt  }
0x5a: {  	_ =	shalt  }
0x5b: {  	_ =	shalt  }
0x5c: {  	_ =	shalt  }
0x5d: {  	_ =	shalt  }
0x5e: {  	_ =	shalt  }
0x5f: {  	_ =	shalt  }
0x60: {  	_ =	shalt  }
0x61: {  	_ =	shalt  }
0x62: {  	_ =	shalt  }
0x63: {  	_ =	shalt  }
0x64: {  	_ =	shalt  }
0x65: {  	_ =	shalt  }
0x66: {  	_ =	shalt  }
0x67: {  	_ =	shalt  }
0x68: {  	_ =	shalt  }
0x69: {  	_ =	shalt  }
0x6a: {  	_ =	shalt  }
0x6b: {  	_ =	shalt  }
0x6c: {  	_ =	shalt  }
0x6d: {  	_ =	shalt  }
0x6e: {  	_ =	shalt  }
0x6f: {  	_ =	shalt  }
0x70: {  	_ =	shalt  }
0x71: {  	_ =	shalt  }
0x72: {  	_ =	shalt  }
0x73: {  	_ =	shalt  }
0x74: {  	_ =	shalt  }
0x75: {  	_ =	shalt  }
0x76: {  	_ =	shalt  }
0x77: {  	_ =	shalt  }
0x78: {  	_ =	shalt  }
0x79: {  	_ =	shalt  }
0x7a: {  	_ =	shalt  }
0x7b: {  	_ =	shalt  }
0x7c: {  	_ =	shalt  }
0x7d: {  	_ =	shalt  }
0x7e: {  	_ =	shalt  }
0x7f: {  	_ =	shalt  }
0x80: {  	_ =	shalt  }
0x81: {  	_ =	shalt  }
0x82: {  	_ =	shalt  }
0x83: {  	_ =	shalt  }
0x84: {  	_ =	shalt  }
0x85: {  	_ =	shalt  }
0x86: {  	_ =	shalt  }
0x87: {  	_ =	shalt  }
.Lfunc_end0:
.L_simem_size_0:
called_computation_lowered:
.L_overlay_start_0:
0x88: {  	s2 =	sld [smem:$0x3FD9]  }
0x89: {  	s3 =	sld [smem:$0x3FFE];
	_ =	sdelay $0x1  }
0x8a: {  	s1 =	srdreg.scid  }
0x8b: {  	s0 =	sand.u32 $0x1, s1  }
0x8c: {  	s17 =	sshll.u32 s0, $0xA;
	s2 =	sadd.s32 s3, s2  }
0x8d: {  	s2 =	sadd.s32 s2, s17  }
0x8e: {  	[smem:$0x3FC4] =	sst s2  }
0x8f: {  	_ = 	snop  }
0x90: {  	s2 =	sld [smem:$0x3FD0];
	(tm) =	ssettm $0x1  }
0x91: {  	s18 =	sld [smem:$0x3FFB];
	_ =	sdelay $0x3  }
0x92: {  	_ =	strace s18  }
0x93: {  	s3 =	sld [smem:$0x3FFC];
	_ =	sdelay $0x3  }
0x94: {  	_ =	strace s3  }
0x95: {  	s3 =	sld [smem:$0x3FFD];
	_ =	sdelay $0x3  }
0x96: {  	_ =	strace s3  }
0x97: {  	_ =	strace $0x8FFFFFFF  }
0x98: {  	s19 =	sld [smem:$0x3FDB];
	_ =	sdelay $0x1  }
0x99: {  	s4 =	simm.s32 $_scs_section_size  }
0x9a: {  	s5 =	simm.s32 $_size__tile_overlayer_lowered;
	s6 =	simm.s32 $_tile_overlayer_lowered  }
0x9b: {  	s22 =	simm.s32 $0x1BFF;
	s21 =	sshll.u32 s6, $0x1;
	s3 =	sadd.s32 s4, s19  }
0x9c: {  	s7 =	simm.s32 $0x0;
	s20 =	sshll.u32 s5, $0x1;
	s5 =	sadd.s32 s21, s3  }
0x9d: {  	[timem:s7], [sflag:s22] =	dma.local [hbm:s5], s20  }
0x9e: {  	_ =	swait.ge [sflag:s22], s20  }
0x9f: {  	s4 =	ssub.s32 $0x0, s20;
	[sflag:s22] =	ssyncset.done $0x0  }
0xa0: {  	[sflag:s22] =	ssyncadd.s32 s4;
	_ =	sdelay $0x1  }
0xa1: {  	s23 =	simm.s32 $0x1B8B  }
0xa2: {  	_ =	swait.ge [sflag:s23], $0x1  }
0xa3: {  	[sflag:s23] =	ssyncset.done $0x0  }
0xa4: {  	s25 =	simm.s32 $0x1B8E;
	s24 =	sld [smem:$0x3FFE];
	[sflag:s23] =	ssyncadd.s32 $0xFFFFFFFF  }
0xa5: {  	s26 =	simm.s32 $execute0_lowered;
	[smem:$0x3FD2] =	sst s25  }
0xa6: {  	s5 =	sshll.u32 s26, $0x1;
	_ =	strace $0x80000046;
	[dreg:$0x1] =	wrdreg $0xFFFFFFFF  }
0xa7: {  	s28 =	simm.s32 $_size_execute0_lowered;
	s3 =	sadd.s32 s3, s5;
	[dreg:$0x0] =	wrdreg $0x0  }
0xa8: {  	s5 =	sshll.u32 s28, $0x1;
	[dreg:$0x2] =	wrdreg s3  }
0xa9: {  	[dreg:$0x3] =	wrdreg s5  }
0xaa: {  	[dreg:$0x4] =	wrdreg $0xC0  }
0xab: {  	_ =	task [dreg:s7], $0x5FFFF  }
0xac: {  	[dreg:$0x1] =	wrdreg $0xFFFFFFFF  }
0xad: {  	[dreg:$0x0] =	wrdreg $0x60  }
0xae: {  	[dreg:$0x2] =	wrdreg s24  }
0xaf: {  	[dreg:$0x3] =	wrdreg s2  }
0xb0: {  	[dreg:$0x4] =	wrdreg $0x16A600  }
0xb1: {  	[dreg:$0x5] =	wrdreg $0x192600  }
0xb2: {  	[dreg:$0x6] =	wrdreg $0x9  }
0xb3: {  	_ =	task.clear_ibuf [dreg:s7], $0x7FFFF;
	_ =	strace $0x90000046  }
0xb4: {  	s29 =	simm.s32 $0x9;
	_ =	strace $0x80000048  }
0xb5: {  	_ =	swait.ge [sflag:s29], $0x1  }
0xb6: {  	[sflag:s29] =	ssyncadd.s32 $0xFFFFFFFF  }
0xb7: {  	_ =	strace $0x90000048  }
0xb8: {  	_ =	sfence  }
0xb9: {  	s30 =	sld [smem:$0x0];
	_ =	sdelay $0x2  }
0xba: {  	s31 =	sshll.u32 s1, $0xD;
	s1 =	sshrl.u32 s1, $0x2  }
0xbb: {  	s3 =	sand.u32 $0x4000, s31;
	s1 =	sadd.s32 s1, s30  }
0xbc: {  	s0 =	sor.u32 s3, s0;
	s1 =	sshll.u32 s1, $0x11  }
0xbd: {  	s0 =	sor.u32 s1, s0  }
0xbe: {  	s0 =	sadd.s32 $0x8F2B, s0  }
0xbf: {  	[sflag:s0] =	ssyncadd.remote.s32 $0x1  }
0xc0: {  	_ =	sfence.sel $0xFFFF  }
0xc1: {  	[dreg:$0x0] =	wrdreg $0xFFFFFFFF;
	(pc) =	sbr.abs _section_cstart, $3  }
0xc2: {  	[dreg:$0x1] =	wrdreg $0xFFFFFFFF  }
0xc3: {  	_ =	task.clear_ibuf [dreg:s7], $0x2FFFF;
	_ =	strace $0x9FFFFFFF  }
0xc4: {  	(tm) =	ssettm $0x7FFFFFFF  }
0xc5: {  	_ =	shalt  }
tec
execute0_lowered:
.L_overlay_start_1:
0x0: {  	(tag) =	ssettag $0x1  }
0x1: {  	s0 =	rddreg [dreg:$0x0]  }
0x2: {  	s1 =	rddreg [dreg:$0x1]  }
0x3: {  	s9 =	rddreg [dreg:$0x2]  }
0x4: {  	s11 =	rddreg [dreg:$0x3]  }
0x5: {  	s3 =	srdreg.scid;
	s16 =	stileid.u32;
	s2 =	simm.s32 $0x0  }
0x6: {  	s3 =	sand.u32 $0x1, s3;
	s12 =	smul.u32 $0x280, s16;
	[smem:$0x7FF] =	sst s2  }
0x7: {  	s6 =	sadd.s32 $0x2000, s0;
	s8 =	sadd.s32 $0x1A00, s0;
	s7 =	sadd.s32 $0x1400, s0  }
0x8: {  	s18 =	smul.u32 $0x2800, s16;
	_ =	strace $0x80000047;
	[dreg:$0x5] =	wrdreg s6  }
0x9: {  	s4 =	sshll.u32 s3, $0x4;
	s5 =	smul.u32 $0x2800, s3;
	[dreg:$0x6] =	wrdreg s8  }
0xa: {  	[dreg:$0x7] =	wrdreg s7;
	s3 =	ssub.s32 $0x2, s3;
	s4 =	sor.u32 s16, s4  }
0xb: {  	s17 =	sshrl.u32 s3, $0x1;
	s21 =	sadd.s32 s18, s9;
	s22 =	sadd.s32 s18, s11  }
0xc: {  	s23 =	sadd.s32 $0x2800, s12;
	s25 =	sadd.s32 $0x5000, s12;
	s28 =	sadd.s32 $0x7800, s12  }
0xd: {  	s7 =	sadd.s32 $0xF000, s12;
	s18 =	sor.u32 $0x14000, s12;
	s16 =	smul.u32 $0xA00, s16  }
0xe: {  	s10 =	smul.u32 $0x500, s4;
	s5 =	sadd.s32 s12, s5;
	[dreg:$0xa] =	wrdreg s21  }
0xf: {  	s4 =	smul.u32 $0x6, s4;
	[dreg:$0xb] =	wrdreg s22;
	s24 =	sadd.s32 s23, s9  }
0x10: {  	s17 =	ssub.s32 s3, s17;
	s26 =	sadd.s32 s25, s9;
	[dreg:$0xc] =	wrdreg s24  }
0x11: {  	s29 =	sadd.s32 s28, s9;
	s3 =	sadd.s32 $0xA000, s12;
	[dreg:$0xe] =	wrdreg s26  }
0x12: {  	s8 =	sadd.s32 s7, s9;
	s22 =	sadd.s32 $0x19000, s12;
	[dreg:$0x10] =	wrdreg s29  }
0x13: {  	s5 =	sshrl.u32 s5, $0x3;
	[dreg:$0x16] =	wrdreg s8;
	s24 =	sadd.s32 $0x1B800, s12  }
0x14: {  	s26 =	sadd.s32 $0x1E000, s12;
	s29 =	sadd.s32 $0x23000, s12;
	s8 =	sadd.s32 s12, s9  }
0x15: {  	s16 =	sshrl.u32 s16, $0x2;
	s17 =	smax.u32 s17, $0x1;
	s14 =	sadd.s32 s10, s0  }
0x16: {  	s13 =	sadd.s32 s5, s0;
	s15 =	sadd.s32 s4, s0;
	s19 =	sadd.s32 s1, s10  }
0x17: {  	s0 =	sadd.s32 s23, s11;
	s4 =	sadd.s32 s3, s9;
	[dreg:$0x8] =	wrdreg s19  }
0x18: {  	s5 =	sadd.s32 $0xC800, s12;
	s10 =	sadd.s32 $0x11800, s12;
	[dreg:$0xd] =	wrdreg s0  }
0x19: {  	s23 =	sadd.s32 s22, s9;
	s1 =	sadd.s32 s26, s9;
	[dreg:$0x12] =	wrdreg s4  }
0x1a: {  	s30 =	sadd.s32 $0x2710, s16;
	s20 =	sadd.s32 $0x2600, s14;
	[dreg:$0x1e] =	wrdreg s23  }
0x1b: {  	s31 =	sadd.s32 $0x4E20, s16;
	s0 =	sadd.s32 s25, s11;
	[dreg:$0x9] =	wrdreg s20  }
0x1c: {  	s6 =	sadd.s32 s5, s9;
	s14 =	sadd.s32 s10, s9;
	[dreg:$0xf] =	wrdreg s0  }
0x1d: {  	s19 =	sadd.s32 s18, s9;
	s25 =	sadd.s32 s24, s9;
	[dreg:$0x14] =	wrdreg s6  }
0x1e: {  	s15 =	sadd.s32 $0xC600, s15;
	s23 =	simm.s32 $0xED30;
	[dreg:$0x18] =	wrdreg s14  }
0x1f: {  	s0 =	sadd.s32 s28, s11;
	[dreg:$0x1a] =	wrdreg s19;
	s20 =	sadd.s32 $0x16800, s12  }
0x20: {  	[smem:$0x7FD] =	sst s25;
	s28 =	sadd.s32 $0x20800, s12;
	s6 =	sadd.s32 s29, s9  }
0x21: {  	s14 =	ssub.s32 $0x2710, s12;
	s25 =	simm.s32 $0x0;
	[dreg:$0x11] =	wrdreg s0  }
0x22: {  	s0 =	sadd.s32 s3, s11;
	s21 =	sadd.s32 s20, s9;
	s3 =	sadd.s32 s26, s11  }
0x23: {  	s4 =	sadd.s32 s28, s9;
	s14 =	smin.u32 s14, $0x280;
	[dreg:$0x13] =	wrdreg s0  }
0x24: {  	s0 =	sadd.s32 s5, s11;
	[dreg:$0x1c] =	wrdreg s21;
	s5 =	sadd.s32 s28, s11  }
0x25: {  	s14 =	sshrl.u32 s14, $0x4;
	[dreg:$0x15] =	wrdreg s0;
	s0 =	sadd.s32 s7, s11  }
0x26: {  	s21 =	simm.s32 $0x2710;
	[dreg:$0x17] =	wrdreg s0;
	s0 =	sadd.s32 s10, s11  }
0x27: {  	s7 =	sadd.s32 s29, s11;
	s10 =	sadd.s32 $0x25800, s12;
	[dreg:$0x19] =	wrdreg s0  }
0x28: {  	s0 =	sadd.s32 s18, s11;
	s9 =	sadd.s32 s10, s9;
	s10 =	sadd.s32 s10, s11  }
0x29: {  	[dreg:$0x1b] =	wrdreg s0;
	s0 =	sadd.s32 s20, s11;
	s20 =	simm.s32 $0x1  }
0x2a: {  	[dreg:$0x1d] =	wrdreg s0;
	s0 =	sadd.s32 s22, s11;
	s22 =	simm.s32 $0x4E20  }
0x2b: {  	[dreg:$0x1f] =	wrdreg s0;
	s0 =	sadd.s32 s24, s11;
	s11 =	sadd.s32 s12, s11  }
0x2c: {  	v0 =	vimm.f32 $0.0e+00;
	v1 =	vimm.f32 $1.000000000e+00;
	s12 =	sadd.s32 $0xD200, s13;
	s13 =	sadd.s32 $0xC800, s13;
	s24 =	simm.s32 $0xC530  }
.LBB2_1:
0x2d: {  	s18 =	rddreg [dreg:$0x5]  }
0x2e: {  	[tilespmem:s2], [sflag:$0x1] =	stream.linear.gather [hbm4b:s18+s2], $0x2710, $0x38;
	[tilespmem:$0x1BA60] =	vst v63  }
0x2f: {  	_ =	swait.ge [sflag:s20], $0x2710  }
0x30: {  	[sflag:s20] =	ssyncset.done $0x0  }
0x31: {  	s29 =	rddreg [dreg:$0x6];
	[sflag:s20] =	ssyncadd.s32 $0xFFFFD8F0  }
0x32: {  	[tilespmem:s21], [sflag:$0x1] =	stream.linear.gather [hbm4b:s29+s2], $0x2710, $0x38;
	[tilespmem:$0x1BA60] =	vst v63  }
0x33: {  	_ =	swait.ge [sflag:s20], $0x2710  }
0x34: {  	[sflag:s20] =	ssyncset.done $0x0  }
0x35: {  	s19 =	rddreg [dreg:$0x7];
	[sflag:s20] =	ssyncadd.s32 $0xFFFFD8F0  }
0x36: {  	[tilespmem:s22], [sflag:$0x1] =	stream.linear.gather [hbm4b:s19+s2], $0x2710, $0x38;
	[tilespmem:$0x1BA60] =	vst v63  }
0x37: {  	_ =	swait.ge [sflag:s20], $0x2710  }
0x38: {  	[sflag:s20] =	ssyncset.done $0x0  }
0x39: {  	s19 =	simm.s32 $0x7530;
	s26 =	rddreg [dreg:$0x8];
	[sflag:s20] =	ssyncadd.s32 $0xFFFFD8F0  }
0x3a: {  	[tilespmem:s19], [sflag:$0x1] =	stream.linear.gather [hbm4b:s26+s2], $0x2800, $0x38;
	[tilespmem:$0x1BA60] =	vst v63  }
0x3b: {  	_ =	swait.ge [sflag:s20], $0x2800  }
0x3c: {  	[sflag:s20] =	ssyncset.done $0x0  }
0x3d: {  	s29 =	simm.s32 $0x9D30;
	s28 =	rddreg [dreg:$0x9];
	[sflag:s20] =	ssyncadd.s32 $0xFFFFD800  }
0x3e: {  	[tilespmem:s29], [sflag:$0x1] =	stream.linear.gather [hbm4b:s28+s2], $0x2800, $0x38;
	[tilespmem:$0x1BA60] =	vst v63  }
0x3f: {  	_ =	swait.ge [sflag:s20], $0x2800  }
0x40: {  	[sflag:s20] =	ssyncset.done $0x0  }
0x41: {  	s18 =	simm.s32 $0x0;
	[sflag:s20] =	ssyncadd.s32 $0xFFFFD800  }
.LBB2_2:
0x42: {  	p0 =	sne.s32 s18, $0x9FC0  }
.Ltmp0:
0x43: {  	_ = 	snop;
	(pc) =	sbr.rel @p0 .LBB2_2-.Ltmp0, $4  }
0x44: {  	_ = 	snop  }
0x45: {  	s19 =	sshra.s32 s18, $0x2  }
0x46: {  	[tilespmem:s19+$0xC530] =	vst v0  }
0x47: {  	s18 =	sadd.s32 $0x40, s18;
	[tilespmem:s19+$0xED30] =	vst v0  }
0x48: {  	s26 =	simm.s32 $0x0  }
.LBB2_4:
0x49: {  	s18 =	sshra.s32 s26, $0x2  }
0x4a: {  	v2 =	vld [tilespmem:s18+$0x7530];
	_ =	sdelay $0x1  }
0x4b: {  	v3 =	vld [tilespmem:s18+$0x9D30];
	_ =	sdelay $0x5  }
0x4c: {  	v4 =	vld.idx.msk [tilespmem:v2+s2+$0x0], $0xffff  }
0x4d: {  	v5 =	vld.idx.msk [tilespmem:v2+s21+$0x0], $0xffff  }
0x4e: {  	v6 =	vld.idx.msk [tilespmem:v3+s2+$0x0], $0xffff  }
0x4f: {  	v7 =	vld.idx.msk [tilespmem:v3+s21+$0x0], $0xffff  }
0x50: {  	v2 =	vld.idx.msk [tilespmem:v2+s22+$0x0], $0xffff  }
0x51: {  	v8 =	vld.idx.msk [tilespmem:v3+s22+$0x0], $0xffff;
	_ =	sdelay $0x2  }
0x52: {  	v4 =	vsub.f32 v4, v6;
	v5 =	vsub.f32 v5, v7;
	_ =	sdelay $0x1  }
0x53: {  	v2 =	vsub.f32 v2, v8;
	v4 =	vmul.f32 v4, v4;
	v5 =	vmul.f32 v5, v5;
	_ =	sdelay $0x1  }
0x54: {  	v2 =	vmul.f32 v2, v2;
	v4 =	vadd.f32 v5, v4;
	_ =	sdelay $0x1  }
0x55: {  	v2 =	vadd.f32 v2, v4;
	_ =	sdelay $0x1  }
0x56: {  	v4 =	vshrl.u32 v2, $0x1  }
0x57: {  	v4 =	vadd.s32 $0x1FBD1DF5, v4  }
0x58: {  	(erf) = vrcp.f32 v4;
	_ =	sdelay $0x8  }
0x59: {  	v53 =	vpop (erf)  }
0x5a: {  	v5 =	vmul.f32 v53, v2;
	_ =	sdelay $0x1  }
0x5b: {  	v4 =	vadd.f32 v4, v5;
	_ =	sdelay $0x1  }
0x5c: {  	v4 =	vmul.f32 $5.000000000e-01, v4;
	_ =	sdelay $0x1  }
0x5d: {  	(erf) = vrcp.f32 v4;
	_ =	sdelay $0x8  }
0x5e: {  	v54 =	vpop (erf)  }
0x5f: {  	v5 =	vmul.f32 v54, v2;
	_ =	sdelay $0x1  }
0x60: {  	v4 =	vadd.f32 v5, v4;
	_ =	sdelay $0x1  }
0x61: {  	v4 =	vmul.f32 $5.000000000e-01, v4;
	_ =	sdelay $0x1  }
0x62: {  	(erf) = vrcp.f32 v4;
	_ =	sdelay $0x8  }
0x63: {  	v55 =	vpop (erf)  }
0x64: {  	v5 =	vmul.f32 v55, v2;
	_ =	sdelay $0x1  }
0x65: {  	v4 =	vadd.f32 v5, v4;
	_ =	sdelay $0x1  }
0x66: {  	v4 =	vmul.f32 $5.000000000e-01, v4  }
0x67: {  	vm0 =	vgt.f32 v2, $0.0e+00  }
0x68: {  	v2 =	vnsel vm0, $0x0, v4  }
0x69: {  	[tilespmem:v3+s23+$0x0] =	vst.idx.add.f32.msk $0xffff, v2  }
0x6a: {  	[tilespmem:v3+s24+$0x0] =	vst.idx.add.f32.msk $0xffff, v1  }
0x6b: {  	v2 =	vld [tilespmem:s18+$0x7540];
	_ =	sdelay $0x1  }
0x6c: {  	v3 =	vld [tilespmem:s18+$0x9D40];
	_ =	sdelay $0x5  }
0x6d: {  	v56 =	vld.idx.msk [tilespmem:v2+s2+$0x0], $0xffff  }
0x6e: {  	v57 =	vld.idx.msk [tilespmem:v2+s21+$0x0], $0xffff  }
0x6f: {  	v58 =	vld.idx.msk [tilespmem:v3+s2+$0x0], $0xffff  }
0x70: {  	v59 =	vld.idx.msk [tilespmem:v3+s21+$0x0], $0xffff  }
0x71: {  	v2 =	vld.idx.msk [tilespmem:v2+s22+$0x0], $0xffff  }
0x72: {  	v60 =	vld.idx.msk [tilespmem:v3+s22+$0x0], $0xffff;
	_ =	sdelay $0x2  }
0x73: {  	v4 =	vsub.f32 v56, v58;
	v5 =	vsub.f32 v57, v59;
	_ =	sdelay $0x1  }
0x74: {  	v2 =	vsub.f32 v2, v60;
	v4 =	vmul.f32 v4, v4;
	v5 =	vmul.f32 v5, v5;
	_ =	sdelay $0x1  }
0x75: {  	v2 =	vmul.f32 v2, v2;
	v4 =	vadd.f32 v5, v4;
	_ =	sdelay $0x1  }
0x76: {  	v2 =	vadd.f32 v2, v4;
	_ =	sdelay $0x1  }
0x77: {  	v4 =	vshrl.u32 v2, $0x1  }
0x78: {  	v4 =	vadd.s32 $0x1FBD1DF5, v4  }
0x79: {  	(erf) = vrcp.f32 v4;
	_ =	sdelay $0x8  }
0x7a: {  	v61 =	vpop (erf)  }
0x7b: {  	v5 =	vmul.f32 v61, v2;
	_ =	sdelay $0x1  }
0x7c: {  	v4 =	vadd.f32 v4, v5;
	_ =	sdelay $0x1  }
0x7d: {  	v4 =	vmul.f32 $5.000000000e-01, v4;
	_ =	sdelay $0x1  }
0x7e: {  	(erf) = vrcp.f32 v4;
	_ =	sdelay $0x8  }
0x7f: {  	v62 =	vpop (erf)  }
0x80: {  	v5 =	vmul.f32 v62, v2;
	_ =	sdelay $0x1  }
0x81: {  	v4 =	vadd.f32 v5, v4;
	_ =	sdelay $0x1  }
0x82: {  	v4 =	vmul.f32 $5.000000000e-01, v4;
	_ =	sdelay $0x1  }
0x83: {  	(erf) = vrcp.f32 v4;
	_ =	sdelay $0x8  }
0x84: {  	v63 =	vpop (erf)  }
0x85: {  	v5 =	vmul.f32 v63, v2;
	_ =	sdelay $0x1  }
0x86: {  	v4 =	vadd.f32 v5, v4  }
0x87: {  	p0 =	sne.s32 s26, $0x9F80  }
.Ltmp1:
0x88: {  	v4 =	vmul.f32 $5.000000000e-01, v4;
	(pc) =	sbr.rel @p0 .LBB2_4-.Ltmp1, $4  }
0x89: {  	vm15 =	vgt.f32 v2, $0.0e+00  }
0x8a: {  	v2 =	vnsel vm15, $0x0, v4  }
0x8b: {  	[tilespmem:v3+s23+$0x0] =	vst.idx.add.f32.msk $0xffff, v2  }
0x8c: {  	s26 =	sadd.s32 $0x80, s26;
	[tilespmem:v3+s24+$0x0] =	vst.idx.add.f32.msk $0xffff, v1  }
0x8d: {  	s18 =	rddreg [dreg:$0xa]  }
0x8e: {  	[spmem:s18] =	stream.linear.scatter [tilespmem:s24], [sflag:$0x1], $0x2800, $0x38;
	[tilespmem:$0x1BA60] =	vst v63  }
0x8f: {  	_ =	swait.ge [sflag:s20], $0x2800  }
0x90: {  	[sflag:s20] =	ssyncset.done $0x0  }
0x91: {  	s19 =	rddreg [dreg:$0xb];
	[sflag:s20] =	ssyncadd.s32 $0xFFFFD800  }
0x92: {  	[spmem:s19] =	stream.linear.scatter [tilespmem:s23], [sflag:$0x1], $0x2800, $0x38;
	[tilespmem:$0x1BA60] =	vst v63  }
0x93: {  	_ =	swait.ge [sflag:s20], $0x2800  }
0x94: {  	[sflag:s20] =	ssyncset.done $0x0  }
0x95: {  	[sflag:s20] =	ssyncadd.s32 $0xFFFFD800  }
0x96: {  	s26 =	simm.s32 $0x11530;
	[bflag:$0x0] =	sbarrier.arrive $0xFFFF  }
0x97: {  	[tilespmem:s26], [sflag:$0x1] =	stream.linear.gather [spmem:s8], $0x280, $0x38;
	[tilespmem:$0x1BA60] =	vst v63  }
0x98: {  	_ =	swait.ge [sflag:s20], $0x280  }
0x99: {  	[sflag:s20] =	ssyncset.done $0x0  }
0x9a: {  	s19 =	simm.s32 $0x13D30;
	[sflag:s20] =	ssyncadd.s32 $0xFFFFFD80  }
0x9b: {  	[tilespmem:s19], [sflag:$0x1] =	stream.linear.gather [spmem:s11], $0x280, $0x38;
	[tilespmem:$0x1BA60] =	vst v63  }
0x9c: {  	_ =	swait.ge [sflag:s20], $0x280  }
0x9d: {  	[sflag:s20] =	ssyncset.done $0x0  }
0x9e: {  	s19 =	simm.s32 $0x117B0;
	s26 =	rddreg [dreg:$0xc];
	[sflag:s20] =	ssyncadd.s32 $0xFFFFFD80  }
0x9f: {  	[tilespmem:s19], [sflag:$0x1] =	stream.linear.gather [spmem:s26], $0x280, $0x38;
	[tilespmem:$0x1BA60] =	vst v63  }
0xa0: {  	_ =	swait.ge [sflag:s20], $0x280  }
0xa1: {  	[sflag:s20] =	ssyncset.done $0x0  }
0xa2: {  	s26 =	simm.s32 $0x13FB0;
	s19 =	rddreg [dreg:$0xd];
	[sflag:s20] =	ssyncadd.s32 $0xFFFFFD80  }
0xa3: {  	[tilespmem:s26], [sflag:$0x1] =	stream.linear.gather [spmem:s19], $0x280, $0x38;
	[tilespmem:$0x1BA60] =	vst v63  }
0xa4: {  	_ =	swait.ge [sflag:s20], $0x280  }
0xa5: {  	[sflag:s20] =	ssyncset.done $0x0  }
0xa6: {  	s26 =	simm.s32 $0x11A30;
	s19 =	rddreg [dreg:$0xe];
	[sflag:s20] =	ssyncadd.s32 $0xFFFFFD80  }
0xa7: {  	[tilespmem:s26], [sflag:$0x1] =	stream.linear.gather [spmem:s19], $0x280, $0x38;
	[tilespmem:$0x1BA60] =	vst v63  }
0xa8: {  	_ =	swait.ge [sflag:s20], $0x280  }
0xa9: {  	[sflag:s20] =	ssyncset.done $0x0  }
0xaa: {  	s26 =	simm.s32 $0x14230;
	s19 =	rddreg [dreg:$0xf];
	[sflag:s20] =	ssyncadd.s32 $0xFFFFFD80  }
0xab: {  	[tilespmem:s26], [sflag:$0x1] =	stream.linear.gather [spmem:s19], $0x280, $0x38;
	[tilespmem:$0x1BA60] =	vst v63  }
0xac: {  	_ =	swait.ge [sflag:s20], $0x280  }
0xad: {  	[sflag:s20] =	ssyncset.done $0x0  }
0xae: {  	s26 =	simm.s32 $0x11CB0;
	s19 =	rddreg [dreg:$0x10];
	[sflag:s20] =	ssyncadd.s32 $0xFFFFFD80  }
0xaf: {  	[tilespmem:s26], [sflag:$0x1] =	stream.linear.gather [spmem:s19], $0x280, $0x38;
	[tilespmem:$0x1BA60] =	vst v63  }
0xb0: {  	_ =	swait.ge [sflag:s20], $0x280  }
0xb1: {  	[sflag:s20] =	ssyncset.done $0x0  }
0xb2: {  	s26 =	simm.s32 $0x144B0;
	s19 =	rddreg [dreg:$0x11];
	[sflag:s20] =	ssyncadd.s32 $0xFFFFFD80  }
0xb3: {  	[tilespmem:s26], [sflag:$0x1] =	stream.linear.gather [spmem:s19], $0x280, $0x38;
	[tilespmem:$0x1BA60] =	vst v63  }
0xb4: {  	_ =	swait.ge [sflag:s20], $0x280  }
0xb5: {  	[sflag:s20] =	ssyncset.done $0x0  }
0xb6: {  	s26 =	simm.s32 $0x11F30;
	s19 =	rddreg [dreg:$0x12];
	[sflag:s20] =	ssyncadd.s32 $0xFFFFFD80  }
0xb7: {  	[tilespmem:s26], [sflag:$0x1] =	stream.linear.gather [spmem:s19], $0x280, $0x38;
	[tilespmem:$0x1BA60] =	vst v63  }
0xb8: {  	_ =	swait.ge [sflag:s20], $0x280  }
0xb9: {  	[sflag:s20] =	ssyncset.done $0x0  }
0xba: {  	s26 =	simm.s32 $0x14730;
	s19 =	rddreg [dreg:$0x13];
	[sflag:s20] =	ssyncadd.s32 $0xFFFFFD80  }
0xbb: {  	[tilespmem:s26], [sflag:$0x1] =	stream.linear.gather [spmem:s19], $0x280, $0x38;
	[tilespmem:$0x1BA60] =	vst v63  }
0xbc: {  	_ =	swait.ge [sflag:s20], $0x280  }
0xbd: {  	[sflag:s20] =	ssyncset.done $0x0  }
0xbe: {  	s26 =	simm.s32 $0x121B0;
	s19 =	rddreg [dreg:$0x14];
	[sflag:s20] =	ssyncadd.s32 $0xFFFFFD80  }
0xbf: {  	[tilespmem:s26], [sflag:$0x1] =	stream.linear.gather [spmem:s19], $0x280, $0x38;
	[tilespmem:$0x1BA60] =	vst v63  }
0xc0: {  	_ =	swait.ge [sflag:s20], $0x280  }
0xc1: {  	[sflag:s20] =	ssyncset.done $0x0  }
0xc2: {  	s26 =	simm.s32 $0x149B0;
	s19 =	rddreg [dreg:$0x15];
	[sflag:s20] =	ssyncadd.s32 $0xFFFFFD80  }
0xc3: {  	[tilespmem:s26], [sflag:$0x1] =	stream.linear.gather [spmem:s19], $0x280, $0x38;
	[tilespmem:$0x1BA60] =	vst v63  }
0xc4: {  	_ =	swait.ge [sflag:s20], $0x280  }
0xc5: {  	[sflag:s20] =	ssyncset.done $0x0  }
0xc6: {  	s26 =	simm.s32 $0x12430;
	s19 =	rddreg [dreg:$0x16];
	[sflag:s20] =	ssyncadd.s32 $0xFFFFFD80  }
0xc7: {  	[tilespmem:s26], [sflag:$0x1] =	stream.linear.gather [spmem:s19], $0x280, $0x38;
	[tilespmem:$0x1BA60] =	vst v63  }
0xc8: {  	_ =	swait.ge [sflag:s20], $0x280  }
0xc9: {  	[sflag:s20] =	ssyncset.done $0x0  }
0xca: {  	s26 =	simm.s32 $0x14C30;
	s19 =	rddreg [dreg:$0x17];
	[sflag:s20] =	ssyncadd.s32 $0xFFFFFD80  }
0xcb: {  	[tilespmem:s26], [sflag:$0x1] =	stream.linear.gather [spmem:s19], $0x280, $0x38;
	[tilespmem:$0x1BA60] =	vst v63  }
0xcc: {  	_ =	swait.ge [sflag:s20], $0x280  }
0xcd: {  	[sflag:s20] =	ssyncset.done $0x0  }
0xce: {  	s26 =	simm.s32 $0x126B0;
	s19 =	rddreg [dreg:$0x18];
	[sflag:s20] =	ssyncadd.s32 $0xFFFFFD80  }
0xcf: {  	[tilespmem:s26], [sflag:$0x1] =	stream.linear.gather [spmem:s19], $0x280, $0x38;
	[tilespmem:$0x1BA60] =	vst v63  }
0xd0: {  	_ =	swait.ge [sflag:s20], $0x280  }
0xd1: {  	[sflag:s20] =	ssyncset.done $0x0  }
0xd2: {  	s26 =	simm.s32 $0x14EB0;
	s19 =	rddreg [dreg:$0x19];
	[sflag:s20] =	ssyncadd.s32 $0xFFFFFD80  }
0xd3: {  	[tilespmem:s26], [sflag:$0x1] =	stream.linear.gather [spmem:s19], $0x280, $0x38;
	[tilespmem:$0x1BA60] =	vst v63  }
0xd4: {  	_ =	swait.ge [sflag:s20], $0x280  }
0xd5: {  	[sflag:s20] =	ssyncset.done $0x0  }
0xd6: {  	s26 =	simm.s32 $0x12930;
	s19 =	rddreg [dreg:$0x1a];
	[sflag:s20] =	ssyncadd.s32 $0xFFFFFD80  }
0xd7: {  	[tilespmem:s26], [sflag:$0x1] =	stream.linear.gather [spmem:s19], $0x280, $0x38;
	[tilespmem:$0x1BA60] =	vst v63  }
0xd8: {  	_ =	swait.ge [sflag:s20], $0x280  }
0xd9: {  	[sflag:s20] =	ssyncset.done $0x0  }
0xda: {  	s26 =	simm.s32 $0x15130;
	s19 =	rddreg [dreg:$0x1b];
	[sflag:s20] =	ssyncadd.s32 $0xFFFFFD80  }
0xdb: {  	[tilespmem:s26], [sflag:$0x1] =	stream.linear.gather [spmem:s19], $0x280, $0x38;
	[tilespmem:$0x1BA60] =	vst v63  }
0xdc: {  	_ =	swait.ge [sflag:s20], $0x280  }
0xdd: {  	[sflag:s20] =	ssyncset.done $0x0  }
0xde: {  	s26 =	simm.s32 $0x12BB0;
	s19 =	rddreg [dreg:$0x1c];
	[sflag:s20] =	ssyncadd.s32 $0xFFFFFD80  }
0xdf: {  	[tilespmem:s26], [sflag:$0x1] =	stream.linear.gather [spmem:s19], $0x280, $0x38;
	[tilespmem:$0x1BA60] =	vst v63  }
0xe0: {  	_ =	swait.ge [sflag:s20], $0x280  }
0xe1: {  	[sflag:s20] =	ssyncset.done $0x0  }
0xe2: {  	s26 =	simm.s32 $0x153B0;
	s19 =	rddreg [dreg:$0x1d];
	[sflag:s20] =	ssyncadd.s32 $0xFFFFFD80  }
0xe3: {  	[tilespmem:s26], [sflag:$0x1] =	stream.linear.gather [spmem:s19], $0x280, $0x38;
	[tilespmem:$0x1BA60] =	vst v63  }
0xe4: {  	_ =	swait.ge [sflag:s20], $0x280  }
0xe5: {  	[sflag:s20] =	ssyncset.done $0x0  }
0xe6: {  	s26 =	simm.s32 $0x12E30;
	s19 =	rddreg [dreg:$0x1e];
	[sflag:s20] =	ssyncadd.s32 $0xFFFFFD80  }
0xe7: {  	[tilespmem:s26], [sflag:$0x1] =	stream.linear.gather [spmem:s19], $0x280, $0x38;
	[tilespmem:$0x1BA60] =	vst v63  }
0xe8: {  	_ =	swait.ge [sflag:s20], $0x280  }
0xe9: {  	[sflag:s20] =	ssyncset.done $0x0  }
0xea: {  	s26 =	simm.s32 $0x15630;
	s19 =	rddreg [dreg:$0x1f];
	[sflag:s20] =	ssyncadd.s32 $0xFFFFFD80  }
0xeb: {  	[tilespmem:s26], [sflag:$0x1] =	stream.linear.gather [spmem:s19], $0x280, $0x38;
	[tilespmem:$0x1BA60] =	vst v63  }
0xec: {  	_ =	swait.ge [sflag:s20], $0x280  }
0xed: {  	s19 =	sld [smem:$0x7FD]  }
0xee: {  	[sflag:s20] =	ssyncset.done $0x0  }
0xef: {  	s26 =	simm.s32 $0x130B0;
	[sflag:s20] =	ssyncadd.s32 $0xFFFFFD80  }
0xf0: {  	[tilespmem:s26], [sflag:$0x1] =	stream.linear.gather [spmem:s19], $0x280, $0x38;
	[tilespmem:$0x1BA60] =	vst v63  }
0xf1: {  	_ =	swait.ge [sflag:s20], $0x280  }
0xf2: {  	[sflag:s20] =	ssyncset.done $0x0  }
0xf3: {  	s26 =	simm.s32 $0x158B0;
	[sflag:s20] =	ssyncadd.s32 $0xFFFFFD80  }
0xf4: {  	[tilespmem:s26], [sflag:$0x1] =	stream.linear.gather [spmem:s0], $0x280, $0x38;
	[tilespmem:$0x1BA60] =	vst v63  }
0xf5: {  	_ =	swait.ge [sflag:s20], $0x280  }
0xf6: {  	[sflag:s20] =	ssyncset.done $0x0  }
0xf7: {  	s19 =	simm.s32 $0x13330;
	[sflag:s20] =	ssyncadd.s32 $0xFFFFFD80  }
0xf8: {  	[tilespmem:s19], [sflag:$0x1] =	stream.linear.gather [spmem:s1], $0x280, $0x38;
	[tilespmem:$0x1BA60] =	vst v63  }
0xf9: {  	_ =	swait.ge [sflag:s20], $0x280  }
0xfa: {  	[sflag:s20] =	ssyncset.done $0x0  }
0xfb: {  	s26 =	simm.s32 $0x15B30;
	[sflag:s20] =	ssyncadd.s32 $0xFFFFFD80  }
0xfc: {  	[tilespmem:s26], [sflag:$0x1] =	stream.linear.gather [spmem:s3], $0x280, $0x38;
	[tilespmem:$0x1BA60] =	vst v63  }
0xfd: {  	_ =	swait.ge [sflag:s20], $0x280  }
0xfe: {  	[sflag:s20] =	ssyncset.done $0x0  }
0xff: {  	s19 =	simm.s32 $0x135B0;
	[sflag:s20] =	ssyncadd.s32 $0xFFFFFD80  }
0x100: {  	[tilespmem:s19], [sflag:$0x1] =	stream.linear.gather [spmem:s4], $0x280, $0x38;
	[tilespmem:$0x1BA60] =	vst v63  }
0x101: {  	_ =	swait.ge [sflag:s20], $0x280  }
0x102: {  	[sflag:s20] =	ssyncset.done $0x0  }
0x103: {  	s26 =	simm.s32 $0x15DB0;
	[sflag:s20] =	ssyncadd.s32 $0xFFFFFD80  }
0x104: {  	[tilespmem:s26], [sflag:$0x1] =	stream.linear.gather [spmem:s5], $0x280, $0x38;
	[tilespmem:$0x1BA60] =	vst v63  }
0x105: {  	_ =	swait.ge [sflag:s20], $0x280  }
0x106: {  	[sflag:s20] =	ssyncset.done $0x0  }
0x107: {  	s19 =	simm.s32 $0x13830;
	[sflag:s20] =	ssyncadd.s32 $0xFFFFFD80  }
0x108: {  	[tilespmem:s19], [sflag:$0x1] =	stream.linear.gather [spmem:s6], $0x280, $0x38;
	[tilespmem:$0x1BA60] =	vst v63  }
0x109: {  	_ =	swait.ge [sflag:s20], $0x280  }
0x10a: {  	[sflag:s20] =	ssyncset.done $0x0  }
0x10b: {  	s26 =	simm.s32 $0x16030;
	[sflag:s20] =	ssyncadd.s32 $0xFFFFFD80  }
0x10c: {  	[tilespmem:s26], [sflag:$0x1] =	stream.linear.gather [spmem:s7], $0x280, $0x38;
	[tilespmem:$0x1BA60] =	vst v63  }
0x10d: {  	_ =	swait.ge [sflag:s20], $0x280  }
0x10e: {  	[sflag:s20] =	ssyncset.done $0x0  }
0x10f: {  	s19 =	simm.s32 $0x13AB0;
	[sflag:s20] =	ssyncadd.s32 $0xFFFFFD80  }
0x110: {  	[tilespmem:s19], [sflag:$0x1] =	stream.linear.gather [spmem:s9], $0x280, $0x38;
	[tilespmem:$0x1BA60] =	vst v63  }
0x111: {  	_ =	swait.ge [sflag:s20], $0x280  }
0x112: {  	[sflag:s20] =	ssyncset.done $0x0  }
0x113: {  	s26 =	simm.s32 $0x162B0;
	[sflag:s20] =	ssyncadd.s32 $0xFFFFFD80  }
0x114: {  	[tilespmem:s26], [sflag:$0x1] =	stream.linear.gather [spmem:s10], $0x280, $0x38;
	[tilespmem:$0x1BA60] =	vst v63  }
0x115: {  	_ =	swait.ge [sflag:s20], $0x280  }
0x116: {  	[sflag:s20] =	ssyncset.done $0x0  }
0x117: {  	s26 =	simm.s32 $0x0;
	[sflag:s20] =	ssyncadd.s32 $0xFFFFFD80  }
0x118: {  	v2 =	vld [tilespmem:s26+$0x13D30]  }
0x119: {  	v3 =	vld [tilespmem:s26+$0x11530]  }
0x11a: {  	v4 =	vld [tilespmem:s26+$0x13FB0]  }
0x11b: {  	v5 =	vld [tilespmem:s26+$0x117B0]  }
0x11c: {  	v6 =	vld [tilespmem:s26+$0x14230]  }
0x11d: {  	v7 =	vld [tilespmem:s26+$0x11A30];
	v2 =	vadd.f32 $0.0e+00, v2  }
0x11e: {  	v8 =	vld [tilespmem:s26+$0x144B0];
	v3 =	vadd.f32 $0.0e+00, v3  }
0x11f: {  	v2 =	vadd.f32 v4, v2;
	v4 =	vld [tilespmem:s26+$0x11CB0]  }
0x120: {  	v9 =	vld [tilespmem:s26+$0x14730];
	v3 =	vadd.f32 v5, v3  }
0x121: {  	v5 =	vld [tilespmem:s26+$0x11F30];
	v2 =	vadd.f32 v6, v2  }
0x122: {  	v6 =	vld [tilespmem:s26+$0x149B0];
	v3 =	vadd.f32 v7, v3  }
0x123: {  	v7 =	vld [tilespmem:s26+$0x121B0];
	v2 =	vadd.f32 v8, v2  }
0x124: {  	v8 =	vld [tilespmem:s26+$0x14C30];
	v3 =	vadd.f32 v4, v3  }
0x125: {  	v4 =	vld [tilespmem:s26+$0x12430];
	v2 =	vadd.f32 v9, v2  }
0x126: {  	v9 =	vld [tilespmem:s26+$0x14EB0];
	v3 =	vadd.f32 v5, v3  }
0x127: {  	v5 =	vld [tilespmem:s26+$0x126B0];
	v2 =	vadd.f32 v6, v2  }
0x128: {  	v6 =	vld [tilespmem:s26+$0x15130];
	v3 =	vadd.f32 v7, v3  }
0x129: {  	v7 =	vld [tilespmem:s26+$0x12930];
	v2 =	vadd.f32 v8, v2  }
0x12a: {  	v8 =	vld [tilespmem:s26+$0x153B0];
	v3 =	vadd.f32 v4, v3  }
0x12b: {  	v4 =	vld [tilespmem:s26+$0x12BB0];
	v2 =	vadd.f32 v9, v2  }
0x12c: {  	v9 =	vld [tilespmem:s26+$0x15630];
	v3 =	vadd.f32 v5, v3  }
0x12d: {  	v5 =	vld [tilespmem:s26+$0x12E30];
	v2 =	vadd.f32 v6, v2  }
0x12e: {  	v6 =	vld [tilespmem:s26+$0x158B0];
	v3 =	vadd.f32 v7, v3  }
0x12f: {  	v7 =	vld [tilespmem:s26+$0x130B0];
	v2 =	vadd.f32 v8, v2  }
0x130: {  	v8 =	vld [tilespmem:s26+$0x15B30];
	v3 =	vadd.f32 v4, v3  }
0x131: {  	v2 =	vadd.f32 v9, v2;
	v9 =	vld [tilespmem:s26+$0x13330]  }
0x132: {  	v10 =	vld [tilespmem:s26+$0x15DB0];
	v4 =	vadd.f32 v5, v3  }
0x133: {  	v5 =	vadd.f32 v6, v2;
	v2 =	vld [tilespmem:s26+$0x135B0]  }
0x134: {  	v3 =	vld [tilespmem:s26+$0x16030];
	v6 =	vadd.f32 v7, v4  }
0x135: {  	v4 =	vld [tilespmem:s26+$0x13830];
	v8 =	vadd.f32 v8, v5  }
0x136: {  	v5 =	vld [tilespmem:s26+$0x162B0];
	v7 =	vadd.f32 v9, v6  }
0x137: {  	s28 =	simm.s32 $0x10;
	s29 =	simm.s32 $0x80;
	v6 =	vld [tilespmem:s26+$0x13AB0];
	v8 =	vadd.f32 v10, v8  }
.LBB2_6:
0x138: {  	p0 =	sne.s32 s29, $0x9C0;
	v9 =	vld [tilespmem:s28+$0x13D30];
	v2 =	vadd.f32 v2, v7  }
0x139: {  	v7 =	vld [tilespmem:s28+$0x11530];
	v3 =	vadd.f32 v3, v8  }
0x13a: {  	v8 =	vld [tilespmem:s28+$0x13FB0];
	v2 =	vadd.f32 v4, v2  }
0x13b: {  	v4 =	vld [tilespmem:s28+$0x117B0];
	v3 =	vadd.f32 v5, v3  }
0x13c: {  	v5 =	vld [tilespmem:s28+$0x14230];
	v2 =	vadd.f32 v6, v2  }
0x13d: {  	v6 =	vadd.f32 $0.0e+00, v9;
	v9 =	vld [tilespmem:s28+$0x11A30];
	[tilespmem:s26+$0x167B0] =	vst v3  }
0x13e: {  	v3 =	vadd.f32 $0.0e+00, v7;
	v7 =	vld [tilespmem:s28+$0x144B0];
	[tilespmem:s26+$0x16530] =	vst v2;
	s26 =	smov.u32 s28  }
0x13f: {  	v2 =	vadd.f32 v8, v6;
	v6 =	vld [tilespmem:s26+$0x11CB0]  }
0x140: {  	v3 =	vadd.f32 v4, v3;
	v4 =	vld [tilespmem:s26+$0x14730]  }
0x141: {  	v2 =	vadd.f32 v5, v2;
	v5 =	vld [tilespmem:s26+$0x11F30]  }
0x142: {  	v3 =	vadd.f32 v9, v3;
	v8 =	vld [tilespmem:s26+$0x149B0]  }
0x143: {  	v2 =	vadd.f32 v7, v2;
	v7 =	vld [tilespmem:s26+$0x121B0]  }
0x144: {  	v3 =	vadd.f32 v6, v3;
	v6 =	vld [tilespmem:s26+$0x14C30]  }
0x145: {  	v2 =	vadd.f32 v4, v2;
	v4 =	vld [tilespmem:s26+$0x12430]  }
0x146: {  	v3 =	vadd.f32 v5, v3;
	v5 =	vld [tilespmem:s26+$0x14EB0]  }
0x147: {  	v2 =	vadd.f32 v8, v2;
	v8 =	vld [tilespmem:s26+$0x126B0]  }
0x148: {  	v3 =	vadd.f32 v7, v3;
	v7 =	vld [tilespmem:s26+$0x15130]  }
0x149: {  	v2 =	vadd.f32 v6, v2;
	v6 =	vld [tilespmem:s26+$0x12930]  }
0x14a: {  	v3 =	vadd.f32 v4, v3;
	v4 =	vld [tilespmem:s26+$0x153B0]  }
0x14b: {  	v2 =	vadd.f32 v5, v2;
	v5 =	vld [tilespmem:s26+$0x12BB0]  }
0x14c: {  	v3 =	vadd.f32 v8, v3;
	v8 =	vld [tilespmem:s26+$0x15630]  }
0x14d: {  	v2 =	vadd.f32 v7, v2;
	v7 =	vld [tilespmem:s26+$0x12E30]  }
0x14e: {  	v3 =	vadd.f32 v6, v3;
	v6 =	vld [tilespmem:s26+$0x158B0]  }
0x14f: {  	v2 =	vadd.f32 v4, v2;
	v4 =	vld [tilespmem:s26+$0x130B0]  }
0x150: {  	v3 =	vadd.f32 v5, v3;
	v5 =	vld [tilespmem:s26+$0x15B30]  }
0x151: {  	v2 =	vadd.f32 v8, v2;
	v8 =	vld [tilespmem:s26+$0x13330]  }
0x152: {  	v3 =	vadd.f32 v7, v3;
	v9 =	vld [tilespmem:s26+$0x15DB0]  }
.Ltmp2:
0x153: {  	v6 =	vadd.f32 v6, v2;
	v2 =	vld [tilespmem:s26+$0x135B0];
	(pc) =	sbr.rel @p0 .LBB2_6-.Ltmp2, $4  }
0x154: {  	v7 =	vadd.f32 v4, v3;
	v3 =	vld [tilespmem:s26+$0x16030]  }
0x155: {  	v6 =	vadd.f32 v5, v6;
	v4 =	vld [tilespmem:s26+$0x13830]  }
0x156: {  	v7 =	vadd.f32 v8, v7;
	v5 =	vld [tilespmem:s26+$0x162B0]  }
0x157: {  	s28 =	sshra.s32 s29, $0x2;
	s29 =	sadd.s32 $0x40, s29;
	v8 =	vadd.f32 v9, v6;
	v6 =	vld [tilespmem:s26+$0x13AB0]  }
0x158: {  	v9 =	vld [tilespmem:s28+$0x13D30];
	v2 =	vadd.f32 v2, v7  }
0x159: {  	v10 =	vld [tilespmem:s28+$0x11530];
	v3 =	vadd.f32 v3, v8  }
0x15a: {  	v7 =	vld [tilespmem:s28+$0x13FB0];
	v2 =	vadd.f32 v4, v2  }
0x15b: {  	v8 =	vld [tilespmem:s28+$0x117B0];
	v3 =	vadd.f32 v5, v3  }
0x15c: {  	v4 =	vld [tilespmem:s28+$0x14230];
	v2 =	vadd.f32 v6, v2  }
0x15d: {  	v5 =	vld [tilespmem:s28+$0x11A30];
	[tilespmem:s26+$0x167B0] =	vst v3;
	v3 =	vadd.f32 $0.0e+00, v9  }
0x15e: {  	v9 =	vadd.f32 $0.0e+00, v10;
	v6 =	vld [tilespmem:s28+$0x144B0];
	[tilespmem:s26+$0x16530] =	vst v2  }
0x15f: {  	v2 =	vadd.f32 v7, v3;
	v3 =	vld [tilespmem:s28+$0x11CB0]  }
0x160: {  	v7 =	vadd.f32 v8, v9;
	v8 =	vld [tilespmem:s28+$0x14730]  }
0x161: {  	v2 =	vadd.f32 v4, v2;
	v4 =	vld [tilespmem:s28+$0x11F30]  }
0x162: {  	v5 =	vadd.f32 v5, v7;
	v7 =	vld [tilespmem:s28+$0x149B0]  }
0x163: {  	v2 =	vadd.f32 v6, v2;
	v6 =	vld [tilespmem:s28+$0x121B0]  }
0x164: {  	v3 =	vadd.f32 v3, v5;
	v5 =	vld [tilespmem:s28+$0x14C30]  }
0x165: {  	v2 =	vadd.f32 v8, v2;
	v8 =	vld [tilespmem:s28+$0x12430]  }
0x166: {  	v3 =	vadd.f32 v4, v3;
	v4 =	vld [tilespmem:s28+$0x14EB0]  }
0x167: {  	v2 =	vadd.f32 v7, v2;
	v7 =	vld [tilespmem:s28+$0x126B0]  }
0x168: {  	v3 =	vadd.f32 v6, v3;
	v6 =	vld [tilespmem:s28+$0x15130]  }
0x169: {  	v2 =	vadd.f32 v5, v2;
	v5 =	vld [tilespmem:s28+$0x12930]  }
0x16a: {  	v3 =	vadd.f32 v8, v3;
	v8 =	vld [tilespmem:s28+$0x153B0]  }
0x16b: {  	v2 =	vadd.f32 v4, v2;
	v4 =	vld [tilespmem:s28+$0x12BB0]  }
0x16c: {  	v3 =	vadd.f32 v7, v3;
	v7 =	vld [tilespmem:s28+$0x15630]  }
0x16d: {  	v2 =	vadd.f32 v6, v2;
	v6 =	vld [tilespmem:s28+$0x12E30]  }
0x16e: {  	v3 =	vadd.f32 v5, v3;
	v5 =	vld [tilespmem:s28+$0x158B0]  }
0x16f: {  	v2 =	vadd.f32 v8, v2;
	v8 =	vld [tilespmem:s28+$0x130B0]  }
0x170: {  	v3 =	vadd.f32 v4, v3;
	v4 =	vld [tilespmem:s28+$0x15B30]  }
0x171: {  	v2 =	vadd.f32 v7, v2;
	v7 =	vld [tilespmem:s28+$0x13330]  }
0x172: {  	v3 =	vadd.f32 v6, v3;
	v6 =	vld [tilespmem:s28+$0x15DB0]  }
0x173: {  	v2 =	vadd.f32 v5, v2;
	v5 =	vld [tilespmem:s28+$0x135B0]  }
0x174: {  	v3 =	vadd.f32 v8, v3;
	v8 =	vld [tilespmem:s28+$0x16030]  }
0x175: {  	v2 =	vadd.f32 v4, v2;
	v4 =	vld [tilespmem:s28+$0x13830]  }
0x176: {  	v3 =	vadd.f32 v7, v3;
	v7 =	vld [tilespmem:s28+$0x162B0]  }
0x177: {  	v2 =	vadd.f32 v6, v2;
	v6 =	vld [tilespmem:s28+$0x13AB0]  }
0x178: {  	v3 =	vadd.f32 v5, v3  }
0x179: {  	v2 =	vadd.f32 v8, v2  }
0x17a: {  	v3 =	vadd.f32 v4, v3  }
0x17b: {  	v2 =	vadd.f32 v7, v2  }
0x17c: {  	v3 =	vadd.f32 v6, v3  }
0x17d: {  	[tilespmem:s28+$0x167B0] =	vst v2  }
0x17e: {  	s26 =	simm.s32 $0x16530;
	[tilespmem:s28+$0x16530] =	vst v3  }
0x17f: {  	[hbm4b:s12+s2] =	stream.linear.scatter [tilespmem:s26], [sflag:$0x1], $0x280, $0x38;
	[tilespmem:$0x1BA60] =	vst v63  }
0x180: {  	_ =	swait.ge [sflag:s20], $0x280  }
0x181: {  	[sflag:s20] =	ssyncset.done $0x0  }
0x182: {  	s18 =	simm.s32 $0x167B0;
	[sflag:s20] =	ssyncadd.s32 $0xFFFFFD80  }
0x183: {  	[hbm4b:s13+s2] =	stream.linear.scatter [tilespmem:s18], [sflag:$0x1], $0x280, $0x38;
	[tilespmem:$0x1BA60] =	vst v63  }
0x184: {  	_ =	swait.ge [sflag:s20], $0x280  }
0x185: {  	[sflag:s20] =	ssyncset.done $0x0  }
0x186: {  	[sflag:s20] =	ssyncadd.s32 $0xFFFFFD80  }
0x187: {  	p0 =	sne.s32 s14, $0x1;
	v8 =	vld [tilespmem:s16+$0x0]  }
.Ltmp3:
0x188: {  	v3 =	vld [tilespmem:s30+$0x0];
	(pc) =	sbr.rel @!p0 .LBB2_9-.Ltmp3, $4  }
0x189: {  	v2 =	vld [tilespmem:s26+$0x0]  }
0x18a: {  	v7 =	vld [tilespmem:s31+$0x0]  }
0x18b: {  	s29 =	sadd.s32 $0x10, s16  }
0x18c: {  	s19 =	smov.u32 s31;
	v5 =	vimm.f32 $0.0e+00;
	v4 =	vimm.f32 $0.0e+00;
	v6 =	vimm.f32 $0.0e+00;
	s28 =	sadd.s32 $0xFFFFFFFF, s14;
	s18 =	smov.u32 s30  }
.LBB2_8:
0x18d: {  	v9 =	vld [tilespmem:s29+$0x0];
	s18 =	sadd.s32 $0x10, s18;
	p0 =	sne.s32 s28, $0x1  }
.Ltmp4:
0x18e: {  	s26 =	sadd.s32 $0x10, s26;
	v8 =	vmul.f32 v8, v2;
	v10 =	vmul.f32 v3, v2;
	v3 =	vld [tilespmem:s18+$0x0];
	(pc) =	sbr.rel @p0 .LBB2_8-.Ltmp4, $4  }
0x18f: {  	s19 =	sadd.s32 $0x10, s19;
	v11 =	vmul.f32 v7, v2;
	v2 =	vld [tilespmem:s26+$0x0]  }
0x190: {  	s28 =	sadd.s32 $0xFFFFFFFF, s28;
	v7 =	vld [tilespmem:s19+$0x0];
	v4 =	vadd.f32 v8, v4;
	v5 =	vadd.f32 v10, v5  }
0x191: {  	v6 =	vadd.f32 v11, v6  }
0x192: {  	s29 =	sadd.s32 $0x10, s29;
	v8 =	vmov v9  }
.LBB2_9:
0x193: {  	_ = 	snop  }
0x194: {  	v8 =	vmul.f32 v8, v2  }
0x195: {  	v3 =	vmul.f32 v3, v2  }
0x196: {  	v2 =	vmul.f32 v7, v2;
	v4 =	vadd.f32 v8, v4  }
0x197: {  	v3 =	vadd.f32 v3, v5  }
0x198: {  	s25 =	sadd.s32 $0x1, s25;
	v2 =	vadd.f32 v2, v6;
	[tilespmem:$0x16A30] =	vst v4  }
0x199: {  	p0 =	sne.s32 s25, s17;
	[tilespmem:$0x16A40] =	vst v3  }
.Ltmp5:
0x19a: {  	s18 =	simm.s32 $0x16A30;
	[tilespmem:$0x16A50] =	vst v2;
	(pc) =	sbr.rel @p0 .LBB2_1-.Ltmp5, $4  }
0x19b: {  	[hbm4b:s15+s2] =	stream.linear.scatter [tilespmem:s18], [sflag:$0x1], $0x30, $0x38;
	[tilespmem:$0x1BA60] =	vst v63  }
0x19c: {  	_ =	swait.ge [sflag:s20], $0x30  }
0x19d: {  	[sflag:s20] =	ssyncset.done $0x0  }
0x19e: {  	[sflag:s20] =	ssyncadd.s32 $0xFFFFFFD0  }
0x19f: {  	_ =	sfence.sel $0x180000  }
0x1a0: {  	[bflag:$0x0] =	sbarrier.arrive $0xFFFF  }
0x1a1: {  	_ =	strace $0x90000047  }
0x1a2: {  	s0 =	stileid.u32;
	[bflag:$0x2] =	sbarrier.arrive $0xFFFF  }
0x1a3: {  	p0 =	sne.s32 s0, $0x0;
	s0 =	rddreg [dreg:$0x4]  }
0x1a4: {  	s0 =	sadd.s32 @!p0 $0x100000, s0  }
0x1a5: {  	[sflag:s0] =	ssyncadd.tile.s32 @!p0 $0x1;
	_ =	shalt  }
.Lfunc_end2:
_tile_overlayer_lowered:
.L_overlay_start_2:
0x1a6: {  	(tag) =	ssettag $0x2  }
0x1a7: {  	s0 =	rddreg [dreg:$0x0];
	s2 =	stileid.u32  }
0x1a8: {  	s1 =	rddreg [dreg:$0x1];
	p0 =	sne.s32 s2, $0x0  }
0x1a9: {  	s3 =	rddreg [dreg:$0x2];
	[bflag:$0x3] =	sbarrier.arrive $0xFFFF;
	s2 =	simm.s32 @!p0 $0x1C01  }
0x1aa: {  	[timem:s3], [sflag:s2] =	dma.local @!p0 [hbm:s0], s1  }
0x1ab: {  	s0 =	simm.s32 @!p0 $0x1  }
0x1ac: {  	_ =	swait.ge @!p0 [sflag:s0], s1  }
0x1ad: {  	s1 =	ssub.s32 @!p0 $0x0, s1;
	[sflag:s0] =	ssyncset.done @!p0 $0x0  }
0x1ae: {  	[sflag:s0] =	ssyncadd.s32 @!p0 s1  }
0x1af: {  	[bflag:$0x3] =	sbarrier.arrive $0xFFFF  }
0x1b0: {  	_ =	shalt  }

// kernel: kernel.9.cloned.1.call-start
scs
__scs_entry_jumppad:
0x0: {  	(pc) =	sbr.rel $0x88, $3  }
0x1: {  	(tag) =	ssettag $0x0;
	lr =	simm.s32 $0x1  }
0x2: {  	[smem:$0x3F9D] =	sst lr;
	_ =	strace $0xD0000000  }
0x3: {  	_ = 	snop  }
0x4: {  	_ = 	snop  }
0x5: {  	_ = 	snop  }
0x6: {  	_ = 	snop  }
0x7: {  	_ = 	snop  }
__scs_overlays_trampoline_lowered:
0x8: {  	[smem:$0x3FAC] =	sst s0  }
0x9: {  	[smem:$0x3FAD] =	sst s1  }
0xa: {  	[smem:$0x3FAE] =	sst s2  }
0xb: {  	[smem:$0x3FAF] =	sst s3  }
0xc: {  	[smem:$0x3FB0] =	sst s4  }
0xd: {  	[smem:$0x3FB1] =	sst s5  }
0xe: {  	[smem:$0x3FB2] =	sst s6  }
0xf: {  	[smem:$0x3FB3] =	sst s7  }
0x10: {  	[smem:$0x3FB4] =	sst s8  }
0x11: {  	[smem:$0x3FB5] =	sst s9;
	s0 =	simm.s32 @!p0 $0x0  }
0x12: {  	s1 =	sld [smem:$0x3F9B];
	s0 =	simm.s32 @p0 $0x1  }
0x13: {  	[smem:$0x3FB6] =	sst s0;
	s0 =	simm.s32 @!p1 $0x0  }
0x14: {  	s2 =	sld [smem:$0x3F9A];
	s0 =	simm.s32 @p1 $0x1  }
0x15: {  	[smem:$0x3FB7] =	sst s0;
	s0 =	simm.s32 @!p2 $0x0  }
0x16: {  	s3 =	sld [smem:$0x3FDB];
	s0 =	simm.s32 @p2 $0x1  }
0x17: {  	s4 =	simm.s32 $0x1BF5;
	[smem:$0x3FB9] =	sst s0  }
0x18: {  	s0 =	sld [smem:$0x3F9C];
	_ =	swait.ge [sflag:s4], $0x0  }
0x19: {  	s7 =	sld [smem:$0x3F9D]  }
0x1a: {  	s8 =	sadd.s32 $0xFFFFE003, lr  }
0x1b: {  	s9 =	sadd.s32 $0xFFFFFEF7, lr;
	s5 =	simm.s32 $0xFFFFFFFF;
	p2 =	slt.u32 s8, $0xFFFFF086  }
0x1c: {  	p1 =	slt.u32 s9, $0xF7A;
	s5 =	simm.s32 @!p2 $0x0  }
0x1d: {  	s5 =	simm.s32 @p1 $0x1;
	p0 =	seq.s32 s7, s2  }
0x1e: {  	s7 =	smul.u32 @!p0 $0xF7A, s2;
	p2 =	seq.s32 @!p0 s5, $0x0  }
0x1f: {  	s9 =	smul.u32 $0xF7A, s1;
	s8 =	simm.s32 @!p0 $0x1BF5;
	p2 =	por !p2, p0  }
0x20: {  	[sflag:s8] =	ssyncset.s32 @!p0 $0xFFFFF086;
	s6 =	sadd.s32 @!p0 s3, s7;
	s7 =	simm.s32 @!p0 $0x108  }
0x21: {  	s3 =	sadd.s32 s3, s9;
	s6 =	sadd.s32 @!p0 $0x88, s6;
	s7 =	simm.s32 @p2 $0x1082  }
0x22: {  	[simem:s7], [sflag:s8] =	dma.local @!p0 [hbm:s6], $0xF7A  }
0x23: {  	s9 =	sor.u32 $0xD0000000, s2;
	s6 =	simm.s32 $0x108;
	_ =	swait.ge @!p0 [sflag:s8], $0x0  }
0x24: {  	s3 =	sadd.s32 $0x88, s3;
	s6 =	simm.s32 @!p1 $0x1082;
	[sflag:s4] =	ssyncset.s32 $0xFFFFF086  }
0x25: {  	[simem:s6], [sflag:s4] =	dma.local [hbm:s3], $0xF7A  }
0x26: {  	[smem:$0x3F9D] =	sst s1;
	(tag) =	ssettag s2;
	_ =	strace s9  }
0x27: {  	s1 =	sld [smem:$0x3FAD]  }
0x28: {  	s2 =	sld [smem:$0x3FAE]  }
0x29: {  	s4 =	sld [smem:$0x3FB0]  }
0x2a: {  	p0 =	seq.s32 s5, $0x0;
	s5 =	sld [smem:$0x3FB1]  }
0x2b: {  	s6 =	sld [smem:$0x3FB2]  }
0x2c: {  	s7 =	sld [smem:$0x3FB3]  }
0x2d: {  	s3 =	simm.s32 $0x108;
	s8 =	sld [smem:$0x3FB4]  }
0x2e: {  	s3 =	simm.s32 @!p0 $0x1082;
	s9 =	sld [smem:$0x3FB5]  }
0x2f: {  	lr =	sadd.s32 s0, s3;
	s0 =	sld [smem:$0x3FAC]  }
0x30: {  	s3 =	sld [smem:$0x3FAF]  }
0x31: {  	[smem:$0x3FB8] =	sst s10  }
0x32: {  	s10 =	sld [smem:$0x3FB6];
	_ =	sdelay $0x3  }
0x33: {  	p0 =	seq.s32 s10, $0x1;
	s10 =	sld [smem:$0x3FB8];
	_ =	sdelay $0x3  }
0x34: {  	[smem:$0x3FB8] =	sst s10  }
0x35: {  	s10 =	sld [smem:$0x3FB7];
	_ =	sdelay $0x3  }
0x36: {  	p1 =	seq.s32 s10, $0x1;
	s10 =	sld [smem:$0x3FB8];
	_ =	sdelay $0x3  }
0x37: {  	[smem:$0x3FB8] =	sst s10  }
0x38: {  	s10 =	sld [smem:$0x3FB9]  }
0x39: {  	_ = 	snop;
	(pc) =	sbr.ind lr, $3  }
0x3a: {  	_ = 	snop  }
0x3b: {  	_ = 	snop  }
0x3c: {  	p2 =	seq.s32 s10, $0x1;
	s10 =	sld [smem:$0x3FB8]  }
0x3d: {  	_ =	shalt  }
0x3e: {  	_ =	shalt  }
0x3f: {  	_ =	shalt  }
0x40: {  	_ =	shalt  }
0x41: {  	_ =	shalt  }
0x42: {  	_ =	shalt  }
0x43: {  	_ =	shalt  }
0x44: {  	_ =	shalt  }
0x45: {  	_ =	shalt  }
0x46: {  	_ =	shalt  }
0x47: {  	_ =	shalt  }
0x48: {  	_ =	shalt  }
0x49: {  	_ =	shalt  }
0x4a: {  	_ =	shalt  }
0x4b: {  	_ =	shalt  }
0x4c: {  	_ =	shalt  }
0x4d: {  	_ =	shalt  }
0x4e: {  	_ =	shalt  }
0x4f: {  	_ =	shalt  }
0x50: {  	_ =	shalt  }
0x51: {  	_ =	shalt  }
0x52: {  	_ =	shalt  }
0x53: {  	_ =	shalt  }
0x54: {  	_ =	shalt  }
0x55: {  	_ =	shalt  }
0x56: {  	_ =	shalt  }
0x57: {  	_ =	shalt  }
0x58: {  	_ =	shalt  }
0x59: {  	_ =	shalt  }
0x5a: {  	_ =	shalt  }
0x5b: {  	_ =	shalt  }
0x5c: {  	_ =	shalt  }
0x5d: {  	_ =	shalt  }
0x5e: {  	_ =	shalt  }
0x5f: {  	_ =	shalt  }
0x60: {  	_ =	shalt  }
0x61: {  	_ =	shalt  }
0x62: {  	_ =	shalt  }
0x63: {  	_ =	shalt  }
0x64: {  	_ =	shalt  }
0x65: {  	_ =	shalt  }
0x66: {  	_ =	shalt  }
0x67: {  	_ =	shalt  }
0x68: {  	_ =	shalt  }
0x69: {  	_ =	shalt  }
0x6a: {  	_ =	shalt  }
0x6b: {  	_ =	shalt  }
0x6c: {  	_ =	shalt  }
0x6d: {  	_ =	shalt  }
0x6e: {  	_ =	shalt  }
0x6f: {  	_ =	shalt  }
0x70: {  	_ =	shalt  }
0x71: {  	_ =	shalt  }
0x72: {  	_ =	shalt  }
0x73: {  	_ =	shalt  }
0x74: {  	_ =	shalt  }
0x75: {  	_ =	shalt  }
0x76: {  	_ =	shalt  }
0x77: {  	_ =	shalt  }
0x78: {  	_ =	shalt  }
0x79: {  	_ =	shalt  }
0x7a: {  	_ =	shalt  }
0x7b: {  	_ =	shalt  }
0x7c: {  	_ =	shalt  }
0x7d: {  	_ =	shalt  }
0x7e: {  	_ =	shalt  }
0x7f: {  	_ =	shalt  }
0x80: {  	_ =	shalt  }
0x81: {  	_ =	shalt  }
0x82: {  	_ =	shalt  }
0x83: {  	_ =	shalt  }
0x84: {  	_ =	shalt  }
0x85: {  	_ =	shalt  }
0x86: {  	_ =	shalt  }
0x87: {  	_ =	shalt  }
.Lfunc_end0:
.L_simem_size_0:
called_computation.1_lowered:
.L_overlay_start_0:
0x88: {  	s2 =	sld [smem:$0x3FD9]  }
0x89: {  	s3 =	sld [smem:$0x3FFE];
	_ =	sdelay $0x1  }
0x8a: {  	s1 =	srdreg.scid  }
0x8b: {  	s0 =	sand.u32 $0x1, s1  }
0x8c: {  	s17 =	sshll.u32 s0, $0xA;
	s2 =	sadd.s32 s3, s2  }
0x8d: {  	s2 =	sadd.s32 s2, s17  }
0x8e: {  	[smem:$0x3FC4] =	sst s2  }
0x8f: {  	_ = 	snop  }
0x90: {  	s2 =	sld [smem:$0x3FD0];
	(tm) =	ssettm $0x1  }
0x91: {  	s18 =	sld [smem:$0x3FFB];
	_ =	sdelay $0x3  }
0x92: {  	_ =	strace s18  }
0x93: {  	s3 =	sld [smem:$0x3FFC];
	_ =	sdelay $0x3  }
0x94: {  	_ =	strace s3  }
0x95: {  	s3 =	sld [smem:$0x3FFD];
	_ =	sdelay $0x3  }
0x96: {  	_ =	strace s3  }
0x97: {  	_ =	strace $0x8FFFFFFF  }
0x98: {  	s19 =	sld [smem:$0x3FDB];
	_ =	sdelay $0x1  }
0x99: {  	s4 =	simm.s32 $_scs_section_size  }
0x9a: {  	s5 =	simm.s32 $_size__tile_overlayer_lowered;
	s6 =	simm.s32 $_tile_overlayer_lowered  }
0x9b: {  	s22 =	simm.s32 $0x1BFF;
	s21 =	sshll.u32 s6, $0x1;
	s3 =	sadd.s32 s4, s19  }
0x9c: {  	s7 =	simm.s32 $0x0;
	s20 =	sshll.u32 s5, $0x1;
	s5 =	sadd.s32 s21, s3  }
0x9d: {  	[timem:s7], [sflag:s22] =	dma.local [hbm:s5], s20  }
0x9e: {  	_ =	swait.ge [sflag:s22], s20  }
0x9f: {  	s4 =	ssub.s32 $0x0, s20;
	[sflag:s22] =	ssyncset.done $0x0  }
0xa0: {  	[sflag:s22] =	ssyncadd.s32 s4;
	_ =	sdelay $0x1  }
0xa1: {  	s23 =	simm.s32 $0x1B8B  }
0xa2: {  	_ =	swait.ge [sflag:s23], $0x1  }
0xa3: {  	[sflag:s23] =	ssyncset.done $0x0  }
0xa4: {  	s25 =	simm.s32 $0x1B8E;
	s24 =	sld [smem:$0x3FFE];
	[sflag:s23] =	ssyncadd.s32 $0xFFFFFFFF  }
0xa5: {  	s26 =	simm.s32 $execute0_lowered;
	[smem:$0x3FD2] =	sst s25  }
0xa6: {  	s5 =	sshll.u32 s26, $0x1;
	_ =	strace $0x80000049;
	[dreg:$0x1] =	wrdreg $0xFFFFFFFF  }
0xa7: {  	s28 =	simm.s32 $_size_execute0_lowered;
	s3 =	sadd.s32 s3, s5;
	[dreg:$0x0] =	wrdreg $0x0  }
0xa8: {  	s5 =	sshll.u32 s28, $0x1;
	[dreg:$0x2] =	wrdreg s3  }
0xa9: {  	[dreg:$0x3] =	wrdreg s5  }
0xaa: {  	[dreg:$0x4] =	wrdreg $0xC0  }
0xab: {  	_ =	task [dreg:s7], $0x5FFFF  }
0xac: {  	[dreg:$0x1] =	wrdreg $0xFFFFFFFF  }
0xad: {  	[dreg:$0x0] =	wrdreg $0x60  }
0xae: {  	[dreg:$0x2] =	wrdreg s24  }
0xaf: {  	[dreg:$0x3] =	wrdreg s2  }
0xb0: {  	[dreg:$0x4] =	wrdreg $0x50000  }
0xb1: {  	[dreg:$0x5] =	wrdreg $0x9  }
0xb2: {  	_ =	task.clear_ibuf [dreg:s7], $0x6FFFF;
	_ =	strace $0x90000049  }
0xb3: {  	s29 =	simm.s32 $0x9;
	_ =	strace $0x8000004B  }
0xb4: {  	_ =	swait.ge [sflag:s29], $0x1  }
0xb5: {  	[sflag:s29] =	ssyncadd.s32 $0xFFFFFFFF  }
0xb6: {  	_ =	strace $0x9000004B  }
0xb7: {  	_ =	sfence  }
0xb8: {  	s30 =	sld [smem:$0x0];
	_ =	sdelay $0x2  }
0xb9: {  	s31 =	sshll.u32 s1, $0xD;
	s1 =	sshrl.u32 s1, $0x2  }
0xba: {  	s3 =	sand.u32 $0x4000, s31;
	s1 =	sadd.s32 s1, s30  }
0xbb: {  	s0 =	sor.u32 s3, s0;
	s1 =	sshll.u32 s1, $0x11  }
0xbc: {  	s0 =	sor.u32 s1, s0  }
0xbd: {  	s0 =	sadd.s32 $0x8F2B, s0  }
0xbe: {  	[sflag:s0] =	ssyncadd.remote.s32 $0x1  }
0xbf: {  	_ =	sfence.sel $0xFFFF  }
0xc0: {  	[dreg:$0x0] =	wrdreg $0xFFFFFFFF;
	(pc) =	sbr.abs _section_cstart, $3  }
0xc1: {  	[dreg:$0x1] =	wrdreg $0xFFFFFFFF  }
0xc2: {  	_ =	task.clear_ibuf [dreg:s7], $0x2FFFF;
	_ =	strace $0x9FFFFFFF  }
0xc3: {  	(tm) =	ssettm $0x7FFFFFFF  }
tec
execute0_lowered:
.L_overlay_start_1:
0x0: {  	(tag) =	ssettag $0x1  }
0x1: {  	s6 =	rddreg [dreg:$0x0]  }
0x2: {  	s0 =	rddreg [dreg:$0x1]  }
0x3: {  	s2 =	rddreg [dreg:$0x2]  }
0x4: {  	s1 =	srdreg.scid;
	s11 =	stileid.u32;
	s3 =	simm.s32 $0x0  }
0x5: {  	s5 =	simm.s32 $0x22;
	s19 =	simm.s32 $0x80;
	s22 =	simm.s32 $0x240  }
0x6: {  	s23 =	simm.s32 $0xC0;
	s24 =	simm.s32 $0x280;
	[smem:$0x7FF] =	sst s3  }
0x7: {  	s25 =	simm.s32 $0x100;
	_ =	strace $0x8000004A;
	[dreg:$0x6] =	wrdreg s19  }
0x8: {  	s12 =	simm.s32 $0x140;
	s13 =	simm.s32 $0x300;
	[dreg:$0x7] =	wrdreg s22  }
0x9: {  	s14 =	simm.s32 $0x180;
	s28 =	simm.s32 $0x2;
	[dreg:$0x8] =	wrdreg s23  }
0xa: {  	s29 =	simm.s32 $0x40;
	s30 =	simm.s32 $0x1;
	[dreg:$0x9] =	wrdreg s24  }
0xb: {  	s31 =	simm.s32 $0x2C00;
	s9 =	smul.u32 $0x16800, s11;
	[dreg:$0xa] =	wrdreg s25  }
0xc: {  	s8 =	sand.u32 $0x1, s1;
	s20 =	smul.u32 $0x30, s11;
	[dreg:$0xc] =	wrdreg s12  }
0xd: {  	s4 =	sadd.s32 $0xC600, s6;
	s26 =	smul.u32 $0x5A000, s11;
	[dreg:$0xd] =	wrdreg s13  }
0xe: {  	s1 =	smul.u32 $0x168000, s8;
	[dreg:$0xe] =	wrdreg s14;
	s23 =	simm.s32 $0x380  }
0xf: {  	p0 =	seq.s32 s8, $0x0;
	s12 =	simm.s32 $0x3C0;
	[dreg:$0x11] =	wrdreg s23  }
0x10: {  	s16 =	ssub.s32 $0x2, s8;
	s13 =	simm.s32 $0x440;
	[dreg:$0x12] =	wrdreg s12  }
0x11: {  	s14 =	simm.s32 $0x480;
	s25 =	simm.s32 $0x4C0;
	[dreg:$0x13] =	wrdreg s13  }
0x12: {  	s5 =	simm.s32 @!p0 $0x6;
	s10 =	sshrl.u32 s16, $0x1;
	[dreg:$0x14] =	wrdreg s14  }
0x13: {  	s8 =	sshrl.u32 s26, $0x2;
	[dreg:$0x16] =	wrdreg s25;
	s26 =	simm.s32 $0x680  }
0x14: {  	s23 =	simm.s32 $0x740;
	s25 =	simm.s32 $0x780;
	[dreg:$0x17] =	wrdreg s26  }
0x15: {  	s7 =	sadd.s32 s9, s1;
	s1 =	sadd.s32 $0x2600, s6;
	[dreg:$0x1d] =	wrdreg s23  }
0x16: {  	s17 =	sadd.s32 $0xFFFFFFFF, s5;
	s18 =	sshll.u32 s5, $0x6;
	[dreg:$0x1f] =	wrdreg s25  }
0x17: {  	s21 =	ssub.s32 s16, s10;
	s10 =	smul.u32 $0x110, s11;
	[dreg:$0x4] =	wrdreg s17  }
0x18: {  	s16 =	sadd.s32 $0x1100, s20;
	s11 =	simm.s32 $0x2C0;
	[dreg:$0x5] =	wrdreg s18  }
0x19: {  	s15 =	sadd.s32 s8, s2;
	s20 =	simm.s32 $0x1C0;
	[dreg:$0xb] =	wrdreg s11  }
0x1a: {  	s8 =	simm.s32 $0x500;
	s26 =	simm.s32 $0x7C0;
	[dreg:$0x10] =	wrdreg s20  }
0x1b: {  	s23 =	simm.s32 $0x3;
	s7 =	sshrl.u32 s7, $0x3;
	[dreg:$0x18] =	wrdreg s8  }
0x1c: {  	s17 =	sadd.s32 $0x2400, s15;
	s18 =	simm.s32 $0x340;
	[smem:$0x7FD] =	sst s26  }
0x1d: {  	s19 =	sadd.s32 $0x4800, s15;
	s22 =	sadd.s32 $0x6C00, s15;
	[smem:$0x7F9] =	sst s17  }
0x1e: {  	s24 =	sadd.s32 $0x9000, s15;
	s11 =	sadd.s32 $0xB400, s15;
	[smem:$0x7FA] =	sst s19  }
0x1f: {  	s12 =	sadd.s32 $0xD800, s15;
	s13 =	sadd.s32 $0xFC00, s15;
	[dreg:$0xf] =	wrdreg s18  }
0x20: {  	s14 =	sadd.s32 $0x12000, s15;
	s15 =	sadd.s32 $0x14400, s15;
	[smem:$0x7FB] =	sst s22  }
0x21: {  	s21 =	smax.u32 s21, $0x1;
	[smem:$0x7FC] =	sst s24;
	s17 =	simm.s32 $0x640  }
0x22: {  	s7 =	sadd.s32 s7, s6;
	s19 =	simm.s32 $0x6C0;
	[dreg:$0x15] =	wrdreg s17  }
0x23: {  	s6 =	sadd.s32 s9, s2;
	s9 =	simm.s32 $0x540;
	[dreg:$0x19] =	wrdreg s19  }
0x24: {  	s16 =	smov.u32 @p0 s10;
	s10 =	simm.s32 $0x700;
	[dreg:$0x1a] =	wrdreg s9  }
0x25: {  	s26 =	simm.s32 $0x600;
	s22 =	simm.s32 $0x580;
	[dreg:$0x1b] =	wrdreg s10  }
0x26: {  	s24 =	simm.s32 $0x5C0;
	s18 =	sshll.u32 s16, $0x3;
	[dreg:$0x1c] =	wrdreg s22  }
0x27: {  	[dreg:$0x1e] =	wrdreg s24;
	s22 =	simm.s32 $0x800;
	s24 =	simm.s32 $0x200  }
0x28: {  	s16 =	sadd.s32 s0, s18;
	s17 =	sadd.s32 s1, s18;
	s20 =	sor.u32 $0x40, s18  }
0x29: {  	v0 =	vimm.f32 $0.0e+00;
	s18 =	sadd.s32 s0, s20;
	s19 =	sadd.s32 s1, s20;
	s20 =	sadd.s32 $0x39600, s7  }
.LBB2_1:
0x2a: {  	s0 =	simm.s32 $0x0;
	s1 =	simm.s32 $0x240  }
.LBB2_2:
0x2b: {  	p0 =	sne.s32 s1, $0x8DC0;
	[tilespmem:s0+$0x880] =	vst v0  }
0x2c: {  	[tilespmem:s0+$0x800] =	vst v0  }
0x2d: {  	[tilespmem:s0+$0x810] =	vst v0  }
0x2e: {  	[tilespmem:s0+$0x820] =	vst v0  }
.Ltmp0:
0x2f: {  	[tilespmem:s0+$0x830] =	vst v0;
	(pc) =	sbr.rel @p0 .LBB2_2-.Ltmp0, $4  }
0x30: {  	[tilespmem:s0+$0x840] =	vst v0  }
0x31: {  	[tilespmem:s0+$0x850] =	vst v0  }
0x32: {  	[tilespmem:s0+$0x860] =	vst v0  }
0x33: {  	[tilespmem:s0+$0x870] =	vst v0;
	s0 =	sshra.s32 s1, $0x2;
	s1 =	sadd.s32 $0x240, s1  }
0x34: {  	[tilespmem:s0+$0x880] =	vst v0  }
0x35: {  	[tilespmem:s0+$0x800] =	vst v0  }
0x36: {  	[tilespmem:s0+$0x810] =	vst v0  }
0x37: {  	[tilespmem:s0+$0x820] =	vst v0  }
0x38: {  	[tilespmem:s0+$0x830] =	vst v0  }
0x39: {  	[tilespmem:s0+$0x840] =	vst v0  }
0x3a: {  	[tilespmem:s0+$0x850] =	vst v0  }
0x3b: {  	[tilespmem:s0+$0x860] =	vst v0  }
0x3c: {  	[tilespmem:s0+$0x870] =	vst v0  }
0x3d: {  	[spmem:s6] =	stream.linear.scatter [tilespmem:s22], [sflag:$0x3], $0x2400, $0x38;
	[tilespmem:$0x1B800] =	vst v63  }
0x3e: {  	_ =	swait.ge [sflag:s23], $0x2400  }
0x3f: {  	s7 =	sld [smem:$0x7F9]  }
0x40: {  	[sflag:s23] =	ssyncset.done $0x0  }
0x41: {  	[sflag:s23] =	ssyncadd.s32 $0xFFFFDC00  }
0x42: {  	[spmem:s7] =	stream.linear.scatter [tilespmem:s22], [sflag:$0x3], $0x2400, $0x38;
	[tilespmem:$0x1B800] =	vst v63  }
0x43: {  	_ =	swait.ge [sflag:s23], $0x2400  }
0x44: {  	s8 =	sld [smem:$0x7FA]  }
0x45: {  	[sflag:s23] =	ssyncset.done $0x0  }
0x46: {  	[sflag:s23] =	ssyncadd.s32 $0xFFFFDC00  }
0x47: {  	[spmem:s8] =	stream.linear.scatter [tilespmem:s22], [sflag:$0x3], $0x2400, $0x38;
	[tilespmem:$0x1B800] =	vst v63  }
0x48: {  	_ =	swait.ge [sflag:s23], $0x2400  }
0x49: {  	s9 =	sld [smem:$0x7FB]  }
0x4a: {  	[sflag:s23] =	ssyncset.done $0x0  }
0x4b: {  	[sflag:s23] =	ssyncadd.s32 $0xFFFFDC00  }
0x4c: {  	[spmem:s9] =	stream.linear.scatter [tilespmem:s22], [sflag:$0x3], $0x2400, $0x38;
	[tilespmem:$0x1B800] =	vst v63  }
0x4d: {  	_ =	swait.ge [sflag:s23], $0x2400  }
0x4e: {  	s10 =	sld [smem:$0x7FC]  }
0x4f: {  	[sflag:s23] =	ssyncset.done $0x0  }
0x50: {  	[sflag:s23] =	ssyncadd.s32 $0xFFFFDC00  }
0x51: {  	[spmem:s10] =	stream.linear.scatter [tilespmem:s22], [sflag:$0x3], $0x2400, $0x38;
	[tilespmem:$0x1B800] =	vst v63  }
0x52: {  	_ =	swait.ge [sflag:s23], $0x2400  }
0x53: {  	[sflag:s23] =	ssyncset.done $0x0  }
0x54: {  	[sflag:s23] =	ssyncadd.s32 $0xFFFFDC00  }
0x55: {  	[spmem:s11] =	stream.linear.scatter [tilespmem:s22], [sflag:$0x3], $0x2400, $0x38;
	[tilespmem:$0x1B800] =	vst v63  }
0x56: {  	_ =	swait.ge [sflag:s23], $0x2400  }
0x57: {  	[sflag:s23] =	ssyncset.done $0x0  }
0x58: {  	[sflag:s23] =	ssyncadd.s32 $0xFFFFDC00  }
0x59: {  	[spmem:s12] =	stream.linear.scatter [tilespmem:s22], [sflag:$0x3], $0x2400, $0x38;
	[tilespmem:$0x1B800] =	vst v63  }
0x5a: {  	_ =	swait.ge [sflag:s23], $0x2400  }
0x5b: {  	[sflag:s23] =	ssyncset.done $0x0  }
0x5c: {  	[sflag:s23] =	ssyncadd.s32 $0xFFFFDC00  }
0x5d: {  	[spmem:s13] =	stream.linear.scatter [tilespmem:s22], [sflag:$0x3], $0x2400, $0x38;
	[tilespmem:$0x1B800] =	vst v63  }
0x5e: {  	_ =	swait.ge [sflag:s23], $0x2400  }
0x5f: {  	[sflag:s23] =	ssyncset.done $0x0  }
0x60: {  	[sflag:s23] =	ssyncadd.s32 $0xFFFFDC00  }
0x61: {  	[spmem:s14] =	stream.linear.scatter [tilespmem:s22], [sflag:$0x3], $0x2400, $0x38;
	[tilespmem:$0x1B800] =	vst v63  }
0x62: {  	_ =	swait.ge [sflag:s23], $0x2400  }
0x63: {  	[sflag:s23] =	ssyncset.done $0x0  }
0x64: {  	[sflag:s23] =	ssyncadd.s32 $0xFFFFDC00  }
0x65: {  	[spmem:s15] =	stream.linear.scatter [tilespmem:s22], [sflag:$0x3], $0x2400, $0x38;
	[tilespmem:$0x1B800] =	vst v63  }
0x66: {  	_ =	swait.ge [sflag:s23], $0x2400  }
0x67: {  	[sflag:s23] =	ssyncset.done $0x0  }
0x68: {  	[sflag:s23] =	ssyncadd.s32 $0xFFFFDC00  }
0x69: {  	s1 =	simm.s32 $0x0;
	[bflag:$0x0] =	sbarrier.arrive $0xFFFF  }
0x6a: {  	[tilespmem:s1], [sflag:$0x2] =	stream.linear.gather [hbm4b:s16+s1], $0x200, $0x38;
	[tilespmem:$0x1B800] =	vst v63  }
0x6b: {  	_ = 	snop  }
0x6c: {  	[tilespmem:s24], [sflag:$0x2] =	stream.linear.gather [hbm4b:s17+s1], $0x200, $0x38;
	[tilespmem:$0x1B800] =	vst v63  }
0x6d: {  	s25 =	simm.s32 $0x400  }
0x6e: {  	[tilespmem:s25], [sflag:$0x2] =	stream.linear.gather [hbm4b:s18+s1], $0x200, $0x38;
	[tilespmem:$0x1B800] =	vst v63  }
0x6f: {  	_ = 	snop  }
0x70: {  	[tilespmem:s26], [sflag:$0x2] =	stream.linear.gather [hbm4b:s19+s1], $0x200, $0x38;
	[tilespmem:$0x1B800] =	vst v63  }
0x71: {  	_ =	swait.ge [sflag:s28], $0x200  }
0x72: {  	[sflag:s28] =	ssyncset.done $0x0  }
0x73: {  	[sflag:s28] =	ssyncadd.s32 $0xFFFFFE00  }
0x74: {  	_ =	swait.ge [sflag:s28], $0x200  }
0x75: {  	[sflag:s28] =	ssyncset.done $0x0  }
0x76: {  	s0 =	simm.s32 $0x0;
	[sflag:s28] =	ssyncadd.s32 $0xFFFFFE00  }
0x77: {  	[tilespmem:s22], [sflag:$0x1] =	stream.indirect.gather [hbm4b:s4+s29], $0x90, s1, s29, $0xb8;
	[tilespmem:$0x1B800] =	vst v63  }
.LBB2_4:
0x78: {  	_ =	swait.ge [sflag:s30], $0x2400  }
0x79: {  	[sflag:s30] =	ssyncset.done $0x0  }
0x7a: {  	[sflag:s30] =	ssyncadd.s32 $0xFFFFDC00  }
0x7b: {  	[tilespmem:s31], [sflag:$0x1] =	stream.indirect.gather [hbm4b:s4+s29], $0x90, s29, s29, $0xb8;
	[tilespmem:$0x1B800] =	vst v63  }
0x7c: {  	_ = 	snop  }
0x7d: {  	[spmem:s2] =	stream.indirect.scatter.add.f32 [tilespmem:s22], [sflag:$0x3], $0x90, s24, s29, $0xb8;
	[tilespmem:$0x1B800] =	vst v63  }
0x7e: {  	_ =	swait.ge [sflag:s23], $0x2400  }
0x7f: {  	[sflag:s23] =	ssyncset.done $0x0  }
0x80: {  	[sflag:s23] =	ssyncadd.s32 $0xFFFFDC00  }
0x81: {  	_ =	swait.ge [sflag:s30], $0x2400  }
0x82: {  	[sflag:s30] =	ssyncset.done $0x0  }
0x83: {  	s7 =	rddreg [dreg:$0x6];
	[sflag:s30] =	ssyncadd.s32 $0xFFFFDC00  }
0x84: {  	[tilespmem:s22], [sflag:$0x1] =	stream.indirect.gather [hbm4b:s4+s29], $0x90, s7, s29, $0xb8;
	[tilespmem:$0x1B800] =	vst v63  }
0x85: {  	s25 =	rddreg [dreg:$0x7]  }
0x86: {  	[spmem:s2] =	stream.indirect.scatter.add.f32 [tilespmem:s31], [sflag:$0x3], $0x90, s25, s29, $0xb8;
	[tilespmem:$0x1B800] =	vst v63  }
0x87: {  	_ =	swait.ge [sflag:s23], $0x2400  }
0x88: {  	[sflag:s23] =	ssyncset.done $0x0  }
0x89: {  	[sflag:s23] =	ssyncadd.s32 $0xFFFFDC00  }
0x8a: {  	_ =	swait.ge [sflag:s30], $0x2400  }
0x8b: {  	[sflag:s30] =	ssyncset.done $0x0  }
0x8c: {  	s25 =	rddreg [dreg:$0x8];
	[sflag:s30] =	ssyncadd.s32 $0xFFFFDC00  }
0x8d: {  	[tilespmem:s31], [sflag:$0x1] =	stream.indirect.gather [hbm4b:s4+s29], $0x90, s25, s29, $0xb8;
	[tilespmem:$0x1B800] =	vst v63  }
0x8e: {  	s8 =	rddreg [dreg:$0x9]  }
0x8f: {  	[spmem:s2] =	stream.indirect.scatter.add.f32 [tilespmem:s22], [sflag:$0x3], $0x90, s8, s29, $0xb8;
	[tilespmem:$0x1B800] =	vst v63  }
0x90: {  	_ =	swait.ge [sflag:s23], $0x2400  }
0x91: {  	[sflag:s23] =	ssyncset.done $0x0  }
0x92: {  	[sflag:s23] =	ssyncadd.s32 $0xFFFFDC00  }
0x93: {  	_ =	swait.ge [sflag:s30], $0x2400  }
0x94: {  	[sflag:s30] =	ssyncset.done $0x0  }
0x95: {  	s9 =	rddreg [dreg:$0xa];
	[sflag:s30] =	ssyncadd.s32 $0xFFFFDC00  }
0x96: {  	[tilespmem:s22], [sflag:$0x1] =	stream.indirect.gather [hbm4b:s4+s29], $0x90, s9, s29, $0xb8;
	[tilespmem:$0x1B800] =	vst v63  }
0x97: {  	s10 =	rddreg [dreg:$0xb]  }
0x98: {  	[spmem:s2] =	stream.indirect.scatter.add.f32 [tilespmem:s31], [sflag:$0x3], $0x90, s10, s29, $0xb8;
	[tilespmem:$0x1B800] =	vst v63  }
0x99: {  	_ =	swait.ge [sflag:s23], $0x2400  }
0x9a: {  	[sflag:s23] =	ssyncset.done $0x0  }
0x9b: {  	[sflag:s23] =	ssyncadd.s32 $0xFFFFDC00  }
0x9c: {  	_ =	swait.ge [sflag:s30], $0x2400  }
0x9d: {  	[sflag:s30] =	ssyncset.done $0x0  }
0x9e: {  	s25 =	rddreg [dreg:$0xc];
	[sflag:s30] =	ssyncadd.s32 $0xFFFFDC00  }
0x9f: {  	[tilespmem:s31], [sflag:$0x1] =	stream.indirect.gather [hbm4b:s4+s29], $0x90, s25, s29, $0xb8;
	[tilespmem:$0x1B800] =	vst v63  }
0xa0: {  	s8 =	rddreg [dreg:$0xd]  }
0xa1: {  	[spmem:s2] =	stream.indirect.scatter.add.f32 [tilespmem:s22], [sflag:$0x3], $0x90, s8, s29, $0xb8;
	[tilespmem:$0x1B800] =	vst v63  }
0xa2: {  	_ =	swait.ge [sflag:s23], $0x2400  }
0xa3: {  	[sflag:s23] =	ssyncset.done $0x0  }
0xa4: {  	[sflag:s23] =	ssyncadd.s32 $0xFFFFDC00  }
0xa5: {  	_ =	swait.ge [sflag:s30], $0x2400  }
0xa6: {  	[sflag:s30] =	ssyncset.done $0x0  }
0xa7: {  	s9 =	rddreg [dreg:$0xe];
	[sflag:s30] =	ssyncadd.s32 $0xFFFFDC00  }
0xa8: {  	[tilespmem:s22], [sflag:$0x1] =	stream.indirect.gather [hbm4b:s4+s29], $0x90, s9, s29, $0xb8;
	[tilespmem:$0x1B800] =	vst v63  }
0xa9: {  	s10 =	rddreg [dreg:$0xf]  }
0xaa: {  	[spmem:s2] =	stream.indirect.scatter.add.f32 [tilespmem:s31], [sflag:$0x3], $0x90, s10, s29, $0xb8;
	[tilespmem:$0x1B800] =	vst v63  }
0xab: {  	_ =	swait.ge [sflag:s23], $0x2400  }
0xac: {  	[sflag:s23] =	ssyncset.done $0x0  }
0xad: {  	[sflag:s23] =	ssyncadd.s32 $0xFFFFDC00  }
0xae: {  	_ =	swait.ge [sflag:s30], $0x2400  }
0xaf: {  	[sflag:s30] =	ssyncset.done $0x0  }
0xb0: {  	s25 =	rddreg [dreg:$0x10];
	[sflag:s30] =	ssyncadd.s32 $0xFFFFDC00  }
0xb1: {  	[tilespmem:s31], [sflag:$0x1] =	stream.indirect.gather [hbm4b:s4+s29], $0x90, s25, s29, $0xb8;
	[tilespmem:$0x1B800] =	vst v63  }
0xb2: {  	s8 =	rddreg [dreg:$0x11]  }
0xb3: {  	[spmem:s2] =	stream.indirect.scatter.add.f32 [tilespmem:s22], [sflag:$0x3], $0x90, s8, s29, $0xb8;
	[tilespmem:$0x1B800] =	vst v63  }
0xb4: {  	_ =	swait.ge [sflag:s23], $0x2400  }
0xb5: {  	[sflag:s23] =	ssyncset.done $0x0  }
0xb6: {  	[sflag:s23] =	ssyncadd.s32 $0xFFFFDC00  }
0xb7: {  	_ =	swait.ge [sflag:s30], $0x2400  }
0xb8: {  	s9 =	rddreg [dreg:$0x4];
	[sflag:s30] =	ssyncset.done $0x0  }
0xb9: {  	p1 =	sge.u32 s1, s9;
	[sflag:s30] =	ssyncadd.s32 $0xFFFFDC00  }
0xba: {  	s7 =	simm.s32 @!p1 $0x40;
	s25 =	simm.s32 @!p1 $0x400;
	s8 =	simm.s32 @!p1 $0x800  }
0xbb: {  	[tilespmem:s8], [sflag:$0x1] =	stream.indirect.gather @!p1 [hbm4b:s4+s7], $0x90, s25, s7, $0xb8;
	[tilespmem:$0x1B800] =	vst v63  }
0xbc: {  	s9 =	rddreg [dreg:$0x12];
	s25 =	sadd.s32 $0x2, s1  }
0xbd: {  	[spmem:s2] =	stream.indirect.scatter.add.f32 [tilespmem:s31], [sflag:$0x3], $0x90, s9, s29, $0xb8;
	[tilespmem:$0x1B800] =	vst v63  }
0xbe: {  	p0 =	sge.u32 s25, s5;
	_ =	swait.ge [sflag:s23], $0x2400  }
0xbf: {  	s7 =	sadd.s32 @!p0 s0, s16;
	[sflag:s23] =	ssyncset.done $0x0  }
0xc0: {  	s8 =	sadd.s32 @!p0 $0x80, s7;
	s7 =	simm.s32 @!p0 $0x0;
	[sflag:s23] =	ssyncadd.s32 $0xFFFFDC00  }
0xc1: {  	[tilespmem:s7], [sflag:$0x2] =	stream.linear.gather @!p0 [hbm4b:s8+s7], $0x200, $0x38;
	[tilespmem:$0x1B800] =	vst v63  }
0xc2: {  	s8 =	sadd.s32 @!p0 s0, s17  }
0xc3: {  	s9 =	simm.s32 @!p0 $0x200;
	s8 =	sadd.s32 @!p0 $0x80, s8  }
0xc4: {  	[tilespmem:s9], [sflag:$0x2] =	stream.linear.gather @!p0 [hbm4b:s8+s7], $0x200, $0x38;
	[tilespmem:$0x1B800] =	vst v63  }
0xc5: {  	s8 =	simm.s32 @!p1 $0x2  }
0xc6: {  	_ =	swait.ge @!p1 [sflag:s8], $0x200  }
0xc7: {  	[sflag:s8] =	ssyncset.done @!p1 $0x0  }
0xc8: {  	[sflag:s8] =	ssyncadd.s32 @!p1 $0xFFFFFE00  }
0xc9: {  	_ =	swait.ge @!p1 [sflag:s8], $0x200  }
0xca: {  	[sflag:s8] =	ssyncset.done @!p1 $0x0  }
0xcb: {  	[sflag:s8] =	ssyncadd.s32 @!p1 $0xFFFFFE00  }
0xcc: {  	_ =	swait.ge [sflag:s30], $0x2400  }
0xcd: {  	[sflag:s30] =	ssyncset.done $0x0  }
0xce: {  	s10 =	rddreg [dreg:$0x13];
	[sflag:s30] =	ssyncadd.s32 $0xFFFFDC00  }
0xcf: {  	[tilespmem:s31], [sflag:$0x1] =	stream.indirect.gather [hbm4b:s4+s29], $0x90, s10, s29, $0xb8;
	[tilespmem:$0x1B800] =	vst v63  }
0xd0: {  	_ = 	snop  }
0xd1: {  	[spmem:s2] =	stream.indirect.scatter.add.f32 [tilespmem:s22], [sflag:$0x3], $0x90, s26, s29, $0xb8;
	[tilespmem:$0x1B800] =	vst v63  }
0xd2: {  	_ =	swait.ge [sflag:s23], $0x2400  }
0xd3: {  	[sflag:s23] =	ssyncset.done $0x0  }
0xd4: {  	[sflag:s23] =	ssyncadd.s32 $0xFFFFDC00  }
0xd5: {  	_ =	swait.ge [sflag:s30], $0x2400  }
0xd6: {  	[sflag:s30] =	ssyncset.done $0x0  }
0xd7: {  	s9 =	rddreg [dreg:$0x14];
	[sflag:s30] =	ssyncadd.s32 $0xFFFFDC00  }
0xd8: {  	[tilespmem:s22], [sflag:$0x1] =	stream.indirect.gather [hbm4b:s4+s29], $0x90, s9, s29, $0xb8;
	[tilespmem:$0x1B800] =	vst v63  }
0xd9: {  	s10 =	rddreg [dreg:$0x15]  }
0xda: {  	[spmem:s2] =	stream.indirect.scatter.add.f32 [tilespmem:s31], [sflag:$0x3], $0x90, s10, s29, $0xb8;
	[tilespmem:$0x1B800] =	vst v63  }
0xdb: {  	_ =	swait.ge [sflag:s23], $0x2400  }
0xdc: {  	[sflag:s23] =	ssyncset.done $0x0  }
0xdd: {  	[sflag:s23] =	ssyncadd.s32 $0xFFFFDC00  }
0xde: {  	_ =	swait.ge [sflag:s30], $0x2400  }
0xdf: {  	[sflag:s30] =	ssyncset.done $0x0  }
0xe0: {  	s9 =	rddreg [dreg:$0x16];
	[sflag:s30] =	ssyncadd.s32 $0xFFFFDC00  }
0xe1: {  	[tilespmem:s31], [sflag:$0x1] =	stream.indirect.gather [hbm4b:s4+s29], $0x90, s9, s29, $0xb8;
	[tilespmem:$0x1B800] =	vst v63  }
0xe2: {  	s10 =	rddreg [dreg:$0x17]  }
0xe3: {  	[spmem:s2] =	stream.indirect.scatter.add.f32 [tilespmem:s22], [sflag:$0x3], $0x90, s10, s29, $0xb8;
	[tilespmem:$0x1B800] =	vst v63  }
0xe4: {  	_ =	swait.ge [sflag:s23], $0x2400  }
0xe5: {  	[sflag:s23] =	ssyncset.done $0x0  }
0xe6: {  	[sflag:s23] =	ssyncadd.s32 $0xFFFFDC00  }
0xe7: {  	_ =	swait.ge [sflag:s30], $0x2400  }
0xe8: {  	[sflag:s30] =	ssyncset.done $0x0  }
0xe9: {  	s9 =	rddreg [dreg:$0x18];
	[sflag:s30] =	ssyncadd.s32 $0xFFFFDC00  }
0xea: {  	[tilespmem:s22], [sflag:$0x1] =	stream.indirect.gather [hbm4b:s4+s29], $0x90, s9, s29, $0xb8;
	[tilespmem:$0x1B800] =	vst v63  }
0xeb: {  	s10 =	rddreg [dreg:$0x19]  }
0xec: {  	[spmem:s2] =	stream.indirect.scatter.add.f32 [tilespmem:s31], [sflag:$0x3], $0x90, s10, s29, $0xb8;
	[tilespmem:$0x1B800] =	vst v63  }
0xed: {  	_ =	swait.ge [sflag:s23], $0x2400  }
0xee: {  	[sflag:s23] =	ssyncset.done $0x0  }
0xef: {  	[sflag:s23] =	ssyncadd.s32 $0xFFFFDC00  }
0xf0: {  	_ =	swait.ge [sflag:s30], $0x2400  }
0xf1: {  	[sflag:s30] =	ssyncset.done $0x0  }
0xf2: {  	s9 =	rddreg [dreg:$0x1a];
	[sflag:s30] =	ssyncadd.s32 $0xFFFFDC00  }
0xf3: {  	[tilespmem:s31], [sflag:$0x1] =	stream.indirect.gather [hbm4b:s4+s29], $0x90, s9, s29, $0xb8;
	[tilespmem:$0x1B800] =	vst v63  }
0xf4: {  	s10 =	rddreg [dreg:$0x1b]  }
0xf5: {  	[spmem:s2] =	stream.indirect.scatter.add.f32 [tilespmem:s22], [sflag:$0x3], $0x90, s10, s29, $0xb8;
	[tilespmem:$0x1B800] =	vst v63  }
0xf6: {  	_ =	swait.ge [sflag:s23], $0x2400  }
0xf7: {  	[sflag:s23] =	ssyncset.done $0x0  }
0xf8: {  	[sflag:s23] =	ssyncadd.s32 $0xFFFFDC00  }
0xf9: {  	_ =	swait.ge [sflag:s30], $0x2400  }
0xfa: {  	[sflag:s30] =	ssyncset.done $0x0  }
0xfb: {  	s9 =	rddreg [dreg:$0x1c];
	[sflag:s30] =	ssyncadd.s32 $0xFFFFDC00  }
0xfc: {  	[tilespmem:s22], [sflag:$0x1] =	stream.indirect.gather [hbm4b:s4+s29], $0x90, s9, s29, $0xb8;
	[tilespmem:$0x1B800] =	vst v63  }
0xfd: {  	s10 =	rddreg [dreg:$0x1d]  }
0xfe: {  	[spmem:s2] =	stream.indirect.scatter.add.f32 [tilespmem:s31], [sflag:$0x3], $0x90, s10, s29, $0xb8;
	[tilespmem:$0x1B800] =	vst v63  }
0xff: {  	_ =	swait.ge [sflag:s23], $0x2400  }
0x100: {  	[sflag:s23] =	ssyncset.done $0x0  }
0x101: {  	[sflag:s23] =	ssyncadd.s32 $0xFFFFDC00  }
0x102: {  	_ =	swait.ge [sflag:s30], $0x2400  }
0x103: {  	[sflag:s30] =	ssyncset.done $0x0  }
0x104: {  	s9 =	rddreg [dreg:$0x1e];
	[sflag:s30] =	ssyncadd.s32 $0xFFFFDC00  }
0x105: {  	[tilespmem:s31], [sflag:$0x1] =	stream.indirect.gather [hbm4b:s4+s29], $0x90, s9, s29, $0xb8;
	[tilespmem:$0x1B800] =	vst v63  }
0x106: {  	s10 =	rddreg [dreg:$0x1f]  }
0x107: {  	[spmem:s2] =	stream.indirect.scatter.add.f32 [tilespmem:s22], [sflag:$0x3], $0x90, s10, s29, $0xb8;
	[tilespmem:$0x1B800] =	vst v63  }
0x108: {  	_ =	swait.ge [sflag:s23], $0x2400  }
0x109: {  	[sflag:s23] =	ssyncset.done $0x0  }
0x10a: {  	[sflag:s23] =	ssyncadd.s32 $0xFFFFDC00  }
0x10b: {  	_ =	swait.ge [sflag:s30], $0x2400  }
0x10c: {  	s8 =	simm.s32 @!p0 $0x40;
	[sflag:s30] =	ssyncset.done $0x0  }
0x10d: {  	s9 =	simm.s32 @!p0 $0x800;
	s10 =	sld [smem:$0x7FD];
	[sflag:s30] =	ssyncadd.s32 $0xFFFFDC00  }
0x10e: {  	[tilespmem:s9], [sflag:$0x1] =	stream.indirect.gather @!p0 [hbm4b:s4+s8], $0x90, s7, s8, $0xb8;
	[tilespmem:$0x1B800] =	vst v63  }
0x10f: {  	s9 =	sadd.s32 $0x3, s1  }
0x110: {  	[spmem:s2] =	stream.indirect.scatter.add.f32 [tilespmem:s31], [sflag:$0x3], $0x90, s10, s29, $0xb8;
	[tilespmem:$0x1B800] =	vst v63  }
0x111: {  	p1 =	sge.u32 s9, s5;
	_ =	swait.ge [sflag:s23], $0x2400  }
0x112: {  	s1 =	sadd.s32 @!p1 s0, s16;
	s7 =	simm.s32 @!p1 $0x0;
	[sflag:s23] =	ssyncset.done $0x0  }
0x113: {  	s8 =	simm.s32 @!p1 $0x400;
	s1 =	sadd.s32 @!p1 $0xC0, s1;
	[sflag:s23] =	ssyncadd.s32 $0xFFFFDC00  }
0x114: {  	[tilespmem:s8], [sflag:$0x2] =	stream.linear.gather @!p1 [hbm4b:s1+s7], $0x200, $0x38;
	[tilespmem:$0x1B800] =	vst v63  }
0x115: {  	s1 =	sadd.s32 @!p1 s0, s17  }
0x116: {  	s8 =	simm.s32 @!p1 $0x600;
	s1 =	sadd.s32 @!p1 $0xC0, s1  }
0x117: {  	[tilespmem:s8], [sflag:$0x2] =	stream.linear.gather @!p1 [hbm4b:s1+s7], $0x200, $0x38;
	[tilespmem:$0x1B800] =	vst v63  }
0x118: {  	s1 =	simm.s32 @!p0 $0x2  }
0x119: {  	_ =	swait.ge @!p0 [sflag:s1], $0x200  }
0x11a: {  	[sflag:s1] =	ssyncset.done @!p0 $0x0  }
0x11b: {  	[sflag:s1] =	ssyncadd.s32 @!p0 $0xFFFFFE00  }
0x11c: {  	_ =	swait.ge @!p0 [sflag:s1], $0x200  }
0x11d: {  	s0 =	sadd.s32 $0x80, s0;
	s10 =	rddreg [dreg:$0x5]  }
0x11e: {  	p1 =	sne.s32 s10, s0  }
.Ltmp1:
0x11f: {  	_ = 	snop;
	(pc) =	sbr.rel @p1 .LBB2_4-.Ltmp1, $3  }
0x120: {  	_ =	sdelay $0x1  }
0x121: {  	[sflag:s1] =	ssyncset.done @!p0 $0x0  }
0x122: {  	[sflag:s1] =	ssyncadd.s32 @!p0 $0xFFFFFE00;
	s1 =	smov.u32 s25  }
0x123: {  	s0 =	stileid.u32;
	s3 =	sadd.s32 $0x1, s3  }
0x124: {  	[bflag:$0x0] =	sbarrier.arrive $0xFFFF;
	s0 =	sshll.u32 s0, $0x6;
	p0 =	sne.s32 s3, s21  }
.Ltmp2:
0x125: {  	s1 =	sshrl.u32 s6, $0x3;
	s0 =	sor.u32 $0x1C03, s0;
	(pc) =	sbr.rel @p0 .LBB2_1-.Ltmp2, $4  }
0x126: {  	[hbm:s20], [sflag:s0] =	dma.local [spmem:s1], $0x2D00  }
0x127: {  	_ =	swait.ge [sflag:s23], $0x2D00  }
0x128: {  	[sflag:s23] =	ssyncset.done $0x0  }
0x129: {  	[sflag:s23] =	ssyncadd.s32 $0xFFFFD300  }
0x12a: {  	_ =	sfence.sel $0x180000  }
0x12b: {  	[bflag:$0x0] =	sbarrier.arrive $0xFFFF  }
0x12c: {  	_ =	strace $0x9000004A  }
0x12d: {  	s0 =	stileid.u32;
	[bflag:$0x2] =	sbarrier.arrive $0xFFFF  }
0x12e: {  	p0 =	sne.s32 s0, $0x0;
	s0 =	rddreg [dreg:$0x3]  }
0x12f: {  	s0 =	sadd.s32 @!p0 $0x100000, s0  }
0x130: {  	[sflag:s0] =	ssyncadd.tile.s32 @!p0 $0x1;
	_ =	shalt  }
.Lfunc_end2:
_tile_overlayer_lowered:
.L_overlay_start_2:
0x131: {  	(tag) =	ssettag $0x2  }
0x132: {  	s0 =	rddreg [dreg:$0x0];
	s2 =	stileid.u32  }
0x133: {  	s1 =	rddreg [dreg:$0x1];
	p0 =	sne.s32 s2, $0x0  }
0x134: {  	s3 =	rddreg [dreg:$0x2];
	[bflag:$0x3] =	sbarrier.arrive $0xFFFF;
	s2 =	simm.s32 @!p0 $0x1C03  }
0x135: {  	[timem:s3], [sflag:s2] =	dma.local @!p0 [hbm:s0], s1  }
0x136: {  	s0 =	simm.s32 @!p0 $0x3  }
0x137: {  	_ =	swait.ge @!p0 [sflag:s0], s1  }
0x138: {  	s1 =	ssub.s32 @!p0 $0x0, s1;
	[sflag:s0] =	ssyncset.done @!p0 $0x0  }
0x139: {  	[sflag:s0] =	ssyncadd.s32 @!p0 s1  }
0x13a: {  	[bflag:$0x3] =	sbarrier.arrive $0xFFFF  }
0x13b: {  	_ =	shalt  }

</sc_bundles>
